<compile_context>
chip_gen: v7x
topology: tpu7x:2x2x1
jax: 0.10.2.dev20260603
libtpu: 0.0.44.dev20260713+nightly
codegen_flags: <defaults>
</compile_context>

<pallas_src>
import functools

import jax
import jax.numpy as jnp
from jax import lax
from jax.experimental import pallas as pl
from jax.experimental.pallas import tpu as pltpu
from jax.experimental.pallas import tpu_sc as plsc

N = 10000
E = 320000
D = 128
H = 128
OUT = 2560
B = 64
EPS = 1e-5

NP = 10240
NC = 2
NS = 16
NW = NC * NS
CH = 64
NCH = 160
QCH = 8
NCH0 = 248
NCH1 = 72
SUBC = NCH0 + NCH1
EPAD = NW * NCH * CH
RPT = NP // NS
BM = 1280
NB = NP // BM
SEG = 128
CHP = 40
NCHP = NP // NW // CHP

def _zero16():
    return jnp.zeros((16,), jnp.float32)


def _deg_body(dst_hbm, out_hbm, dstv, onesv, zerov, dacc):
    cid = lax.axis_index("c")
    sid = lax.axis_index("s")
    wid = sid * NC + cid

    def fill_ones(i, carry):
        onesv[pl.ds(i * 16, 16)] = jnp.full((16,), 1.0, jnp.float32)
        return carry
    lax.fori_loop(0, CH // 16, fill_ones, 0)

    def fill_zero(i, carry):
        zerov[pl.ds(i * 16, 16)] = _zero16()
        return carry
    lax.fori_loop(0, RPT // 16, fill_zero, 0)

    pltpu.sync_copy(zerov, dacc.at[pl.ds(sid * RPT, RPT)])
    pltpu.sync_copy(dst_hbm.at[pl.ds(wid * NCH, NCH)], dstv)
    plsc.subcore_barrier()

    def body(g, carry):
        pltpu.sync_copy(onesv, dacc.at[dstv.at[g]], add=True)
        return carry
    lax.fori_loop(0, NCH, body, 0)

    plsc.subcore_barrier()
    pltpu.sync_copy(dacc.at[pl.ds(sid * RPT, RPT)],
                    out_hbm.at[pl.ds(cid * NP + sid * RPT, RPT)])


@functools.cache
def _deg():
    return functools.partial(
        pl.kernel,
        mesh=plsc.VectorSubcoreMesh(core_axis_name="c", subcore_axis_name="s"),
        out_type=jax.ShapeDtypeStruct((NC * NP,), jnp.float32),
        scratch_types=[
            pltpu.VMEM((NCH, CH), jnp.int32),
            pltpu.VMEM((CH,), jnp.float32),
            pltpu.VMEM((RPT,), jnp.float32),
            pltpu.VMEM_SHARED((NP,), jnp.float32),
        ],
    )(_deg_body)


def _agg_body(y_hbm, src_hbm, dst_hbm, out_hbm, srcv, dstv, rows0, rows1,
              acc, sem0, sem1):
    cid = lax.axis_index("c")
    sid = lax.axis_index("s")
    wid = sid * NC + cid

    def fill_zero(i, carry):
        rows0[i // 8, pl.ds((i % 8) * 16, 16)] = _zero16()
        return carry
    lax.fori_loop(0, CH * 8, fill_zero, 0)

    def zero_acc(k, carry):
        pltpu.sync_copy(rows0, acc.at[pl.ds(sid * RPT + k * CH, CH)])
        return carry
    lax.fori_loop(0, RPT // CH, zero_acc, 0)

    plsc.subcore_barrier()

    nseg = jnp.where(cid == 0, NCH0 // QCH, NCH1 // QCH)
    base = sid * SUBC + cid * NCH0

    def seg(s, carry):
        pltpu.sync_copy(src_hbm.at[pl.ds(base + s * QCH, QCH)], srcv)
        pltpu.sync_copy(dst_hbm.at[pl.ds(base + s * QCH, QCH)], dstv)
        pltpu.make_async_copy(y_hbm.at[srcv.at[0]], rows0, sem0).start()

        def body(t, c2):
            g0 = 2 * t
            g1 = g0 + 1
            pltpu.make_async_copy(y_hbm.at[srcv.at[g1]], rows1, sem1).start()
            pltpu.make_async_copy(y_hbm.at[srcv.at[g0]], rows0, sem0).wait()
            pltpu.sync_copy(rows0, acc.at[dstv.at[g0]], add=True)

            @pl.when(g1 + 1 < QCH)
            def _():
                pltpu.make_async_copy(y_hbm.at[srcv.at[g1 + 1]], rows0,
                                      sem0).start()
            pltpu.make_async_copy(y_hbm.at[srcv.at[g1]], rows1, sem1).wait()
            pltpu.sync_copy(rows1, acc.at[dstv.at[g1]], add=True)
            return c2
        lax.fori_loop(0, QCH // 2, body, 0)
        return carry
    lax.fori_loop(0, nseg, seg, 0)

    plsc.subcore_barrier()
    pltpu.sync_copy(acc.at[pl.ds(sid * RPT, RPT)],
                    out_hbm.at[pl.ds(cid * NP + sid * RPT, RPT)])


@functools.cache
def _agg():
    return functools.partial(
        pl.kernel,
        mesh=plsc.VectorSubcoreMesh(core_axis_name="c", subcore_axis_name="s"),
        out_type=jax.ShapeDtypeStruct((NC * NP, D), jnp.float32),
        scratch_types=[
            pltpu.VMEM((QCH, CH), jnp.int32),
            pltpu.VMEM((QCH, CH), jnp.int32),
            pltpu.VMEM((CH, D), jnp.float32),
            pltpu.VMEM((CH, D), jnp.float32),
            pltpu.VMEM_SHARED((NP, D), jnp.float32),
            pltpu.SemaphoreType.DMA,
            pltpu.SemaphoreType.DMA,
        ],
    )(_agg_body)


def _pool_body(h_hbm, bidx_hbm, out_hbm, bidxv, hrows, onesr, pacc, cacc):
    cid = lax.axis_index("c")
    sid = lax.axis_index("s")
    wid = sid * NC + cid
    spt = SEG // NS

    def fill_zero(i, carry):
        hrows[i // 8, pl.ds((i % 8) * 16, 16)] = _zero16()
        return carry
    lax.fori_loop(0, CHP * 8, fill_zero, 0)
    pltpu.sync_copy(hrows.at[pl.ds(0, spt)], pacc.at[pl.ds(sid * spt, spt)])
    pltpu.sync_copy(hrows.at[pl.ds(0, spt)], cacc.at[pl.ds(sid * spt, spt)])

    def fill_ones(i, carry):
        onesr[i // 8, pl.ds((i % 8) * 16, 16)] = jnp.full((16,), 1.0, jnp.float32)
        return carry
    lax.fori_loop(0, CHP * 8, fill_ones, 0)

    pltpu.sync_copy(bidx_hbm.at[pl.ds(wid * NCHP, NCHP)], bidxv)
    plsc.subcore_barrier()

    def body(g, carry):
        pltpu.sync_copy(
            h_hbm.at[pl.ds(wid * (NP // NW) + g * CHP, CHP)], hrows)
        pltpu.sync_copy(hrows, pacc.at[bidxv.at[g]], add=True)
        pltpu.sync_copy(onesr, cacc.at[bidxv.at[g]], add=True)
        return carry
    lax.fori_loop(0, NCHP, body, 0)

    plsc.subcore_barrier()
    pltpu.sync_copy(pacc.at[pl.ds(sid * spt, spt)],
                    out_hbm.at[pl.ds(cid * 2 * SEG + sid * spt, spt)])
    pltpu.sync_copy(cacc.at[pl.ds(sid * spt, spt)],
                    out_hbm.at[pl.ds(cid * 2 * SEG + SEG + sid * spt, spt)])


@functools.cache
def _pool():
    return functools.partial(
        pl.kernel,
        mesh=plsc.VectorSubcoreMesh(core_axis_name="c", subcore_axis_name="s"),
        out_type=jax.ShapeDtypeStruct((NC * 2 * SEG, D), jnp.float32),
        scratch_types=[
            pltpu.VMEM((NCHP, CHP), jnp.int32),
            pltpu.VMEM((CHP, D), jnp.float32),
            pltpu.VMEM((CHP, D), jnp.float32),
            pltpu.VMEM_SHARED((SEG, D), jnp.float32),
            pltpu.VMEM_SHARED((SEG, D), jnp.float32),
        ],
    )(_pool_body)


def _mm_scaled_body(x_ref, w_ref, deg_ref, y_ref):
    deg = jnp.sum(deg_ref[...], axis=0) + 1.0
    dinv = lax.rsqrt(deg)
    y_ref[...] = jnp.dot(x_ref[...], w_ref[...],
                         preferred_element_type=jnp.float32) * dinv[:, None]


def _mm_scaled(x, w, deg2):
    return pl.pallas_call(
        _mm_scaled_body,
        grid=(NB,),
        in_specs=[
            pl.BlockSpec((BM, D), lambda i: (i, 0)),
            pl.BlockSpec((D, H), lambda i: (0, 0)),
            pl.BlockSpec((NC, BM), lambda i: (0, i)),
        ],
        out_specs=pl.BlockSpec((BM, H), lambda i: (i, 0)),
        out_shape=jax.ShapeDtypeStruct((NP, H), jnp.float32),
    )(x, w, deg2)


def _stats_body(accs_ref, y_ref, deg_ref, b_ref, z_ref, ps_ref, pq_ref):
    i = pl.program_id(0)
    deg = jnp.sum(deg_ref[...], axis=0) + 1.0
    dinv = lax.rsqrt(deg)
    a = accs_ref[0] + accs_ref[1] + y_ref[...]
    z = a * dinv[:, None] + b_ref[...]
    z_ref[...] = z
    ridx = lax.broadcasted_iota(jnp.int32, (BM, 1), 0) + i * BM
    zm = jnp.where(ridx < N, z, 0.0)
    ps_ref[...] = jnp.sum(zm, axis=0).reshape(1, 1, H)
    pq_ref[...] = jnp.sum(zm * zm, axis=0).reshape(1, 1, H)


def _stats(accs, y, deg2, b):
    return pl.pallas_call(
        _stats_body,
        grid=(NB,),
        in_specs=[
            pl.BlockSpec((NC, BM, H), lambda i: (0, i, 0)),
            pl.BlockSpec((BM, H), lambda i: (i, 0)),
            pl.BlockSpec((NC, BM), lambda i: (0, i)),
            pl.BlockSpec((1, H), lambda i: (0, 0)),
        ],
        out_specs=[
            pl.BlockSpec((BM, H), lambda i: (i, 0)),
            pl.BlockSpec((1, 1, H), lambda i: (i, 0, 0)),
            pl.BlockSpec((1, 1, H), lambda i: (i, 0, 0)),
        ],
        out_shape=[
            jax.ShapeDtypeStruct((NP, H), jnp.float32),
            jax.ShapeDtypeStruct((NB, 1, H), jnp.float32),
            jax.ShapeDtypeStruct((NB, 1, H), jnp.float32),
        ],
    )(accs, y, deg2, b)


def _bn_common(z_ref, ps_ref, pq_ref, g_ref, bt_ref):
    s = jnp.sum(ps_ref[...], axis=(0, 1))
    q = jnp.sum(pq_ref[...], axis=(0, 1))
    mean = s * (1.0 / N)
    var = q * (1.0 / N) - mean * mean
    scale = lax.rsqrt(var + EPS) * g_ref[0]
    return jnp.maximum((z_ref[...] - mean) * scale + bt_ref[0], 0.0)


def _norm_mm_body(z_ref, ps_ref, pq_ref, g_ref, bt_ref, w_ref, deg_ref, y_ref):
    h = _bn_common(z_ref, ps_ref, pq_ref, g_ref, bt_ref)
    deg = jnp.sum(deg_ref[...], axis=0) + 1.0
    dinv = lax.rsqrt(deg)
    y_ref[...] = jnp.dot(h, w_ref[...],
                         preferred_element_type=jnp.float32) * dinv[:, None]


def _norm_mm(z, ps, pq, g, bt, w, deg2):
    return pl.pallas_call(
        _norm_mm_body,
        grid=(NB,),
        in_specs=[
            pl.BlockSpec((BM, H), lambda i: (i, 0)),
            pl.BlockSpec((NB, 1, H), lambda i: (0, 0, 0)),
            pl.BlockSpec((NB, 1, H), lambda i: (0, 0, 0)),
            pl.BlockSpec((1, H), lambda i: (0, 0)),
            pl.BlockSpec((1, H), lambda i: (0, 0)),
            pl.BlockSpec((H, H), lambda i: (0, 0)),
            pl.BlockSpec((NC, BM), lambda i: (0, i)),
        ],
        out_specs=pl.BlockSpec((BM, H), lambda i: (i, 0)),
        out_shape=jax.ShapeDtypeStruct((NP, H), jnp.float32),
    )(z, ps, pq, g, bt, w, deg2)


def _norm_only_body(z_ref, ps_ref, pq_ref, g_ref, bt_ref, h_ref):
    h_ref[...] = _bn_common(z_ref, ps_ref, pq_ref, g_ref, bt_ref)


def _norm_only(z, ps, pq, g, bt):
    return pl.pallas_call(
        _norm_only_body,
        grid=(NB,),
        in_specs=[
            pl.BlockSpec((BM, H), lambda i: (i, 0)),
            pl.BlockSpec((NB, 1, H), lambda i: (0, 0, 0)),
            pl.BlockSpec((NB, 1, H), lambda i: (0, 0, 0)),
            pl.BlockSpec((1, H), lambda i: (0, 0)),
            pl.BlockSpec((1, H), lambda i: (0, 0)),
        ],
        out_specs=pl.BlockSpec((BM, H), lambda i: (i, 0)),
        out_shape=jax.ShapeDtypeStruct((NP, H), jnp.float32),
    )(z, ps, pq, g, bt)


def _fc_body(p0_ref, c0_ref, p1_ref, c1_ref, w_ref, b_ref, o_ref):
    psum = p0_ref[...] + p1_ref[...]
    cnt = jnp.maximum(c0_ref[...] + c1_ref[...], 1.0)
    pool = psum / cnt
    o_ref[...] = jnp.maximum(
        jnp.dot(pool[:B], w_ref[...], preferred_element_type=jnp.float32)
        + b_ref[...], 0.0)


def _fc(p0, c0, p1, c1, w, b):
    return pl.pallas_call(
        _fc_body,
        grid=(1,),
        in_specs=[
            pl.BlockSpec((SEG, H), lambda i: (0, 0)),
            pl.BlockSpec((SEG, H), lambda i: (0, 0)),
            pl.BlockSpec((SEG, H), lambda i: (0, 0)),
            pl.BlockSpec((SEG, H), lambda i: (0, 0)),
            pl.BlockSpec((H, OUT), lambda i: (0, 0)),
            pl.BlockSpec((1, OUT), lambda i: (0, 0)),
        ],
        out_specs=pl.BlockSpec((B, OUT), lambda i: (0, 0)),
        out_shape=jax.ShapeDtypeStruct((B, OUT), jnp.float32),
    )(p0, c0, p1, c1, w, b)


def kernel(x_all, edge_index_all, batch_index, W1, b1, g1, bt1, W2, b2, g2,
           bt2, W3, b3, g3, bt3, Wfc, bfc):
    epad = jnp.full((2, EPAD - E), N, jnp.int32)
    ei = jnp.concatenate([edge_index_all, epad], axis=1)
    src2 = ei[0].reshape(EPAD // CH, CH)
    dst2 = ei[1].reshape(EPAD // CH, CH)
    x_pad = jnp.concatenate(
        [x_all.astype(jnp.float32), jnp.zeros((NP - N, D), jnp.float32)], 0)
    bidx2 = jnp.concatenate(
        [batch_index, jnp.full((NP - N,), B, jnp.int32)], 0).reshape(
            NP // CHP, CHP)

    deg2 = _deg()(dst2).reshape(NC, NP)

    b1r, g1r, bt1r = b1.reshape(1, H), g1.reshape(1, H), bt1.reshape(1, H)
    b2r, g2r, bt2r = b2.reshape(1, H), g2.reshape(1, H), bt2.reshape(1, H)
    b3r, g3r, bt3r = b3.reshape(1, H), g3.reshape(1, H), bt3.reshape(1, H)

    y1 = _mm_scaled(x_pad, W1, deg2)
    acc1 = _agg()(y1, src2, dst2).reshape(NC, NP, D)
    z1, ps1, pq1 = _stats(acc1, y1, deg2, b1r)
    y2 = _norm_mm(z1, ps1, pq1, g1r, bt1r, W2, deg2)

    acc2 = _agg()(y2, src2, dst2).reshape(NC, NP, D)
    z2, ps2, pq2 = _stats(acc2, y2, deg2, b2r)
    y3 = _norm_mm(z2, ps2, pq2, g2r, bt2r, W3, deg2)

    acc3 = _agg()(y3, src2, dst2).reshape(NC, NP, D)
    z3, ps3, pq3 = _stats(acc3, y3, deg2, b3r)
    h3 = _norm_only(z3, ps3, pq3, g3r, bt3r)

    pool_flat = _pool()(h3, bidx2)
    p0 = pool_flat[0:SEG]
    c0 = pool_flat[SEG:2 * SEG]
    p1 = pool_flat[2 * SEG:3 * SEG]
    c1 = pool_flat[3 * SEG:4 * SEG]

    return _fc(p0, c0, p1, c1, Wfc, bfc.reshape(1, OUT))

# --- scband reference (transcript-rebuilt; emitter-appended) ---
"""Pipeline reference for scband-gnnencoder-84310208020940 (READ-ONLY COPY).

The authoritative reference and input builder live on the scoring server;
editing this copy changes nothing except your own understanding.
"""

import jax, jax.numpy as jnp
import numpy as np

N = 10000
E = 320000
D = 128
H = 128
OUT = 2560
B = 64
EPS = 1e-5


def setup_inputs(seed: int = 0) -> dict:
    key = jax.random.key(seed)
    ks = jax.random.split(key, 20)
    x_all = jax.random.normal(ks[0], (N, D), dtype=jnp.float32)
    edge_index_all = jax.random.randint(ks[1], (2, E), 0, N, dtype=jnp.int32)
    batch_index = jnp.sort(jax.random.randint(ks[2], (N,), 0, B, dtype=jnp.int32))
    def lin(k, fan_in, fan_out):
        bound = 1.0 / np.sqrt(fan_in)
        kw, kb = jax.random.split(k)
        W = jax.random.uniform(kw, (fan_in, fan_out), minval=-bound, maxval=bound, dtype=jnp.float32)
        b = jax.random.uniform(kb, (fan_out,), minval=-bound, maxval=bound, dtype=jnp.float32)
        return W, b
    W1, b1 = lin(ks[3], D, H)
    W2, b2 = lin(ks[4], H, H)
    W3, b3 = lin(ks[5], H, H)
    Wfc, bfc = lin(ks[6], H, OUT)
    g1 = jnp.ones((H,), jnp.float32); bt1 = jnp.zeros((H,), jnp.float32)
    g2 = jnp.ones((H,), jnp.float32); bt2 = jnp.zeros((H,), jnp.float32)
    g3 = jnp.ones((H,), jnp.float32); bt3 = jnp.zeros((H,), jnp.float32)
    return {"x_all": x_all, "edge_index_all": edge_index_all, "batch_index": batch_index,
            "W1": W1, "b1": b1, "g1": g1, "bt1": bt1,
            "W2": W2, "b2": b2, "g2": g2, "bt2": bt2,
            "W3": W3, "b3": b3, "g3": g3, "bt3": bt3,
            "Wfc": Wfc, "bfc": bfc}


def _gcn_conv(x, W, b, src, dst):
    # PyG GCNConv: add self-loops, symmetric normalization D^-1/2 A D^-1/2
    xw = x @ W
    loop = jnp.arange(N, dtype=src.dtype)
    src2 = jnp.concatenate([src, loop])
    dst2 = jnp.concatenate([dst, loop])
    deg = jnp.zeros((N,), jnp.float32).at[dst2].add(1.0)
    dinv = jax.lax.rsqrt(deg)
    norm = dinv[src2] * dinv[dst2]
    msg = xw[src2] * norm[:, None]
    out = jnp.zeros((N, xw.shape[1]), jnp.float32).at[dst2].add(msg)
    return out + b


def _bn(x, g, bt):
    mean = jnp.mean(x, axis=0)
    var = jnp.var(x, axis=0)
    return (x - mean) * jax.lax.rsqrt(var + EPS) * g + bt


def reference(x_all, edge_index_all, batch_index, W1, b1, g1, bt1, W2, b2, g2, bt2, W3, b3, g3, bt3, Wfc, bfc):
    src = edge_index_all[0]
    dst = edge_index_all[1]
    x = x_all.astype(jnp.float32)
    x = _gcn_conv(x, W1, b1, src, dst)
    x = jax.nn.relu(_bn(x, g1, bt1))
    x = _gcn_conv(x, W2, b2, src, dst)
    x = jax.nn.relu(_bn(x, g2, bt2))
    x = _gcn_conv(x, W3, b3, src, dst)
    x = jax.nn.relu(_bn(x, g3, bt3))
    # global_mean_pool
    sums = jax.ops.segment_sum(x, batch_index, num_segments=B)
    cnts = jax.ops.segment_sum(jnp.ones((N,), jnp.float32), batch_index, num_segments=B)
    x_graph = sums / jnp.maximum(cnts, 1.0)[:, None]
    out = jax.nn.relu(x_graph @ Wfc + bfc)
    return out

if __name__ == "__main__":
    import jax
    _d = setup_inputs()
    print(jax.jit(kernel)(*tuple(_d.values())))

</pallas_src>

<mosaic_0001>
#map = affine_map<(d0, d1) -> (0, 0)>
#map1 = affine_map<(d0, d1) -> (0)>
module attributes {stable_mosaic.version = 14 : i64} {
  func.func @_deg_body(%arg0: i32, %arg1: i32, %arg2: memref<5120x64xi32, #tpu.memory_space<hbm>>, %arg3: memref<20480xf32, #tpu.memory_space<hbm>>, %arg4: memref<160x64xi32, #tpu.memory_space<vmem>>, %arg5: memref<64xf32, #tpu.memory_space<vmem>>, %arg6: memref<640xf32, #tpu.memory_space<vmem>>, %arg7: memref<10240xf32, #tpu.memory_space<vmem_shared>>) attributes {dimension_semantics = [#tpu.dimension_semantics<core_parallel>, #tpu.dimension_semantics<subcore_parallel>], iteration_bounds = array<i64: 2, 16>, scalar_prefetch = 0 : i64, scratch_operands = 4 : i64, tpu.core_type = #tpu.core_type<sc_vector_subcore>, window_params = [{transform_indices = #map}, {transform_indices = #map1}]} {
    %mul3A = arith.constant 2 : i32
    %mul3A_0 = arith.muli %arg1, %mul3A : i32
    %add3A = arith.addi %mul3A_0, %arg0 : i32
    %scan3A = arith.constant 0 : i32
    %scan3A_1 = arith.constant 0 : i32
    %scan3A_2 = arith.constant 4 : i32
    %scan3A_3 = arith.addi %scan3A_1, %scan3A_2 : i32
    %scan3A_4 = arith.constant 1 : i32
    scf.for %scan3A_30 = %scan3A_1 to %scan3A_3 step %scan3A_4  : i32 {
      %broadcast_in_dim3A = arith.constant 1.000000e+00 : f32
      %broadcast_in_dim3A_31 = vector.broadcast %broadcast_in_dim3A : f32 to vector<16xf32>
      %mul3A_32 = arith.constant 16 : i32
      %mul3A_33 = arith.muli %scan3A_30, %mul3A_32 : i32
      %swap3A = arith.index_cast %mul3A_33 : i32 to index
      %swap3A_34 = tpu.vector_load %arg5[%swap3A] {strides = array<i32>} : memref<64xf32, #tpu.memory_space<vmem>>, vector<16xf32>,
      %swap3A_35 = vector.shape_cast %swap3A_34 : vector<16xf32> to vector<16xf32>
      %swap3A_36 = vector.shape_cast %broadcast_in_dim3A_31 : vector<16xf32> to vector<16xf32>
      tpu.vector_store %arg5[%swap3A], %swap3A_36 {strides = array<i32>} : memref<64xf32, #tpu.memory_space<vmem>>, vector<16xf32>,
    }
    %scan3A_5 = arith.constant 4 : i32
    %scan3A_6 = arith.constant 0 : i32
    %scan3A_7 = arith.constant 0 : i32
    %scan3A_8 = arith.constant 40 : i32
    %scan3A_9 = arith.addi %scan3A_7, %scan3A_8 : i32
    %scan3A_10 = arith.constant 1 : i32
    scf.for %scan3A_30 = %scan3A_7 to %scan3A_9 step %scan3A_10  : i32 {
      %broadcast_in_dim3A = arith.constant 0.000000e+00 : f32
      %broadcast_in_dim3A_31 = vector.broadcast %broadcast_in_dim3A : f32 to vector<16xf32>
      %mul3A_32 = arith.constant 16 : i32
      %mul3A_33 = arith.muli %scan3A_30, %mul3A_32 : i32
      %swap3A = arith.index_cast %mul3A_33 : i32 to index
      %swap3A_34 = tpu.vector_load %arg6[%swap3A] {strides = array<i32>} : memref<640xf32, #tpu.memory_space<vmem>>, vector<16xf32>,
      %swap3A_35 = vector.shape_cast %swap3A_34 : vector<16xf32> to vector<16xf32>
      %swap3A_36 = vector.shape_cast %broadcast_in_dim3A_31 : vector<16xf32> to vector<16xf32>
      tpu.vector_store %arg6[%swap3A], %swap3A_36 {strides = array<i32>} : memref<640xf32, #tpu.memory_space<vmem>>, vector<16xf32>,
    }
    %scan3A_11 = arith.constant 40 : i32
    %mul3A_12 = arith.constant 640 : i32
    %mul3A_13 = arith.muli %arg1, %mul3A_12 : i32
    "tpu.region"() ({
      %run_scoped3A = tpu.sem_alloc : memref<!tpu.dma_semaphore, #tpu.memory_space<semaphore_mem>>
      %dma_start3A = tpu.memref_slice %arg7[%mul3A_13] : memref<10240xf32, #tpu.memory_space<vmem_shared>> -> memref<640xf32, #tpu.memory_space<vmem_shared>>
      %dma_start3A_30 = tpu.memref_slice %arg7[%mul3A_13] : memref<10240xf32, #tpu.memory_space<vmem_shared>> -> memref<640xf32, #tpu.memory_space<vmem_shared>>
      tpu.enqueue_dma source(%arg6 : memref<640xf32, #tpu.memory_space<vmem>>) target(%dma_start3A_30 : memref<640xf32, #tpu.memory_space<vmem_shared>>) target_semaphore(%run_scoped3A : memref<!tpu.dma_semaphore, #tpu.memory_space<semaphore_mem>>)
      %dma_wait3A = tpu.memref_slice %arg7[%mul3A_13] : memref<10240xf32, #tpu.memory_space<vmem_shared>> -> memref<640xf32, #tpu.memory_space<vmem_shared>>
      %dma_wait3A_31 = tpu.memref_slice %arg7[%mul3A_13] : memref<10240xf32, #tpu.memory_space<vmem_shared>> -> memref<640xf32, #tpu.memory_space<vmem_shared>>
      tpu.wait_dma2 semaphore(%run_scoped3A : memref<!tpu.dma_semaphore, #tpu.memory_space<semaphore_mem>>) src(%arg6 : memref<640xf32, #tpu.memory_space<vmem>>) dst(%dma_wait3A_31 : memref<640xf32, #tpu.memory_space<vmem_shared>>)
      tpu.yield
    }) : () -> ()
    %mul3A_14 = arith.constant 160 : i32
    %mul3A_15 = arith.muli %add3A, %mul3A_14 : i32
    "tpu.region"() ({
      %run_scoped3A = tpu.sem_alloc : memref<!tpu.dma_semaphore, #tpu.memory_space<semaphore_mem>>
      %dma_start3A = arith.constant 0 : i32
      %dma_start3A_30 = tpu.memref_slice %arg2[%mul3A_15, %dma_start3A] : memref<5120x64xi32, #tpu.memory_space<hbm>> -> memref<160x64xi32, #tpu.memory_space<hbm>>
      %dma_start3A_31 = arith.constant 0 : i32
      %dma_start3A_32 = tpu.memref_slice %arg2[%mul3A_15, %dma_start3A_31] : memref<5120x64xi32, #tpu.memory_space<hbm>> -> memref<160x64xi32, #tpu.memory_space<hbm>>
      tpu.enqueue_dma source(%dma_start3A_32 : memref<160x64xi32, #tpu.memory_space<hbm>>) target(%arg4 : memref<160x64xi32, #tpu.memory_space<vmem>>) target_semaphore(%run_scoped3A : memref<!tpu.dma_semaphore, #tpu.memory_space<semaphore_mem>>)
      %dma_wait3A = arith.constant 0 : i32
      %dma_wait3A_33 = tpu.memref_slice %arg2[%mul3A_15, %dma_wait3A] : memref<5120x64xi32, #tpu.memory_space<hbm>> -> memref<160x64xi32, #tpu.memory_space<hbm>>
      %dma_wait3A_34 = arith.constant 0 : i32
      %dma_wait3A_35 = tpu.memref_slice %arg2[%mul3A_15, %dma_wait3A_34] : memref<5120x64xi32, #tpu.memory_space<hbm>> -> memref<160x64xi32, #tpu.memory_space<hbm>>
      tpu.wait_dma2 semaphore(%run_scoped3A : memref<!tpu.dma_semaphore, #tpu.memory_space<semaphore_mem>>) src(%dma_wait3A_35 : memref<160x64xi32, #tpu.memory_space<hbm>>) dst(%arg4 : memref<160x64xi32, #tpu.memory_space<vmem>>)
      tpu.yield
    }) : () -> ()
    %barrier3A = arith.constant 0 : index
    tpu.barrier barrier_id(%barrier3A)
    %scan3A_16 = arith.constant 0 : i32
    %scan3A_17 = arith.constant 0 : i32
    %scan3A_18 = arith.constant 160 : i32
    %scan3A_19 = arith.addi %scan3A_17, %scan3A_18 : i32
    %scan3A_20 = arith.constant 1 : i32
    scf.for %scan3A_30 = %scan3A_17 to %scan3A_19 step %scan3A_20  : i32 {
      "tpu.region"() ({
        %run_scoped3A = tpu.sem_alloc : memref<!tpu.dma_semaphore, #tpu.memory_space<semaphore_mem>>
        %dma_start3A = arith.constant 0 : i32
        %dma_start3A_31 = tpu.memref_slice %arg4[%scan3A_30, %dma_start3A] : memref<160x64xi32, #tpu.memory_space<vmem>> -> memref<1x64xi32, #tpu.memory_space<vmem>>
        %dma_start3A_32 = tpu.memref_squeeze %dma_start3A_31 : memref<1x64xi32, #tpu.memory_space<vmem>> -> memref<64xi32, #tpu.memory_space<vmem>>
        %dma_start3A_33 = arith.constant 0 : i32
        %dma_start3A_34 = tpu.memref_slice %arg7[%dma_start3A_33] : memref<10240xf32, #tpu.memory_space<vmem_shared>> -> memref<10240xf32, #tpu.memory_space<vmem_shared>>
        tpu.enqueue_indirect_dma source(%arg5 : memref<64xf32, #tpu.memory_space<vmem>>) target(%dma_start3A_34 : memref<10240xf32, #tpu.memory_space<vmem_shared>>) offsets(%dma_start3A_32 : memref<64xi32, #tpu.memory_space<vmem>>) semaphore(%run_scoped3A : memref<!tpu.dma_semaphore, #tpu.memory_space<semaphore_mem>>) {add = true}
        %dma_wait3A = arith.constant 0 : i32
        %dma_wait3A_35 = tpu.memref_slice %arg4[%scan3A_30, %dma_wait3A] : memref<160x64xi32, #tpu.memory_space<vmem>> -> memref<1x64xi32, #tpu.memory_space<vmem>>
        %dma_wait3A_36 = tpu.memref_squeeze %dma_wait3A_35 : memref<1x64xi32, #tpu.memory_space<vmem>> -> memref<64xi32, #tpu.memory_space<vmem>>
        %dma_wait3A_37 = arith.constant 0 : i32
        %dma_wait3A_38 = tpu.memref_slice %arg7[%dma_wait3A_37] : memref<10240xf32, #tpu.memory_space<vmem_shared>> -> memref<10240xf32, #tpu.memory_space<vmem_shared>>
        tpu.wait_indirect_dma semaphore(%run_scoped3A : memref<!tpu.dma_semaphore, #tpu.memory_space<semaphore_mem>>) src(%arg5 : memref<64xf32, #tpu.memory_space<vmem>>) dst(%dma_wait3A_38 : memref<10240xf32, #tpu.memory_space<vmem_shared>>)
        tpu.yield
      }) : () -> ()
    }
    %scan3A_21 = arith.constant 160 : i32
    %barrier3A_22 = arith.constant 0 : index
    tpu.barrier barrier_id(%barrier3A_22)
    %mul3A_23 = arith.constant 640 : i32
    %mul3A_24 = arith.muli %arg1, %mul3A_23 : i32
    %mul3A_25 = arith.constant 10240 : i32
    %mul3A_26 = arith.muli %arg0, %mul3A_25 : i32
    %mul3A_27 = arith.constant 640 : i32
    %mul3A_28 = arith.muli %arg1, %mul3A_27 : i32
    %add3A_29 = arith.addi %mul3A_26, %mul3A_28 : i32
    "tpu.region"() ({
      %run_scoped3A = tpu.sem_alloc : memref<!tpu.dma_semaphore, #tpu.memory_space<semaphore_mem>>
      %dma_start3A = tpu.memref_slice %arg3[%add3A_29] : memref<20480xf32, #tpu.memory_space<hbm>> -> memref<640xf32, #tpu.memory_space<hbm>>
      %dma_start3A_30 = tpu.memref_slice %arg7[%mul3A_24] : memref<10240xf32, #tpu.memory_space<vmem_shared>> -> memref<640xf32, #tpu.memory_space<vmem_shared>>
      tpu.enqueue_dma source(%dma_start3A_30 : memref<640xf32, #tpu.memory_space<vmem_shared>>) target(%dma_start3A : memref<640xf32, #tpu.memory_space<hbm>>) target_semaphore(%run_scoped3A : memref<!tpu.dma_semaphore, #tpu.memory_space<semaphore_mem>>)
      %dma_wait3A = tpu.memref_slice %arg3[%add3A_29] : memref<20480xf32, #tpu.memory_space<hbm>> -> memref<640xf32, #tpu.memory_space<hbm>>
      %dma_wait3A_31 = tpu.memref_slice %arg7[%mul3A_24] : memref<10240xf32, #tpu.memory_space<vmem_shared>> -> memref<640xf32, #tpu.memory_space<vmem_shared>>
      tpu.wait_dma2 semaphore(%run_scoped3A : memref<!tpu.dma_semaphore, #tpu.memory_space<semaphore_mem>>) src(%dma_wait3A_31 : memref<640xf32, #tpu.memory_space<vmem_shared>>) dst(%dma_wait3A : memref<640xf32, #tpu.memory_space<hbm>>)
      tpu.yield
    }) : () -> ()
    return
  }
}

#map = affine_map<(d0, d1) -> (0, 0)>
module attributes {stable_mosaic.version = 14 : i64} {
  func.func @_agg_body(%arg0: i32, %arg1: i32, %arg2: memref<10240x128xf32, #tpu.memory_space<hbm>>, %arg3: memref<5120x64xi32, #tpu.memory_space<hbm>>, %arg4: memref<5120x64xi32, #tpu.memory_space<hbm>>, %arg5: memref<20480x128xf32, #tpu.memory_space<hbm>>, %arg6: memref<8x64xi32, #tpu.memory_space<vmem>>, %arg7: memref<8x64xi32, #tpu.memory_space<vmem>>, %arg8: memref<64x128xf32, #tpu.memory_space<vmem>>, %arg9: memref<64x128xf32, #tpu.memory_space<vmem>>, %arg10: memref<10240x128xf32, #tpu.memory_space<vmem_shared>>, %arg11: memref<!tpu.dma_semaphore, #tpu.memory_space<semaphore_mem>>, %arg12: memref<!tpu.dma_semaphore, #tpu.memory_space<semaphore_mem>>) attributes {dimension_semantics = [#tpu.dimension_semantics<core_parallel>, #tpu.dimension_semantics<subcore_parallel>], iteration_bounds = array<i64: 2, 16>, scalar_prefetch = 0 : i64, scratch_operands = 7 : i64, tpu.core_type = #tpu.core_type<sc_vector_subcore>, window_params = [{transform_indices = #map}, {transform_indices = #map}, {transform_indices = #map}, {transform_indices = #map}]} {
    %mul3A = arith.constant 2 : i32
    %mul3A_0 = arith.muli %arg1, %mul3A : i32
    %add3A = arith.addi %mul3A_0, %arg0 : i32
    %scan3A = arith.constant 0 : i32
    %scan3A_1 = arith.constant 0 : i32
    %scan3A_2 = arith.constant 512 : i32
    %scan3A_3 = arith.addi %scan3A_1, %scan3A_2 : i32
    %scan3A_4 = arith.constant 1 : i32
    scf.for %scan3A_36 = %scan3A_1 to %scan3A_3 step %scan3A_4  : i32 {
      %broadcast_in_dim3A = arith.constant 0.000000e+00 : f32
      %broadcast_in_dim3A_37 = vector.broadcast %broadcast_in_dim3A : f32 to vector<16xf32>
      %jit3A_38 = arith.constant 8 : i32
      %div3A = arith.divsi %scan3A_36, %jit3A_38 : i32
      %sign3A = arith.constant 0 : i32
      %sign3A_39 = arith.cmpi sgt, %scan3A_36, %sign3A : i32
      %sign3A_40 = arith.extui %sign3A_39 : i1 to i32
      %sign3A_41 = arith.constant 0 : i32
      %sign3A_42 = arith.cmpi slt, %scan3A_36, %sign3A_41 : i32
      %sign3A_43 = arith.extui %sign3A_42 : i1 to i32
      %sign3A_44 = arith.subi %sign3A_40, %sign3A_43 : i32
      %sign3A_45 = arith.constant 0 : i32
      %sign3A_46 = arith.cmpi sgt, %jit3A_38, %sign3A_45 : i32
      %sign3A_47 = arith.extui %sign3A_46 : i1 to i32
      %sign3A_48 = arith.constant 0 : i32
      %sign3A_49 = arith.cmpi slt, %jit3A_38, %sign3A_48 : i32
      %sign3A_50 = arith.extui %sign3A_49 : i1 to i32
      %sign3A_51 = arith.subi %sign3A_47, %sign3A_50 : i32
      %ne3A = arith.cmpi ne, %sign3A_44, %sign3A_51 : i32
      %rem3A = arith.remsi %scan3A_36, %jit3A_38 : i32
      %ne3A_52 = arith.constant 0 : i32
      %ne3A_53 = arith.cmpi ne, %rem3A, %ne3A_52 : i32
      %and3A = arith.andi %ne3A, %ne3A_53 : i1
      %sub3A = arith.constant 1 : i32
      %sub3A_54 = arith.subi %div3A, %sub3A : i32
      %select_n3A_55 = arith.select %and3A, %sub3A_54, %div3A : i32
      %jit3A_56 = arith.constant 8 : i32
      %eq3A_57 = arith.constant 0 : i32
      %eq3A_58 = arith.cmpi eq, %jit3A_56, %eq3A_57 : i32
      %jit3A_59 = arith.constant 1 : i32
      %select_n3A_60 = arith.select %eq3A_58, %jit3A_59, %jit3A_56 : i32
      %rem3A_61 = arith.remsi %scan3A_36, %select_n3A_60 : i32
      %ne3A_62 = arith.constant 0 : i32
      %ne3A_63 = arith.cmpi ne, %rem3A_61, %ne3A_62 : i32
      %lt3A = arith.constant 0 : i32
      %lt3A_64 = arith.cmpi slt, %rem3A_61, %lt3A : i32
      %lt3A_65 = arith.constant 0 : i32
      %lt3A_66 = arith.cmpi slt, %select_n3A_60, %lt3A_65 : i32
      %ne3A_67 = arith.xori %lt3A_64, %lt3A_66 : i1
      %and3A_68 = arith.andi %ne3A_67, %ne3A_63 : i1
      %add3A_69 = arith.addi %rem3A_61, %select_n3A_60 : i32
      %select_n3A_70 = arith.select %and3A_68, %add3A_69, %rem3A_61 : i32
      %mul3A_71 = arith.constant 16 : i32
      %mul3A_72 = arith.muli %select_n3A_70, %mul3A_71 : i32
      %swap3A = arith.index_cast %select_n3A_55 : i32 to index
      %swap3A_73 = arith.index_cast %mul3A_72 : i32 to index
      %swap3A_74 = tpu.vector_load %arg8[%swap3A, %swap3A_73] {strides = array<i32>} : memref<64x128xf32, #tpu.memory_space<vmem>>, vector<1x16xf32>,
      %swap3A_75 = vector.shape_cast %swap3A_74 : vector<1x16xf32> to vector<16xf32>
      %swap3A_76 = vector.shape_cast %broadcast_in_dim3A_37 : vector<16xf32> to vector<1x16xf32>
      tpu.vector_store %arg8[%swap3A, %swap3A_73], %swap3A_76 {strides = array<i32>} : memref<64x128xf32, #tpu.memory_space<vmem>>, vector<1x16xf32>,
    }
    %scan3A_5 = arith.constant 512 : i32
    %scan3A_6 = arith.constant 0 : i32
    %scan3A_7 = arith.constant 0 : i32
    %scan3A_8 = arith.constant 10 : i32
    %scan3A_9 = arith.addi %scan3A_7, %scan3A_8 : i32
    %scan3A_10 = arith.constant 1 : i32
    scf.for %scan3A_36 = %scan3A_7 to %scan3A_9 step %scan3A_10  : i32 {
      %mul3A_37 = arith.constant 640 : i32
      %mul3A_38 = arith.muli %arg1, %mul3A_37 : i32
      %mul3A_39 = arith.constant 64 : i32
      %mul3A_40 = arith.muli %scan3A_36, %mul3A_39 : i32
      %add3A_41 = arith.addi %mul3A_38, %mul3A_40 : i32
      "tpu.region"() ({
        %run_scoped3A = tpu.sem_alloc : memref<!tpu.dma_semaphore, #tpu.memory_space<semaphore_mem>>
        %dma_start3A = arith.constant 0 : i32
        %dma_start3A_42 = tpu.memref_slice %arg10[%add3A_41, %dma_start3A] : memref<10240x128xf32, #tpu.memory_space<vmem_shared>> -> memref<64x128xf32, #tpu.memory_space<vmem_shared>>
        %dma_start3A_43 = arith.constant 0 : i32
        %dma_start3A_44 = tpu.memref_slice %arg10[%add3A_41, %dma_start3A_43] : memref<10240x128xf32, #tpu.memory_space<vmem_shared>> -> memref<64x128xf32, #tpu.memory_space<vmem_shared>>
        tpu.enqueue_dma source(%arg8 : memref<64x128xf32, #tpu.memory_space<vmem>>) target(%dma_start3A_44 : memref<64x128xf32, #tpu.memory_space<vmem_shared>>) target_semaphore(%run_scoped3A : memref<!tpu.dma_semaphore, #tpu.memory_space<semaphore_mem>>)
        %dma_wait3A = arith.constant 0 : i32
        %dma_wait3A_45 = tpu.memref_slice %arg10[%add3A_41, %dma_wait3A] : memref<10240x128xf32, #tpu.memory_space<vmem_shared>> -> memref<64x128xf32, #tpu.memory_space<vmem_shared>>
        %dma_wait3A_46 = arith.constant 0 : i32
        %dma_wait3A_47 = tpu.memref_slice %arg10[%add3A_41, %dma_wait3A_46] : memref<10240x128xf32, #tpu.memory_space<vmem_shared>> -> memref<64x128xf32, #tpu.memory_space<vmem_shared>>
        tpu.wait_dma2 semaphore(%run_scoped3A : memref<!tpu.dma_semaphore, #tpu.memory_space<semaphore_mem>>) src(%arg8 : memref<64x128xf32, #tpu.memory_space<vmem>>) dst(%dma_wait3A_47 : memref<64x128xf32, #tpu.memory_space<vmem_shared>>)
        tpu.yield
      }) : () -> ()
    }
    %scan3A_11 = arith.constant 10 : i32
    %barrier3A = arith.constant 0 : index
    tpu.barrier barrier_id(%barrier3A)
    %eq3A = arith.constant 0 : i32
    %eq3A_12 = arith.cmpi eq, %arg0, %eq3A : i32
    %jit3A = arith.constant 31 : i32
    %jit3A_13 = arith.constant 9 : i32
    %select_n3A = arith.select %eq3A_12, %jit3A, %jit3A_13 : i32
    %mul3A_14 = arith.constant 320 : i32
    %mul3A_15 = arith.muli %arg1, %mul3A_14 : i32
    %mul3A_16 = arith.constant 248 : i32
    %mul3A_17 = arith.muli %arg0, %mul3A_16 : i32
    %add3A_18 = arith.addi %mul3A_15, %mul3A_17 : i32
    %while3A = arith.constant 0 : i32
    %while3A_19 = arith.constant 0 : i32
    %while3A_20 = arith.subi %select_n3A, %while3A_19 : i32
    %while3A_21 = arith.addi %while3A_19, %while3A_20 : i32
    %while3A_22 = arith.constant 1 : i32
    %while3A_23 = arith.divsi %while3A_20, %while3A_22 : i32
    %while3A_24 = arith.muli %while3A_23, %while3A_22 : i32
    %while3A_25 = arith.addi %while3A_19, %while3A_24 : i32
    %while3A_26 = arith.constant 1 : i32
    scf.for %while3A_36 = %while3A_19 to %while3A_25 step %while3A_26  : i32 {
      %mul3A_37 = arith.constant 8 : i32
      %mul3A_38 = arith.muli %while3A_36, %mul3A_37 : i32
      %add3A_39 = arith.addi %add3A_18, %mul3A_38 : i32
      "tpu.region"() ({
        %run_scoped3A = tpu.sem_alloc : memref<!tpu.dma_semaphore, #tpu.memory_space<semaphore_mem>>
        %dma_start3A_55 = arith.constant 0 : i32
        %dma_start3A_56 = tpu.memref_slice %arg3[%add3A_39, %dma_start3A_55] : memref<5120x64xi32, #tpu.memory_space<hbm>> -> memref<8x64xi32, #tpu.memory_space<hbm>>
        %dma_start3A_57 = arith.constant 0 : i32
        %dma_start3A_58 = tpu.memref_slice %arg3[%add3A_39, %dma_start3A_57] : memref<5120x64xi32, #tpu.memory_space<hbm>> -> memref<8x64xi32, #tpu.memory_space<hbm>>
        tpu.enqueue_dma source(%dma_start3A_58 : memref<8x64xi32, #tpu.memory_space<hbm>>) target(%arg6 : memref<8x64xi32, #tpu.memory_space<vmem>>) target_semaphore(%run_scoped3A : memref<!tpu.dma_semaphore, #tpu.memory_space<semaphore_mem>>)
        %dma_wait3A = arith.constant 0 : i32
        %dma_wait3A_59 = tpu.memref_slice %arg3[%add3A_39, %dma_wait3A] : memref<5120x64xi32, #tpu.memory_space<hbm>> -> memref<8x64xi32, #tpu.memory_space<hbm>>
        %dma_wait3A_60 = arith.constant 0 : i32
        %dma_wait3A_61 = tpu.memref_slice %arg3[%add3A_39, %dma_wait3A_60] : memref<5120x64xi32, #tpu.memory_space<hbm>> -> memref<8x64xi32, #tpu.memory_space<hbm>>
        tpu.wait_dma2 semaphore(%run_scoped3A : memref<!tpu.dma_semaphore, #tpu.memory_space<semaphore_mem>>) src(%dma_wait3A_61 : memref<8x64xi32, #tpu.memory_space<hbm>>) dst(%arg6 : memref<8x64xi32, #tpu.memory_space<vmem>>)
        tpu.yield
      }) : () -> ()
      %mul3A_40 = arith.constant 8 : i32
      %mul3A_41 = arith.muli %while3A_36, %mul3A_40 : i32
      %add3A_42 = arith.addi %add3A_18, %mul3A_41 : i32
      "tpu.region"() ({
        %run_scoped3A = tpu.sem_alloc : memref<!tpu.dma_semaphore, #tpu.memory_space<semaphore_mem>>
        %dma_start3A_55 = arith.constant 0 : i32
        %dma_start3A_56 = tpu.memref_slice %arg4[%add3A_42, %dma_start3A_55] : memref<5120x64xi32, #tpu.memory_space<hbm>> -> memref<8x64xi32, #tpu.memory_space<hbm>>
        %dma_start3A_57 = arith.constant 0 : i32
        %dma_start3A_58 = tpu.memref_slice %arg4[%add3A_42, %dma_start3A_57] : memref<5120x64xi32, #tpu.memory_space<hbm>> -> memref<8x64xi32, #tpu.memory_space<hbm>>
        tpu.enqueue_dma source(%dma_start3A_58 : memref<8x64xi32, #tpu.memory_space<hbm>>) target(%arg7 : memref<8x64xi32, #tpu.memory_space<vmem>>) target_semaphore(%run_scoped3A : memref<!tpu.dma_semaphore, #tpu.memory_space<semaphore_mem>>)
        %dma_wait3A = arith.constant 0 : i32
        %dma_wait3A_59 = tpu.memref_slice %arg4[%add3A_42, %dma_wait3A] : memref<5120x64xi32, #tpu.memory_space<hbm>> -> memref<8x64xi32, #tpu.memory_space<hbm>>
        %dma_wait3A_60 = arith.constant 0 : i32
        %dma_wait3A_61 = tpu.memref_slice %arg4[%add3A_42, %dma_wait3A_60] : memref<5120x64xi32, #tpu.memory_space<hbm>> -> memref<8x64xi32, #tpu.memory_space<hbm>>
        tpu.wait_dma2 semaphore(%run_scoped3A : memref<!tpu.dma_semaphore, #tpu.memory_space<semaphore_mem>>) src(%dma_wait3A_61 : memref<8x64xi32, #tpu.memory_space<hbm>>) dst(%arg7 : memref<8x64xi32, #tpu.memory_space<vmem>>)
        tpu.yield
      }) : () -> ()
      %dma_start3A = arith.constant 0 : i32
      %dma_start3A_43 = arith.constant 0 : i32
      %dma_start3A_44 = tpu.memref_slice %arg6[%dma_start3A, %dma_start3A_43] : memref<8x64xi32, #tpu.memory_space<vmem>> -> memref<1x64xi32, #tpu.memory_space<vmem>>
      %dma_start3A_45 = tpu.memref_squeeze %dma_start3A_44 : memref<1x64xi32, #tpu.memory_space<vmem>> -> memref<64xi32, #tpu.memory_space<vmem>>
      %dma_start3A_46 = arith.constant 0 : i32
      %dma_start3A_47 = arith.constant 0 : i32
      %dma_start3A_48 = tpu.memref_slice %arg2[%dma_start3A_46, %dma_start3A_47] : memref<10240x128xf32, #tpu.memory_space<hbm>> -> memref<10240x128xf32, #tpu.memory_space<hbm>>
      tpu.enqueue_indirect_dma source(%dma_start3A_48 : memref<10240x128xf32, #tpu.memory_space<hbm>>) target(%arg8 : memref<64x128xf32, #tpu.memory_space<vmem>>) offsets(%dma_start3A_45 : memref<64xi32, #tpu.memory_space<vmem>>) semaphore(%arg11 : memref<!tpu.dma_semaphore, #tpu.memory_space<semaphore_mem>>)
      %scan3A_49 = arith.constant 0 : i32
      %scan3A_50 = arith.constant 0 : i32
      %scan3A_51 = arith.constant 4 : i32
      %scan3A_52 = arith.addi %scan3A_50, %scan3A_51 : i32
      %scan3A_53 = arith.constant 1 : i32
      scf.for %scan3A_55 = %scan3A_50 to %scan3A_52 step %scan3A_53  : i32 {
        %mul3A_56 = arith.constant 2 : i32
        %mul3A_57 = arith.muli %mul3A_56, %scan3A_55 : i32
        %add3A_58 = arith.constant 1 : i32
        %add3A_59 = arith.addi %mul3A_57, %add3A_58 : i32
        %dma_start3A_60 = arith.constant 0 : i32
        %dma_start3A_61 = tpu.memref_slice %arg6[%add3A_59, %dma_start3A_60] : memref<8x64xi32, #tpu.memory_space<vmem>> -> memref<1x64xi32, #tpu.memory_space<vmem>>
        %dma_start3A_62 = tpu.memref_squeeze %dma_start3A_61 : memref<1x64xi32, #tpu.memory_space<vmem>> -> memref<64xi32, #tpu.memory_space<vmem>>
        %dma_start3A_63 = arith.constant 0 : i32
        %dma_start3A_64 = arith.constant 0 : i32
        %dma_start3A_65 = tpu.memref_slice %arg2[%dma_start3A_63, %dma_start3A_64] : memref<10240x128xf32, #tpu.memory_space<hbm>> -> memref<10240x128xf32, #tpu.memory_space<hbm>>
        tpu.enqueue_indirect_dma source(%dma_start3A_65 : memref<10240x128xf32, #tpu.memory_space<hbm>>) target(%arg9 : memref<64x128xf32, #tpu.memory_space<vmem>>) offsets(%dma_start3A_62 : memref<64xi32, #tpu.memory_space<vmem>>) semaphore(%arg12 : memref<!tpu.dma_semaphore, #tpu.memory_space<semaphore_mem>>)
        %dma_wait3A = arith.constant 0 : i32
        %dma_wait3A_66 = tpu.memref_slice %arg6[%mul3A_57, %dma_wait3A] : memref<8x64xi32, #tpu.memory_space<vmem>> -> memref<1x64xi32, #tpu.memory_space<vmem>>
        %dma_wait3A_67 = tpu.memref_squeeze %dma_wait3A_66 : memref<1x64xi32, #tpu.memory_space<vmem>> -> memref<64xi32, #tpu.memory_space<vmem>>
        %dma_wait3A_68 = arith.constant 0 : i32
        %dma_wait3A_69 = arith.constant 0 : i32
        %dma_wait3A_70 = tpu.memref_slice %arg2[%dma_wait3A_68, %dma_wait3A_69] : memref<10240x128xf32, #tpu.memory_space<hbm>> -> memref<10240x128xf32, #tpu.memory_space<hbm>>
        tpu.wait_indirect_dma semaphore(%arg11 : memref<!tpu.dma_semaphore, #tpu.memory_space<semaphore_mem>>) src(%dma_wait3A_70 : memref<10240x128xf32, #tpu.memory_space<hbm>>) dst(%arg8 : memref<64x128xf32, #tpu.memory_space<vmem>>)
        "tpu.region"() ({
          %run_scoped3A = tpu.sem_alloc : memref<!tpu.dma_semaphore, #tpu.memory_space<semaphore_mem>>
          %dma_start3A_81 = arith.constant 0 : i32
          %dma_start3A_82 = tpu.memref_slice %arg7[%mul3A_57, %dma_start3A_81] : memref<8x64xi32, #tpu.memory_space<vmem>> -> memref<1x64xi32, #tpu.memory_space<vmem>>
          %dma_start3A_83 = tpu.memref_squeeze %dma_start3A_82 : memref<1x64xi32, #tpu.memory_space<vmem>> -> memref<64xi32, #tpu.memory_space<vmem>>
          %dma_start3A_84 = arith.constant 0 : i32
          %dma_start3A_85 = arith.constant 0 : i32
          %dma_start3A_86 = tpu.memref_slice %arg10[%dma_start3A_84, %dma_start3A_85] : memref<10240x128xf32, #tpu.memory_space<vmem_shared>> -> memref<10240x128xf32, #tpu.memory_space<vmem_shared>>
          tpu.enqueue_indirect_dma source(%arg8 : memref<64x128xf32, #tpu.memory_space<vmem>>) target(%dma_start3A_86 : memref<10240x128xf32, #tpu.memory_space<vmem_shared>>) offsets(%dma_start3A_83 : memref<64xi32, #tpu.memory_space<vmem>>) semaphore(%run_scoped3A : memref<!tpu.dma_semaphore, #tpu.memory_space<semaphore_mem>>) {add = true}
          %dma_wait3A_87 = arith.constant 0 : i32
          %dma_wait3A_88 = tpu.memref_slice %arg7[%mul3A_57, %dma_wait3A_87] : memref<8x64xi32, #tpu.memory_space<vmem>> -> memref<1x64xi32, #tpu.memory_space<vmem>>
          %dma_wait3A_89 = tpu.memref_squeeze %dma_wait3A_88 : memref<1x64xi32, #tpu.memory_space<vmem>> -> memref<64xi32, #tpu.memory_space<vmem>>
          %dma_wait3A_90 = arith.constant 0 : i32
          %dma_wait3A_91 = arith.constant 0 : i32
          %dma_wait3A_92 = tpu.memref_slice %arg10[%dma_wait3A_90, %dma_wait3A_91] : memref<10240x128xf32, #tpu.memory_space<vmem_shared>> -> memref<10240x128xf32, #tpu.memory_space<vmem_shared>>
          tpu.wait_indirect_dma semaphore(%run_scoped3A : memref<!tpu.dma_semaphore, #tpu.memory_space<semaphore_mem>>) src(%arg8 : memref<64x128xf32, #tpu.memory_space<vmem>>) dst(%dma_wait3A_92 : memref<10240x128xf32, #tpu.memory_space<vmem_shared>>)
          tpu.yield
        }) : () -> ()
        %add3A_71 = arith.constant 1 : i32
        %add3A_72 = arith.addi %add3A_59, %add3A_71 : i32
        %lt3A = arith.constant 8 : i32
        %lt3A_73 = arith.cmpi slt, %add3A_72, %lt3A : i32
        %convert_element_type3A = arith.extui %lt3A_73 : i1 to i32
        %cond3A = arith.constant 0 : i32
        %cond3A_74 = arith.cmpi ne, %convert_element_type3A, %cond3A : i32
        scf.if %cond3A_74 {
          %add3A_81 = arith.constant 1 : i32
          %add3A_82 = arith.addi %add3A_59, %add3A_81 : i32
          %dma_start3A_83 = arith.constant 0 : i32
          %dma_start3A_84 = tpu.memref_slice %arg6[%add3A_82, %dma_start3A_83] : memref<8x64xi32, #tpu.memory_space<vmem>> -> memref<1x64xi32, #tpu.memory_space<vmem>>
          %dma_start3A_85 = tpu.memref_squeeze %dma_start3A_84 : memref<1x64xi32, #tpu.memory_space<vmem>> -> memref<64xi32, #tpu.memory_space<vmem>>
          %dma_start3A_86 = arith.constant 0 : i32
          %dma_start3A_87 = arith.constant 0 : i32
          %dma_start3A_88 = tpu.memref_slice %arg2[%dma_start3A_86, %dma_start3A_87] : memref<10240x128xf32, #tpu.memory_space<hbm>> -> memref<10240x128xf32, #tpu.memory_space<hbm>>
          tpu.enqueue_indirect_dma source(%dma_start3A_88 : memref<10240x128xf32, #tpu.memory_space<hbm>>) target(%arg8 : memref<64x128xf32, #tpu.memory_space<vmem>>) offsets(%dma_start3A_85 : memref<64xi32, #tpu.memory_space<vmem>>) semaphore(%arg11 : memref<!tpu.dma_semaphore, #tpu.memory_space<semaphore_mem>>)
        } else {
        }
        %dma_wait3A_75 = arith.constant 0 : i32
        %dma_wait3A_76 = tpu.memref_slice %arg6[%add3A_59, %dma_wait3A_75] : memref<8x64xi32, #tpu.memory_space<vmem>> -> memref<1x64xi32, #tpu.memory_space<vmem>>
        %dma_wait3A_77 = tpu.memref_squeeze %dma_wait3A_76 : memref<1x64xi32, #tpu.memory_space<vmem>> -> memref<64xi32, #tpu.memory_space<vmem>>
        %dma_wait3A_78 = arith.constant 0 : i32
        %dma_wait3A_79 = arith.constant 0 : i32
        %dma_wait3A_80 = tpu.memref_slice %arg2[%dma_wait3A_78, %dma_wait3A_79] : memref<10240x128xf32, #tpu.memory_space<hbm>> -> memref<10240x128xf32, #tpu.memory_space<hbm>>
        tpu.wait_indirect_dma semaphore(%arg12 : memref<!tpu.dma_semaphore, #tpu.memory_space<semaphore_mem>>) src(%dma_wait3A_80 : memref<10240x128xf32, #tpu.memory_space<hbm>>) dst(%arg9 : memref<64x128xf32, #tpu.memory_space<vmem>>)
        "tpu.region"() ({
          %run_scoped3A = tpu.sem_alloc : memref<!tpu.dma_semaphore, #tpu.memory_space<semaphore_mem>>
          %dma_start3A_81 = arith.constant 0 : i32
          %dma_start3A_82 = tpu.memref_slice %arg7[%add3A_59, %dma_start3A_81] : memref<8x64xi32, #tpu.memory_space<vmem>> -> memref<1x64xi32, #tpu.memory_space<vmem>>
          %dma_start3A_83 = tpu.memref_squeeze %dma_start3A_82 : memref<1x64xi32, #tpu.memory_space<vmem>> -> memref<64xi32, #tpu.memory_space<vmem>>
          %dma_start3A_84 = arith.constant 0 : i32
          %dma_start3A_85 = arith.constant 0 : i32
          %dma_start3A_86 = tpu.memref_slice %arg10[%dma_start3A_84, %dma_start3A_85] : memref<10240x128xf32, #tpu.memory_space<vmem_shared>> -> memref<10240x128xf32, #tpu.memory_space<vmem_shared>>
          tpu.enqueue_indirect_dma source(%arg9 : memref<64x128xf32, #tpu.memory_space<vmem>>) target(%dma_start3A_86 : memref<10240x128xf32, #tpu.memory_space<vmem_shared>>) offsets(%dma_start3A_83 : memref<64xi32, #tpu.memory_space<vmem>>) semaphore(%run_scoped3A : memref<!tpu.dma_semaphore, #tpu.memory_space<semaphore_mem>>) {add = true}
          %dma_wait3A_87 = arith.constant 0 : i32
          %dma_wait3A_88 = tpu.memref_slice %arg7[%add3A_59, %dma_wait3A_87] : memref<8x64xi32, #tpu.memory_space<vmem>> -> memref<1x64xi32, #tpu.memory_space<vmem>>
          %dma_wait3A_89 = tpu.memref_squeeze %dma_wait3A_88 : memref<1x64xi32, #tpu.memory_space<vmem>> -> memref<64xi32, #tpu.memory_space<vmem>>
          %dma_wait3A_90 = arith.constant 0 : i32
          %dma_wait3A_91 = arith.constant 0 : i32
          %dma_wait3A_92 = tpu.memref_slice %arg10[%dma_wait3A_90, %dma_wait3A_91] : memref<10240x128xf32, #tpu.memory_space<vmem_shared>> -> memref<10240x128xf32, #tpu.memory_space<vmem_shared>>
          tpu.wait_indirect_dma semaphore(%run_scoped3A : memref<!tpu.dma_semaphore, #tpu.memory_space<semaphore_mem>>) src(%arg9 : memref<64x128xf32, #tpu.memory_space<vmem>>) dst(%dma_wait3A_92 : memref<10240x128xf32, #tpu.memory_space<vmem_shared>>)
          tpu.yield
        }) : () -> ()
      }
      %scan3A_54 = arith.constant 4 : i32
    }
    %while3A_27 = arith.constant 1 : i32
    scf.for %while3A_36 = %while3A_25 to %while3A_21 step %while3A_27  : i32 {
      %mul3A_37 = arith.constant 8 : i32
      %mul3A_38 = arith.muli %while3A_36, %mul3A_37 : i32
      %add3A_39 = arith.addi %add3A_18, %mul3A_38 : i32
      "tpu.region"() ({
        %run_scoped3A = tpu.sem_alloc : memref<!tpu.dma_semaphore, #tpu.memory_space<semaphore_mem>>
        %dma_start3A_55 = arith.constant 0 : i32
        %dma_start3A_56 = tpu.memref_slice %arg3[%add3A_39, %dma_start3A_55] : memref<5120x64xi32, #tpu.memory_space<hbm>> -> memref<8x64xi32, #tpu.memory_space<hbm>>
        %dma_start3A_57 = arith.constant 0 : i32
        %dma_start3A_58 = tpu.memref_slice %arg3[%add3A_39, %dma_start3A_57] : memref<5120x64xi32, #tpu.memory_space<hbm>> -> memref<8x64xi32, #tpu.memory_space<hbm>>
        tpu.enqueue_dma source(%dma_start3A_58 : memref<8x64xi32, #tpu.memory_space<hbm>>) target(%arg6 : memref<8x64xi32, #tpu.memory_space<vmem>>) target_semaphore(%run_scoped3A : memref<!tpu.dma_semaphore, #tpu.memory_space<semaphore_mem>>)
        %dma_wait3A = arith.constant 0 : i32
        %dma_wait3A_59 = tpu.memref_slice %arg3[%add3A_39, %dma_wait3A] : memref<5120x64xi32, #tpu.memory_space<hbm>> -> memref<8x64xi32, #tpu.memory_space<hbm>>
        %dma_wait3A_60 = arith.constant 0 : i32
        %dma_wait3A_61 = tpu.memref_slice %arg3[%add3A_39, %dma_wait3A_60] : memref<5120x64xi32, #tpu.memory_space<hbm>> -> memref<8x64xi32, #tpu.memory_space<hbm>>
        tpu.wait_dma2 semaphore(%run_scoped3A : memref<!tpu.dma_semaphore, #tpu.memory_space<semaphore_mem>>) src(%dma_wait3A_61 : memref<8x64xi32, #tpu.memory_space<hbm>>) dst(%arg6 : memref<8x64xi32, #tpu.memory_space<vmem>>)
        tpu.yield
      }) : () -> ()
      %mul3A_40 = arith.constant 8 : i32
      %mul3A_41 = arith.muli %while3A_36, %mul3A_40 : i32
      %add3A_42 = arith.addi %add3A_18, %mul3A_41 : i32
      "tpu.region"() ({
        %run_scoped3A = tpu.sem_alloc : memref<!tpu.dma_semaphore, #tpu.memory_space<semaphore_mem>>
        %dma_start3A_55 = arith.constant 0 : i32
        %dma_start3A_56 = tpu.memref_slice %arg4[%add3A_42, %dma_start3A_55] : memref<5120x64xi32, #tpu.memory_space<hbm>> -> memref<8x64xi32, #tpu.memory_space<hbm>>
        %dma_start3A_57 = arith.constant 0 : i32
        %dma_start3A_58 = tpu.memref_slice %arg4[%add3A_42, %dma_start3A_57] : memref<5120x64xi32, #tpu.memory_space<hbm>> -> memref<8x64xi32, #tpu.memory_space<hbm>>
        tpu.enqueue_dma source(%dma_start3A_58 : memref<8x64xi32, #tpu.memory_space<hbm>>) target(%arg7 : memref<8x64xi32, #tpu.memory_space<vmem>>) target_semaphore(%run_scoped3A : memref<!tpu.dma_semaphore, #tpu.memory_space<semaphore_mem>>)
        %dma_wait3A = arith.constant 0 : i32
        %dma_wait3A_59 = tpu.memref_slice %arg4[%add3A_42, %dma_wait3A] : memref<5120x64xi32, #tpu.memory_space<hbm>> -> memref<8x64xi32, #tpu.memory_space<hbm>>
        %dma_wait3A_60 = arith.constant 0 : i32
        %dma_wait3A_61 = tpu.memref_slice %arg4[%add3A_42, %dma_wait3A_60] : memref<5120x64xi32, #tpu.memory_space<hbm>> -> memref<8x64xi32, #tpu.memory_space<hbm>>
        tpu.wait_dma2 semaphore(%run_scoped3A : memref<!tpu.dma_semaphore, #tpu.memory_space<semaphore_mem>>) src(%dma_wait3A_61 : memref<8x64xi32, #tpu.memory_space<hbm>>) dst(%arg7 : memref<8x64xi32, #tpu.memory_space<vmem>>)
        tpu.yield
      }) : () -> ()
      %dma_start3A = arith.constant 0 : i32
      %dma_start3A_43 = arith.constant 0 : i32
      %dma_start3A_44 = tpu.memref_slice %arg6[%dma_start3A, %dma_start3A_43] : memref<8x64xi32, #tpu.memory_space<vmem>> -> memref<1x64xi32, #tpu.memory_space<vmem>>
      %dma_start3A_45 = tpu.memref_squeeze %dma_start3A_44 : memref<1x64xi32, #tpu.memory_space<vmem>> -> memref<64xi32, #tpu.memory_space<vmem>>
      %dma_start3A_46 = arith.constant 0 : i32
      %dma_start3A_47 = arith.constant 0 : i32
      %dma_start3A_48 = tpu.memref_slice %arg2[%dma_start3A_46, %dma_start3A_47] : memref<10240x128xf32, #tpu.memory_space<hbm>> -> memref<10240x128xf32, #tpu.memory_space<hbm>>
      tpu.enqueue_indirect_dma source(%dma_start3A_48 : memref<10240x128xf32, #tpu.memory_space<hbm>>) target(%arg8 : memref<64x128xf32, #tpu.memory_space<vmem>>) offsets(%dma_start3A_45 : memref<64xi32, #tpu.memory_space<vmem>>) semaphore(%arg11 : memref<!tpu.dma_semaphore, #tpu.memory_space<semaphore_mem>>)
      %scan3A_49 = arith.constant 0 : i32
      %scan3A_50 = arith.constant 0 : i32
      %scan3A_51 = arith.constant 4 : i32
      %scan3A_52 = arith.addi %scan3A_50, %scan3A_51 : i32
      %scan3A_53 = arith.constant 1 : i32
      scf.for %scan3A_55 = %scan3A_50 to %scan3A_52 step %scan3A_53  : i32 {
        %mul3A_56 = arith.constant 2 : i32
        %mul3A_57 = arith.muli %mul3A_56, %scan3A_55 : i32
        %add3A_58 = arith.constant 1 : i32
        %add3A_59 = arith.addi %mul3A_57, %add3A_58 : i32
        %dma_start3A_60 = arith.constant 0 : i32
        %dma_start3A_61 = tpu.memref_slice %arg6[%add3A_59, %dma_start3A_60] : memref<8x64xi32, #tpu.memory_space<vmem>> -> memref<1x64xi32, #tpu.memory_space<vmem>>
        %dma_start3A_62 = tpu.memref_squeeze %dma_start3A_61 : memref<1x64xi32, #tpu.memory_space<vmem>> -> memref<64xi32, #tpu.memory_space<vmem>>
        %dma_start3A_63 = arith.constant 0 : i32
        %dma_start3A_64 = arith.constant 0 : i32
        %dma_start3A_65 = tpu.memref_slice %arg2[%dma_start3A_63, %dma_start3A_64] : memref<10240x128xf32, #tpu.memory_space<hbm>> -> memref<10240x128xf32, #tpu.memory_space<hbm>>
        tpu.enqueue_indirect_dma source(%dma_start3A_65 : memref<10240x128xf32, #tpu.memory_space<hbm>>) target(%arg9 : memref<64x128xf32, #tpu.memory_space<vmem>>) offsets(%dma_start3A_62 : memref<64xi32, #tpu.memory_space<vmem>>) semaphore(%arg12 : memref<!tpu.dma_semaphore, #tpu.memory_space<semaphore_mem>>)
        %dma_wait3A = arith.constant 0 : i32
        %dma_wait3A_66 = tpu.memref_slice %arg6[%mul3A_57, %dma_wait3A] : memref<8x64xi32, #tpu.memory_space<vmem>> -> memref<1x64xi32, #tpu.memory_space<vmem>>
        %dma_wait3A_67 = tpu.memref_squeeze %dma_wait3A_66 : memref<1x64xi32, #tpu.memory_space<vmem>> -> memref<64xi32, #tpu.memory_space<vmem>>
        %dma_wait3A_68 = arith.constant 0 : i32
        %dma_wait3A_69 = arith.constant 0 : i32
        %dma_wait3A_70 = tpu.memref_slice %arg2[%dma_wait3A_68, %dma_wait3A_69] : memref<10240x128xf32, #tpu.memory_space<hbm>> -> memref<10240x128xf32, #tpu.memory_space<hbm>>
        tpu.wait_indirect_dma semaphore(%arg11 : memref<!tpu.dma_semaphore, #tpu.memory_space<semaphore_mem>>) src(%dma_wait3A_70 : memref<10240x128xf32, #tpu.memory_space<hbm>>) dst(%arg8 : memref<64x128xf32, #tpu.memory_space<vmem>>)
        "tpu.region"() ({
          %run_scoped3A = tpu.sem_alloc : memref<!tpu.dma_semaphore, #tpu.memory_space<semaphore_mem>>
          %dma_start3A_81 = arith.constant 0 : i32
          %dma_start3A_82 = tpu.memref_slice %arg7[%mul3A_57, %dma_start3A_81] : memref<8x64xi32, #tpu.memory_space<vmem>> -> memref<1x64xi32, #tpu.memory_space<vmem>>
          %dma_start3A_83 = tpu.memref_squeeze %dma_start3A_82 : memref<1x64xi32, #tpu.memory_space<vmem>> -> memref<64xi32, #tpu.memory_space<vmem>>
          %dma_start3A_84 = arith.constant 0 : i32
          %dma_start3A_85 = arith.constant 0 : i32
          %dma_start3A_86 = tpu.memref_slice %arg10[%dma_start3A_84, %dma_start3A_85] : memref<10240x128xf32, #tpu.memory_space<vmem_shared>> -> memref<10240x128xf32, #tpu.memory_space<vmem_shared>>
          tpu.enqueue_indirect_dma source(%arg8 : memref<64x128xf32, #tpu.memory_space<vmem>>) target(%dma_start3A_86 : memref<10240x128xf32, #tpu.memory_space<vmem_shared>>) offsets(%dma_start3A_83 : memref<64xi32, #tpu.memory_space<vmem>>) semaphore(%run_scoped3A : memref<!tpu.dma_semaphore, #tpu.memory_space<semaphore_mem>>) {add = true}
          %dma_wait3A_87 = arith.constant 0 : i32
          %dma_wait3A_88 = tpu.memref_slice %arg7[%mul3A_57, %dma_wait3A_87] : memref<8x64xi32, #tpu.memory_space<vmem>> -> memref<1x64xi32, #tpu.memory_space<vmem>>
          %dma_wait3A_89 = tpu.memref_squeeze %dma_wait3A_88 : memref<1x64xi32, #tpu.memory_space<vmem>> -> memref<64xi32, #tpu.memory_space<vmem>>
          %dma_wait3A_90 = arith.constant 0 : i32
          %dma_wait3A_91 = arith.constant 0 : i32
          %dma_wait3A_92 = tpu.memref_slice %arg10[%dma_wait3A_90, %dma_wait3A_91] : memref<10240x128xf32, #tpu.memory_space<vmem_shared>> -> memref<10240x128xf32, #tpu.memory_space<vmem_shared>>
          tpu.wait_indirect_dma semaphore(%run_scoped3A : memref<!tpu.dma_semaphore, #tpu.memory_space<semaphore_mem>>) src(%arg8 : memref<64x128xf32, #tpu.memory_space<vmem>>) dst(%dma_wait3A_92 : memref<10240x128xf32, #tpu.memory_space<vmem_shared>>)
          tpu.yield
        }) : () -> ()
        %add3A_71 = arith.constant 1 : i32
        %add3A_72 = arith.addi %add3A_59, %add3A_71 : i32
        %lt3A = arith.constant 8 : i32
        %lt3A_73 = arith.cmpi slt, %add3A_72, %lt3A : i32
        %convert_element_type3A = arith.extui %lt3A_73 : i1 to i32
        %cond3A = arith.constant 0 : i32
        %cond3A_74 = arith.cmpi ne, %convert_element_type3A, %cond3A : i32
        scf.if %cond3A_74 {
          %add3A_81 = arith.constant 1 : i32
          %add3A_82 = arith.addi %add3A_59, %add3A_81 : i32
          %dma_start3A_83 = arith.constant 0 : i32
          %dma_start3A_84 = tpu.memref_slice %arg6[%add3A_82, %dma_start3A_83] : memref<8x64xi32, #tpu.memory_space<vmem>> -> memref<1x64xi32, #tpu.memory_space<vmem>>
          %dma_start3A_85 = tpu.memref_squeeze %dma_start3A_84 : memref<1x64xi32, #tpu.memory_space<vmem>> -> memref<64xi32, #tpu.memory_space<vmem>>
          %dma_start3A_86 = arith.constant 0 : i32
          %dma_start3A_87 = arith.constant 0 : i32
          %dma_start3A_88 = tpu.memref_slice %arg2[%dma_start3A_86, %dma_start3A_87] : memref<10240x128xf32, #tpu.memory_space<hbm>> -> memref<10240x128xf32, #tpu.memory_space<hbm>>
          tpu.enqueue_indirect_dma source(%dma_start3A_88 : memref<10240x128xf32, #tpu.memory_space<hbm>>) target(%arg8 : memref<64x128xf32, #tpu.memory_space<vmem>>) offsets(%dma_start3A_85 : memref<64xi32, #tpu.memory_space<vmem>>) semaphore(%arg11 : memref<!tpu.dma_semaphore, #tpu.memory_space<semaphore_mem>>)
        } else {
        }
        %dma_wait3A_75 = arith.constant 0 : i32
        %dma_wait3A_76 = tpu.memref_slice %arg6[%add3A_59, %dma_wait3A_75] : memref<8x64xi32, #tpu.memory_space<vmem>> -> memref<1x64xi32, #tpu.memory_space<vmem>>
        %dma_wait3A_77 = tpu.memref_squeeze %dma_wait3A_76 : memref<1x64xi32, #tpu.memory_space<vmem>> -> memref<64xi32, #tpu.memory_space<vmem>>
        %dma_wait3A_78 = arith.constant 0 : i32
        %dma_wait3A_79 = arith.constant 0 : i32
        %dma_wait3A_80 = tpu.memref_slice %arg2[%dma_wait3A_78, %dma_wait3A_79] : memref<10240x128xf32, #tpu.memory_space<hbm>> -> memref<10240x128xf32, #tpu.memory_space<hbm>>
        tpu.wait_indirect_dma semaphore(%arg12 : memref<!tpu.dma_semaphore, #tpu.memory_space<semaphore_mem>>) src(%dma_wait3A_80 : memref<10240x128xf32, #tpu.memory_space<hbm>>) dst(%arg9 : memref<64x128xf32, #tpu.memory_space<vmem>>)
        "tpu.region"() ({
          %run_scoped3A = tpu.sem_alloc : memref<!tpu.dma_semaphore, #tpu.memory_space<semaphore_mem>>
          %dma_start3A_81 = arith.constant 0 : i32
          %dma_start3A_82 = tpu.memref_slice %arg7[%add3A_59, %dma_start3A_81] : memref<8x64xi32, #tpu.memory_space<vmem>> -> memref<1x64xi32, #tpu.memory_space<vmem>>
          %dma_start3A_83 = tpu.memref_squeeze %dma_start3A_82 : memref<1x64xi32, #tpu.memory_space<vmem>> -> memref<64xi32, #tpu.memory_space<vmem>>
          %dma_start3A_84 = arith.constant 0 : i32
          %dma_start3A_85 = arith.constant 0 : i32
          %dma_start3A_86 = tpu.memref_slice %arg10[%dma_start3A_84, %dma_start3A_85] : memref<10240x128xf32, #tpu.memory_space<vmem_shared>> -> memref<10240x128xf32, #tpu.memory_space<vmem_shared>>
          tpu.enqueue_indirect_dma source(%arg9 : memref<64x128xf32, #tpu.memory_space<vmem>>) target(%dma_start3A_86 : memref<10240x128xf32, #tpu.memory_space<vmem_shared>>) offsets(%dma_start3A_83 : memref<64xi32, #tpu.memory_space<vmem>>) semaphore(%run_scoped3A : memref<!tpu.dma_semaphore, #tpu.memory_space<semaphore_mem>>) {add = true}
          %dma_wait3A_87 = arith.constant 0 : i32
          %dma_wait3A_88 = tpu.memref_slice %arg7[%add3A_59, %dma_wait3A_87] : memref<8x64xi32, #tpu.memory_space<vmem>> -> memref<1x64xi32, #tpu.memory_space<vmem>>
          %dma_wait3A_89 = tpu.memref_squeeze %dma_wait3A_88 : memref<1x64xi32, #tpu.memory_space<vmem>> -> memref<64xi32, #tpu.memory_space<vmem>>
          %dma_wait3A_90 = arith.constant 0 : i32
          %dma_wait3A_91 = arith.constant 0 : i32
          %dma_wait3A_92 = tpu.memref_slice %arg10[%dma_wait3A_90, %dma_wait3A_91] : memref<10240x128xf32, #tpu.memory_space<vmem_shared>> -> memref<10240x128xf32, #tpu.memory_space<vmem_shared>>
          tpu.wait_indirect_dma semaphore(%run_scoped3A : memref<!tpu.dma_semaphore, #tpu.memory_space<semaphore_mem>>) src(%arg9 : memref<64x128xf32, #tpu.memory_space<vmem>>) dst(%dma_wait3A_92 : memref<10240x128xf32, #tpu.memory_space<vmem_shared>>)
          tpu.yield
        }) : () -> ()
      }
      %scan3A_54 = arith.constant 4 : i32
    }
    %barrier3A_28 = arith.constant 0 : index
    tpu.barrier barrier_id(%barrier3A_28)
    %mul3A_29 = arith.constant 640 : i32
    %mul3A_30 = arith.muli %arg1, %mul3A_29 : i32
    %mul3A_31 = arith.constant 10240 : i32
    %mul3A_32 = arith.muli %arg0, %mul3A_31 : i32
    %mul3A_33 = arith.constant 640 : i32
    %mul3A_34 = arith.muli %arg1, %mul3A_33 : i32
    %add3A_35 = arith.addi %mul3A_32, %mul3A_34 : i32
    "tpu.region"() ({
      %run_scoped3A = tpu.sem_alloc : memref<!tpu.dma_semaphore, #tpu.memory_space<semaphore_mem>>
      %dma_start3A = arith.constant 0 : i32
      %dma_start3A_36 = tpu.memref_slice %arg5[%add3A_35, %dma_start3A] : memref<20480x128xf32, #tpu.memory_space<hbm>> -> memref<640x128xf32, #tpu.memory_space<hbm>>
      %dma_start3A_37 = arith.constant 0 : i32
      %dma_start3A_38 = tpu.memref_slice %arg10[%mul3A_30, %dma_start3A_37] : memref<10240x128xf32, #tpu.memory_space<vmem_shared>> -> memref<640x128xf32, #tpu.memory_space<vmem_shared>>
      tpu.enqueue_dma source(%dma_start3A_38 : memref<640x128xf32, #tpu.memory_space<vmem_shared>>) target(%dma_start3A_36 : memref<640x128xf32, #tpu.memory_space<hbm>>) target_semaphore(%run_scoped3A : memref<!tpu.dma_semaphore, #tpu.memory_space<semaphore_mem>>)
      %dma_wait3A = arith.constant 0 : i32
      %dma_wait3A_39 = tpu.memref_slice %arg5[%add3A_35, %dma_wait3A] : memref<20480x128xf32, #tpu.memory_space<hbm>> -> memref<640x128xf32, #tpu.memory_space<hbm>>
      %dma_wait3A_40 = arith.constant 0 : i32
      %dma_wait3A_41 = tpu.memref_slice %arg10[%mul3A_30, %dma_wait3A_40] : memref<10240x128xf32, #tpu.memory_space<vmem_shared>> -> memref<640x128xf32, #tpu.memory_space<vmem_shared>>
      tpu.wait_dma2 semaphore(%run_scoped3A : memref<!tpu.dma_semaphore, #tpu.memory_space<semaphore_mem>>) src(%dma_wait3A_41 : memref<640x128xf32, #tpu.memory_space<vmem_shared>>) dst(%dma_wait3A_39 : memref<640x128xf32, #tpu.memory_space<hbm>>)
      tpu.yield
    }) : () -> ()
    return
  }
}

#map = affine_map<(d0, d1) -> (0, 0)>
module attributes {stable_mosaic.version = 14 : i64} {
  func.func @_agg_body(%arg0: i32, %arg1: i32, %arg2: memref<10240x128xf32, #tpu.memory_space<hbm>>, %arg3: memref<5120x64xi32, #tpu.memory_space<hbm>>, %arg4: memref<5120x64xi32, #tpu.memory_space<hbm>>, %arg5: memref<20480x128xf32, #tpu.memory_space<hbm>>, %arg6: memref<8x64xi32, #tpu.memory_space<vmem>>, %arg7: memref<8x64xi32, #tpu.memory_space<vmem>>, %arg8: memref<64x128xf32, #tpu.memory_space<vmem>>, %arg9: memref<64x128xf32, #tpu.memory_space<vmem>>, %arg10: memref<10240x128xf32, #tpu.memory_space<vmem_shared>>, %arg11: memref<!tpu.dma_semaphore, #tpu.memory_space<semaphore_mem>>, %arg12: memref<!tpu.dma_semaphore, #tpu.memory_space<semaphore_mem>>) attributes {dimension_semantics = [#tpu.dimension_semantics<core_parallel>, #tpu.dimension_semantics<subcore_parallel>], iteration_bounds = array<i64: 2, 16>, scalar_prefetch = 0 : i64, scratch_operands = 7 : i64, tpu.core_type = #tpu.core_type<sc_vector_subcore>, window_params = [{transform_indices = #map}, {transform_indices = #map}, {transform_indices = #map}, {transform_indices = #map}]} {
    %mul3A = arith.constant 2 : i32
    %mul3A_0 = arith.muli %arg1, %mul3A : i32
    %add3A = arith.addi %mul3A_0, %arg0 : i32
    %scan3A = arith.constant 0 : i32
    %scan3A_1 = arith.constant 0 : i32
    %scan3A_2 = arith.constant 512 : i32
    %scan3A_3 = arith.addi %scan3A_1, %scan3A_2 : i32
    %scan3A_4 = arith.constant 1 : i32
    scf.for %scan3A_36 = %scan3A_1 to %scan3A_3 step %scan3A_4  : i32 {
      %broadcast_in_dim3A = arith.constant 0.000000e+00 : f32
      %broadcast_in_dim3A_37 = vector.broadcast %broadcast_in_dim3A : f32 to vector<16xf32>
      %jit3A_38 = arith.constant 8 : i32
      %div3A = arith.divsi %scan3A_36, %jit3A_38 : i32
      %sign3A = arith.constant 0 : i32
      %sign3A_39 = arith.cmpi sgt, %scan3A_36, %sign3A : i32
      %sign3A_40 = arith.extui %sign3A_39 : i1 to i32
      %sign3A_41 = arith.constant 0 : i32
      %sign3A_42 = arith.cmpi slt, %scan3A_36, %sign3A_41 : i32
      %sign3A_43 = arith.extui %sign3A_42 : i1 to i32
      %sign3A_44 = arith.subi %sign3A_40, %sign3A_43 : i32
      %sign3A_45 = arith.constant 0 : i32
      %sign3A_46 = arith.cmpi sgt, %jit3A_38, %sign3A_45 : i32
      %sign3A_47 = arith.extui %sign3A_46 : i1 to i32
      %sign3A_48 = arith.constant 0 : i32
      %sign3A_49 = arith.cmpi slt, %jit3A_38, %sign3A_48 : i32
      %sign3A_50 = arith.extui %sign3A_49 : i1 to i32
      %sign3A_51 = arith.subi %sign3A_47, %sign3A_50 : i32
      %ne3A = arith.cmpi ne, %sign3A_44, %sign3A_51 : i32
      %rem3A = arith.remsi %scan3A_36, %jit3A_38 : i32
      %ne3A_52 = arith.constant 0 : i32
      %ne3A_53 = arith.cmpi ne, %rem3A, %ne3A_52 : i32
      %and3A = arith.andi %ne3A, %ne3A_53 : i1
      %sub3A = arith.constant 1 : i32
      %sub3A_54 = arith.subi %div3A, %sub3A : i32
      %select_n3A_55 = arith.select %and3A, %sub3A_54, %div3A : i32
      %jit3A_56 = arith.constant 8 : i32
      %eq3A_57 = arith.constant 0 : i32
      %eq3A_58 = arith.cmpi eq, %jit3A_56, %eq3A_57 : i32
      %jit3A_59 = arith.constant 1 : i32
      %select_n3A_60 = arith.select %eq3A_58, %jit3A_59, %jit3A_56 : i32
      %rem3A_61 = arith.remsi %scan3A_36, %select_n3A_60 : i32
      %ne3A_62 = arith.constant 0 : i32
      %ne3A_63 = arith.cmpi ne, %rem3A_61, %ne3A_62 : i32
      %lt3A = arith.constant 0 : i32
      %lt3A_64 = arith.cmpi slt, %rem3A_61, %lt3A : i32
      %lt3A_65 = arith.constant 0 : i32
      %lt3A_66 = arith.cmpi slt, %select_n3A_60, %lt3A_65 : i32
      %ne3A_67 = arith.xori %lt3A_64, %lt3A_66 : i1
      %and3A_68 = arith.andi %ne3A_67, %ne3A_63 : i1
      %add3A_69 = arith.addi %rem3A_61, %select_n3A_60 : i32
      %select_n3A_70 = arith.select %and3A_68, %add3A_69, %rem3A_61 : i32
      %mul3A_71 = arith.constant 16 : i32
      %mul3A_72 = arith.muli %select_n3A_70, %mul3A_71 : i32
      %swap3A = arith.index_cast %select_n3A_55 : i32 to index
      %swap3A_73 = arith.index_cast %mul3A_72 : i32 to index
      %swap3A_74 = tpu.vector_load %arg8[%swap3A, %swap3A_73] {strides = array<i32>} : memref<64x128xf32, #tpu.memory_space<vmem>>, vector<1x16xf32>,
      %swap3A_75 = vector.shape_cast %swap3A_74 : vector<1x16xf32> to vector<16xf32>
      %swap3A_76 = vector.shape_cast %broadcast_in_dim3A_37 : vector<16xf32> to vector<1x16xf32>
      tpu.vector_store %arg8[%swap3A, %swap3A_73], %swap3A_76 {strides = array<i32>} : memref<64x128xf32, #tpu.memory_space<vmem>>, vector<1x16xf32>,
    }
    %scan3A_5 = arith.constant 512 : i32
    %scan3A_6 = arith.constant 0 : i32
    %scan3A_7 = arith.constant 0 : i32
    %scan3A_8 = arith.constant 10 : i32
    %scan3A_9 = arith.addi %scan3A_7, %scan3A_8 : i32
    %scan3A_10 = arith.constant 1 : i32
    scf.for %scan3A_36 = %scan3A_7 to %scan3A_9 step %scan3A_10  : i32 {
      %mul3A_37 = arith.constant 640 : i32
      %mul3A_38 = arith.muli %arg1, %mul3A_37 : i32
      %mul3A_39 = arith.constant 64 : i32
      %mul3A_40 = arith.muli %scan3A_36, %mul3A_39 : i32
      %add3A_41 = arith.addi %mul3A_38, %mul3A_40 : i32
      "tpu.region"() ({
        %run_scoped3A = tpu.sem_alloc : memref<!tpu.dma_semaphore, #tpu.memory_space<semaphore_mem>>
        %dma_start3A = arith.constant 0 : i32
        %dma_start3A_42 = tpu.memref_slice %arg10[%add3A_41, %dma_start3A] : memref<10240x128xf32, #tpu.memory_space<vmem_shared>> -> memref<64x128xf32, #tpu.memory_space<vmem_shared>>
        %dma_start3A_43 = arith.constant 0 : i32
        %dma_start3A_44 = tpu.memref_slice %arg10[%add3A_41, %dma_start3A_43] : memref<10240x128xf32, #tpu.memory_space<vmem_shared>> -> memref<64x128xf32, #tpu.memory_space<vmem_shared>>
        tpu.enqueue_dma source(%arg8 : memref<64x128xf32, #tpu.memory_space<vmem>>) target(%dma_start3A_44 : memref<64x128xf32, #tpu.memory_space<vmem_shared>>) target_semaphore(%run_scoped3A : memref<!tpu.dma_semaphore, #tpu.memory_space<semaphore_mem>>)
        %dma_wait3A = arith.constant 0 : i32
        %dma_wait3A_45 = tpu.memref_slice %arg10[%add3A_41, %dma_wait3A] : memref<10240x128xf32, #tpu.memory_space<vmem_shared>> -> memref<64x128xf32, #tpu.memory_space<vmem_shared>>
        %dma_wait3A_46 = arith.constant 0 : i32
        %dma_wait3A_47 = tpu.memref_slice %arg10[%add3A_41, %dma_wait3A_46] : memref<10240x128xf32, #tpu.memory_space<vmem_shared>> -> memref<64x128xf32, #tpu.memory_space<vmem_shared>>
        tpu.wait_dma2 semaphore(%run_scoped3A : memref<!tpu.dma_semaphore, #tpu.memory_space<semaphore_mem>>) src(%arg8 : memref<64x128xf32, #tpu.memory_space<vmem>>) dst(%dma_wait3A_47 : memref<64x128xf32, #tpu.memory_space<vmem_shared>>)
        tpu.yield
      }) : () -> ()
    }
    %scan3A_11 = arith.constant 10 : i32
    %barrier3A = arith.constant 0 : index
    tpu.barrier barrier_id(%barrier3A)
    %eq3A = arith.constant 0 : i32
    %eq3A_12 = arith.cmpi eq, %arg0, %eq3A : i32
    %jit3A = arith.constant 31 : i32
    %jit3A_13 = arith.constant 9 : i32
    %select_n3A = arith.select %eq3A_12, %jit3A, %jit3A_13 : i32
    %mul3A_14 = arith.constant 320 : i32
    %mul3A_15 = arith.muli %arg1, %mul3A_14 : i32
    %mul3A_16 = arith.constant 248 : i32
    %mul3A_17 = arith.muli %arg0, %mul3A_16 : i32
    %add3A_18 = arith.addi %mul3A_15, %mul3A_17 : i32
    %while3A = arith.constant 0 : i32
    %while3A_19 = arith.constant 0 : i32
    %while3A_20 = arith.subi %select_n3A, %while3A_19 : i32
    %while3A_21 = arith.addi %while3A_19, %while3A_20 : i32
    %while3A_22 = arith.constant 1 : i32
    %while3A_23 = arith.divsi %while3A_20, %while3A_22 : i32
    %while3A_24 = arith.muli %while3A_23, %while3A_22 : i32
    %while3A_25 = arith.addi %while3A_19, %while3A_24 : i32
    %while3A_26 = arith.constant 1 : i32
    scf.for %while3A_36 = %while3A_19 to %while3A_25 step %while3A_26  : i32 {
      %mul3A_37 = arith.constant 8 : i32
      %mul3A_38 = arith.muli %while3A_36, %mul3A_37 : i32
      %add3A_39 = arith.addi %add3A_18, %mul3A_38 : i32
      "tpu.region"() ({
        %run_scoped3A = tpu.sem_alloc : memref<!tpu.dma_semaphore, #tpu.memory_space<semaphore_mem>>
        %dma_start3A_55 = arith.constant 0 : i32
        %dma_start3A_56 = tpu.memref_slice %arg3[%add3A_39, %dma_start3A_55] : memref<5120x64xi32, #tpu.memory_space<hbm>> -> memref<8x64xi32, #tpu.memory_space<hbm>>
        %dma_start3A_57 = arith.constant 0 : i32
        %dma_start3A_58 = tpu.memref_slice %arg3[%add3A_39, %dma_start3A_57] : memref<5120x64xi32, #tpu.memory_space<hbm>> -> memref<8x64xi32, #tpu.memory_space<hbm>>
        tpu.enqueue_dma source(%dma_start3A_58 : memref<8x64xi32, #tpu.memory_space<hbm>>) target(%arg6 : memref<8x64xi32, #tpu.memory_space<vmem>>) target_semaphore(%run_scoped3A : memref<!tpu.dma_semaphore, #tpu.memory_space<semaphore_mem>>)
        %dma_wait3A = arith.constant 0 : i32
        %dma_wait3A_59 = tpu.memref_slice %arg3[%add3A_39, %dma_wait3A] : memref<5120x64xi32, #tpu.memory_space<hbm>> -> memref<8x64xi32, #tpu.memory_space<hbm>>
        %dma_wait3A_60 = arith.constant 0 : i32
        %dma_wait3A_61 = tpu.memref_slice %arg3[%add3A_39, %dma_wait3A_60] : memref<5120x64xi32, #tpu.memory_space<hbm>> -> memref<8x64xi32, #tpu.memory_space<hbm>>
        tpu.wait_dma2 semaphore(%run_scoped3A : memref<!tpu.dma_semaphore, #tpu.memory_space<semaphore_mem>>) src(%dma_wait3A_61 : memref<8x64xi32, #tpu.memory_space<hbm>>) dst(%arg6 : memref<8x64xi32, #tpu.memory_space<vmem>>)
        tpu.yield
      }) : () -> ()
      %mul3A_40 = arith.constant 8 : i32
      %mul3A_41 = arith.muli %while3A_36, %mul3A_40 : i32
      %add3A_42 = arith.addi %add3A_18, %mul3A_41 : i32
      "tpu.region"() ({
        %run_scoped3A = tpu.sem_alloc : memref<!tpu.dma_semaphore, #tpu.memory_space<semaphore_mem>>
        %dma_start3A_55 = arith.constant 0 : i32
        %dma_start3A_56 = tpu.memref_slice %arg4[%add3A_42, %dma_start3A_55] : memref<5120x64xi32, #tpu.memory_space<hbm>> -> memref<8x64xi32, #tpu.memory_space<hbm>>
        %dma_start3A_57 = arith.constant 0 : i32
        %dma_start3A_58 = tpu.memref_slice %arg4[%add3A_42, %dma_start3A_57] : memref<5120x64xi32, #tpu.memory_space<hbm>> -> memref<8x64xi32, #tpu.memory_space<hbm>>
        tpu.enqueue_dma source(%dma_start3A_58 : memref<8x64xi32, #tpu.memory_space<hbm>>) target(%arg7 : memref<8x64xi32, #tpu.memory_space<vmem>>) target_semaphore(%run_scoped3A : memref<!tpu.dma_semaphore, #tpu.memory_space<semaphore_mem>>)
        %dma_wait3A = arith.constant 0 : i32
        %dma_wait3A_59 = tpu.memref_slice %arg4[%add3A_42, %dma_wait3A] : memref<5120x64xi32, #tpu.memory_space<hbm>> -> memref<8x64xi32, #tpu.memory_space<hbm>>
        %dma_wait3A_60 = arith.constant 0 : i32
        %dma_wait3A_61 = tpu.memref_slice %arg4[%add3A_42, %dma_wait3A_60] : memref<5120x64xi32, #tpu.memory_space<hbm>> -> memref<8x64xi32, #tpu.memory_space<hbm>>
        tpu.wait_dma2 semaphore(%run_scoped3A : memref<!tpu.dma_semaphore, #tpu.memory_space<semaphore_mem>>) src(%dma_wait3A_61 : memref<8x64xi32, #tpu.memory_space<hbm>>) dst(%arg7 : memref<8x64xi32, #tpu.memory_space<vmem>>)
        tpu.yield
      }) : () -> ()
      %dma_start3A = arith.constant 0 : i32
      %dma_start3A_43 = arith.constant 0 : i32
      %dma_start3A_44 = tpu.memref_slice %arg6[%dma_start3A, %dma_start3A_43] : memref<8x64xi32, #tpu.memory_space<vmem>> -> memref<1x64xi32, #tpu.memory_space<vmem>>
      %dma_start3A_45 = tpu.memref_squeeze %dma_start3A_44 : memref<1x64xi32, #tpu.memory_space<vmem>> -> memref<64xi32, #tpu.memory_space<vmem>>
      %dma_start3A_46 = arith.constant 0 : i32
      %dma_start3A_47 = arith.constant 0 : i32
      %dma_start3A_48 = tpu.memref_slice %arg2[%dma_start3A_46, %dma_start3A_47] : memref<10240x128xf32, #tpu.memory_space<hbm>> -> memref<10240x128xf32, #tpu.memory_space<hbm>>
      tpu.enqueue_indirect_dma source(%dma_start3A_48 : memref<10240x128xf32, #tpu.memory_space<hbm>>) target(%arg8 : memref<64x128xf32, #tpu.memory_space<vmem>>) offsets(%dma_start3A_45 : memref<64xi32, #tpu.memory_space<vmem>>) semaphore(%arg11 : memref<!tpu.dma_semaphore, #tpu.memory_space<semaphore_mem>>)
      %scan3A_49 = arith.constant 0 : i32
      %scan3A_50 = arith.constant 0 : i32
      %scan3A_51 = arith.constant 4 : i32
      %scan3A_52 = arith.addi %scan3A_50, %scan3A_51 : i32
      %scan3A_53 = arith.constant 1 : i32
      scf.for %scan3A_55 = %scan3A_50 to %scan3A_52 step %scan3A_53  : i32 {
        %mul3A_56 = arith.constant 2 : i32
        %mul3A_57 = arith.muli %mul3A_56, %scan3A_55 : i32
        %add3A_58 = arith.constant 1 : i32
        %add3A_59 = arith.addi %mul3A_57, %add3A_58 : i32
        %dma_start3A_60 = arith.constant 0 : i32
        %dma_start3A_61 = tpu.memref_slice %arg6[%add3A_59, %dma_start3A_60] : memref<8x64xi32, #tpu.memory_space<vmem>> -> memref<1x64xi32, #tpu.memory_space<vmem>>
        %dma_start3A_62 = tpu.memref_squeeze %dma_start3A_61 : memref<1x64xi32, #tpu.memory_space<vmem>> -> memref<64xi32, #tpu.memory_space<vmem>>
        %dma_start3A_63 = arith.constant 0 : i32
        %dma_start3A_64 = arith.constant 0 : i32
        %dma_start3A_65 = tpu.memref_slice %arg2[%dma_start3A_63, %dma_start3A_64] : memref<10240x128xf32, #tpu.memory_space<hbm>> -> memref<10240x128xf32, #tpu.memory_space<hbm>>
        tpu.enqueue_indirect_dma source(%dma_start3A_65 : memref<10240x128xf32, #tpu.memory_space<hbm>>) target(%arg9 : memref<64x128xf32, #tpu.memory_space<vmem>>) offsets(%dma_start3A_62 : memref<64xi32, #tpu.memory_space<vmem>>) semaphore(%arg12 : memref<!tpu.dma_semaphore, #tpu.memory_space<semaphore_mem>>)
        %dma_wait3A = arith.constant 0 : i32
        %dma_wait3A_66 = tpu.memref_slice %arg6[%mul3A_57, %dma_wait3A] : memref<8x64xi32, #tpu.memory_space<vmem>> -> memref<1x64xi32, #tpu.memory_space<vmem>>
        %dma_wait3A_67 = tpu.memref_squeeze %dma_wait3A_66 : memref<1x64xi32, #tpu.memory_space<vmem>> -> memref<64xi32, #tpu.memory_space<vmem>>
        %dma_wait3A_68 = arith.constant 0 : i32
        %dma_wait3A_69 = arith.constant 0 : i32
        %dma_wait3A_70 = tpu.memref_slice %arg2[%dma_wait3A_68, %dma_wait3A_69] : memref<10240x128xf32, #tpu.memory_space<hbm>> -> memref<10240x128xf32, #tpu.memory_space<hbm>>
        tpu.wait_indirect_dma semaphore(%arg11 : memref<!tpu.dma_semaphore, #tpu.memory_space<semaphore_mem>>) src(%dma_wait3A_70 : memref<10240x128xf32, #tpu.memory_space<hbm>>) dst(%arg8 : memref<64x128xf32, #tpu.memory_space<vmem>>)
        "tpu.region"() ({
          %run_scoped3A = tpu.sem_alloc : memref<!tpu.dma_semaphore, #tpu.memory_space<semaphore_mem>>
          %dma_start3A_81 = arith.constant 0 : i32
          %dma_start3A_82 = tpu.memref_slice %arg7[%mul3A_57, %dma_start3A_81] : memref<8x64xi32, #tpu.memory_space<vmem>> -> memref<1x64xi32, #tpu.memory_space<vmem>>
          %dma_start3A_83 = tpu.memref_squeeze %dma_start3A_82 : memref<1x64xi32, #tpu.memory_space<vmem>> -> memref<64xi32, #tpu.memory_space<vmem>>
          %dma_start3A_84 = arith.constant 0 : i32
          %dma_start3A_85 = arith.constant 0 : i32
          %dma_start3A_86 = tpu.memref_slice %arg10[%dma_start3A_84, %dma_start3A_85] : memref<10240x128xf32, #tpu.memory_space<vmem_shared>> -> memref<10240x128xf32, #tpu.memory_space<vmem_shared>>
          tpu.enqueue_indirect_dma source(%arg8 : memref<64x128xf32, #tpu.memory_space<vmem>>) target(%dma_start3A_86 : memref<10240x128xf32, #tpu.memory_space<vmem_shared>>) offsets(%dma_start3A_83 : memref<64xi32, #tpu.memory_space<vmem>>) semaphore(%run_scoped3A : memref<!tpu.dma_semaphore, #tpu.memory_space<semaphore_mem>>) {add = true}
          %dma_wait3A_87 = arith.constant 0 : i32
          %dma_wait3A_88 = tpu.memref_slice %arg7[%mul3A_57, %dma_wait3A_87] : memref<8x64xi32, #tpu.memory_space<vmem>> -> memref<1x64xi32, #tpu.memory_space<vmem>>
          %dma_wait3A_89 = tpu.memref_squeeze %dma_wait3A_88 : memref<1x64xi32, #tpu.memory_space<vmem>> -> memref<64xi32, #tpu.memory_space<vmem>>
          %dma_wait3A_90 = arith.constant 0 : i32
          %dma_wait3A_91 = arith.constant 0 : i32
          %dma_wait3A_92 = tpu.memref_slice %arg10[%dma_wait3A_90, %dma_wait3A_91] : memref<10240x128xf32, #tpu.memory_space<vmem_shared>> -> memref<10240x128xf32, #tpu.memory_space<vmem_shared>>
          tpu.wait_indirect_dma semaphore(%run_scoped3A : memref<!tpu.dma_semaphore, #tpu.memory_space<semaphore_mem>>) src(%arg8 : memref<64x128xf32, #tpu.memory_space<vmem>>) dst(%dma_wait3A_92 : memref<10240x128xf32, #tpu.memory_space<vmem_shared>>)
          tpu.yield
        }) : () -> ()
        %add3A_71 = arith.constant 1 : i32
        %add3A_72 = arith.addi %add3A_59, %add3A_71 : i32
        %lt3A = arith.constant 8 : i32
        %lt3A_73 = arith.cmpi slt, %add3A_72, %lt3A : i32
        %convert_element_type3A = arith.extui %lt3A_73 : i1 to i32
        %cond3A = arith.constant 0 : i32
        %cond3A_74 = arith.cmpi ne, %convert_element_type3A, %cond3A : i32
        scf.if %cond3A_74 {
          %add3A_81 = arith.constant 1 : i32
          %add3A_82 = arith.addi %add3A_59, %add3A_81 : i32
          %dma_start3A_83 = arith.constant 0 : i32
          %dma_start3A_84 = tpu.memref_slice %arg6[%add3A_82, %dma_start3A_83] : memref<8x64xi32, #tpu.memory_space<vmem>> -> memref<1x64xi32, #tpu.memory_space<vmem>>
          %dma_start3A_85 = tpu.memref_squeeze %dma_start3A_84 : memref<1x64xi32, #tpu.memory_space<vmem>> -> memref<64xi32, #tpu.memory_space<vmem>>
          %dma_start3A_86 = arith.constant 0 : i32
          %dma_start3A_87 = arith.constant 0 : i32
          %dma_start3A_88 = tpu.memref_slice %arg2[%dma_start3A_86, %dma_start3A_87] : memref<10240x128xf32, #tpu.memory_space<hbm>> -> memref<10240x128xf32, #tpu.memory_space<hbm>>
          tpu.enqueue_indirect_dma source(%dma_start3A_88 : memref<10240x128xf32, #tpu.memory_space<hbm>>) target(%arg8 : memref<64x128xf32, #tpu.memory_space<vmem>>) offsets(%dma_start3A_85 : memref<64xi32, #tpu.memory_space<vmem>>) semaphore(%arg11 : memref<!tpu.dma_semaphore, #tpu.memory_space<semaphore_mem>>)
        } else {
        }
        %dma_wait3A_75 = arith.constant 0 : i32
        %dma_wait3A_76 = tpu.memref_slice %arg6[%add3A_59, %dma_wait3A_75] : memref<8x64xi32, #tpu.memory_space<vmem>> -> memref<1x64xi32, #tpu.memory_space<vmem>>
        %dma_wait3A_77 = tpu.memref_squeeze %dma_wait3A_76 : memref<1x64xi32, #tpu.memory_space<vmem>> -> memref<64xi32, #tpu.memory_space<vmem>>
        %dma_wait3A_78 = arith.constant 0 : i32
        %dma_wait3A_79 = arith.constant 0 : i32
        %dma_wait3A_80 = tpu.memref_slice %arg2[%dma_wait3A_78, %dma_wait3A_79] : memref<10240x128xf32, #tpu.memory_space<hbm>> -> memref<10240x128xf32, #tpu.memory_space<hbm>>
        tpu.wait_indirect_dma semaphore(%arg12 : memref<!tpu.dma_semaphore, #tpu.memory_space<semaphore_mem>>) src(%dma_wait3A_80 : memref<10240x128xf32, #tpu.memory_space<hbm>>) dst(%arg9 : memref<64x128xf32, #tpu.memory_space<vmem>>)
        "tpu.region"() ({
          %run_scoped3A = tpu.sem_alloc : memref<!tpu.dma_semaphore, #tpu.memory_space<semaphore_mem>>
          %dma_start3A_81 = arith.constant 0 : i32
          %dma_start3A_82 = tpu.memref_slice %arg7[%add3A_59, %dma_start3A_81] : memref<8x64xi32, #tpu.memory_space<vmem>> -> memref<1x64xi32, #tpu.memory_space<vmem>>
          %dma_start3A_83 = tpu.memref_squeeze %dma_start3A_82 : memref<1x64xi32, #tpu.memory_space<vmem>> -> memref<64xi32, #tpu.memory_space<vmem>>
          %dma_start3A_84 = arith.constant 0 : i32
          %dma_start3A_85 = arith.constant 0 : i32
          %dma_start3A_86 = tpu.memref_slice %arg10[%dma_start3A_84, %dma_start3A_85] : memref<10240x128xf32, #tpu.memory_space<vmem_shared>> -> memref<10240x128xf32, #tpu.memory_space<vmem_shared>>
          tpu.enqueue_indirect_dma source(%arg9 : memref<64x128xf32, #tpu.memory_space<vmem>>) target(%dma_start3A_86 : memref<10240x128xf32, #tpu.memory_space<vmem_shared>>) offsets(%dma_start3A_83 : memref<64xi32, #tpu.memory_space<vmem>>) semaphore(%run_scoped3A : memref<!tpu.dma_semaphore, #tpu.memory_space<semaphore_mem>>) {add = true}
          %dma_wait3A_87 = arith.constant 0 : i32
          %dma_wait3A_88 = tpu.memref_slice %arg7[%add3A_59, %dma_wait3A_87] : memref<8x64xi32, #tpu.memory_space<vmem>> -> memref<1x64xi32, #tpu.memory_space<vmem>>
          %dma_wait3A_89 = tpu.memref_squeeze %dma_wait3A_88 : memref<1x64xi32, #tpu.memory_space<vmem>> -> memref<64xi32, #tpu.memory_space<vmem>>
          %dma_wait3A_90 = arith.constant 0 : i32
          %dma_wait3A_91 = arith.constant 0 : i32
          %dma_wait3A_92 = tpu.memref_slice %arg10[%dma_wait3A_90, %dma_wait3A_91] : memref<10240x128xf32, #tpu.memory_space<vmem_shared>> -> memref<10240x128xf32, #tpu.memory_space<vmem_shared>>
          tpu.wait_indirect_dma semaphore(%run_scoped3A : memref<!tpu.dma_semaphore, #tpu.memory_space<semaphore_mem>>) src(%arg9 : memref<64x128xf32, #tpu.memory_space<vmem>>) dst(%dma_wait3A_92 : memref<10240x128xf32, #tpu.memory_space<vmem_shared>>)
          tpu.yield
        }) : () -> ()
      }
      %scan3A_54 = arith.constant 4 : i32
    }
    %while3A_27 = arith.constant 1 : i32
    scf.for %while3A_36 = %while3A_25 to %while3A_21 step %while3A_27  : i32 {
      %mul3A_37 = arith.constant 8 : i32
      %mul3A_38 = arith.muli %while3A_36, %mul3A_37 : i32
      %add3A_39 = arith.addi %add3A_18, %mul3A_38 : i32
      "tpu.region"() ({
        %run_scoped3A = tpu.sem_alloc : memref<!tpu.dma_semaphore, #tpu.memory_space<semaphore_mem>>
        %dma_start3A_55 = arith.constant 0 : i32
        %dma_start3A_56 = tpu.memref_slice %arg3[%add3A_39, %dma_start3A_55] : memref<5120x64xi32, #tpu.memory_space<hbm>> -> memref<8x64xi32, #tpu.memory_space<hbm>>
        %dma_start3A_57 = arith.constant 0 : i32
        %dma_start3A_58 = tpu.memref_slice %arg3[%add3A_39, %dma_start3A_57] : memref<5120x64xi32, #tpu.memory_space<hbm>> -> memref<8x64xi32, #tpu.memory_space<hbm>>
        tpu.enqueue_dma source(%dma_start3A_58 : memref<8x64xi32, #tpu.memory_space<hbm>>) target(%arg6 : memref<8x64xi32, #tpu.memory_space<vmem>>) target_semaphore(%run_scoped3A : memref<!tpu.dma_semaphore, #tpu.memory_space<semaphore_mem>>)
        %dma_wait3A = arith.constant 0 : i32
        %dma_wait3A_59 = tpu.memref_slice %arg3[%add3A_39, %dma_wait3A] : memref<5120x64xi32, #tpu.memory_space<hbm>> -> memref<8x64xi32, #tpu.memory_space<hbm>>
        %dma_wait3A_60 = arith.constant 0 : i32
        %dma_wait3A_61 = tpu.memref_slice %arg3[%add3A_39, %dma_wait3A_60] : memref<5120x64xi32, #tpu.memory_space<hbm>> -> memref<8x64xi32, #tpu.memory_space<hbm>>
        tpu.wait_dma2 semaphore(%run_scoped3A : memref<!tpu.dma_semaphore, #tpu.memory_space<semaphore_mem>>) src(%dma_wait3A_61 : memref<8x64xi32, #tpu.memory_space<hbm>>) dst(%arg6 : memref<8x64xi32, #tpu.memory_space<vmem>>)
        tpu.yield
      }) : () -> ()
      %mul3A_40 = arith.constant 8 : i32
      %mul3A_41 = arith.muli %while3A_36, %mul3A_40 : i32
      %add3A_42 = arith.addi %add3A_18, %mul3A_41 : i32
      "tpu.region"() ({
        %run_scoped3A = tpu.sem_alloc : memref<!tpu.dma_semaphore, #tpu.memory_space<semaphore_mem>>
        %dma_start3A_55 = arith.constant 0 : i32
        %dma_start3A_56 = tpu.memref_slice %arg4[%add3A_42, %dma_start3A_55] : memref<5120x64xi32, #tpu.memory_space<hbm>> -> memref<8x64xi32, #tpu.memory_space<hbm>>
        %dma_start3A_57 = arith.constant 0 : i32
        %dma_start3A_58 = tpu.memref_slice %arg4[%add3A_42, %dma_start3A_57] : memref<5120x64xi32, #tpu.memory_space<hbm>> -> memref<8x64xi32, #tpu.memory_space<hbm>>
        tpu.enqueue_dma source(%dma_start3A_58 : memref<8x64xi32, #tpu.memory_space<hbm>>) target(%arg7 : memref<8x64xi32, #tpu.memory_space<vmem>>) target_semaphore(%run_scoped3A : memref<!tpu.dma_semaphore, #tpu.memory_space<semaphore_mem>>)
        %dma_wait3A = arith.constant 0 : i32
        %dma_wait3A_59 = tpu.memref_slice %arg4[%add3A_42, %dma_wait3A] : memref<5120x64xi32, #tpu.memory_space<hbm>> -> memref<8x64xi32, #tpu.memory_space<hbm>>
        %dma_wait3A_60 = arith.constant 0 : i32
        %dma_wait3A_61 = tpu.memref_slice %arg4[%add3A_42, %dma_wait3A_60] : memref<5120x64xi32, #tpu.memory_space<hbm>> -> memref<8x64xi32, #tpu.memory_space<hbm>>
        tpu.wait_dma2 semaphore(%run_scoped3A : memref<!tpu.dma_semaphore, #tpu.memory_space<semaphore_mem>>) src(%dma_wait3A_61 : memref<8x64xi32, #tpu.memory_space<hbm>>) dst(%arg7 : memref<8x64xi32, #tpu.memory_space<vmem>>)
        tpu.yield
      }) : () -> ()
      %dma_start3A = arith.constant 0 : i32
      %dma_start3A_43 = arith.constant 0 : i32
      %dma_start3A_44 = tpu.memref_slice %arg6[%dma_start3A, %dma_start3A_43] : memref<8x64xi32, #tpu.memory_space<vmem>> -> memref<1x64xi32, #tpu.memory_space<vmem>>
      %dma_start3A_45 = tpu.memref_squeeze %dma_start3A_44 : memref<1x64xi32, #tpu.memory_space<vmem>> -> memref<64xi32, #tpu.memory_space<vmem>>
      %dma_start3A_46 = arith.constant 0 : i32
      %dma_start3A_47 = arith.constant 0 : i32
      %dma_start3A_48 = tpu.memref_slice %arg2[%dma_start3A_46, %dma_start3A_47] : memref<10240x128xf32, #tpu.memory_space<hbm>> -> memref<10240x128xf32, #tpu.memory_space<hbm>>
      tpu.enqueue_indirect_dma source(%dma_start3A_48 : memref<10240x128xf32, #tpu.memory_space<hbm>>) target(%arg8 : memref<64x128xf32, #tpu.memory_space<vmem>>) offsets(%dma_start3A_45 : memref<64xi32, #tpu.memory_space<vmem>>) semaphore(%arg11 : memref<!tpu.dma_semaphore, #tpu.memory_space<semaphore_mem>>)
      %scan3A_49 = arith.constant 0 : i32
      %scan3A_50 = arith.constant 0 : i32
      %scan3A_51 = arith.constant 4 : i32
      %scan3A_52 = arith.addi %scan3A_50, %scan3A_51 : i32
      %scan3A_53 = arith.constant 1 : i32
      scf.for %scan3A_55 = %scan3A_50 to %scan3A_52 step %scan3A_53  : i32 {
        %mul3A_56 = arith.constant 2 : i32
        %mul3A_57 = arith.muli %mul3A_56, %scan3A_55 : i32
        %add3A_58 = arith.constant 1 : i32
        %add3A_59 = arith.addi %mul3A_57, %add3A_58 : i32
        %dma_start3A_60 = arith.constant 0 : i32
        %dma_start3A_61 = tpu.memref_slice %arg6[%add3A_59, %dma_start3A_60] : memref<8x64xi32, #tpu.memory_space<vmem>> -> memref<1x64xi32, #tpu.memory_space<vmem>>
        %dma_start3A_62 = tpu.memref_squeeze %dma_start3A_61 : memref<1x64xi32, #tpu.memory_space<vmem>> -> memref<64xi32, #tpu.memory_space<vmem>>
        %dma_start3A_63 = arith.constant 0 : i32
        %dma_start3A_64 = arith.constant 0 : i32
        %dma_start3A_65 = tpu.memref_slice %arg2[%dma_start3A_63, %dma_start3A_64] : memref<10240x128xf32, #tpu.memory_space<hbm>> -> memref<10240x128xf32, #tpu.memory_space<hbm>>
        tpu.enqueue_indirect_dma source(%dma_start3A_65 : memref<10240x128xf32, #tpu.memory_space<hbm>>) target(%arg9 : memref<64x128xf32, #tpu.memory_space<vmem>>) offsets(%dma_start3A_62 : memref<64xi32, #tpu.memory_space<vmem>>) semaphore(%arg12 : memref<!tpu.dma_semaphore, #tpu.memory_space<semaphore_mem>>)
        %dma_wait3A = arith.constant 0 : i32
        %dma_wait3A_66 = tpu.memref_slice %arg6[%mul3A_57, %dma_wait3A] : memref<8x64xi32, #tpu.memory_space<vmem>> -> memref<1x64xi32, #tpu.memory_space<vmem>>
        %dma_wait3A_67 = tpu.memref_squeeze %dma_wait3A_66 : memref<1x64xi32, #tpu.memory_space<vmem>> -> memref<64xi32, #tpu.memory_space<vmem>>
        %dma_wait3A_68 = arith.constant 0 : i32
        %dma_wait3A_69 = arith.constant 0 : i32
        %dma_wait3A_70 = tpu.memref_slice %arg2[%dma_wait3A_68, %dma_wait3A_69] : memref<10240x128xf32, #tpu.memory_space<hbm>> -> memref<10240x128xf32, #tpu.memory_space<hbm>>
        tpu.wait_indirect_dma semaphore(%arg11 : memref<!tpu.dma_semaphore, #tpu.memory_space<semaphore_mem>>) src(%dma_wait3A_70 : memref<10240x128xf32, #tpu.memory_space<hbm>>) dst(%arg8 : memref<64x128xf32, #tpu.memory_space<vmem>>)
        "tpu.region"() ({
          %run_scoped3A = tpu.sem_alloc : memref<!tpu.dma_semaphore, #tpu.memory_space<semaphore_mem>>
          %dma_start3A_81 = arith.constant 0 : i32
          %dma_start3A_82 = tpu.memref_slice %arg7[%mul3A_57, %dma_start3A_81] : memref<8x64xi32, #tpu.memory_space<vmem>> -> memref<1x64xi32, #tpu.memory_space<vmem>>
          %dma_start3A_83 = tpu.memref_squeeze %dma_start3A_82 : memref<1x64xi32, #tpu.memory_space<vmem>> -> memref<64xi32, #tpu.memory_space<vmem>>
          %dma_start3A_84 = arith.constant 0 : i32
          %dma_start3A_85 = arith.constant 0 : i32
          %dma_start3A_86 = tpu.memref_slice %arg10[%dma_start3A_84, %dma_start3A_85] : memref<10240x128xf32, #tpu.memory_space<vmem_shared>> -> memref<10240x128xf32, #tpu.memory_space<vmem_shared>>
          tpu.enqueue_indirect_dma source(%arg8 : memref<64x128xf32, #tpu.memory_space<vmem>>) target(%dma_start3A_86 : memref<10240x128xf32, #tpu.memory_space<vmem_shared>>) offsets(%dma_start3A_83 : memref<64xi32, #tpu.memory_space<vmem>>) semaphore(%run_scoped3A : memref<!tpu.dma_semaphore, #tpu.memory_space<semaphore_mem>>) {add = true}
          %dma_wait3A_87 = arith.constant 0 : i32
          %dma_wait3A_88 = tpu.memref_slice %arg7[%mul3A_57, %dma_wait3A_87] : memref<8x64xi32, #tpu.memory_space<vmem>> -> memref<1x64xi32, #tpu.memory_space<vmem>>
          %dma_wait3A_89 = tpu.memref_squeeze %dma_wait3A_88 : memref<1x64xi32, #tpu.memory_space<vmem>> -> memref<64xi32, #tpu.memory_space<vmem>>
          %dma_wait3A_90 = arith.constant 0 : i32
          %dma_wait3A_91 = arith.constant 0 : i32
          %dma_wait3A_92 = tpu.memref_slice %arg10[%dma_wait3A_90, %dma_wait3A_91] : memref<10240x128xf32, #tpu.memory_space<vmem_shared>> -> memref<10240x128xf32, #tpu.memory_space<vmem_shared>>
          tpu.wait_indirect_dma semaphore(%run_scoped3A : memref<!tpu.dma_semaphore, #tpu.memory_space<semaphore_mem>>) src(%arg8 : memref<64x128xf32, #tpu.memory_space<vmem>>) dst(%dma_wait3A_92 : memref<10240x128xf32, #tpu.memory_space<vmem_shared>>)
          tpu.yield
        }) : () -> ()
        %add3A_71 = arith.constant 1 : i32
        %add3A_72 = arith.addi %add3A_59, %add3A_71 : i32
        %lt3A = arith.constant 8 : i32
        %lt3A_73 = arith.cmpi slt, %add3A_72, %lt3A : i32
        %convert_element_type3A = arith.extui %lt3A_73 : i1 to i32
        %cond3A = arith.constant 0 : i32
        %cond3A_74 = arith.cmpi ne, %convert_element_type3A, %cond3A : i32
        scf.if %cond3A_74 {
          %add3A_81 = arith.constant 1 : i32
          %add3A_82 = arith.addi %add3A_59, %add3A_81 : i32
          %dma_start3A_83 = arith.constant 0 : i32
          %dma_start3A_84 = tpu.memref_slice %arg6[%add3A_82, %dma_start3A_83] : memref<8x64xi32, #tpu.memory_space<vmem>> -> memref<1x64xi32, #tpu.memory_space<vmem>>
          %dma_start3A_85 = tpu.memref_squeeze %dma_start3A_84 : memref<1x64xi32, #tpu.memory_space<vmem>> -> memref<64xi32, #tpu.memory_space<vmem>>
          %dma_start3A_86 = arith.constant 0 : i32
          %dma_start3A_87 = arith.constant 0 : i32
          %dma_start3A_88 = tpu.memref_slice %arg2[%dma_start3A_86, %dma_start3A_87] : memref<10240x128xf32, #tpu.memory_space<hbm>> -> memref<10240x128xf32, #tpu.memory_space<hbm>>
          tpu.enqueue_indirect_dma source(%dma_start3A_88 : memref<10240x128xf32, #tpu.memory_space<hbm>>) target(%arg8 : memref<64x128xf32, #tpu.memory_space<vmem>>) offsets(%dma_start3A_85 : memref<64xi32, #tpu.memory_space<vmem>>) semaphore(%arg11 : memref<!tpu.dma_semaphore, #tpu.memory_space<semaphore_mem>>)
        } else {
        }
        %dma_wait3A_75 = arith.constant 0 : i32
        %dma_wait3A_76 = tpu.memref_slice %arg6[%add3A_59, %dma_wait3A_75] : memref<8x64xi32, #tpu.memory_space<vmem>> -> memref<1x64xi32, #tpu.memory_space<vmem>>
        %dma_wait3A_77 = tpu.memref_squeeze %dma_wait3A_76 : memref<1x64xi32, #tpu.memory_space<vmem>> -> memref<64xi32, #tpu.memory_space<vmem>>
        %dma_wait3A_78 = arith.constant 0 : i32
        %dma_wait3A_79 = arith.constant 0 : i32
        %dma_wait3A_80 = tpu.memref_slice %arg2[%dma_wait3A_78, %dma_wait3A_79] : memref<10240x128xf32, #tpu.memory_space<hbm>> -> memref<10240x128xf32, #tpu.memory_space<hbm>>
        tpu.wait_indirect_dma semaphore(%arg12 : memref<!tpu.dma_semaphore, #tpu.memory_space<semaphore_mem>>) src(%dma_wait3A_80 : memref<10240x128xf32, #tpu.memory_space<hbm>>) dst(%arg9 : memref<64x128xf32, #tpu.memory_space<vmem>>)
        "tpu.region"() ({
          %run_scoped3A = tpu.sem_alloc : memref<!tpu.dma_semaphore, #tpu.memory_space<semaphore_mem>>
          %dma_start3A_81 = arith.constant 0 : i32
          %dma_start3A_82 = tpu.memref_slice %arg7[%add3A_59, %dma_start3A_81] : memref<8x64xi32, #tpu.memory_space<vmem>> -> memref<1x64xi32, #tpu.memory_space<vmem>>
          %dma_start3A_83 = tpu.memref_squeeze %dma_start3A_82 : memref<1x64xi32, #tpu.memory_space<vmem>> -> memref<64xi32, #tpu.memory_space<vmem>>
          %dma_start3A_84 = arith.constant 0 : i32
          %dma_start3A_85 = arith.constant 0 : i32
          %dma_start3A_86 = tpu.memref_slice %arg10[%dma_start3A_84, %dma_start3A_85] : memref<10240x128xf32, #tpu.memory_space<vmem_shared>> -> memref<10240x128xf32, #tpu.memory_space<vmem_shared>>
          tpu.enqueue_indirect_dma source(%arg9 : memref<64x128xf32, #tpu.memory_space<vmem>>) target(%dma_start3A_86 : memref<10240x128xf32, #tpu.memory_space<vmem_shared>>) offsets(%dma_start3A_83 : memref<64xi32, #tpu.memory_space<vmem>>) semaphore(%run_scoped3A : memref<!tpu.dma_semaphore, #tpu.memory_space<semaphore_mem>>) {add = true}
          %dma_wait3A_87 = arith.constant 0 : i32
          %dma_wait3A_88 = tpu.memref_slice %arg7[%add3A_59, %dma_wait3A_87] : memref<8x64xi32, #tpu.memory_space<vmem>> -> memref<1x64xi32, #tpu.memory_space<vmem>>
          %dma_wait3A_89 = tpu.memref_squeeze %dma_wait3A_88 : memref<1x64xi32, #tpu.memory_space<vmem>> -> memref<64xi32, #tpu.memory_space<vmem>>
          %dma_wait3A_90 = arith.constant 0 : i32
          %dma_wait3A_91 = arith.constant 0 : i32
          %dma_wait3A_92 = tpu.memref_slice %arg10[%dma_wait3A_90, %dma_wait3A_91] : memref<10240x128xf32, #tpu.memory_space<vmem_shared>> -> memref<10240x128xf32, #tpu.memory_space<vmem_shared>>
          tpu.wait_indirect_dma semaphore(%run_scoped3A : memref<!tpu.dma_semaphore, #tpu.memory_space<semaphore_mem>>) src(%arg9 : memref<64x128xf32, #tpu.memory_space<vmem>>) dst(%dma_wait3A_92 : memref<10240x128xf32, #tpu.memory_space<vmem_shared>>)
          tpu.yield
        }) : () -> ()
      }
      %scan3A_54 = arith.constant 4 : i32
    }
    %barrier3A_28 = arith.constant 0 : index
    tpu.barrier barrier_id(%barrier3A_28)
    %mul3A_29 = arith.constant 640 : i32
    %mul3A_30 = arith.muli %arg1, %mul3A_29 : i32
    %mul3A_31 = arith.constant 10240 : i32
    %mul3A_32 = arith.muli %arg0, %mul3A_31 : i32
    %mul3A_33 = arith.constant 640 : i32
    %mul3A_34 = arith.muli %arg1, %mul3A_33 : i32
    %add3A_35 = arith.addi %mul3A_32, %mul3A_34 : i32
    "tpu.region"() ({
      %run_scoped3A = tpu.sem_alloc : memref<!tpu.dma_semaphore, #tpu.memory_space<semaphore_mem>>
      %dma_start3A = arith.constant 0 : i32
      %dma_start3A_36 = tpu.memref_slice %arg5[%add3A_35, %dma_start3A] : memref<20480x128xf32, #tpu.memory_space<hbm>> -> memref<640x128xf32, #tpu.memory_space<hbm>>
      %dma_start3A_37 = arith.constant 0 : i32
      %dma_start3A_38 = tpu.memref_slice %arg10[%mul3A_30, %dma_start3A_37] : memref<10240x128xf32, #tpu.memory_space<vmem_shared>> -> memref<640x128xf32, #tpu.memory_space<vmem_shared>>
      tpu.enqueue_dma source(%dma_start3A_38 : memref<640x128xf32, #tpu.memory_space<vmem_shared>>) target(%dma_start3A_36 : memref<640x128xf32, #tpu.memory_space<hbm>>) target_semaphore(%run_scoped3A : memref<!tpu.dma_semaphore, #tpu.memory_space<semaphore_mem>>)
      %dma_wait3A = arith.constant 0 : i32
      %dma_wait3A_39 = tpu.memref_slice %arg5[%add3A_35, %dma_wait3A] : memref<20480x128xf32, #tpu.memory_space<hbm>> -> memref<640x128xf32, #tpu.memory_space<hbm>>
      %dma_wait3A_40 = arith.constant 0 : i32
      %dma_wait3A_41 = tpu.memref_slice %arg10[%mul3A_30, %dma_wait3A_40] : memref<10240x128xf32, #tpu.memory_space<vmem_shared>> -> memref<640x128xf32, #tpu.memory_space<vmem_shared>>
      tpu.wait_dma2 semaphore(%run_scoped3A : memref<!tpu.dma_semaphore, #tpu.memory_space<semaphore_mem>>) src(%dma_wait3A_41 : memref<640x128xf32, #tpu.memory_space<vmem_shared>>) dst(%dma_wait3A_39 : memref<640x128xf32, #tpu.memory_space<hbm>>)
      tpu.yield
    }) : () -> ()
    return
  }
}

#map = affine_map<(d0, d1) -> (0, 0)>
module attributes {stable_mosaic.version = 14 : i64} {
  func.func @_agg_body(%arg0: i32, %arg1: i32, %arg2: memref<10240x128xf32, #tpu.memory_space<hbm>>, %arg3: memref<5120x64xi32, #tpu.memory_space<hbm>>, %arg4: memref<5120x64xi32, #tpu.memory_space<hbm>>, %arg5: memref<20480x128xf32, #tpu.memory_space<hbm>>, %arg6: memref<8x64xi32, #tpu.memory_space<vmem>>, %arg7: memref<8x64xi32, #tpu.memory_space<vmem>>, %arg8: memref<64x128xf32, #tpu.memory_space<vmem>>, %arg9: memref<64x128xf32, #tpu.memory_space<vmem>>, %arg10: memref<10240x128xf32, #tpu.memory_space<vmem_shared>>, %arg11: memref<!tpu.dma_semaphore, #tpu.memory_space<semaphore_mem>>, %arg12: memref<!tpu.dma_semaphore, #tpu.memory_space<semaphore_mem>>) attributes {dimension_semantics = [#tpu.dimension_semantics<core_parallel>, #tpu.dimension_semantics<subcore_parallel>], iteration_bounds = array<i64: 2, 16>, scalar_prefetch = 0 : i64, scratch_operands = 7 : i64, tpu.core_type = #tpu.core_type<sc_vector_subcore>, window_params = [{transform_indices = #map}, {transform_indices = #map}, {transform_indices = #map}, {transform_indices = #map}]} {
    %mul3A = arith.constant 2 : i32
    %mul3A_0 = arith.muli %arg1, %mul3A : i32
    %add3A = arith.addi %mul3A_0, %arg0 : i32
    %scan3A = arith.constant 0 : i32
    %scan3A_1 = arith.constant 0 : i32
    %scan3A_2 = arith.constant 512 : i32
    %scan3A_3 = arith.addi %scan3A_1, %scan3A_2 : i32
    %scan3A_4 = arith.constant 1 : i32
    scf.for %scan3A_36 = %scan3A_1 to %scan3A_3 step %scan3A_4  : i32 {
      %broadcast_in_dim3A = arith.constant 0.000000e+00 : f32
      %broadcast_in_dim3A_37 = vector.broadcast %broadcast_in_dim3A : f32 to vector<16xf32>
      %jit3A_38 = arith.constant 8 : i32
      %div3A = arith.divsi %scan3A_36, %jit3A_38 : i32
      %sign3A = arith.constant 0 : i32
      %sign3A_39 = arith.cmpi sgt, %scan3A_36, %sign3A : i32
      %sign3A_40 = arith.extui %sign3A_39 : i1 to i32
      %sign3A_41 = arith.constant 0 : i32
      %sign3A_42 = arith.cmpi slt, %scan3A_36, %sign3A_41 : i32
      %sign3A_43 = arith.extui %sign3A_42 : i1 to i32
      %sign3A_44 = arith.subi %sign3A_40, %sign3A_43 : i32
      %sign3A_45 = arith.constant 0 : i32
      %sign3A_46 = arith.cmpi sgt, %jit3A_38, %sign3A_45 : i32
      %sign3A_47 = arith.extui %sign3A_46 : i1 to i32
      %sign3A_48 = arith.constant 0 : i32
      %sign3A_49 = arith.cmpi slt, %jit3A_38, %sign3A_48 : i32
      %sign3A_50 = arith.extui %sign3A_49 : i1 to i32
      %sign3A_51 = arith.subi %sign3A_47, %sign3A_50 : i32
      %ne3A = arith.cmpi ne, %sign3A_44, %sign3A_51 : i32
      %rem3A = arith.remsi %scan3A_36, %jit3A_38 : i32
      %ne3A_52 = arith.constant 0 : i32
      %ne3A_53 = arith.cmpi ne, %rem3A, %ne3A_52 : i32
      %and3A = arith.andi %ne3A, %ne3A_53 : i1
      %sub3A = arith.constant 1 : i32
      %sub3A_54 = arith.subi %div3A, %sub3A : i32
      %select_n3A_55 = arith.select %and3A, %sub3A_54, %div3A : i32
      %jit3A_56 = arith.constant 8 : i32
      %eq3A_57 = arith.constant 0 : i32
      %eq3A_58 = arith.cmpi eq, %jit3A_56, %eq3A_57 : i32
      %jit3A_59 = arith.constant 1 : i32
      %select_n3A_60 = arith.select %eq3A_58, %jit3A_59, %jit3A_56 : i32
      %rem3A_61 = arith.remsi %scan3A_36, %select_n3A_60 : i32
      %ne3A_62 = arith.constant 0 : i32
      %ne3A_63 = arith.cmpi ne, %rem3A_61, %ne3A_62 : i32
      %lt3A = arith.constant 0 : i32
      %lt3A_64 = arith.cmpi slt, %rem3A_61, %lt3A : i32
      %lt3A_65 = arith.constant 0 : i32
      %lt3A_66 = arith.cmpi slt, %select_n3A_60, %lt3A_65 : i32
      %ne3A_67 = arith.xori %lt3A_64, %lt3A_66 : i1
      %and3A_68 = arith.andi %ne3A_67, %ne3A_63 : i1
      %add3A_69 = arith.addi %rem3A_61, %select_n3A_60 : i32
      %select_n3A_70 = arith.select %and3A_68, %add3A_69, %rem3A_61 : i32
      %mul3A_71 = arith.constant 16 : i32
      %mul3A_72 = arith.muli %select_n3A_70, %mul3A_71 : i32
      %swap3A = arith.index_cast %select_n3A_55 : i32 to index
      %swap3A_73 = arith.index_cast %mul3A_72 : i32 to index
      %swap3A_74 = tpu.vector_load %arg8[%swap3A, %swap3A_73] {strides = array<i32>} : memref<64x128xf32, #tpu.memory_space<vmem>>, vector<1x16xf32>,
      %swap3A_75 = vector.shape_cast %swap3A_74 : vector<1x16xf32> to vector<16xf32>
      %swap3A_76 = vector.shape_cast %broadcast_in_dim3A_37 : vector<16xf32> to vector<1x16xf32>
      tpu.vector_store %arg8[%swap3A, %swap3A_73], %swap3A_76 {strides = array<i32>} : memref<64x128xf32, #tpu.memory_space<vmem>>, vector<1x16xf32>,
    }
    %scan3A_5 = arith.constant 512 : i32
    %scan3A_6 = arith.constant 0 : i32
    %scan3A_7 = arith.constant 0 : i32
    %scan3A_8 = arith.constant 10 : i32
    %scan3A_9 = arith.addi %scan3A_7, %scan3A_8 : i32
    %scan3A_10 = arith.constant 1 : i32
    scf.for %scan3A_36 = %scan3A_7 to %scan3A_9 step %scan3A_10  : i32 {
      %mul3A_37 = arith.constant 640 : i32
      %mul3A_38 = arith.muli %arg1, %mul3A_37 : i32
      %mul3A_39 = arith.constant 64 : i32
      %mul3A_40 = arith.muli %scan3A_36, %mul3A_39 : i32
      %add3A_41 = arith.addi %mul3A_38, %mul3A_40 : i32
      "tpu.region"() ({
        %run_scoped3A = tpu.sem_alloc : memref<!tpu.dma_semaphore, #tpu.memory_space<semaphore_mem>>
        %dma_start3A = arith.constant 0 : i32
        %dma_start3A_42 = tpu.memref_slice %arg10[%add3A_41, %dma_start3A] : memref<10240x128xf32, #tpu.memory_space<vmem_shared>> -> memref<64x128xf32, #tpu.memory_space<vmem_shared>>
        %dma_start3A_43 = arith.constant 0 : i32
        %dma_start3A_44 = tpu.memref_slice %arg10[%add3A_41, %dma_start3A_43] : memref<10240x128xf32, #tpu.memory_space<vmem_shared>> -> memref<64x128xf32, #tpu.memory_space<vmem_shared>>
        tpu.enqueue_dma source(%arg8 : memref<64x128xf32, #tpu.memory_space<vmem>>) target(%dma_start3A_44 : memref<64x128xf32, #tpu.memory_space<vmem_shared>>) target_semaphore(%run_scoped3A : memref<!tpu.dma_semaphore, #tpu.memory_space<semaphore_mem>>)
        %dma_wait3A = arith.constant 0 : i32
        %dma_wait3A_45 = tpu.memref_slice %arg10[%add3A_41, %dma_wait3A] : memref<10240x128xf32, #tpu.memory_space<vmem_shared>> -> memref<64x128xf32, #tpu.memory_space<vmem_shared>>
        %dma_wait3A_46 = arith.constant 0 : i32
        %dma_wait3A_47 = tpu.memref_slice %arg10[%add3A_41, %dma_wait3A_46] : memref<10240x128xf32, #tpu.memory_space<vmem_shared>> -> memref<64x128xf32, #tpu.memory_space<vmem_shared>>
        tpu.wait_dma2 semaphore(%run_scoped3A : memref<!tpu.dma_semaphore, #tpu.memory_space<semaphore_mem>>) src(%arg8 : memref<64x128xf32, #tpu.memory_space<vmem>>) dst(%dma_wait3A_47 : memref<64x128xf32, #tpu.memory_space<vmem_shared>>)
        tpu.yield
      }) : () -> ()
    }
    %scan3A_11 = arith.constant 10 : i32
    %barrier3A = arith.constant 0 : index
    tpu.barrier barrier_id(%barrier3A)
    %eq3A = arith.constant 0 : i32
    %eq3A_12 = arith.cmpi eq, %arg0, %eq3A : i32
    %jit3A = arith.constant 31 : i32
    %jit3A_13 = arith.constant 9 : i32
    %select_n3A = arith.select %eq3A_12, %jit3A, %jit3A_13 : i32
    %mul3A_14 = arith.constant 320 : i32
    %mul3A_15 = arith.muli %arg1, %mul3A_14 : i32
    %mul3A_16 = arith.constant 248 : i32
    %mul3A_17 = arith.muli %arg0, %mul3A_16 : i32
    %add3A_18 = arith.addi %mul3A_15, %mul3A_17 : i32
    %while3A = arith.constant 0 : i32
    %while3A_19 = arith.constant 0 : i32
    %while3A_20 = arith.subi %select_n3A, %while3A_19 : i32
    %while3A_21 = arith.addi %while3A_19, %while3A_20 : i32
    %while3A_22 = arith.constant 1 : i32
    %while3A_23 = arith.divsi %while3A_20, %while3A_22 : i32
    %while3A_24 = arith.muli %while3A_23, %while3A_22 : i32
    %while3A_25 = arith.addi %while3A_19, %while3A_24 : i32
    %while3A_26 = arith.constant 1 : i32
    scf.for %while3A_36 = %while3A_19 to %while3A_25 step %while3A_26  : i32 {
      %mul3A_37 = arith.constant 8 : i32
      %mul3A_38 = arith.muli %while3A_36, %mul3A_37 : i32
      %add3A_39 = arith.addi %add3A_18, %mul3A_38 : i32
      "tpu.region"() ({
        %run_scoped3A = tpu.sem_alloc : memref<!tpu.dma_semaphore, #tpu.memory_space<semaphore_mem>>
        %dma_start3A_55 = arith.constant 0 : i32
        %dma_start3A_56 = tpu.memref_slice %arg3[%add3A_39, %dma_start3A_55] : memref<5120x64xi32, #tpu.memory_space<hbm>> -> memref<8x64xi32, #tpu.memory_space<hbm>>
        %dma_start3A_57 = arith.constant 0 : i32
        %dma_start3A_58 = tpu.memref_slice %arg3[%add3A_39, %dma_start3A_57] : memref<5120x64xi32, #tpu.memory_space<hbm>> -> memref<8x64xi32, #tpu.memory_space<hbm>>
        tpu.enqueue_dma source(%dma_start3A_58 : memref<8x64xi32, #tpu.memory_space<hbm>>) target(%arg6 : memref<8x64xi32, #tpu.memory_space<vmem>>) target_semaphore(%run_scoped3A : memref<!tpu.dma_semaphore, #tpu.memory_space<semaphore_mem>>)
        %dma_wait3A = arith.constant 0 : i32
        %dma_wait3A_59 = tpu.memref_slice %arg3[%add3A_39, %dma_wait3A] : memref<5120x64xi32, #tpu.memory_space<hbm>> -> memref<8x64xi32, #tpu.memory_space<hbm>>
        %dma_wait3A_60 = arith.constant 0 : i32
        %dma_wait3A_61 = tpu.memref_slice %arg3[%add3A_39, %dma_wait3A_60] : memref<5120x64xi32, #tpu.memory_space<hbm>> -> memref<8x64xi32, #tpu.memory_space<hbm>>
        tpu.wait_dma2 semaphore(%run_scoped3A : memref<!tpu.dma_semaphore, #tpu.memory_space<semaphore_mem>>) src(%dma_wait3A_61 : memref<8x64xi32, #tpu.memory_space<hbm>>) dst(%arg6 : memref<8x64xi32, #tpu.memory_space<vmem>>)
        tpu.yield
      }) : () -> ()
      %mul3A_40 = arith.constant 8 : i32
      %mul3A_41 = arith.muli %while3A_36, %mul3A_40 : i32
      %add3A_42 = arith.addi %add3A_18, %mul3A_41 : i32
      "tpu.region"() ({
        %run_scoped3A = tpu.sem_alloc : memref<!tpu.dma_semaphore, #tpu.memory_space<semaphore_mem>>
        %dma_start3A_55 = arith.constant 0 : i32
        %dma_start3A_56 = tpu.memref_slice %arg4[%add3A_42, %dma_start3A_55] : memref<5120x64xi32, #tpu.memory_space<hbm>> -> memref<8x64xi32, #tpu.memory_space<hbm>>
        %dma_start3A_57 = arith.constant 0 : i32
        %dma_start3A_58 = tpu.memref_slice %arg4[%add3A_42, %dma_start3A_57] : memref<5120x64xi32, #tpu.memory_space<hbm>> -> memref<8x64xi32, #tpu.memory_space<hbm>>
        tpu.enqueue_dma source(%dma_start3A_58 : memref<8x64xi32, #tpu.memory_space<hbm>>) target(%arg7 : memref<8x64xi32, #tpu.memory_space<vmem>>) target_semaphore(%run_scoped3A : memref<!tpu.dma_semaphore, #tpu.memory_space<semaphore_mem>>)
        %dma_wait3A = arith.constant 0 : i32
        %dma_wait3A_59 = tpu.memref_slice %arg4[%add3A_42, %dma_wait3A] : memref<5120x64xi32, #tpu.memory_space<hbm>> -> memref<8x64xi32, #tpu.memory_space<hbm>>
        %dma_wait3A_60 = arith.constant 0 : i32
        %dma_wait3A_61 = tpu.memref_slice %arg4[%add3A_42, %dma_wait3A_60] : memref<5120x64xi32, #tpu.memory_space<hbm>> -> memref<8x64xi32, #tpu.memory_space<hbm>>
        tpu.wait_dma2 semaphore(%run_scoped3A : memref<!tpu.dma_semaphore, #tpu.memory_space<semaphore_mem>>) src(%dma_wait3A_61 : memref<8x64xi32, #tpu.memory_space<hbm>>) dst(%arg7 : memref<8x64xi32, #tpu.memory_space<vmem>>)
        tpu.yield
      }) : () -> ()
      %dma_start3A = arith.constant 0 : i32
      %dma_start3A_43 = arith.constant 0 : i32
      %dma_start3A_44 = tpu.memref_slice %arg6[%dma_start3A, %dma_start3A_43] : memref<8x64xi32, #tpu.memory_space<vmem>> -> memref<1x64xi32, #tpu.memory_space<vmem>>
      %dma_start3A_45 = tpu.memref_squeeze %dma_start3A_44 : memref<1x64xi32, #tpu.memory_space<vmem>> -> memref<64xi32, #tpu.memory_space<vmem>>
      %dma_start3A_46 = arith.constant 0 : i32
      %dma_start3A_47 = arith.constant 0 : i32
      %dma_start3A_48 = tpu.memref_slice %arg2[%dma_start3A_46, %dma_start3A_47] : memref<10240x128xf32, #tpu.memory_space<hbm>> -> memref<10240x128xf32, #tpu.memory_space<hbm>>
      tpu.enqueue_indirect_dma source(%dma_start3A_48 : memref<10240x128xf32, #tpu.memory_space<hbm>>) target(%arg8 : memref<64x128xf32, #tpu.memory_space<vmem>>) offsets(%dma_start3A_45 : memref<64xi32, #tpu.memory_space<vmem>>) semaphore(%arg11 : memref<!tpu.dma_semaphore, #tpu.memory_space<semaphore_mem>>)
      %scan3A_49 = arith.constant 0 : i32
      %scan3A_50 = arith.constant 0 : i32
      %scan3A_51 = arith.constant 4 : i32
      %scan3A_52 = arith.addi %scan3A_50, %scan3A_51 : i32
      %scan3A_53 = arith.constant 1 : i32
      scf.for %scan3A_55 = %scan3A_50 to %scan3A_52 step %scan3A_53  : i32 {
        %mul3A_56 = arith.constant 2 : i32
        %mul3A_57 = arith.muli %mul3A_56, %scan3A_55 : i32
        %add3A_58 = arith.constant 1 : i32
        %add3A_59 = arith.addi %mul3A_57, %add3A_58 : i32
        %dma_start3A_60 = arith.constant 0 : i32
        %dma_start3A_61 = tpu.memref_slice %arg6[%add3A_59, %dma_start3A_60] : memref<8x64xi32, #tpu.memory_space<vmem>> -> memref<1x64xi32, #tpu.memory_space<vmem>>
        %dma_start3A_62 = tpu.memref_squeeze %dma_start3A_61 : memref<1x64xi32, #tpu.memory_space<vmem>> -> memref<64xi32, #tpu.memory_space<vmem>>
        %dma_start3A_63 = arith.constant 0 : i32
        %dma_start3A_64 = arith.constant 0 : i32
        %dma_start3A_65 = tpu.memref_slice %arg2[%dma_start3A_63, %dma_start3A_64] : memref<10240x128xf32, #tpu.memory_space<hbm>> -> memref<10240x128xf32, #tpu.memory_space<hbm>>
        tpu.enqueue_indirect_dma source(%dma_start3A_65 : memref<10240x128xf32, #tpu.memory_space<hbm>>) target(%arg9 : memref<64x128xf32, #tpu.memory_space<vmem>>) offsets(%dma_start3A_62 : memref<64xi32, #tpu.memory_space<vmem>>) semaphore(%arg12 : memref<!tpu.dma_semaphore, #tpu.memory_space<semaphore_mem>>)
        %dma_wait3A = arith.constant 0 : i32
        %dma_wait3A_66 = tpu.memref_slice %arg6[%mul3A_57, %dma_wait3A] : memref<8x64xi32, #tpu.memory_space<vmem>> -> memref<1x64xi32, #tpu.memory_space<vmem>>
        %dma_wait3A_67 = tpu.memref_squeeze %dma_wait3A_66 : memref<1x64xi32, #tpu.memory_space<vmem>> -> memref<64xi32, #tpu.memory_space<vmem>>
        %dma_wait3A_68 = arith.constant 0 : i32
        %dma_wait3A_69 = arith.constant 0 : i32
        %dma_wait3A_70 = tpu.memref_slice %arg2[%dma_wait3A_68, %dma_wait3A_69] : memref<10240x128xf32, #tpu.memory_space<hbm>> -> memref<10240x128xf32, #tpu.memory_space<hbm>>
        tpu.wait_indirect_dma semaphore(%arg11 : memref<!tpu.dma_semaphore, #tpu.memory_space<semaphore_mem>>) src(%dma_wait3A_70 : memref<10240x128xf32, #tpu.memory_space<hbm>>) dst(%arg8 : memref<64x128xf32, #tpu.memory_space<vmem>>)
        "tpu.region"() ({
          %run_scoped3A = tpu.sem_alloc : memref<!tpu.dma_semaphore, #tpu.memory_space<semaphore_mem>>
          %dma_start3A_81 = arith.constant 0 : i32
          %dma_start3A_82 = tpu.memref_slice %arg7[%mul3A_57, %dma_start3A_81] : memref<8x64xi32, #tpu.memory_space<vmem>> -> memref<1x64xi32, #tpu.memory_space<vmem>>
          %dma_start3A_83 = tpu.memref_squeeze %dma_start3A_82 : memref<1x64xi32, #tpu.memory_space<vmem>> -> memref<64xi32, #tpu.memory_space<vmem>>
          %dma_start3A_84 = arith.constant 0 : i32
          %dma_start3A_85 = arith.constant 0 : i32
          %dma_start3A_86 = tpu.memref_slice %arg10[%dma_start3A_84, %dma_start3A_85] : memref<10240x128xf32, #tpu.memory_space<vmem_shared>> -> memref<10240x128xf32, #tpu.memory_space<vmem_shared>>
          tpu.enqueue_indirect_dma source(%arg8 : memref<64x128xf32, #tpu.memory_space<vmem>>) target(%dma_start3A_86 : memref<10240x128xf32, #tpu.memory_space<vmem_shared>>) offsets(%dma_start3A_83 : memref<64xi32, #tpu.memory_space<vmem>>) semaphore(%run_scoped3A : memref<!tpu.dma_semaphore, #tpu.memory_space<semaphore_mem>>) {add = true}
          %dma_wait3A_87 = arith.constant 0 : i32
          %dma_wait3A_88 = tpu.memref_slice %arg7[%mul3A_57, %dma_wait3A_87] : memref<8x64xi32, #tpu.memory_space<vmem>> -> memref<1x64xi32, #tpu.memory_space<vmem>>
          %dma_wait3A_89 = tpu.memref_squeeze %dma_wait3A_88 : memref<1x64xi32, #tpu.memory_space<vmem>> -> memref<64xi32, #tpu.memory_space<vmem>>
          %dma_wait3A_90 = arith.constant 0 : i32
          %dma_wait3A_91 = arith.constant 0 : i32
          %dma_wait3A_92 = tpu.memref_slice %arg10[%dma_wait3A_90, %dma_wait3A_91] : memref<10240x128xf32, #tpu.memory_space<vmem_shared>> -> memref<10240x128xf32, #tpu.memory_space<vmem_shared>>
          tpu.wait_indirect_dma semaphore(%run_scoped3A : memref<!tpu.dma_semaphore, #tpu.memory_space<semaphore_mem>>) src(%arg8 : memref<64x128xf32, #tpu.memory_space<vmem>>) dst(%dma_wait3A_92 : memref<10240x128xf32, #tpu.memory_space<vmem_shared>>)
          tpu.yield
        }) : () -> ()
        %add3A_71 = arith.constant 1 : i32
        %add3A_72 = arith.addi %add3A_59, %add3A_71 : i32
        %lt3A = arith.constant 8 : i32
        %lt3A_73 = arith.cmpi slt, %add3A_72, %lt3A : i32
        %convert_element_type3A = arith.extui %lt3A_73 : i1 to i32
        %cond3A = arith.constant 0 : i32
        %cond3A_74 = arith.cmpi ne, %convert_element_type3A, %cond3A : i32
        scf.if %cond3A_74 {
          %add3A_81 = arith.constant 1 : i32
          %add3A_82 = arith.addi %add3A_59, %add3A_81 : i32
          %dma_start3A_83 = arith.constant 0 : i32
          %dma_start3A_84 = tpu.memref_slice %arg6[%add3A_82, %dma_start3A_83] : memref<8x64xi32, #tpu.memory_space<vmem>> -> memref<1x64xi32, #tpu.memory_space<vmem>>
          %dma_start3A_85 = tpu.memref_squeeze %dma_start3A_84 : memref<1x64xi32, #tpu.memory_space<vmem>> -> memref<64xi32, #tpu.memory_space<vmem>>
          %dma_start3A_86 = arith.constant 0 : i32
          %dma_start3A_87 = arith.constant 0 : i32
          %dma_start3A_88 = tpu.memref_slice %arg2[%dma_start3A_86, %dma_start3A_87] : memref<10240x128xf32, #tpu.memory_space<hbm>> -> memref<10240x128xf32, #tpu.memory_space<hbm>>
          tpu.enqueue_indirect_dma source(%dma_start3A_88 : memref<10240x128xf32, #tpu.memory_space<hbm>>) target(%arg8 : memref<64x128xf32, #tpu.memory_space<vmem>>) offsets(%dma_start3A_85 : memref<64xi32, #tpu.memory_space<vmem>>) semaphore(%arg11 : memref<!tpu.dma_semaphore, #tpu.memory_space<semaphore_mem>>)
        } else {
        }
        %dma_wait3A_75 = arith.constant 0 : i32
        %dma_wait3A_76 = tpu.memref_slice %arg6[%add3A_59, %dma_wait3A_75] : memref<8x64xi32, #tpu.memory_space<vmem>> -> memref<1x64xi32, #tpu.memory_space<vmem>>
        %dma_wait3A_77 = tpu.memref_squeeze %dma_wait3A_76 : memref<1x64xi32, #tpu.memory_space<vmem>> -> memref<64xi32, #tpu.memory_space<vmem>>
        %dma_wait3A_78 = arith.constant 0 : i32
        %dma_wait3A_79 = arith.constant 0 : i32
        %dma_wait3A_80 = tpu.memref_slice %arg2[%dma_wait3A_78, %dma_wait3A_79] : memref<10240x128xf32, #tpu.memory_space<hbm>> -> memref<10240x128xf32, #tpu.memory_space<hbm>>
        tpu.wait_indirect_dma semaphore(%arg12 : memref<!tpu.dma_semaphore, #tpu.memory_space<semaphore_mem>>) src(%dma_wait3A_80 : memref<10240x128xf32, #tpu.memory_space<hbm>>) dst(%arg9 : memref<64x128xf32, #tpu.memory_space<vmem>>)
        "tpu.region"() ({
          %run_scoped3A = tpu.sem_alloc : memref<!tpu.dma_semaphore, #tpu.memory_space<semaphore_mem>>
          %dma_start3A_81 = arith.constant 0 : i32
          %dma_start3A_82 = tpu.memref_slice %arg7[%add3A_59, %dma_start3A_81] : memref<8x64xi32, #tpu.memory_space<vmem>> -> memref<1x64xi32, #tpu.memory_space<vmem>>
          %dma_start3A_83 = tpu.memref_squeeze %dma_start3A_82 : memref<1x64xi32, #tpu.memory_space<vmem>> -> memref<64xi32, #tpu.memory_space<vmem>>
          %dma_start3A_84 = arith.constant 0 : i32
          %dma_start3A_85 = arith.constant 0 : i32
          %dma_start3A_86 = tpu.memref_slice %arg10[%dma_start3A_84, %dma_start3A_85] : memref<10240x128xf32, #tpu.memory_space<vmem_shared>> -> memref<10240x128xf32, #tpu.memory_space<vmem_shared>>
          tpu.enqueue_indirect_dma source(%arg9 : memref<64x128xf32, #tpu.memory_space<vmem>>) target(%dma_start3A_86 : memref<10240x128xf32, #tpu.memory_space<vmem_shared>>) offsets(%dma_start3A_83 : memref<64xi32, #tpu.memory_space<vmem>>) semaphore(%run_scoped3A : memref<!tpu.dma_semaphore, #tpu.memory_space<semaphore_mem>>) {add = true}
          %dma_wait3A_87 = arith.constant 0 : i32
          %dma_wait3A_88 = tpu.memref_slice %arg7[%add3A_59, %dma_wait3A_87] : memref<8x64xi32, #tpu.memory_space<vmem>> -> memref<1x64xi32, #tpu.memory_space<vmem>>
          %dma_wait3A_89 = tpu.memref_squeeze %dma_wait3A_88 : memref<1x64xi32, #tpu.memory_space<vmem>> -> memref<64xi32, #tpu.memory_space<vmem>>
          %dma_wait3A_90 = arith.constant 0 : i32
          %dma_wait3A_91 = arith.constant 0 : i32
          %dma_wait3A_92 = tpu.memref_slice %arg10[%dma_wait3A_90, %dma_wait3A_91] : memref<10240x128xf32, #tpu.memory_space<vmem_shared>> -> memref<10240x128xf32, #tpu.memory_space<vmem_shared>>
          tpu.wait_indirect_dma semaphore(%run_scoped3A : memref<!tpu.dma_semaphore, #tpu.memory_space<semaphore_mem>>) src(%arg9 : memref<64x128xf32, #tpu.memory_space<vmem>>) dst(%dma_wait3A_92 : memref<10240x128xf32, #tpu.memory_space<vmem_shared>>)
          tpu.yield
        }) : () -> ()
      }
      %scan3A_54 = arith.constant 4 : i32
    }
    %while3A_27 = arith.constant 1 : i32
    scf.for %while3A_36 = %while3A_25 to %while3A_21 step %while3A_27  : i32 {
      %mul3A_37 = arith.constant 8 : i32
      %mul3A_38 = arith.muli %while3A_36, %mul3A_37 : i32
      %add3A_39 = arith.addi %add3A_18, %mul3A_38 : i32
      "tpu.region"() ({
        %run_scoped3A = tpu.sem_alloc : memref<!tpu.dma_semaphore, #tpu.memory_space<semaphore_mem>>
        %dma_start3A_55 = arith.constant 0 : i32
        %dma_start3A_56 = tpu.memref_slice %arg3[%add3A_39, %dma_start3A_55] : memref<5120x64xi32, #tpu.memory_space<hbm>> -> memref<8x64xi32, #tpu.memory_space<hbm>>
        %dma_start3A_57 = arith.constant 0 : i32
        %dma_start3A_58 = tpu.memref_slice %arg3[%add3A_39, %dma_start3A_57] : memref<5120x64xi32, #tpu.memory_space<hbm>> -> memref<8x64xi32, #tpu.memory_space<hbm>>
        tpu.enqueue_dma source(%dma_start3A_58 : memref<8x64xi32, #tpu.memory_space<hbm>>) target(%arg6 : memref<8x64xi32, #tpu.memory_space<vmem>>) target_semaphore(%run_scoped3A : memref<!tpu.dma_semaphore, #tpu.memory_space<semaphore_mem>>)
        %dma_wait3A = arith.constant 0 : i32
        %dma_wait3A_59 = tpu.memref_slice %arg3[%add3A_39, %dma_wait3A] : memref<5120x64xi32, #tpu.memory_space<hbm>> -> memref<8x64xi32, #tpu.memory_space<hbm>>
        %dma_wait3A_60 = arith.constant 0 : i32
        %dma_wait3A_61 = tpu.memref_slice %arg3[%add3A_39, %dma_wait3A_60] : memref<5120x64xi32, #tpu.memory_space<hbm>> -> memref<8x64xi32, #tpu.memory_space<hbm>>
        tpu.wait_dma2 semaphore(%run_scoped3A : memref<!tpu.dma_semaphore, #tpu.memory_space<semaphore_mem>>) src(%dma_wait3A_61 : memref<8x64xi32, #tpu.memory_space<hbm>>) dst(%arg6 : memref<8x64xi32, #tpu.memory_space<vmem>>)
        tpu.yield
      }) : () -> ()
      %mul3A_40 = arith.constant 8 : i32
      %mul3A_41 = arith.muli %while3A_36, %mul3A_40 : i32
      %add3A_42 = arith.addi %add3A_18, %mul3A_41 : i32
      "tpu.region"() ({
        %run_scoped3A = tpu.sem_alloc : memref<!tpu.dma_semaphore, #tpu.memory_space<semaphore_mem>>
        %dma_start3A_55 = arith.constant 0 : i32
        %dma_start3A_56 = tpu.memref_slice %arg4[%add3A_42, %dma_start3A_55] : memref<5120x64xi32, #tpu.memory_space<hbm>> -> memref<8x64xi32, #tpu.memory_space<hbm>>
        %dma_start3A_57 = arith.constant 0 : i32
        %dma_start3A_58 = tpu.memref_slice %arg4[%add3A_42, %dma_start3A_57] : memref<5120x64xi32, #tpu.memory_space<hbm>> -> memref<8x64xi32, #tpu.memory_space<hbm>>
        tpu.enqueue_dma source(%dma_start3A_58 : memref<8x64xi32, #tpu.memory_space<hbm>>) target(%arg7 : memref<8x64xi32, #tpu.memory_space<vmem>>) target_semaphore(%run_scoped3A : memref<!tpu.dma_semaphore, #tpu.memory_space<semaphore_mem>>)
        %dma_wait3A = arith.constant 0 : i32
        %dma_wait3A_59 = tpu.memref_slice %arg4[%add3A_42, %dma_wait3A] : memref<5120x64xi32, #tpu.memory_space<hbm>> -> memref<8x64xi32, #tpu.memory_space<hbm>>
        %dma_wait3A_60 = arith.constant 0 : i32
        %dma_wait3A_61 = tpu.memref_slice %arg4[%add3A_42, %dma_wait3A_60] : memref<5120x64xi32, #tpu.memory_space<hbm>> -> memref<8x64xi32, #tpu.memory_space<hbm>>
        tpu.wait_dma2 semaphore(%run_scoped3A : memref<!tpu.dma_semaphore, #tpu.memory_space<semaphore_mem>>) src(%dma_wait3A_61 : memref<8x64xi32, #tpu.memory_space<hbm>>) dst(%arg7 : memref<8x64xi32, #tpu.memory_space<vmem>>)
        tpu.yield
      }) : () -> ()
      %dma_start3A = arith.constant 0 : i32
      %dma_start3A_43 = arith.constant 0 : i32
      %dma_start3A_44 = tpu.memref_slice %arg6[%dma_start3A, %dma_start3A_43] : memref<8x64xi32, #tpu.memory_space<vmem>> -> memref<1x64xi32, #tpu.memory_space<vmem>>
      %dma_start3A_45 = tpu.memref_squeeze %dma_start3A_44 : memref<1x64xi32, #tpu.memory_space<vmem>> -> memref<64xi32, #tpu.memory_space<vmem>>
      %dma_start3A_46 = arith.constant 0 : i32
      %dma_start3A_47 = arith.constant 0 : i32
      %dma_start3A_48 = tpu.memref_slice %arg2[%dma_start3A_46, %dma_start3A_47] : memref<10240x128xf32, #tpu.memory_space<hbm>> -> memref<10240x128xf32, #tpu.memory_space<hbm>>
      tpu.enqueue_indirect_dma source(%dma_start3A_48 : memref<10240x128xf32, #tpu.memory_space<hbm>>) target(%arg8 : memref<64x128xf32, #tpu.memory_space<vmem>>) offsets(%dma_start3A_45 : memref<64xi32, #tpu.memory_space<vmem>>) semaphore(%arg11 : memref<!tpu.dma_semaphore, #tpu.memory_space<semaphore_mem>>)
      %scan3A_49 = arith.constant 0 : i32
      %scan3A_50 = arith.constant 0 : i32
      %scan3A_51 = arith.constant 4 : i32
      %scan3A_52 = arith.addi %scan3A_50, %scan3A_51 : i32
      %scan3A_53 = arith.constant 1 : i32
      scf.for %scan3A_55 = %scan3A_50 to %scan3A_52 step %scan3A_53  : i32 {
        %mul3A_56 = arith.constant 2 : i32
        %mul3A_57 = arith.muli %mul3A_56, %scan3A_55 : i32
        %add3A_58 = arith.constant 1 : i32
        %add3A_59 = arith.addi %mul3A_57, %add3A_58 : i32
        %dma_start3A_60 = arith.constant 0 : i32
        %dma_start3A_61 = tpu.memref_slice %arg6[%add3A_59, %dma_start3A_60] : memref<8x64xi32, #tpu.memory_space<vmem>> -> memref<1x64xi32, #tpu.memory_space<vmem>>
        %dma_start3A_62 = tpu.memref_squeeze %dma_start3A_61 : memref<1x64xi32, #tpu.memory_space<vmem>> -> memref<64xi32, #tpu.memory_space<vmem>>
        %dma_start3A_63 = arith.constant 0 : i32
        %dma_start3A_64 = arith.constant 0 : i32
        %dma_start3A_65 = tpu.memref_slice %arg2[%dma_start3A_63, %dma_start3A_64] : memref<10240x128xf32, #tpu.memory_space<hbm>> -> memref<10240x128xf32, #tpu.memory_space<hbm>>
        tpu.enqueue_indirect_dma source(%dma_start3A_65 : memref<10240x128xf32, #tpu.memory_space<hbm>>) target(%arg9 : memref<64x128xf32, #tpu.memory_space<vmem>>) offsets(%dma_start3A_62 : memref<64xi32, #tpu.memory_space<vmem>>) semaphore(%arg12 : memref<!tpu.dma_semaphore, #tpu.memory_space<semaphore_mem>>)
        %dma_wait3A = arith.constant 0 : i32
        %dma_wait3A_66 = tpu.memref_slice %arg6[%mul3A_57, %dma_wait3A] : memref<8x64xi32, #tpu.memory_space<vmem>> -> memref<1x64xi32, #tpu.memory_space<vmem>>
        %dma_wait3A_67 = tpu.memref_squeeze %dma_wait3A_66 : memref<1x64xi32, #tpu.memory_space<vmem>> -> memref<64xi32, #tpu.memory_space<vmem>>
        %dma_wait3A_68 = arith.constant 0 : i32
        %dma_wait3A_69 = arith.constant 0 : i32
        %dma_wait3A_70 = tpu.memref_slice %arg2[%dma_wait3A_68, %dma_wait3A_69] : memref<10240x128xf32, #tpu.memory_space<hbm>> -> memref<10240x128xf32, #tpu.memory_space<hbm>>
        tpu.wait_indirect_dma semaphore(%arg11 : memref<!tpu.dma_semaphore, #tpu.memory_space<semaphore_mem>>) src(%dma_wait3A_70 : memref<10240x128xf32, #tpu.memory_space<hbm>>) dst(%arg8 : memref<64x128xf32, #tpu.memory_space<vmem>>)
        "tpu.region"() ({
          %run_scoped3A = tpu.sem_alloc : memref<!tpu.dma_semaphore, #tpu.memory_space<semaphore_mem>>
          %dma_start3A_81 = arith.constant 0 : i32
          %dma_start3A_82 = tpu.memref_slice %arg7[%mul3A_57, %dma_start3A_81] : memref<8x64xi32, #tpu.memory_space<vmem>> -> memref<1x64xi32, #tpu.memory_space<vmem>>
          %dma_start3A_83 = tpu.memref_squeeze %dma_start3A_82 : memref<1x64xi32, #tpu.memory_space<vmem>> -> memref<64xi32, #tpu.memory_space<vmem>>
          %dma_start3A_84 = arith.constant 0 : i32
          %dma_start3A_85 = arith.constant 0 : i32
          %dma_start3A_86 = tpu.memref_slice %arg10[%dma_start3A_84, %dma_start3A_85] : memref<10240x128xf32, #tpu.memory_space<vmem_shared>> -> memref<10240x128xf32, #tpu.memory_space<vmem_shared>>
          tpu.enqueue_indirect_dma source(%arg8 : memref<64x128xf32, #tpu.memory_space<vmem>>) target(%dma_start3A_86 : memref<10240x128xf32, #tpu.memory_space<vmem_shared>>) offsets(%dma_start3A_83 : memref<64xi32, #tpu.memory_space<vmem>>) semaphore(%run_scoped3A : memref<!tpu.dma_semaphore, #tpu.memory_space<semaphore_mem>>) {add = true}
          %dma_wait3A_87 = arith.constant 0 : i32
          %dma_wait3A_88 = tpu.memref_slice %arg7[%mul3A_57, %dma_wait3A_87] : memref<8x64xi32, #tpu.memory_space<vmem>> -> memref<1x64xi32, #tpu.memory_space<vmem>>
          %dma_wait3A_89 = tpu.memref_squeeze %dma_wait3A_88 : memref<1x64xi32, #tpu.memory_space<vmem>> -> memref<64xi32, #tpu.memory_space<vmem>>
          %dma_wait3A_90 = arith.constant 0 : i32
          %dma_wait3A_91 = arith.constant 0 : i32
          %dma_wait3A_92 = tpu.memref_slice %arg10[%dma_wait3A_90, %dma_wait3A_91] : memref<10240x128xf32, #tpu.memory_space<vmem_shared>> -> memref<10240x128xf32, #tpu.memory_space<vmem_shared>>
          tpu.wait_indirect_dma semaphore(%run_scoped3A : memref<!tpu.dma_semaphore, #tpu.memory_space<semaphore_mem>>) src(%arg8 : memref<64x128xf32, #tpu.memory_space<vmem>>) dst(%dma_wait3A_92 : memref<10240x128xf32, #tpu.memory_space<vmem_shared>>)
          tpu.yield
        }) : () -> ()
        %add3A_71 = arith.constant 1 : i32
        %add3A_72 = arith.addi %add3A_59, %add3A_71 : i32
        %lt3A = arith.constant 8 : i32
        %lt3A_73 = arith.cmpi slt, %add3A_72, %lt3A : i32
        %convert_element_type3A = arith.extui %lt3A_73 : i1 to i32
        %cond3A = arith.constant 0 : i32
        %cond3A_74 = arith.cmpi ne, %convert_element_type3A, %cond3A : i32
        scf.if %cond3A_74 {
          %add3A_81 = arith.constant 1 : i32
          %add3A_82 = arith.addi %add3A_59, %add3A_81 : i32
          %dma_start3A_83 = arith.constant 0 : i32
          %dma_start3A_84 = tpu.memref_slice %arg6[%add3A_82, %dma_start3A_83] : memref<8x64xi32, #tpu.memory_space<vmem>> -> memref<1x64xi32, #tpu.memory_space<vmem>>
          %dma_start3A_85 = tpu.memref_squeeze %dma_start3A_84 : memref<1x64xi32, #tpu.memory_space<vmem>> -> memref<64xi32, #tpu.memory_space<vmem>>
          %dma_start3A_86 = arith.constant 0 : i32
          %dma_start3A_87 = arith.constant 0 : i32
          %dma_start3A_88 = tpu.memref_slice %arg2[%dma_start3A_86, %dma_start3A_87] : memref<10240x128xf32, #tpu.memory_space<hbm>> -> memref<10240x128xf32, #tpu.memory_space<hbm>>
          tpu.enqueue_indirect_dma source(%dma_start3A_88 : memref<10240x128xf32, #tpu.memory_space<hbm>>) target(%arg8 : memref<64x128xf32, #tpu.memory_space<vmem>>) offsets(%dma_start3A_85 : memref<64xi32, #tpu.memory_space<vmem>>) semaphore(%arg11 : memref<!tpu.dma_semaphore, #tpu.memory_space<semaphore_mem>>)
        } else {
        }
        %dma_wait3A_75 = arith.constant 0 : i32
        %dma_wait3A_76 = tpu.memref_slice %arg6[%add3A_59, %dma_wait3A_75] : memref<8x64xi32, #tpu.memory_space<vmem>> -> memref<1x64xi32, #tpu.memory_space<vmem>>
        %dma_wait3A_77 = tpu.memref_squeeze %dma_wait3A_76 : memref<1x64xi32, #tpu.memory_space<vmem>> -> memref<64xi32, #tpu.memory_space<vmem>>
        %dma_wait3A_78 = arith.constant 0 : i32
        %dma_wait3A_79 = arith.constant 0 : i32
        %dma_wait3A_80 = tpu.memref_slice %arg2[%dma_wait3A_78, %dma_wait3A_79] : memref<10240x128xf32, #tpu.memory_space<hbm>> -> memref<10240x128xf32, #tpu.memory_space<hbm>>
        tpu.wait_indirect_dma semaphore(%arg12 : memref<!tpu.dma_semaphore, #tpu.memory_space<semaphore_mem>>) src(%dma_wait3A_80 : memref<10240x128xf32, #tpu.memory_space<hbm>>) dst(%arg9 : memref<64x128xf32, #tpu.memory_space<vmem>>)
        "tpu.region"() ({
          %run_scoped3A = tpu.sem_alloc : memref<!tpu.dma_semaphore, #tpu.memory_space<semaphore_mem>>
          %dma_start3A_81 = arith.constant 0 : i32
          %dma_start3A_82 = tpu.memref_slice %arg7[%add3A_59, %dma_start3A_81] : memref<8x64xi32, #tpu.memory_space<vmem>> -> memref<1x64xi32, #tpu.memory_space<vmem>>
          %dma_start3A_83 = tpu.memref_squeeze %dma_start3A_82 : memref<1x64xi32, #tpu.memory_space<vmem>> -> memref<64xi32, #tpu.memory_space<vmem>>
          %dma_start3A_84 = arith.constant 0 : i32
          %dma_start3A_85 = arith.constant 0 : i32
          %dma_start3A_86 = tpu.memref_slice %arg10[%dma_start3A_84, %dma_start3A_85] : memref<10240x128xf32, #tpu.memory_space<vmem_shared>> -> memref<10240x128xf32, #tpu.memory_space<vmem_shared>>
          tpu.enqueue_indirect_dma source(%arg9 : memref<64x128xf32, #tpu.memory_space<vmem>>) target(%dma_start3A_86 : memref<10240x128xf32, #tpu.memory_space<vmem_shared>>) offsets(%dma_start3A_83 : memref<64xi32, #tpu.memory_space<vmem>>) semaphore(%run_scoped3A : memref<!tpu.dma_semaphore, #tpu.memory_space<semaphore_mem>>) {add = true}
          %dma_wait3A_87 = arith.constant 0 : i32
          %dma_wait3A_88 = tpu.memref_slice %arg7[%add3A_59, %dma_wait3A_87] : memref<8x64xi32, #tpu.memory_space<vmem>> -> memref<1x64xi32, #tpu.memory_space<vmem>>
          %dma_wait3A_89 = tpu.memref_squeeze %dma_wait3A_88 : memref<1x64xi32, #tpu.memory_space<vmem>> -> memref<64xi32, #tpu.memory_space<vmem>>
          %dma_wait3A_90 = arith.constant 0 : i32
          %dma_wait3A_91 = arith.constant 0 : i32
          %dma_wait3A_92 = tpu.memref_slice %arg10[%dma_wait3A_90, %dma_wait3A_91] : memref<10240x128xf32, #tpu.memory_space<vmem_shared>> -> memref<10240x128xf32, #tpu.memory_space<vmem_shared>>
          tpu.wait_indirect_dma semaphore(%run_scoped3A : memref<!tpu.dma_semaphore, #tpu.memory_space<semaphore_mem>>) src(%arg9 : memref<64x128xf32, #tpu.memory_space<vmem>>) dst(%dma_wait3A_92 : memref<10240x128xf32, #tpu.memory_space<vmem_shared>>)
          tpu.yield
        }) : () -> ()
      }
      %scan3A_54 = arith.constant 4 : i32
    }
    %barrier3A_28 = arith.constant 0 : index
    tpu.barrier barrier_id(%barrier3A_28)
    %mul3A_29 = arith.constant 640 : i32
    %mul3A_30 = arith.muli %arg1, %mul3A_29 : i32
    %mul3A_31 = arith.constant 10240 : i32
    %mul3A_32 = arith.muli %arg0, %mul3A_31 : i32
    %mul3A_33 = arith.constant 640 : i32
    %mul3A_34 = arith.muli %arg1, %mul3A_33 : i32
    %add3A_35 = arith.addi %mul3A_32, %mul3A_34 : i32
    "tpu.region"() ({
      %run_scoped3A = tpu.sem_alloc : memref<!tpu.dma_semaphore, #tpu.memory_space<semaphore_mem>>
      %dma_start3A = arith.constant 0 : i32
      %dma_start3A_36 = tpu.memref_slice %arg5[%add3A_35, %dma_start3A] : memref<20480x128xf32, #tpu.memory_space<hbm>> -> memref<640x128xf32, #tpu.memory_space<hbm>>
      %dma_start3A_37 = arith.constant 0 : i32
      %dma_start3A_38 = tpu.memref_slice %arg10[%mul3A_30, %dma_start3A_37] : memref<10240x128xf32, #tpu.memory_space<vmem_shared>> -> memref<640x128xf32, #tpu.memory_space<vmem_shared>>
      tpu.enqueue_dma source(%dma_start3A_38 : memref<640x128xf32, #tpu.memory_space<vmem_shared>>) target(%dma_start3A_36 : memref<640x128xf32, #tpu.memory_space<hbm>>) target_semaphore(%run_scoped3A : memref<!tpu.dma_semaphore, #tpu.memory_space<semaphore_mem>>)
      %dma_wait3A = arith.constant 0 : i32
      %dma_wait3A_39 = tpu.memref_slice %arg5[%add3A_35, %dma_wait3A] : memref<20480x128xf32, #tpu.memory_space<hbm>> -> memref<640x128xf32, #tpu.memory_space<hbm>>
      %dma_wait3A_40 = arith.constant 0 : i32
      %dma_wait3A_41 = tpu.memref_slice %arg10[%mul3A_30, %dma_wait3A_40] : memref<10240x128xf32, #tpu.memory_space<vmem_shared>> -> memref<640x128xf32, #tpu.memory_space<vmem_shared>>
      tpu.wait_dma2 semaphore(%run_scoped3A : memref<!tpu.dma_semaphore, #tpu.memory_space<semaphore_mem>>) src(%dma_wait3A_41 : memref<640x128xf32, #tpu.memory_space<vmem_shared>>) dst(%dma_wait3A_39 : memref<640x128xf32, #tpu.memory_space<hbm>>)
      tpu.yield
    }) : () -> ()
    return
  }
}

#map = affine_map<(d0, d1) -> (0, 0)>
module attributes {stable_mosaic.version = 14 : i64} {
  func.func @_pool_body(%arg0: i32, %arg1: i32, %arg2: memref<10240x128xf32, #tpu.memory_space<hbm>>, %arg3: memref<256x40xi32, #tpu.memory_space<hbm>>, %arg4: memref<512x128xf32, #tpu.memory_space<hbm>>, %arg5: memref<8x40xi32, #tpu.memory_space<vmem>>, %arg6: memref<40x128xf32, #tpu.memory_space<vmem>>, %arg7: memref<40x128xf32, #tpu.memory_space<vmem>>, %arg8: memref<128x128xf32, #tpu.memory_space<vmem_shared>>, %arg9: memref<128x128xf32, #tpu.memory_space<vmem_shared>>) attributes {dimension_semantics = [#tpu.dimension_semantics<core_parallel>, #tpu.dimension_semantics<subcore_parallel>], iteration_bounds = array<i64: 2, 16>, scalar_prefetch = 0 : i64, scratch_operands = 5 : i64, tpu.core_type = #tpu.core_type<sc_vector_subcore>, window_params = [{transform_indices = #map}, {transform_indices = #map}, {transform_indices = #map}]} {
    %mul3A = arith.constant 2 : i32
    %mul3A_0 = arith.muli %arg1, %mul3A : i32
    %add3A = arith.addi %mul3A_0, %arg0 : i32
    %scan3A = arith.constant 0 : i32
    %scan3A_1 = arith.constant 0 : i32
    %scan3A_2 = arith.constant 320 : i32
    %scan3A_3 = arith.addi %scan3A_1, %scan3A_2 : i32
    %scan3A_4 = arith.constant 1 : i32
    scf.for %scan3A_45 = %scan3A_1 to %scan3A_3 step %scan3A_4  : i32 {
      %broadcast_in_dim3A = arith.constant 0.000000e+00 : f32
      %broadcast_in_dim3A_46 = vector.broadcast %broadcast_in_dim3A : f32 to vector<16xf32>
      %jit3A = arith.constant 8 : i32
      %div3A = arith.divsi %scan3A_45, %jit3A : i32
      %sign3A = arith.constant 0 : i32
      %sign3A_47 = arith.cmpi sgt, %scan3A_45, %sign3A : i32
      %sign3A_48 = arith.extui %sign3A_47 : i1 to i32
      %sign3A_49 = arith.constant 0 : i32
      %sign3A_50 = arith.cmpi slt, %scan3A_45, %sign3A_49 : i32
      %sign3A_51 = arith.extui %sign3A_50 : i1 to i32
      %sign3A_52 = arith.subi %sign3A_48, %sign3A_51 : i32
      %sign3A_53 = arith.constant 0 : i32
      %sign3A_54 = arith.cmpi sgt, %jit3A, %sign3A_53 : i32
      %sign3A_55 = arith.extui %sign3A_54 : i1 to i32
      %sign3A_56 = arith.constant 0 : i32
      %sign3A_57 = arith.cmpi slt, %jit3A, %sign3A_56 : i32
      %sign3A_58 = arith.extui %sign3A_57 : i1 to i32
      %sign3A_59 = arith.subi %sign3A_55, %sign3A_58 : i32
      %ne3A = arith.cmpi ne, %sign3A_52, %sign3A_59 : i32
      %rem3A = arith.remsi %scan3A_45, %jit3A : i32
      %ne3A_60 = arith.constant 0 : i32
      %ne3A_61 = arith.cmpi ne, %rem3A, %ne3A_60 : i32
      %and3A = arith.andi %ne3A, %ne3A_61 : i1
      %sub3A = arith.constant 1 : i32
      %sub3A_62 = arith.subi %div3A, %sub3A : i32
      %select_n3A = arith.select %and3A, %sub3A_62, %div3A : i32
      %jit3A_63 = arith.constant 8 : i32
      %eq3A = arith.constant 0 : i32
      %eq3A_64 = arith.cmpi eq, %jit3A_63, %eq3A : i32
      %jit3A_65 = arith.constant 1 : i32
      %select_n3A_66 = arith.select %eq3A_64, %jit3A_65, %jit3A_63 : i32
      %rem3A_67 = arith.remsi %scan3A_45, %select_n3A_66 : i32
      %ne3A_68 = arith.constant 0 : i32
      %ne3A_69 = arith.cmpi ne, %rem3A_67, %ne3A_68 : i32
      %lt3A = arith.constant 0 : i32
      %lt3A_70 = arith.cmpi slt, %rem3A_67, %lt3A : i32
      %lt3A_71 = arith.constant 0 : i32
      %lt3A_72 = arith.cmpi slt, %select_n3A_66, %lt3A_71 : i32
      %ne3A_73 = arith.xori %lt3A_70, %lt3A_72 : i1
      %and3A_74 = arith.andi %ne3A_73, %ne3A_69 : i1
      %add3A_75 = arith.addi %rem3A_67, %select_n3A_66 : i32
      %select_n3A_76 = arith.select %and3A_74, %add3A_75, %rem3A_67 : i32
      %mul3A_77 = arith.constant 16 : i32
      %mul3A_78 = arith.muli %select_n3A_76, %mul3A_77 : i32
      %swap3A = arith.index_cast %select_n3A : i32 to index
      %swap3A_79 = arith.index_cast %mul3A_78 : i32 to index
      %swap3A_80 = tpu.vector_load %arg6[%swap3A, %swap3A_79] {strides = array<i32>} : memref<40x128xf32, #tpu.memory_space<vmem>>, vector<1x16xf32>,
      %swap3A_81 = vector.shape_cast %swap3A_80 : vector<1x16xf32> to vector<16xf32>
      %swap3A_82 = vector.shape_cast %broadcast_in_dim3A_46 : vector<16xf32> to vector<1x16xf32>
      tpu.vector_store %arg6[%swap3A, %swap3A_79], %swap3A_82 {strides = array<i32>} : memref<40x128xf32, #tpu.memory_space<vmem>>, vector<1x16xf32>,
    }
    %scan3A_5 = arith.constant 320 : i32
    %mul3A_6 = arith.constant 8 : i32
    %mul3A_7 = arith.muli %arg1, %mul3A_6 : i32
    "tpu.region"() ({
      %run_scoped3A = tpu.sem_alloc : memref<!tpu.dma_semaphore, #tpu.memory_space<semaphore_mem>>
      %dma_start3A = arith.constant 0 : i32
      %dma_start3A_45 = arith.constant 0 : i32
      %dma_start3A_46 = tpu.memref_slice %arg6[%dma_start3A, %dma_start3A_45] : memref<40x128xf32, #tpu.memory_space<vmem>> -> memref<8x128xf32, #tpu.memory_space<vmem>>
      %dma_start3A_47 = arith.constant 0 : i32
      %dma_start3A_48 = tpu.memref_slice %arg8[%mul3A_7, %dma_start3A_47] : memref<128x128xf32, #tpu.memory_space<vmem_shared>> -> memref<8x128xf32, #tpu.memory_space<vmem_shared>>
      %dma_start3A_49 = arith.constant 0 : i32
      %dma_start3A_50 = tpu.memref_slice %arg8[%mul3A_7, %dma_start3A_49] : memref<128x128xf32, #tpu.memory_space<vmem_shared>> -> memref<8x128xf32, #tpu.memory_space<vmem_shared>>
      %dma_start3A_51 = arith.constant 0 : i32
      %dma_start3A_52 = arith.constant 0 : i32
      %dma_start3A_53 = tpu.memref_slice %arg6[%dma_start3A_51, %dma_start3A_52] : memref<40x128xf32, #tpu.memory_space<vmem>> -> memref<8x128xf32, #tpu.memory_space<vmem>>
      tpu.enqueue_dma source(%dma_start3A_53 : memref<8x128xf32, #tpu.memory_space<vmem>>) target(%dma_start3A_50 : memref<8x128xf32, #tpu.memory_space<vmem_shared>>) target_semaphore(%run_scoped3A : memref<!tpu.dma_semaphore, #tpu.memory_space<semaphore_mem>>)
      %dma_wait3A = arith.constant 0 : i32
      %dma_wait3A_54 = arith.constant 0 : i32
      %dma_wait3A_55 = tpu.memref_slice %arg6[%dma_wait3A, %dma_wait3A_54] : memref<40x128xf32, #tpu.memory_space<vmem>> -> memref<8x128xf32, #tpu.memory_space<vmem>>
      %dma_wait3A_56 = arith.constant 0 : i32
      %dma_wait3A_57 = tpu.memref_slice %arg8[%mul3A_7, %dma_wait3A_56] : memref<128x128xf32, #tpu.memory_space<vmem_shared>> -> memref<8x128xf32, #tpu.memory_space<vmem_shared>>
      %dma_wait3A_58 = arith.constant 0 : i32
      %dma_wait3A_59 = tpu.memref_slice %arg8[%mul3A_7, %dma_wait3A_58] : memref<128x128xf32, #tpu.memory_space<vmem_shared>> -> memref<8x128xf32, #tpu.memory_space<vmem_shared>>
      %dma_wait3A_60 = arith.constant 0 : i32
      %dma_wait3A_61 = arith.constant 0 : i32
      %dma_wait3A_62 = tpu.memref_slice %arg6[%dma_wait3A_60, %dma_wait3A_61] : memref<40x128xf32, #tpu.memory_space<vmem>> -> memref<8x128xf32, #tpu.memory_space<vmem>>
      tpu.wait_dma2 semaphore(%run_scoped3A : memref<!tpu.dma_semaphore, #tpu.memory_space<semaphore_mem>>) src(%dma_wait3A_62 : memref<8x128xf32, #tpu.memory_space<vmem>>) dst(%dma_wait3A_59 : memref<8x128xf32, #tpu.memory_space<vmem_shared>>)
      tpu.yield
    }) : () -> ()
    %mul3A_8 = arith.constant 8 : i32
    %mul3A_9 = arith.muli %arg1, %mul3A_8 : i32
    "tpu.region"() ({
      %run_scoped3A = tpu.sem_alloc : memref<!tpu.dma_semaphore, #tpu.memory_space<semaphore_mem>>
      %dma_start3A = arith.constant 0 : i32
      %dma_start3A_45 = arith.constant 0 : i32
      %dma_start3A_46 = tpu.memref_slice %arg6[%dma_start3A, %dma_start3A_45] : memref<40x128xf32, #tpu.memory_space<vmem>> -> memref<8x128xf32, #tpu.memory_space<vmem>>
      %dma_start3A_47 = arith.constant 0 : i32
      %dma_start3A_48 = tpu.memref_slice %arg9[%mul3A_9, %dma_start3A_47] : memref<128x128xf32, #tpu.memory_space<vmem_shared>> -> memref<8x128xf32, #tpu.memory_space<vmem_shared>>
      %dma_start3A_49 = arith.constant 0 : i32
      %dma_start3A_50 = tpu.memref_slice %arg9[%mul3A_9, %dma_start3A_49] : memref<128x128xf32, #tpu.memory_space<vmem_shared>> -> memref<8x128xf32, #tpu.memory_space<vmem_shared>>
      %dma_start3A_51 = arith.constant 0 : i32
      %dma_start3A_52 = arith.constant 0 : i32
      %dma_start3A_53 = tpu.memref_slice %arg6[%dma_start3A_51, %dma_start3A_52] : memref<40x128xf32, #tpu.memory_space<vmem>> -> memref<8x128xf32, #tpu.memory_space<vmem>>
      tpu.enqueue_dma source(%dma_start3A_53 : memref<8x128xf32, #tpu.memory_space<vmem>>) target(%dma_start3A_50 : memref<8x128xf32, #tpu.memory_space<vmem_shared>>) target_semaphore(%run_scoped3A : memref<!tpu.dma_semaphore, #tpu.memory_space<semaphore_mem>>)
      %dma_wait3A = arith.constant 0 : i32
      %dma_wait3A_54 = arith.constant 0 : i32
      %dma_wait3A_55 = tpu.memref_slice %arg6[%dma_wait3A, %dma_wait3A_54] : memref<40x128xf32, #tpu.memory_space<vmem>> -> memref<8x128xf32, #tpu.memory_space<vmem>>
      %dma_wait3A_56 = arith.constant 0 : i32
      %dma_wait3A_57 = tpu.memref_slice %arg9[%mul3A_9, %dma_wait3A_56] : memref<128x128xf32, #tpu.memory_space<vmem_shared>> -> memref<8x128xf32, #tpu.memory_space<vmem_shared>>
      %dma_wait3A_58 = arith.constant 0 : i32
      %dma_wait3A_59 = tpu.memref_slice %arg9[%mul3A_9, %dma_wait3A_58] : memref<128x128xf32, #tpu.memory_space<vmem_shared>> -> memref<8x128xf32, #tpu.memory_space<vmem_shared>>
      %dma_wait3A_60 = arith.constant 0 : i32
      %dma_wait3A_61 = arith.constant 0 : i32
      %dma_wait3A_62 = tpu.memref_slice %arg6[%dma_wait3A_60, %dma_wait3A_61] : memref<40x128xf32, #tpu.memory_space<vmem>> -> memref<8x128xf32, #tpu.memory_space<vmem>>
      tpu.wait_dma2 semaphore(%run_scoped3A : memref<!tpu.dma_semaphore, #tpu.memory_space<semaphore_mem>>) src(%dma_wait3A_62 : memref<8x128xf32, #tpu.memory_space<vmem>>) dst(%dma_wait3A_59 : memref<8x128xf32, #tpu.memory_space<vmem_shared>>)
      tpu.yield
    }) : () -> ()
    %scan3A_10 = arith.constant 0 : i32
    %scan3A_11 = arith.constant 0 : i32
    %scan3A_12 = arith.constant 320 : i32
    %scan3A_13 = arith.addi %scan3A_11, %scan3A_12 : i32
    %scan3A_14 = arith.constant 1 : i32
    scf.for %scan3A_45 = %scan3A_11 to %scan3A_13 step %scan3A_14  : i32 {
      %broadcast_in_dim3A = arith.constant 1.000000e+00 : f32
      %broadcast_in_dim3A_46 = vector.broadcast %broadcast_in_dim3A : f32 to vector<16xf32>
      %jit3A = arith.constant 8 : i32
      %div3A = arith.divsi %scan3A_45, %jit3A : i32
      %sign3A = arith.constant 0 : i32
      %sign3A_47 = arith.cmpi sgt, %scan3A_45, %sign3A : i32
      %sign3A_48 = arith.extui %sign3A_47 : i1 to i32
      %sign3A_49 = arith.constant 0 : i32
      %sign3A_50 = arith.cmpi slt, %scan3A_45, %sign3A_49 : i32
      %sign3A_51 = arith.extui %sign3A_50 : i1 to i32
      %sign3A_52 = arith.subi %sign3A_48, %sign3A_51 : i32
      %sign3A_53 = arith.constant 0 : i32
      %sign3A_54 = arith.cmpi sgt, %jit3A, %sign3A_53 : i32
      %sign3A_55 = arith.extui %sign3A_54 : i1 to i32
      %sign3A_56 = arith.constant 0 : i32
      %sign3A_57 = arith.cmpi slt, %jit3A, %sign3A_56 : i32
      %sign3A_58 = arith.extui %sign3A_57 : i1 to i32
      %sign3A_59 = arith.subi %sign3A_55, %sign3A_58 : i32
      %ne3A = arith.cmpi ne, %sign3A_52, %sign3A_59 : i32
      %rem3A = arith.remsi %scan3A_45, %jit3A : i32
      %ne3A_60 = arith.constant 0 : i32
      %ne3A_61 = arith.cmpi ne, %rem3A, %ne3A_60 : i32
      %and3A = arith.andi %ne3A, %ne3A_61 : i1
      %sub3A = arith.constant 1 : i32
      %sub3A_62 = arith.subi %div3A, %sub3A : i32
      %select_n3A = arith.select %and3A, %sub3A_62, %div3A : i32
      %jit3A_63 = arith.constant 8 : i32
      %eq3A = arith.constant 0 : i32
      %eq3A_64 = arith.cmpi eq, %jit3A_63, %eq3A : i32
      %jit3A_65 = arith.constant 1 : i32
      %select_n3A_66 = arith.select %eq3A_64, %jit3A_65, %jit3A_63 : i32
      %rem3A_67 = arith.remsi %scan3A_45, %select_n3A_66 : i32
      %ne3A_68 = arith.constant 0 : i32
      %ne3A_69 = arith.cmpi ne, %rem3A_67, %ne3A_68 : i32
      %lt3A = arith.constant 0 : i32
      %lt3A_70 = arith.cmpi slt, %rem3A_67, %lt3A : i32
      %lt3A_71 = arith.constant 0 : i32
      %lt3A_72 = arith.cmpi slt, %select_n3A_66, %lt3A_71 : i32
      %ne3A_73 = arith.xori %lt3A_70, %lt3A_72 : i1
      %and3A_74 = arith.andi %ne3A_73, %ne3A_69 : i1
      %add3A_75 = arith.addi %rem3A_67, %select_n3A_66 : i32
      %select_n3A_76 = arith.select %and3A_74, %add3A_75, %rem3A_67 : i32
      %mul3A_77 = arith.constant 16 : i32
      %mul3A_78 = arith.muli %select_n3A_76, %mul3A_77 : i32
      %swap3A = arith.index_cast %select_n3A : i32 to index
      %swap3A_79 = arith.index_cast %mul3A_78 : i32 to index
      %swap3A_80 = tpu.vector_load %arg7[%swap3A, %swap3A_79] {strides = array<i32>} : memref<40x128xf32, #tpu.memory_space<vmem>>, vector<1x16xf32>,
      %swap3A_81 = vector.shape_cast %swap3A_80 : vector<1x16xf32> to vector<16xf32>
      %swap3A_82 = vector.shape_cast %broadcast_in_dim3A_46 : vector<16xf32> to vector<1x16xf32>
      tpu.vector_store %arg7[%swap3A, %swap3A_79], %swap3A_82 {strides = array<i32>} : memref<40x128xf32, #tpu.memory_space<vmem>>, vector<1x16xf32>,
    }
    %scan3A_15 = arith.constant 320 : i32
    %mul3A_16 = arith.constant 8 : i32
    %mul3A_17 = arith.muli %add3A, %mul3A_16 : i32
    "tpu.region"() ({
      %run_scoped3A = tpu.sem_alloc : memref<!tpu.dma_semaphore, #tpu.memory_space<semaphore_mem>>
      %dma_start3A = arith.constant 0 : i32
      %dma_start3A_45 = tpu.memref_slice %arg3[%mul3A_17, %dma_start3A] : memref<256x40xi32, #tpu.memory_space<hbm>> -> memref<8x40xi32, #tpu.memory_space<hbm>>
      %dma_start3A_46 = arith.constant 0 : i32
      %dma_start3A_47 = tpu.memref_slice %arg3[%mul3A_17, %dma_start3A_46] : memref<256x40xi32, #tpu.memory_space<hbm>> -> memref<8x40xi32, #tpu.memory_space<hbm>>
      tpu.enqueue_dma source(%dma_start3A_47 : memref<8x40xi32, #tpu.memory_space<hbm>>) target(%arg5 : memref<8x40xi32, #tpu.memory_space<vmem>>) target_semaphore(%run_scoped3A : memref<!tpu.dma_semaphore, #tpu.memory_space<semaphore_mem>>)
      %dma_wait3A = arith.constant 0 : i32
      %dma_wait3A_48 = tpu.memref_slice %arg3[%mul3A_17, %dma_wait3A] : memref<256x40xi32, #tpu.memory_space<hbm>> -> memref<8x40xi32, #tpu.memory_space<hbm>>
      %dma_wait3A_49 = arith.constant 0 : i32
      %dma_wait3A_50 = tpu.memref_slice %arg3[%mul3A_17, %dma_wait3A_49] : memref<256x40xi32, #tpu.memory_space<hbm>> -> memref<8x40xi32, #tpu.memory_space<hbm>>
      tpu.wait_dma2 semaphore(%run_scoped3A : memref<!tpu.dma_semaphore, #tpu.memory_space<semaphore_mem>>) src(%dma_wait3A_50 : memref<8x40xi32, #tpu.memory_space<hbm>>) dst(%arg5 : memref<8x40xi32, #tpu.memory_space<vmem>>)
      tpu.yield
    }) : () -> ()
    %barrier3A = arith.constant 0 : index
    tpu.barrier barrier_id(%barrier3A)
    %scan3A_18 = arith.constant 0 : i32
    %scan3A_19 = arith.constant 0 : i32
    %scan3A_20 = arith.constant 8 : i32
    %scan3A_21 = arith.addi %scan3A_19, %scan3A_20 : i32
    %scan3A_22 = arith.constant 1 : i32
    scf.for %scan3A_45 = %scan3A_19 to %scan3A_21 step %scan3A_22  : i32 {
      %mul3A_46 = arith.constant 320 : i32
      %mul3A_47 = arith.muli %add3A, %mul3A_46 : i32
      %mul3A_48 = arith.constant 40 : i32
      %mul3A_49 = arith.muli %scan3A_45, %mul3A_48 : i32
      %add3A_50 = arith.addi %mul3A_47, %mul3A_49 : i32
      "tpu.region"() ({
        %run_scoped3A = tpu.sem_alloc : memref<!tpu.dma_semaphore, #tpu.memory_space<semaphore_mem>>
        %dma_start3A = arith.constant 0 : i32
        %dma_start3A_51 = tpu.memref_slice %arg2[%add3A_50, %dma_start3A] : memref<10240x128xf32, #tpu.memory_space<hbm>> -> memref<40x128xf32, #tpu.memory_space<hbm>>
        %dma_start3A_52 = arith.constant 0 : i32
        %dma_start3A_53 = tpu.memref_slice %arg2[%add3A_50, %dma_start3A_52] : memref<10240x128xf32, #tpu.memory_space<hbm>> -> memref<40x128xf32, #tpu.memory_space<hbm>>
        tpu.enqueue_dma source(%dma_start3A_53 : memref<40x128xf32, #tpu.memory_space<hbm>>) target(%arg6 : memref<40x128xf32, #tpu.memory_space<vmem>>) target_semaphore(%run_scoped3A : memref<!tpu.dma_semaphore, #tpu.memory_space<semaphore_mem>>)
        %dma_wait3A = arith.constant 0 : i32
        %dma_wait3A_54 = tpu.memref_slice %arg2[%add3A_50, %dma_wait3A] : memref<10240x128xf32, #tpu.memory_space<hbm>> -> memref<40x128xf32, #tpu.memory_space<hbm>>
        %dma_wait3A_55 = arith.constant 0 : i32
        %dma_wait3A_56 = tpu.memref_slice %arg2[%add3A_50, %dma_wait3A_55] : memref<10240x128xf32, #tpu.memory_space<hbm>> -> memref<40x128xf32, #tpu.memory_space<hbm>>
        tpu.wait_dma2 semaphore(%run_scoped3A : memref<!tpu.dma_semaphore, #tpu.memory_space<semaphore_mem>>) src(%dma_wait3A_56 : memref<40x128xf32, #tpu.memory_space<hbm>>) dst(%arg6 : memref<40x128xf32, #tpu.memory_space<vmem>>)
        tpu.yield
      }) : () -> ()
      "tpu.region"() ({
        %run_scoped3A = tpu.sem_alloc : memref<!tpu.dma_semaphore, #tpu.memory_space<semaphore_mem>>
        %dma_start3A = arith.constant 0 : i32
        %dma_start3A_51 = tpu.memref_slice %arg5[%scan3A_45, %dma_start3A] : memref<8x40xi32, #tpu.memory_space<vmem>> -> memref<1x40xi32, #tpu.memory_space<vmem>>
        %dma_start3A_52 = tpu.memref_squeeze %dma_start3A_51 : memref<1x40xi32, #tpu.memory_space<vmem>> -> memref<40xi32, #tpu.memory_space<vmem>>
        %dma_start3A_53 = arith.constant 0 : i32
        %dma_start3A_54 = arith.constant 0 : i32
        %dma_start3A_55 = tpu.memref_slice %arg8[%dma_start3A_53, %dma_start3A_54] : memref<128x128xf32, #tpu.memory_space<vmem_shared>> -> memref<128x128xf32, #tpu.memory_space<vmem_shared>>
        tpu.enqueue_indirect_dma source(%arg6 : memref<40x128xf32, #tpu.memory_space<vmem>>) target(%dma_start3A_55 : memref<128x128xf32, #tpu.memory_space<vmem_shared>>) offsets(%dma_start3A_52 : memref<40xi32, #tpu.memory_space<vmem>>) semaphore(%run_scoped3A : memref<!tpu.dma_semaphore, #tpu.memory_space<semaphore_mem>>) {add = true}
        %dma_wait3A = arith.constant 0 : i32
        %dma_wait3A_56 = tpu.memref_slice %arg5[%scan3A_45, %dma_wait3A] : memref<8x40xi32, #tpu.memory_space<vmem>> -> memref<1x40xi32, #tpu.memory_space<vmem>>
        %dma_wait3A_57 = tpu.memref_squeeze %dma_wait3A_56 : memref<1x40xi32, #tpu.memory_space<vmem>> -> memref<40xi32, #tpu.memory_space<vmem>>
        %dma_wait3A_58 = arith.constant 0 : i32
        %dma_wait3A_59 = arith.constant 0 : i32
        %dma_wait3A_60 = tpu.memref_slice %arg8[%dma_wait3A_58, %dma_wait3A_59] : memref<128x128xf32, #tpu.memory_space<vmem_shared>> -> memref<128x128xf32, #tpu.memory_space<vmem_shared>>
        tpu.wait_indirect_dma semaphore(%run_scoped3A : memref<!tpu.dma_semaphore, #tpu.memory_space<semaphore_mem>>) src(%arg6 : memref<40x128xf32, #tpu.memory_space<vmem>>) dst(%dma_wait3A_60 : memref<128x128xf32, #tpu.memory_space<vmem_shared>>)
        tpu.yield
      }) : () -> ()
      "tpu.region"() ({
        %run_scoped3A = tpu.sem_alloc : memref<!tpu.dma_semaphore, #tpu.memory_space<semaphore_mem>>
        %dma_start3A = arith.constant 0 : i32
        %dma_start3A_51 = tpu.memref_slice %arg5[%scan3A_45, %dma_start3A] : memref<8x40xi32, #tpu.memory_space<vmem>> -> memref<1x40xi32, #tpu.memory_space<vmem>>
        %dma_start3A_52 = tpu.memref_squeeze %dma_start3A_51 : memref<1x40xi32, #tpu.memory_space<vmem>> -> memref<40xi32, #tpu.memory_space<vmem>>
        %dma_start3A_53 = arith.constant 0 : i32
        %dma_start3A_54 = arith.constant 0 : i32
        %dma_start3A_55 = tpu.memref_slice %arg9[%dma_start3A_53, %dma_start3A_54] : memref<128x128xf32, #tpu.memory_space<vmem_shared>> -> memref<128x128xf32, #tpu.memory_space<vmem_shared>>
        tpu.enqueue_indirect_dma source(%arg7 : memref<40x128xf32, #tpu.memory_space<vmem>>) target(%dma_start3A_55 : memref<128x128xf32, #tpu.memory_space<vmem_shared>>) offsets(%dma_start3A_52 : memref<40xi32, #tpu.memory_space<vmem>>) semaphore(%run_scoped3A : memref<!tpu.dma_semaphore, #tpu.memory_space<semaphore_mem>>) {add = true}
        %dma_wait3A = arith.constant 0 : i32
        %dma_wait3A_56 = tpu.memref_slice %arg5[%scan3A_45, %dma_wait3A] : memref<8x40xi32, #tpu.memory_space<vmem>> -> memref<1x40xi32, #tpu.memory_space<vmem>>
        %dma_wait3A_57 = tpu.memref_squeeze %dma_wait3A_56 : memref<1x40xi32, #tpu.memory_space<vmem>> -> memref<40xi32, #tpu.memory_space<vmem>>
        %dma_wait3A_58 = arith.constant 0 : i32
        %dma_wait3A_59 = arith.constant 0 : i32
        %dma_wait3A_60 = tpu.memref_slice %arg9[%dma_wait3A_58, %dma_wait3A_59] : memref<128x128xf32, #tpu.memory_space<vmem_shared>> -> memref<128x128xf32, #tpu.memory_space<vmem_shared>>
        tpu.wait_indirect_dma semaphore(%run_scoped3A : memref<!tpu.dma_semaphore, #tpu.memory_space<semaphore_mem>>) src(%arg7 : memref<40x128xf32, #tpu.memory_space<vmem>>) dst(%dma_wait3A_60 : memref<128x128xf32, #tpu.memory_space<vmem_shared>>)
        tpu.yield
      }) : () -> ()
    }
    %scan3A_23 = arith.constant 8 : i32
    %barrier3A_24 = arith.constant 0 : index
    tpu.barrier barrier_id(%barrier3A_24)
    %mul3A_25 = arith.constant 8 : i32
    %mul3A_26 = arith.muli %arg1, %mul3A_25 : i32
    %mul3A_27 = arith.constant 2 : i32
    %mul3A_28 = arith.muli %arg0, %mul3A_27 : i32
    %mul3A_29 = arith.constant 128 : i32
    %mul3A_30 = arith.muli %mul3A_28, %mul3A_29 : i32
    %mul3A_31 = arith.constant 8 : i32
    %mul3A_32 = arith.muli %arg1, %mul3A_31 : i32
    %add3A_33 = arith.addi %mul3A_30, %mul3A_32 : i32
    "tpu.region"() ({
      %run_scoped3A = tpu.sem_alloc : memref<!tpu.dma_semaphore, #tpu.memory_space<semaphore_mem>>
      %dma_start3A = arith.constant 0 : i32
      %dma_start3A_45 = tpu.memref_slice %arg4[%add3A_33, %dma_start3A] : memref<512x128xf32, #tpu.memory_space<hbm>> -> memref<8x128xf32, #tpu.memory_space<hbm>>
      %dma_start3A_46 = arith.constant 0 : i32
      %dma_start3A_47 = tpu.memref_slice %arg8[%mul3A_26, %dma_start3A_46] : memref<128x128xf32, #tpu.memory_space<vmem_shared>> -> memref<8x128xf32, #tpu.memory_space<vmem_shared>>
      tpu.enqueue_dma source(%dma_start3A_47 : memref<8x128xf32, #tpu.memory_space<vmem_shared>>) target(%dma_start3A_45 : memref<8x128xf32, #tpu.memory_space<hbm>>) target_semaphore(%run_scoped3A : memref<!tpu.dma_semaphore, #tpu.memory_space<semaphore_mem>>)
      %dma_wait3A = arith.constant 0 : i32
      %dma_wait3A_48 = tpu.memref_slice %arg4[%add3A_33, %dma_wait3A] : memref<512x128xf32, #tpu.memory_space<hbm>> -> memref<8x128xf32, #tpu.memory_space<hbm>>
      %dma_wait3A_49 = arith.constant 0 : i32
      %dma_wait3A_50 = tpu.memref_slice %arg8[%mul3A_26, %dma_wait3A_49] : memref<128x128xf32, #tpu.memory_space<vmem_shared>> -> memref<8x128xf32, #tpu.memory_space<vmem_shared>>
      tpu.wait_dma2 semaphore(%run_scoped3A : memref<!tpu.dma_semaphore, #tpu.memory_space<semaphore_mem>>) src(%dma_wait3A_50 : memref<8x128xf32, #tpu.memory_space<vmem_shared>>) dst(%dma_wait3A_48 : memref<8x128xf32, #tpu.memory_space<hbm>>)
      tpu.yield
    }) : () -> ()
    %mul3A_34 = arith.constant 8 : i32
    %mul3A_35 = arith.muli %arg1, %mul3A_34 : i32
    %mul3A_36 = arith.constant 2 : i32
    %mul3A_37 = arith.muli %arg0, %mul3A_36 : i32
    %mul3A_38 = arith.constant 128 : i32
    %mul3A_39 = arith.muli %mul3A_37, %mul3A_38 : i32
    %add3A_40 = arith.constant 128 : i32
    %add3A_41 = arith.addi %mul3A_39, %add3A_40 : i32
    %mul3A_42 = arith.constant 8 : i32
    %mul3A_43 = arith.muli %arg1, %mul3A_42 : i32
    %add3A_44 = arith.addi %add3A_41, %mul3A_43 : i32
    "tpu.region"() ({
      %run_scoped3A = tpu.sem_alloc : memref<!tpu.dma_semaphore, #tpu.memory_space<semaphore_mem>>
      %dma_start3A = arith.constant 0 : i32
      %dma_start3A_45 = tpu.memref_slice %arg4[%add3A_44, %dma_start3A] : memref<512x128xf32, #tpu.memory_space<hbm>> -> memref<8x128xf32, #tpu.memory_space<hbm>>
      %dma_start3A_46 = arith.constant 0 : i32
      %dma_start3A_47 = tpu.memref_slice %arg9[%mul3A_35, %dma_start3A_46] : memref<128x128xf32, #tpu.memory_space<vmem_shared>> -> memref<8x128xf32, #tpu.memory_space<vmem_shared>>
      tpu.enqueue_dma source(%dma_start3A_47 : memref<8x128xf32, #tpu.memory_space<vmem_shared>>) target(%dma_start3A_45 : memref<8x128xf32, #tpu.memory_space<hbm>>) target_semaphore(%run_scoped3A : memref<!tpu.dma_semaphore, #tpu.memory_space<semaphore_mem>>)
      %dma_wait3A = arith.constant 0 : i32
      %dma_wait3A_48 = tpu.memref_slice %arg4[%add3A_44, %dma_wait3A] : memref<512x128xf32, #tpu.memory_space<hbm>> -> memref<8x128xf32, #tpu.memory_space<hbm>>
      %dma_wait3A_49 = arith.constant 0 : i32
      %dma_wait3A_50 = tpu.memref_slice %arg9[%mul3A_35, %dma_wait3A_49] : memref<128x128xf32, #tpu.memory_space<vmem_shared>> -> memref<8x128xf32, #tpu.memory_space<vmem_shared>>
      tpu.wait_dma2 semaphore(%run_scoped3A : memref<!tpu.dma_semaphore, #tpu.memory_space<semaphore_mem>>) src(%dma_wait3A_50 : memref<8x128xf32, #tpu.memory_space<vmem_shared>>) dst(%dma_wait3A_48 : memref<8x128xf32, #tpu.memory_space<hbm>>)
      tpu.yield
    }) : () -> ()
    return
  }
}

module attributes {stable_mosaic.version = 14 : i64} {
  func.func @_mm_scaled_body(%arg0: i32, %arg1: memref<1280x128xf32, #tpu.memory_space<vmem>>, %arg2: memref<128x128xf32, #tpu.memory_space<vmem>>, %arg3: memref<2x1280xf32, #tpu.memory_space<vmem>>, %arg4: memref<1280x128xf32, #tpu.memory_space<vmem>>) attributes {dimension_semantics = [#tpu.dimension_semantics<arbitrary>], iteration_bounds = array<i64: 8>, scalar_prefetch = 0 : i64, scratch_operands = 0 : i64, tpu.core_type = #tpu.core_type<tc>, window_params = [{transform_indices = @transform_0, window_bounds = array<i64: 1280, 128>}, {pipeline_mode = #tpu.pipeline_mode<synchronous>, transform_indices = @transform_1, window_bounds = array<i64: 128, 128>}, {transform_indices = @transform_2, window_bounds = array<i64: 2, 1280>}, {transform_indices = @transform_3, window_bounds = array<i64: 1280, 128>}]} {
    %get3A = arith.constant 0 : index
    %get3A_0 = arith.constant 0 : index
    %get3A_1 = vector.load %arg3[%get3A, %get3A_0] : memref<2x1280xf32, #tpu.memory_space<vmem>>, vector<2x1280xf32>
    %reduce_sum3A = arith.constant dense<0.000000e+00> : vector<1280xf32>
    %reduce_sum3A_2 = vector.multi_reduction <add>, %get3A_1, %reduce_sum3A [0] : vector<2x1280xf32> to vector<1280xf32>
    %add3A = arith.constant 1.000000e+00 : f32
    %add3A_3 = vector.broadcast %add3A : f32 to vector<1280xf32>
    %add3A_4 = arith.addf %reduce_sum3A_2, %add3A_3 : vector<1280xf32>
    %rsqrt3A = math.rsqrt %add3A_4 : vector<1280xf32>
    %get3A_5 = arith.constant 0 : index
    %get3A_6 = arith.constant 0 : index
    %get3A_7 = vector.load %arg1[%get3A_5, %get3A_6] : memref<1280x128xf32, #tpu.memory_space<vmem>>, vector<1280x128xf32>
    %get3A_8 = arith.constant 0 : index
    %get3A_9 = arith.constant 0 : index
    %get3A_10 = vector.load %arg2[%get3A_8, %get3A_9] : memref<128x128xf32, #tpu.memory_space<vmem>>, vector<128x128xf32>
    %dot_general3A = arith.constant dense<0.000000e+00> : vector<1280x128xf32>
    %dot_general3A_11 = tpu.matmul %get3A_7, %get3A_10, %dot_general3A {dimension_numbers = #tpu.dot_dimension_numbers<[1], [0], [0], [1], [0, 0, 1, 1], [], []>, transpose_lhs_hint = false} : vector<1280x128xf32>, vector<128x128xf32>, vector<1280x128xf32> -> vector<1280x128xf32>
    %broadcast_in_dim3A = vector.shape_cast %rsqrt3A : vector<1280xf32> to vector<1280x1xf32>
    %mul3A = vector.broadcast %broadcast_in_dim3A : vector<1280x1xf32> to vector<1280x128xf32>
    %mul3A_12 = arith.mulf %dot_general3A_11, %mul3A : vector<1280x128xf32>
    %swap3A = arith.constant 0 : index
    %swap3A_13 = arith.constant 0 : index
    %swap3A_14 = vector.load %arg4[%swap3A, %swap3A_13] : memref<1280x128xf32, #tpu.memory_space<vmem>>, vector<1280x128xf32>
    tpu.vector_store %arg4[%swap3A, %swap3A_13], %mul3A_12 {strides = array<i32>} : memref<1280x128xf32, #tpu.memory_space<vmem>>, vector<1280x128xf32>,
    return
  }
  func.func @transform_0(%arg0: i32) -> (i32, i32) {
    %c0_i32 = arith.constant 0 : i32
    %c0_i32_0 = arith.constant 0 : i32
    return %arg0, %c0_i32 : i32, i32
  }
  func.func @transform_1(%arg0: i32) -> (i32, i32) {
    %c0_i32 = arith.constant 0 : i32
    %c0_i32_0 = arith.constant 0 : i32
    %c0_i32_1 = arith.constant 0 : i32
    return %c0_i32, %c0_i32_0 : i32, i32
  }
  func.func @transform_2(%arg0: i32) -> (i32, i32) {
    %c0_i32 = arith.constant 0 : i32
    %c0_i32_0 = arith.constant 0 : i32
    return %c0_i32, %arg0 : i32, i32
  }
  func.func @transform_3(%arg0: i32) -> (i32, i32) {
    %c0_i32 = arith.constant 0 : i32
    %c0_i32_0 = arith.constant 0 : i32
    return %arg0, %c0_i32 : i32, i32
  }
}

module attributes {stable_mosaic.version = 14 : i64} {
  func.func @_stats_body(%arg0: i32, %arg1: memref<2x1280x128xf32, #tpu.memory_space<vmem>>, %arg2: memref<1280x128xf32, #tpu.memory_space<vmem>>, %arg3: memref<2x1280xf32, #tpu.memory_space<vmem>>, %arg4: memref<1x128xf32, #tpu.memory_space<vmem>>, %arg5: memref<1280x128xf32, #tpu.memory_space<vmem>>, %arg6: memref<1x1x128xf32, #tpu.memory_space<vmem>>, %arg7: memref<1x1x128xf32, #tpu.memory_space<vmem>>) attributes {dimension_semantics = [#tpu.dimension_semantics<arbitrary>], iteration_bounds = array<i64: 8>, scalar_prefetch = 0 : i64, scratch_operands = 0 : i64, tpu.core_type = #tpu.core_type<tc>, window_params = [{transform_indices = @transform_0, window_bounds = array<i64: 2, 1280, 128>}, {transform_indices = @transform_1, window_bounds = array<i64: 1280, 128>}, {transform_indices = @transform_2, window_bounds = array<i64: 2, 1280>}, {pipeline_mode = #tpu.pipeline_mode<synchronous>, transform_indices = @transform_3, window_bounds = array<i64: 1, 128>}, {transform_indices = @transform_4, window_bounds = array<i64: 1280, 128>}, {transform_indices = @transform_5, window_bounds = array<i64: 1, 1, 128>}, {transform_indices = @transform_6, window_bounds = array<i64: 1, 1, 128>}]} {
    %get3A = arith.constant 0 : index
    %get3A_0 = arith.constant 0 : index
    %get3A_1 = vector.load %arg3[%get3A, %get3A_0] : memref<2x1280xf32, #tpu.memory_space<vmem>>, vector<2x1280xf32>
    %reduce_sum3A = arith.constant dense<0.000000e+00> : vector<1280xf32>
    %reduce_sum3A_2 = vector.multi_reduction <add>, %get3A_1, %reduce_sum3A [0] : vector<2x1280xf32> to vector<1280xf32>
    %add3A = arith.constant 1.000000e+00 : f32
    %add3A_3 = vector.broadcast %add3A : f32 to vector<1280xf32>
    %add3A_4 = arith.addf %reduce_sum3A_2, %add3A_3 : vector<1280xf32>
    %rsqrt3A = math.rsqrt %add3A_4 : vector<1280xf32>
    %get3A_5 = arith.constant 0 : index
    %get3A_6 = arith.constant 0 : index
    %get3A_7 = arith.constant 0 : index
    %get3A_8 = vector.load %arg1[%get3A_5, %get3A_6, %get3A_7] : memref<2x1280x128xf32, #tpu.memory_space<vmem>>, vector<1x1280x128xf32>
    %get3A_9 = vector.shape_cast %get3A_8 : vector<1x1280x128xf32> to vector<1280x128xf32>
    %get3A_10 = arith.constant 1 : index
    %get3A_11 = arith.constant 0 : index
    %get3A_12 = arith.constant 0 : index
    %get3A_13 = vector.load %arg1[%get3A_10, %get3A_11, %get3A_12] : memref<2x1280x128xf32, #tpu.memory_space<vmem>>, vector<1x1280x128xf32>
    %get3A_14 = vector.shape_cast %get3A_13 : vector<1x1280x128xf32> to vector<1280x128xf32>
    %add3A_15 = arith.addf %get3A_9, %get3A_14 : vector<1280x128xf32>
    %get3A_16 = arith.constant 0 : index
    %get3A_17 = arith.constant 0 : index
    %get3A_18 = vector.load %arg2[%get3A_16, %get3A_17] : memref<1280x128xf32, #tpu.memory_space<vmem>>, vector<1280x128xf32>
    %add3A_19 = arith.addf %add3A_15, %get3A_18 : vector<1280x128xf32>
    %broadcast_in_dim3A = vector.shape_cast %rsqrt3A : vector<1280xf32> to vector<1280x1xf32>
    %mul3A = vector.broadcast %broadcast_in_dim3A : vector<1280x1xf32> to vector<1280x128xf32>
    %mul3A_20 = arith.mulf %add3A_19, %mul3A : vector<1280x128xf32>
    %get3A_21 = arith.constant 0 : index
    %get3A_22 = arith.constant 0 : index
    %get3A_23 = vector.load %arg4[%get3A_21, %get3A_22] : memref<1x128xf32, #tpu.memory_space<vmem>>, vector<1x128xf32>
    %add3A_24 = vector.broadcast %get3A_23 : vector<1x128xf32> to vector<1280x128xf32>
    %add3A_25 = arith.addf %mul3A_20, %add3A_24 : vector<1280x128xf32>
    %swap3A = arith.constant 0 : index
    %swap3A_26 = arith.constant 0 : index
    %swap3A_27 = vector.load %arg5[%swap3A, %swap3A_26] : memref<1280x128xf32, #tpu.memory_space<vmem>>, vector<1280x128xf32>
    tpu.vector_store %arg5[%swap3A, %swap3A_26], %add3A_25 {strides = array<i32>} : memref<1280x128xf32, #tpu.memory_space<vmem>>, vector<1280x128xf32>,
    %iota3A = tpu.iota {dimensions = array<i32: 0>} : vector<1280x1xi32>
    %mul3A_28 = arith.constant 1280 : i32
    %mul3A_29 = arith.muli %arg0, %mul3A_28 : i32
    %add3A_30 = vector.broadcast %mul3A_29 : i32 to vector<1280x1xi32>
    %add3A_31 = arith.addi %iota3A, %add3A_30 : vector<1280x1xi32>
    %lt3A = arith.constant 10000 : i32
    %lt3A_32 = vector.broadcast %lt3A : i32 to vector<1280x1xi32>
    %lt3A_33 = arith.cmpi slt, %add3A_31, %lt3A_32 : vector<1280x1xi32>
    %jit3A = arith.constant 0.000000e+00 : f32
    %broadcast_in_dim3A_34 = vector.shape_cast %lt3A_33 : vector<1280x1xi1> to vector<1280x1xi1>
    %broadcast_in_dim3A_35 = vector.broadcast %broadcast_in_dim3A_34 : vector<1280x1xi1> to vector<1280x128xi1>
    %broadcast_in_dim3A_36 = vector.broadcast %jit3A : f32 to vector<1280x128xf32>
    %select_n3A = arith.select %broadcast_in_dim3A_35, %add3A_25, %broadcast_in_dim3A_36 : vector<1280x128xi1>, vector<1280x128xf32>
    %reduce_sum3A_37 = arith.constant dense<0.000000e+00> : vector<128xf32>
    %reduce_sum3A_38 = vector.multi_reduction <add>, %select_n3A, %reduce_sum3A_37 [0] : vector<1280x128xf32> to vector<128xf32>
    %reshape3A = vector.shape_cast %reduce_sum3A_38 : vector<128xf32> to vector<1x1x128xf32>
    %swap3A_39 = arith.constant 0 : index
    %swap3A_40 = arith.constant 0 : index
    %swap3A_41 = arith.constant 0 : index
    %swap3A_42 = vector.load %arg6[%swap3A_39, %swap3A_40, %swap3A_41] : memref<1x1x128xf32, #tpu.memory_space<vmem>>, vector<1x1x128xf32>
    tpu.vector_store %arg6[%swap3A_39, %swap3A_40, %swap3A_41], %reshape3A {strides = array<i32>} : memref<1x1x128xf32, #tpu.memory_space<vmem>>, vector<1x1x128xf32>,
    %mul3A_43 = arith.mulf %select_n3A, %select_n3A : vector<1280x128xf32>
    %reduce_sum3A_44 = arith.constant dense<0.000000e+00> : vector<128xf32>
    %reduce_sum3A_45 = vector.multi_reduction <add>, %mul3A_43, %reduce_sum3A_44 [0] : vector<1280x128xf32> to vector<128xf32>
    %reshape3A_46 = vector.shape_cast %reduce_sum3A_45 : vector<128xf32> to vector<1x1x128xf32>
    %swap3A_47 = arith.constant 0 : index
    %swap3A_48 = arith.constant 0 : index
    %swap3A_49 = arith.constant 0 : index
    %swap3A_50 = vector.load %arg7[%swap3A_47, %swap3A_48, %swap3A_49] : memref<1x1x128xf32, #tpu.memory_space<vmem>>, vector<1x1x128xf32>
    tpu.vector_store %arg7[%swap3A_47, %swap3A_48, %swap3A_49], %reshape3A_46 {strides = array<i32>} : memref<1x1x128xf32, #tpu.memory_space<vmem>>, vector<1x1x128xf32>,
    return
  }
  func.func @transform_0(%arg0: i32) -> (i32, i32, i32) {
    %c0_i32 = arith.constant 0 : i32
    %c0_i32_0 = arith.constant 0 : i32
    %c0_i32_1 = arith.constant 0 : i32
    return %c0_i32, %arg0, %c0_i32_0 : i32, i32, i32
  }
  func.func @transform_1(%arg0: i32) -> (i32, i32) {
    %c0_i32 = arith.constant 0 : i32
    %c0_i32_0 = arith.constant 0 : i32
    return %arg0, %c0_i32 : i32, i32
  }
  func.func @transform_2(%arg0: i32) -> (i32, i32) {
    %c0_i32 = arith.constant 0 : i32
    %c0_i32_0 = arith.constant 0 : i32
    return %c0_i32, %arg0 : i32, i32
  }
  func.func @transform_3(%arg0: i32) -> (i32, i32) {
    %c0_i32 = arith.constant 0 : i32
    %c0_i32_0 = arith.constant 0 : i32
    %c0_i32_1 = arith.constant 0 : i32
    return %c0_i32, %c0_i32_0 : i32, i32
  }
  func.func @transform_4(%arg0: i32) -> (i32, i32) {
    %c0_i32 = arith.constant 0 : i32
    %c0_i32_0 = arith.constant 0 : i32
    return %arg0, %c0_i32 : i32, i32
  }
  func.func @transform_5(%arg0: i32) -> (i32, i32, i32) {
    %c0_i32 = arith.constant 0 : i32
    %c0_i32_0 = arith.constant 0 : i32
    %c0_i32_1 = arith.constant 0 : i32
    return %arg0, %c0_i32, %c0_i32_0 : i32, i32, i32
  }
  func.func @transform_6(%arg0: i32) -> (i32, i32, i32) {
    %c0_i32 = arith.constant 0 : i32
    %c0_i32_0 = arith.constant 0 : i32
    %c0_i32_1 = arith.constant 0 : i32
    return %arg0, %c0_i32, %c0_i32_0 : i32, i32, i32
  }
}

module attributes {stable_mosaic.version = 14 : i64} {
  func.func @_norm_mm_body(%arg0: i32, %arg1: memref<1280x128xf32, #tpu.memory_space<vmem>>, %arg2: memref<8x1x128xf32, #tpu.memory_space<vmem>>, %arg3: memref<8x1x128xf32, #tpu.memory_space<vmem>>, %arg4: memref<1x128xf32, #tpu.memory_space<vmem>>, %arg5: memref<1x128xf32, #tpu.memory_space<vmem>>, %arg6: memref<128x128xf32, #tpu.memory_space<vmem>>, %arg7: memref<2x1280xf32, #tpu.memory_space<vmem>>, %arg8: memref<1280x128xf32, #tpu.memory_space<vmem>>) attributes {dimension_semantics = [#tpu.dimension_semantics<arbitrary>], iteration_bounds = array<i64: 8>, scalar_prefetch = 0 : i64, scratch_operands = 0 : i64, tpu.core_type = #tpu.core_type<tc>, window_params = [{transform_indices = @transform_0, window_bounds = array<i64: 1280, 128>}, {pipeline_mode = #tpu.pipeline_mode<synchronous>, transform_indices = @transform_1, window_bounds = array<i64: 8, 1, 128>}, {pipeline_mode = #tpu.pipeline_mode<synchronous>, transform_indices = @transform_2, window_bounds = array<i64: 8, 1, 128>}, {pipeline_mode = #tpu.pipeline_mode<synchronous>, transform_indices = @transform_3, window_bounds = array<i64: 1, 128>}, {pipeline_mode = #tpu.pipeline_mode<synchronous>, transform_indices = @transform_4, window_bounds = array<i64: 1, 128>}, {pipeline_mode = #tpu.pipeline_mode<synchronous>, transform_indices = @transform_5, window_bounds = array<i64: 128, 128>}, {transform_indices = @transform_6, window_bounds = array<i64: 2, 1280>}, {transform_indices = @transform_7, window_bounds = array<i64: 1280, 128>}]} {
    %get3A = arith.constant 0 : index
    %get3A_0 = arith.constant 0 : index
    %get3A_1 = arith.constant 0 : index
    %get3A_2 = vector.load %arg2[%get3A, %get3A_0, %get3A_1] : memref<8x1x128xf32, #tpu.memory_space<vmem>>, vector<8x1x128xf32>
    %reduce_sum3A = arith.constant dense<0.000000e+00> : vector<128xf32>
    %reduce_sum3A_3 = vector.multi_reduction <add>, %get3A_2, %reduce_sum3A [0, 1] : vector<8x1x128xf32> to vector<128xf32>
    %get3A_4 = arith.constant 0 : index
    %get3A_5 = arith.constant 0 : index
    %get3A_6 = arith.constant 0 : index
    %get3A_7 = vector.load %arg3[%get3A_4, %get3A_5, %get3A_6] : memref<8x1x128xf32, #tpu.memory_space<vmem>>, vector<8x1x128xf32>
    %reduce_sum3A_8 = arith.constant dense<0.000000e+00> : vector<128xf32>
    %reduce_sum3A_9 = vector.multi_reduction <add>, %get3A_7, %reduce_sum3A_8 [0, 1] : vector<8x1x128xf32> to vector<128xf32>
    %mul3A = arith.constant 9.99999974E-5 : f32
    %mul3A_10 = vector.broadcast %mul3A : f32 to vector<128xf32>
    %mul3A_11 = arith.mulf %reduce_sum3A_3, %mul3A_10 : vector<128xf32>
    %mul3A_12 = arith.constant 9.99999974E-5 : f32
    %mul3A_13 = vector.broadcast %mul3A_12 : f32 to vector<128xf32>
    %mul3A_14 = arith.mulf %reduce_sum3A_9, %mul3A_13 : vector<128xf32>
    %mul3A_15 = arith.mulf %mul3A_11, %mul3A_11 : vector<128xf32>
    %sub3A = arith.subf %mul3A_14, %mul3A_15 : vector<128xf32>
    %add3A = arith.constant 9.99999974E-6 : f32
    %add3A_16 = vector.broadcast %add3A : f32 to vector<128xf32>
    %add3A_17 = arith.addf %sub3A, %add3A_16 : vector<128xf32>
    %rsqrt3A = math.rsqrt %add3A_17 : vector<128xf32>
    %get3A_18 = arith.constant 0 : index
    %get3A_19 = arith.constant 0 : index
    %get3A_20 = vector.load %arg4[%get3A_18, %get3A_19] : memref<1x128xf32, #tpu.memory_space<vmem>>, vector<1x128xf32>
    %get3A_21 = vector.shape_cast %get3A_20 : vector<1x128xf32> to vector<128xf32>
    %mul3A_22 = arith.mulf %rsqrt3A, %get3A_21 : vector<128xf32>
    %get3A_23 = arith.constant 0 : index
    %get3A_24 = arith.constant 0 : index
    %get3A_25 = vector.load %arg1[%get3A_23, %get3A_24] : memref<1280x128xf32, #tpu.memory_space<vmem>>, vector<1280x128xf32>
    %broadcast_in_dim3A = vector.shape_cast %mul3A_11 : vector<128xf32> to vector<1x128xf32>
    %sub3A_26 = vector.broadcast %broadcast_in_dim3A : vector<1x128xf32> to vector<1280x128xf32>
    %sub3A_27 = arith.subf %get3A_25, %sub3A_26 : vector<1280x128xf32>
    %broadcast_in_dim3A_28 = vector.shape_cast %mul3A_22 : vector<128xf32> to vector<1x128xf32>
    %mul3A_29 = vector.broadcast %broadcast_in_dim3A_28 : vector<1x128xf32> to vector<1280x128xf32>
    %mul3A_30 = arith.mulf %sub3A_27, %mul3A_29 : vector<1280x128xf32>
    %get3A_31 = arith.constant 0 : index
    %get3A_32 = arith.constant 0 : index
    %get3A_33 = vector.load %arg5[%get3A_31, %get3A_32] : memref<1x128xf32, #tpu.memory_space<vmem>>, vector<1x128xf32>
    %get3A_34 = vector.shape_cast %get3A_33 : vector<1x128xf32> to vector<128xf32>
    %broadcast_in_dim3A_35 = vector.shape_cast %get3A_34 : vector<128xf32> to vector<1x128xf32>
    %add3A_36 = vector.broadcast %broadcast_in_dim3A_35 : vector<1x128xf32> to vector<1280x128xf32>
    %add3A_37 = arith.addf %mul3A_30, %add3A_36 : vector<1280x128xf32>
    %max3A = arith.constant 0.000000e+00 : f32
    %max3A_38 = vector.broadcast %max3A : f32 to vector<1280x128xf32>
    %max3A_39 = arith.maximumf %add3A_37, %max3A_38 : vector<1280x128xf32>
    %get3A_40 = arith.constant 0 : index
    %get3A_41 = arith.constant 0 : index
    %get3A_42 = vector.load %arg7[%get3A_40, %get3A_41] : memref<2x1280xf32, #tpu.memory_space<vmem>>, vector<2x1280xf32>
    %reduce_sum3A_43 = arith.constant dense<0.000000e+00> : vector<1280xf32>
    %reduce_sum3A_44 = vector.multi_reduction <add>, %get3A_42, %reduce_sum3A_43 [0] : vector<2x1280xf32> to vector<1280xf32>
    %add3A_45 = arith.constant 1.000000e+00 : f32
    %add3A_46 = vector.broadcast %add3A_45 : f32 to vector<1280xf32>
    %add3A_47 = arith.addf %reduce_sum3A_44, %add3A_46 : vector<1280xf32>
    %rsqrt3A_48 = math.rsqrt %add3A_47 : vector<1280xf32>
    %get3A_49 = arith.constant 0 : index
    %get3A_50 = arith.constant 0 : index
    %get3A_51 = vector.load %arg6[%get3A_49, %get3A_50] : memref<128x128xf32, #tpu.memory_space<vmem>>, vector<128x128xf32>
    %dot_general3A = arith.constant dense<0.000000e+00> : vector<1280x128xf32>
    %dot_general3A_52 = tpu.matmul %max3A_39, %get3A_51, %dot_general3A {dimension_numbers = #tpu.dot_dimension_numbers<[1], [0], [0], [1], [0, 0, 1, 1], [], []>, transpose_lhs_hint = false} : vector<1280x128xf32>, vector<128x128xf32>, vector<1280x128xf32> -> vector<1280x128xf32>
    %broadcast_in_dim3A_53 = vector.shape_cast %rsqrt3A_48 : vector<1280xf32> to vector<1280x1xf32>
    %mul3A_54 = vector.broadcast %broadcast_in_dim3A_53 : vector<1280x1xf32> to vector<1280x128xf32>
    %mul3A_55 = arith.mulf %dot_general3A_52, %mul3A_54 : vector<1280x128xf32>
    %swap3A = arith.constant 0 : index
    %swap3A_56 = arith.constant 0 : index
    %swap3A_57 = vector.load %arg8[%swap3A, %swap3A_56] : memref<1280x128xf32, #tpu.memory_space<vmem>>, vector<1280x128xf32>
    tpu.vector_store %arg8[%swap3A, %swap3A_56], %mul3A_55 {strides = array<i32>} : memref<1280x128xf32, #tpu.memory_space<vmem>>, vector<1280x128xf32>,
    return
  }
  func.func @transform_0(%arg0: i32) -> (i32, i32) {
    %c0_i32 = arith.constant 0 : i32
    %c0_i32_0 = arith.constant 0 : i32
    return %arg0, %c0_i32 : i32, i32
  }
  func.func @transform_1(%arg0: i32) -> (i32, i32, i32) {
    %c0_i32 = arith.constant 0 : i32
    %c0_i32_0 = arith.constant 0 : i32
    %c0_i32_1 = arith.constant 0 : i32
    %c0_i32_2 = arith.constant 0 : i32
    return %c0_i32, %c0_i32_0, %c0_i32_1 : i32, i32, i32
  }
  func.func @transform_2(%arg0: i32) -> (i32, i32, i32) {
    %c0_i32 = arith.constant 0 : i32
    %c0_i32_0 = arith.constant 0 : i32
    %c0_i32_1 = arith.constant 0 : i32
    %c0_i32_2 = arith.constant 0 : i32
    return %c0_i32, %c0_i32_0, %c0_i32_1 : i32, i32, i32
  }
  func.func @transform_3(%arg0: i32) -> (i32, i32) {
    %c0_i32 = arith.constant 0 : i32
    %c0_i32_0 = arith.constant 0 : i32
    %c0_i32_1 = arith.constant 0 : i32
    return %c0_i32, %c0_i32_0 : i32, i32
  }
  func.func @transform_4(%arg0: i32) -> (i32, i32) {
    %c0_i32 = arith.constant 0 : i32
    %c0_i32_0 = arith.constant 0 : i32
    %c0_i32_1 = arith.constant 0 : i32
    return %c0_i32, %c0_i32_0 : i32, i32
  }
  func.func @transform_5(%arg0: i32) -> (i32, i32) {
    %c0_i32 = arith.constant 0 : i32
    %c0_i32_0 = arith.constant 0 : i32
    %c0_i32_1 = arith.constant 0 : i32
    return %c0_i32, %c0_i32_0 : i32, i32
  }
  func.func @transform_6(%arg0: i32) -> (i32, i32) {
    %c0_i32 = arith.constant 0 : i32
    %c0_i32_0 = arith.constant 0 : i32
    return %c0_i32, %arg0 : i32, i32
  }
  func.func @transform_7(%arg0: i32) -> (i32, i32) {
    %c0_i32 = arith.constant 0 : i32
    %c0_i32_0 = arith.constant 0 : i32
    return %arg0, %c0_i32 : i32, i32
  }
}

module attributes {stable_mosaic.version = 14 : i64} {
  func.func @_norm_only_body(%arg0: i32, %arg1: memref<1280x128xf32, #tpu.memory_space<vmem>>, %arg2: memref<8x1x128xf32, #tpu.memory_space<vmem>>, %arg3: memref<8x1x128xf32, #tpu.memory_space<vmem>>, %arg4: memref<1x128xf32, #tpu.memory_space<vmem>>, %arg5: memref<1x128xf32, #tpu.memory_space<vmem>>, %arg6: memref<1280x128xf32, #tpu.memory_space<vmem>>) attributes {dimension_semantics = [#tpu.dimension_semantics<arbitrary>], iteration_bounds = array<i64: 8>, scalar_prefetch = 0 : i64, scratch_operands = 0 : i64, tpu.core_type = #tpu.core_type<tc>, window_params = [{transform_indices = @transform_0, window_bounds = array<i64: 1280, 128>}, {pipeline_mode = #tpu.pipeline_mode<synchronous>, transform_indices = @transform_1, window_bounds = array<i64: 8, 1, 128>}, {pipeline_mode = #tpu.pipeline_mode<synchronous>, transform_indices = @transform_2, window_bounds = array<i64: 8, 1, 128>}, {pipeline_mode = #tpu.pipeline_mode<synchronous>, transform_indices = @transform_3, window_bounds = array<i64: 1, 128>}, {pipeline_mode = #tpu.pipeline_mode<synchronous>, transform_indices = @transform_4, window_bounds = array<i64: 1, 128>}, {transform_indices = @transform_5, window_bounds = array<i64: 1280, 128>}]} {
    %get3A = arith.constant 0 : index
    %get3A_0 = arith.constant 0 : index
    %get3A_1 = arith.constant 0 : index
    %get3A_2 = vector.load %arg2[%get3A, %get3A_0, %get3A_1] : memref<8x1x128xf32, #tpu.memory_space<vmem>>, vector<8x1x128xf32>
    %reduce_sum3A = arith.constant dense<0.000000e+00> : vector<128xf32>
    %reduce_sum3A_3 = vector.multi_reduction <add>, %get3A_2, %reduce_sum3A [0, 1] : vector<8x1x128xf32> to vector<128xf32>
    %get3A_4 = arith.constant 0 : index
    %get3A_5 = arith.constant 0 : index
    %get3A_6 = arith.constant 0 : index
    %get3A_7 = vector.load %arg3[%get3A_4, %get3A_5, %get3A_6] : memref<8x1x128xf32, #tpu.memory_space<vmem>>, vector<8x1x128xf32>
    %reduce_sum3A_8 = arith.constant dense<0.000000e+00> : vector<128xf32>
    %reduce_sum3A_9 = vector.multi_reduction <add>, %get3A_7, %reduce_sum3A_8 [0, 1] : vector<8x1x128xf32> to vector<128xf32>
    %mul3A = arith.constant 9.99999974E-5 : f32
    %mul3A_10 = vector.broadcast %mul3A : f32 to vector<128xf32>
    %mul3A_11 = arith.mulf %reduce_sum3A_3, %mul3A_10 : vector<128xf32>
    %mul3A_12 = arith.constant 9.99999974E-5 : f32
    %mul3A_13 = vector.broadcast %mul3A_12 : f32 to vector<128xf32>
    %mul3A_14 = arith.mulf %reduce_sum3A_9, %mul3A_13 : vector<128xf32>
    %mul3A_15 = arith.mulf %mul3A_11, %mul3A_11 : vector<128xf32>
    %sub3A = arith.subf %mul3A_14, %mul3A_15 : vector<128xf32>
    %add3A = arith.constant 9.99999974E-6 : f32
    %add3A_16 = vector.broadcast %add3A : f32 to vector<128xf32>
    %add3A_17 = arith.addf %sub3A, %add3A_16 : vector<128xf32>
    %rsqrt3A = math.rsqrt %add3A_17 : vector<128xf32>
    %get3A_18 = arith.constant 0 : index
    %get3A_19 = arith.constant 0 : index
    %get3A_20 = vector.load %arg4[%get3A_18, %get3A_19] : memref<1x128xf32, #tpu.memory_space<vmem>>, vector<1x128xf32>
    %get3A_21 = vector.shape_cast %get3A_20 : vector<1x128xf32> to vector<128xf32>
    %mul3A_22 = arith.mulf %rsqrt3A, %get3A_21 : vector<128xf32>
    %get3A_23 = arith.constant 0 : index
    %get3A_24 = arith.constant 0 : index
    %get3A_25 = vector.load %arg1[%get3A_23, %get3A_24] : memref<1280x128xf32, #tpu.memory_space<vmem>>, vector<1280x128xf32>
    %broadcast_in_dim3A = vector.shape_cast %mul3A_11 : vector<128xf32> to vector<1x128xf32>
    %sub3A_26 = vector.broadcast %broadcast_in_dim3A : vector<1x128xf32> to vector<1280x128xf32>
    %sub3A_27 = arith.subf %get3A_25, %sub3A_26 : vector<1280x128xf32>
    %broadcast_in_dim3A_28 = vector.shape_cast %mul3A_22 : vector<128xf32> to vector<1x128xf32>
    %mul3A_29 = vector.broadcast %broadcast_in_dim3A_28 : vector<1x128xf32> to vector<1280x128xf32>
    %mul3A_30 = arith.mulf %sub3A_27, %mul3A_29 : vector<1280x128xf32>
    %get3A_31 = arith.constant 0 : index
    %get3A_32 = arith.constant 0 : index
    %get3A_33 = vector.load %arg5[%get3A_31, %get3A_32] : memref<1x128xf32, #tpu.memory_space<vmem>>, vector<1x128xf32>
    %get3A_34 = vector.shape_cast %get3A_33 : vector<1x128xf32> to vector<128xf32>
    %broadcast_in_dim3A_35 = vector.shape_cast %get3A_34 : vector<128xf32> to vector<1x128xf32>
    %add3A_36 = vector.broadcast %broadcast_in_dim3A_35 : vector<1x128xf32> to vector<1280x128xf32>
    %add3A_37 = arith.addf %mul3A_30, %add3A_36 : vector<1280x128xf32>
    %max3A = arith.constant 0.000000e+00 : f32
    %max3A_38 = vector.broadcast %max3A : f32 to vector<1280x128xf32>
    %max3A_39 = arith.maximumf %add3A_37, %max3A_38 : vector<1280x128xf32>
    %swap3A = arith.constant 0 : index
    %swap3A_40 = arith.constant 0 : index
    %swap3A_41 = vector.load %arg6[%swap3A, %swap3A_40] : memref<1280x128xf32, #tpu.memory_space<vmem>>, vector<1280x128xf32>
    tpu.vector_store %arg6[%swap3A, %swap3A_40], %max3A_39 {strides = array<i32>} : memref<1280x128xf32, #tpu.memory_space<vmem>>, vector<1280x128xf32>,
    return
  }
  func.func @transform_0(%arg0: i32) -> (i32, i32) {
    %c0_i32 = arith.constant 0 : i32
    %c0_i32_0 = arith.constant 0 : i32
    return %arg0, %c0_i32 : i32, i32
  }
  func.func @transform_1(%arg0: i32) -> (i32, i32, i32) {
    %c0_i32 = arith.constant 0 : i32
    %c0_i32_0 = arith.constant 0 : i32
    %c0_i32_1 = arith.constant 0 : i32
    %c0_i32_2 = arith.constant 0 : i32
    return %c0_i32, %c0_i32_0, %c0_i32_1 : i32, i32, i32
  }
  func.func @transform_2(%arg0: i32) -> (i32, i32, i32) {
    %c0_i32 = arith.constant 0 : i32
    %c0_i32_0 = arith.constant 0 : i32
    %c0_i32_1 = arith.constant 0 : i32
    %c0_i32_2 = arith.constant 0 : i32
    return %c0_i32, %c0_i32_0, %c0_i32_1 : i32, i32, i32
  }
  func.func @transform_3(%arg0: i32) -> (i32, i32) {
    %c0_i32 = arith.constant 0 : i32
    %c0_i32_0 = arith.constant 0 : i32
    %c0_i32_1 = arith.constant 0 : i32
    return %c0_i32, %c0_i32_0 : i32, i32
  }
  func.func @transform_4(%arg0: i32) -> (i32, i32) {
    %c0_i32 = arith.constant 0 : i32
    %c0_i32_0 = arith.constant 0 : i32
    %c0_i32_1 = arith.constant 0 : i32
    return %c0_i32, %c0_i32_0 : i32, i32
  }
  func.func @transform_5(%arg0: i32) -> (i32, i32) {
    %c0_i32 = arith.constant 0 : i32
    %c0_i32_0 = arith.constant 0 : i32
    return %arg0, %c0_i32 : i32, i32
  }
}

module attributes {stable_mosaic.version = 14 : i64} {
  func.func @_fc_body(%arg0: i32, %arg1: memref<128x128xf32, #tpu.memory_space<vmem>>, %arg2: memref<128x128xf32, #tpu.memory_space<vmem>>, %arg3: memref<128x128xf32, #tpu.memory_space<vmem>>, %arg4: memref<128x128xf32, #tpu.memory_space<vmem>>, %arg5: memref<128x2560xf32, #tpu.memory_space<vmem>>, %arg6: memref<1x2560xf32, #tpu.memory_space<vmem>>, %arg7: memref<64x2560xf32, #tpu.memory_space<vmem>>) attributes {dimension_semantics = [#tpu.dimension_semantics<arbitrary>], iteration_bounds = array<i64: 1>, scalar_prefetch = 0 : i64, scratch_operands = 0 : i64, tpu.core_type = #tpu.core_type<tc>, window_params = [{pipeline_mode = #tpu.pipeline_mode<synchronous>, transform_indices = @transform_0, window_bounds = array<i64: 128, 128>}, {pipeline_mode = #tpu.pipeline_mode<synchronous>, transform_indices = @transform_1, window_bounds = array<i64: 128, 128>}, {pipeline_mode = #tpu.pipeline_mode<synchronous>, transform_indices = @transform_2, window_bounds = array<i64: 128, 128>}, {pipeline_mode = #tpu.pipeline_mode<synchronous>, transform_indices = @transform_3, window_bounds = array<i64: 128, 128>}, {pipeline_mode = #tpu.pipeline_mode<synchronous>, transform_indices = @transform_4, window_bounds = array<i64: 128, 2560>}, {pipeline_mode = #tpu.pipeline_mode<synchronous>, transform_indices = @transform_5, window_bounds = array<i64: 1, 2560>}, {pipeline_mode = #tpu.pipeline_mode<synchronous>, transform_indices = @transform_6, window_bounds = array<i64: 64, 2560>}]} {
    %get3A = arith.constant 0 : index
    %get3A_0 = arith.constant 0 : index
    %get3A_1 = vector.load %arg1[%get3A, %get3A_0] : memref<128x128xf32, #tpu.memory_space<vmem>>, vector<128x128xf32>
    %get3A_2 = arith.constant 0 : index
    %get3A_3 = arith.constant 0 : index
    %get3A_4 = vector.load %arg3[%get3A_2, %get3A_3] : memref<128x128xf32, #tpu.memory_space<vmem>>, vector<128x128xf32>
    %add3A = arith.addf %get3A_1, %get3A_4 : vector<128x128xf32>
    %get3A_5 = arith.constant 0 : index
    %get3A_6 = arith.constant 0 : index
    %get3A_7 = vector.load %arg2[%get3A_5, %get3A_6] : memref<128x128xf32, #tpu.memory_space<vmem>>, vector<128x128xf32>
    %get3A_8 = arith.constant 0 : index
    %get3A_9 = arith.constant 0 : index
    %get3A_10 = vector.load %arg4[%get3A_8, %get3A_9] : memref<128x128xf32, #tpu.memory_space<vmem>>, vector<128x128xf32>
    %add3A_11 = arith.addf %get3A_7, %get3A_10 : vector<128x128xf32>
    %max3A = arith.constant 1.000000e+00 : f32
    %max3A_12 = vector.broadcast %max3A : f32 to vector<128x128xf32>
    %max3A_13 = arith.maximumf %add3A_11, %max3A_12 : vector<128x128xf32>
    %div3A = arith.divf %add3A, %max3A_13 : vector<128x128xf32>
    %slice3A = vector.extract_strided_slice %div3A {offsets = [0, 0], sizes = [64, 128], strides = [1, 1]} : vector<128x128xf32> to vector<64x128xf32>
    %get3A_14 = arith.constant 0 : index
    %get3A_15 = arith.constant 0 : index
    %get3A_16 = vector.load %arg5[%get3A_14, %get3A_15] : memref<128x2560xf32, #tpu.memory_space<vmem>>, vector<128x2560xf32>
    %dot_general3A = arith.constant dense<0.000000e+00> : vector<64x2560xf32>
    %dot_general3A_17 = tpu.matmul %slice3A, %get3A_16, %dot_general3A {dimension_numbers = #tpu.dot_dimension_numbers<[1], [0], [0], [1], [0, 0, 1, 1], [], []>, transpose_lhs_hint = false} : vector<64x128xf32>, vector<128x2560xf32>, vector<64x2560xf32> -> vector<64x2560xf32>
    %get3A_18 = arith.constant 0 : index
    %get3A_19 = arith.constant 0 : index
    %get3A_20 = vector.load %arg6[%get3A_18, %get3A_19] : memref<1x2560xf32, #tpu.memory_space<vmem>>, vector<1x2560xf32>
    %add3A_21 = vector.broadcast %get3A_20 : vector<1x2560xf32> to vector<64x2560xf32>
    %add3A_22 = arith.addf %dot_general3A_17, %add3A_21 : vector<64x2560xf32>
    %max3A_23 = arith.constant 0.000000e+00 : f32
    %max3A_24 = vector.broadcast %max3A_23 : f32 to vector<64x2560xf32>
    %max3A_25 = arith.maximumf %add3A_22, %max3A_24 : vector<64x2560xf32>
    %swap3A = arith.constant 0 : index
    %swap3A_26 = arith.constant 0 : index
    %swap3A_27 = vector.load %arg7[%swap3A, %swap3A_26] : memref<64x2560xf32, #tpu.memory_space<vmem>>, vector<64x2560xf32>
    tpu.vector_store %arg7[%swap3A, %swap3A_26], %max3A_25 {strides = array<i32>} : memref<64x2560xf32, #tpu.memory_space<vmem>>, vector<64x2560xf32>,
    return
  }
  func.func @transform_0(%arg0: i32) -> (i32, i32) {
    %c0_i32 = arith.constant 0 : i32
    %c0_i32_0 = arith.constant 0 : i32
    %c0_i32_1 = arith.constant 0 : i32
    return %c0_i32, %c0_i32_0 : i32, i32
  }
  func.func @transform_1(%arg0: i32) -> (i32, i32) {
    %c0_i32 = arith.constant 0 : i32
    %c0_i32_0 = arith.constant 0 : i32
    %c0_i32_1 = arith.constant 0 : i32
    return %c0_i32, %c0_i32_0 : i32, i32
  }
  func.func @transform_2(%arg0: i32) -> (i32, i32) {
    %c0_i32 = arith.constant 0 : i32
    %c0_i32_0 = arith.constant 0 : i32
    %c0_i32_1 = arith.constant 0 : i32
    return %c0_i32, %c0_i32_0 : i32, i32
  }
  func.func @transform_3(%arg0: i32) -> (i32, i32) {
    %c0_i32 = arith.constant 0 : i32
    %c0_i32_0 = arith.constant 0 : i32
    %c0_i32_1 = arith.constant 0 : i32
    return %c0_i32, %c0_i32_0 : i32, i32
  }
  func.func @transform_4(%arg0: i32) -> (i32, i32) {
    %c0_i32 = arith.constant 0 : i32
    %c0_i32_0 = arith.constant 0 : i32
    %c0_i32_1 = arith.constant 0 : i32
    return %c0_i32, %c0_i32_0 : i32, i32
  }
  func.func @transform_5(%arg0: i32) -> (i32, i32) {
    %c0_i32 = arith.constant 0 : i32
    %c0_i32_0 = arith.constant 0 : i32
    %c0_i32_1 = arith.constant 0 : i32
    return %c0_i32, %c0_i32_0 : i32, i32
  }
  func.func @transform_6(%arg0: i32) -> (i32, i32) {
    %c0_i32 = arith.constant 0 : i32
    %c0_i32_0 = arith.constant 0 : i32
    %c0_i32_1 = arith.constant 0 : i32
    return %c0_i32, %c0_i32_0 : i32, i32
  }
}

</mosaic_0001>

<sc_bundles>
// kernel: kernel.15.cloned.1.call-start
scs
__scs_entry_jumppad:
0x0: {  	(pc) =	sbr.rel $0x88, $3  }
0x1: {  	(tag) =	ssettag $0x0;
	lr =	simm.s32 $0x1  }
0x2: {  	[smem:$0x3F90] =	sst lr;
	_ =	strace $0xD0000000  }
0x3: {  	_ = 	snop  }
0x4: {  	_ = 	snop  }
0x5: {  	_ = 	snop  }
0x6: {  	_ = 	snop  }
0x7: {  	_ = 	snop  }
__scs_overlays_trampoline_lowered:
0x8: {  	[smem:$0x3F9F] =	sst s0  }
0x9: {  	[smem:$0x3FA0] =	sst s1  }
0xa: {  	[smem:$0x3FA1] =	sst s2  }
0xb: {  	[smem:$0x3FA2] =	sst s3  }
0xc: {  	[smem:$0x3FA3] =	sst s4  }
0xd: {  	[smem:$0x3FA4] =	sst s5  }
0xe: {  	[smem:$0x3FA5] =	sst s6  }
0xf: {  	[smem:$0x3FA6] =	sst s7  }
0x10: {  	[smem:$0x3FA7] =	sst s8  }
0x11: {  	[smem:$0x3FA8] =	sst s9;
	s0 =	simm.s32 @!p0 $0x0  }
0x12: {  	s1 =	sld [smem:$0x3F8E];
	s0 =	simm.s32 @p0 $0x1  }
0x13: {  	[smem:$0x3FA9] =	sst s0;
	s0 =	simm.s32 @!p1 $0x0  }
0x14: {  	s2 =	sld [smem:$0x3F8D];
	s0 =	simm.s32 @p1 $0x1  }
0x15: {  	[smem:$0x3FAA] =	sst s0;
	s0 =	simm.s32 @!p2 $0x0  }
0x16: {  	s3 =	sld [smem:$0x3FDB];
	s0 =	simm.s32 @p2 $0x1  }
0x17: {  	s4 =	simm.s32 $0x1BF5;
	[smem:$0x3FAC] =	sst s0  }
0x18: {  	s0 =	sld [smem:$0x3F8F];
	_ =	swait.ge [sflag:s4], $0x0  }
0x19: {  	s7 =	sld [smem:$0x3F90]  }
0x1a: {  	s8 =	sadd.s32 $0xFFFFE003, lr  }
0x1b: {  	s9 =	sadd.s32 $0xFFFFFEF7, lr;
	s5 =	simm.s32 $0xFFFFFFFF;
	p2 =	slt.u32 s8, $0xFFFFF086  }
0x1c: {  	p1 =	slt.u32 s9, $0xF7A;
	s5 =	simm.s32 @!p2 $0x0  }
0x1d: {  	s5 =	simm.s32 @p1 $0x1;
	p0 =	seq.s32 s7, s2  }
0x1e: {  	s7 =	smul.u32 @!p0 $0xF7A, s2;
	p2 =	seq.s32 @!p0 s5, $0x0  }
0x1f: {  	s9 =	smul.u32 $0xF7A, s1;
	s8 =	simm.s32 @!p0 $0x1BF5;
	p2 =	por !p2, p0  }
0x20: {  	[sflag:s8] =	ssyncset.s32 @!p0 $0xFFFFF086;
	s6 =	sadd.s32 @!p0 s3, s7;
	s7 =	simm.s32 @!p0 $0x108  }
0x21: {  	s3 =	sadd.s32 s3, s9;
	s6 =	sadd.s32 @!p0 $0x88, s6;
	s7 =	simm.s32 @p2 $0x1082  }
0x22: {  	[simem:s7], [sflag:s8] =	dma.local @!p0 [hbm:s6], $0xF7A  }
0x23: {  	s9 =	sor.u32 $0xD0000000, s2;
	s6 =	simm.s32 $0x108;
	_ =	swait.ge @!p0 [sflag:s8], $0x0  }
0x24: {  	s3 =	sadd.s32 $0x88, s3;
	s6 =	simm.s32 @!p1 $0x1082;
	[sflag:s4] =	ssyncset.s32 $0xFFFFF086  }
0x25: {  	[simem:s6], [sflag:s4] =	dma.local [hbm:s3], $0xF7A  }
0x26: {  	[smem:$0x3F90] =	sst s1;
	(tag) =	ssettag s2;
	_ =	strace s9  }
0x27: {  	s1 =	sld [smem:$0x3FA0]  }
0x28: {  	s2 =	sld [smem:$0x3FA1]  }
0x29: {  	s4 =	sld [smem:$0x3FA3]  }
0x2a: {  	p0 =	seq.s32 s5, $0x0;
	s5 =	sld [smem:$0x3FA4]  }
0x2b: {  	s6 =	sld [smem:$0x3FA5]  }
0x2c: {  	s7 =	sld [smem:$0x3FA6]  }
0x2d: {  	s3 =	simm.s32 $0x108;
	s8 =	sld [smem:$0x3FA7]  }
0x2e: {  	s3 =	simm.s32 @!p0 $0x1082;
	s9 =	sld [smem:$0x3FA8]  }
0x2f: {  	lr =	sadd.s32 s0, s3;
	s0 =	sld [smem:$0x3F9F]  }
0x30: {  	s3 =	sld [smem:$0x3FA2]  }
0x31: {  	[smem:$0x3FAB] =	sst s10  }
0x32: {  	s10 =	sld [smem:$0x3FA9];
	_ =	sdelay $0x3  }
0x33: {  	p0 =	seq.s32 s10, $0x1;
	s10 =	sld [smem:$0x3FAB];
	_ =	sdelay $0x3  }
0x34: {  	[smem:$0x3FAB] =	sst s10  }
0x35: {  	s10 =	sld [smem:$0x3FAA];
	_ =	sdelay $0x3  }
0x36: {  	p1 =	seq.s32 s10, $0x1;
	s10 =	sld [smem:$0x3FAB];
	_ =	sdelay $0x3  }
0x37: {  	[smem:$0x3FAB] =	sst s10  }
0x38: {  	s10 =	sld [smem:$0x3FAC]  }
0x39: {  	_ = 	snop;
	(pc) =	sbr.ind lr, $3  }
0x3a: {  	_ = 	snop  }
0x3b: {  	_ = 	snop  }
0x3c: {  	p2 =	seq.s32 s10, $0x1;
	s10 =	sld [smem:$0x3FAB]  }
0x3d: {  	_ =	shalt  }
0x3e: {  	_ =	shalt  }
0x3f: {  	_ =	shalt  }
0x40: {  	_ =	shalt  }
0x41: {  	_ =	shalt  }
0x42: {  	_ =	shalt  }
0x43: {  	_ =	shalt  }
0x44: {  	_ =	shalt  }
0x45: {  	_ =	shalt  }
0x46: {  	_ =	shalt  }
0x47: {  	_ =	shalt  }
0x48: {  	_ =	shalt  }
0x49: {  	_ =	shalt  }
0x4a: {  	_ =	shalt  }
0x4b: {  	_ =	shalt  }
0x4c: {  	_ =	shalt  }
0x4d: {  	_ =	shalt  }
0x4e: {  	_ =	shalt  }
0x4f: {  	_ =	shalt  }
0x50: {  	_ =	shalt  }
0x51: {  	_ =	shalt  }
0x52: {  	_ =	shalt  }
0x53: {  	_ =	shalt  }
0x54: {  	_ =	shalt  }
0x55: {  	_ =	shalt  }
0x56: {  	_ =	shalt  }
0x57: {  	_ =	shalt  }
0x58: {  	_ =	shalt  }
0x59: {  	_ =	shalt  }
0x5a: {  	_ =	shalt  }
0x5b: {  	_ =	shalt  }
0x5c: {  	_ =	shalt  }
0x5d: {  	_ =	shalt  }
0x5e: {  	_ =	shalt  }
0x5f: {  	_ =	shalt  }
0x60: {  	_ =	shalt  }
0x61: {  	_ =	shalt  }
0x62: {  	_ =	shalt  }
0x63: {  	_ =	shalt  }
0x64: {  	_ =	shalt  }
0x65: {  	_ =	shalt  }
0x66: {  	_ =	shalt  }
0x67: {  	_ =	shalt  }
0x68: {  	_ =	shalt  }
0x69: {  	_ =	shalt  }
0x6a: {  	_ =	shalt  }
0x6b: {  	_ =	shalt  }
0x6c: {  	_ =	shalt  }
0x6d: {  	_ =	shalt  }
0x6e: {  	_ =	shalt  }
0x6f: {  	_ =	shalt  }
0x70: {  	_ =	shalt  }
0x71: {  	_ =	shalt  }
0x72: {  	_ =	shalt  }
0x73: {  	_ =	shalt  }
0x74: {  	_ =	shalt  }
0x75: {  	_ =	shalt  }
0x76: {  	_ =	shalt  }
0x77: {  	_ =	shalt  }
0x78: {  	_ =	shalt  }
0x79: {  	_ =	shalt  }
0x7a: {  	_ =	shalt  }
0x7b: {  	_ =	shalt  }
0x7c: {  	_ =	shalt  }
0x7d: {  	_ =	shalt  }
0x7e: {  	_ =	shalt  }
0x7f: {  	_ =	shalt  }
0x80: {  	_ =	shalt  }
0x81: {  	_ =	shalt  }
0x82: {  	_ =	shalt  }
0x83: {  	_ =	shalt  }
0x84: {  	_ =	shalt  }
0x85: {  	_ =	shalt  }
0x86: {  	_ =	shalt  }
0x87: {  	_ =	shalt  }
.Lfunc_end0:
.L_simem_size_0:
called_computation_lowered:
.L_overlay_start_0:
0x88: {  	s2 =	sld [smem:$0x3FD9]  }
0x89: {  	s3 =	sld [smem:$0x3FFE];
	_ =	sdelay $0x1  }
0x8a: {  	s1 =	srdreg.scid  }
0x8b: {  	s0 =	sand.u32 $0x1, s1  }
0x8c: {  	s17 =	sshll.u32 s0, $0xA;
	s2 =	sadd.s32 s3, s2  }
0x8d: {  	s2 =	sadd.s32 s2, s17  }
0x8e: {  	[smem:$0x3FB7] =	sst s2  }
0x8f: {  	_ = 	snop  }
0x90: {  	s2 =	sld [smem:$0x3FD0];
	(tm) =	ssettm $0x1  }
0x91: {  	s18 =	sld [smem:$0x3FFB];
	_ =	sdelay $0x3  }
0x92: {  	_ =	strace s18  }
0x93: {  	s3 =	sld [smem:$0x3FFC];
	_ =	sdelay $0x3  }
0x94: {  	_ =	strace s3  }
0x95: {  	s3 =	sld [smem:$0x3FFD];
	_ =	sdelay $0x3  }
0x96: {  	_ =	strace s3  }
0x97: {  	_ =	strace $0x8FFFFFFF  }
0x98: {  	s19 =	sld [smem:$0x3FDB];
	_ =	sdelay $0x1  }
0x99: {  	s4 =	simm.s32 $_scs_section_size  }
0x9a: {  	s5 =	simm.s32 $_size__tile_overlayer_lowered;
	s6 =	simm.s32 $_tile_overlayer_lowered  }
0x9b: {  	s22 =	simm.s32 $0x1BFF;
	s21 =	sshll.u32 s6, $0x1;
	s3 =	sadd.s32 s4, s19  }
0x9c: {  	s7 =	simm.s32 $0x0;
	s20 =	sshll.u32 s5, $0x1;
	s5 =	sadd.s32 s21, s3  }
0x9d: {  	[timem:s7], [sflag:s22] =	dma.local [hbm:s5], s20  }
0x9e: {  	_ =	swait.ge [sflag:s22], s20  }
0x9f: {  	s4 =	ssub.s32 $0x0, s20;
	[sflag:s22] =	ssyncset.done $0x0  }
0xa0: {  	[sflag:s22] =	ssyncadd.s32 s4;
	_ =	sdelay $0x1  }
0xa1: {  	s23 =	simm.s32 $0x1B8B  }
0xa2: {  	_ =	swait.ge [sflag:s23], $0x1  }
0xa3: {  	[sflag:s23] =	ssyncset.done $0x0  }
0xa4: {  	s25 =	simm.s32 $0x1B8E;
	s24 =	sld [smem:$0x3FFE];
	[sflag:s23] =	ssyncadd.s32 $0xFFFFFFFF  }
0xa5: {  	s26 =	simm.s32 $execute0_lowered;
	[smem:$0x3FD2] =	sst s25  }
0xa6: {  	s5 =	sshll.u32 s26, $0x1;
	_ =	strace $0x80000046;
	[dreg:$0x1] =	wrdreg $0xFFFFFFFF  }
0xa7: {  	s28 =	simm.s32 $_size_execute0_lowered;
	s3 =	sadd.s32 s3, s5;
	[dreg:$0x0] =	wrdreg $0x0  }
0xa8: {  	s5 =	sshll.u32 s28, $0x1;
	[dreg:$0x2] =	wrdreg s3  }
0xa9: {  	[dreg:$0x3] =	wrdreg s5  }
0xaa: {  	[dreg:$0x4] =	wrdreg $0xC0  }
0xab: {  	_ =	task [dreg:s7], $0x5FFFF  }
0xac: {  	[dreg:$0x1] =	wrdreg $0xFFFFFFFF  }
0xad: {  	[dreg:$0x0] =	wrdreg $0x60  }
0xae: {  	[dreg:$0x2] =	wrdreg s24  }
0xaf: {  	[dreg:$0x3] =	wrdreg s2  }
0xb0: {  	[dreg:$0x4] =	wrdreg $0x53000  }
0xb1: {  	[dreg:$0x5] =	wrdreg $0x9  }
0xb2: {  	_ =	task.clear_ibuf [dreg:s7], $0x6FFFF;
	_ =	strace $0x90000046  }
0xb3: {  	s29 =	simm.s32 $0x9;
	_ =	strace $0x80000048  }
0xb4: {  	_ =	swait.ge [sflag:s29], $0x1  }
0xb5: {  	[sflag:s29] =	ssyncadd.s32 $0xFFFFFFFF  }
0xb6: {  	_ =	strace $0x90000048  }
0xb7: {  	_ =	sfence  }
0xb8: {  	s30 =	sld [smem:$0x0];
	_ =	sdelay $0x2  }
0xb9: {  	s31 =	sshll.u32 s1, $0xD;
	s1 =	sshrl.u32 s1, $0x2  }
0xba: {  	s3 =	sand.u32 $0x4000, s31;
	s1 =	sadd.s32 s1, s30  }
0xbb: {  	s0 =	sor.u32 s3, s0;
	s1 =	sshll.u32 s1, $0x11  }
0xbc: {  	s0 =	sor.u32 s1, s0  }
0xbd: {  	s0 =	sadd.s32 $0x8F2B, s0  }
0xbe: {  	[sflag:s0] =	ssyncadd.remote.s32 $0x1  }
0xbf: {  	_ =	sfence.sel $0xFFFF  }
0xc0: {  	[dreg:$0x0] =	wrdreg $0xFFFFFFFF;
	(pc) =	sbr.abs _section_cstart, $3  }
0xc1: {  	[dreg:$0x1] =	wrdreg $0xFFFFFFFF  }
0xc2: {  	_ =	task.clear_ibuf [dreg:s7], $0x2FFFF;
	_ =	strace $0x9FFFFFFF  }
0xc3: {  	(tm) =	ssettm $0x7FFFFFFF  }
tec
execute0_lowered:
.L_overlay_start_1:
0x0: {  	(tag) =	ssettag $0x1  }
0x1: {  	s4 =	rddreg [dreg:$0x0]  }
0x2: {  	s6 =	rddreg [dreg:$0x1]  }
0x3: {  	s2 =	rddreg [dreg:$0x2]  }
0x4: {  	s0 =	rddreg [dreg:$0x3]  }
0x5: {  	s3 =	srdreg.scid;
	s1 =	stileid.u32  }
0x6: {  	s11 =	simm.s32 $0x5000;
	s14 =	simm.s32 $0x0;
	s5 =	sand.u32 $0x1, s3  }
0x7: {  	s7 =	sshll.u32 s1, $0x1;
	s8 =	smul.u32 $0x280, s1;
	s3 =	simm.s32 $0x0  }
0x8: {  	s12 =	sshll.u32 s1, $0x6;
	s7 =	sor.u32 s5, s7;
	s9 =	smul.u32 $0x2800, s5  }
0x9: {  	[smem:$0x7FF] =	sst s3;
	s5 =	ssub.s32 $0x2, s5;
	s7 =	smul.u32 $0xA00, s7  }
0xa: {  	s12 =	sor.u32 $0x1C01, s12;
	_ =	strace $0x80000047;
	s10 =	sshrl.u32 s5, $0x1  }
0xb: {  	s9 =	sadd.s32 s8, s9;
	s10 =	ssub.s32 s5, s10;
	s7 =	sadd.s32 s7, s4  }
0xc: {  	s9 =	sshrl.u32 s9, $0x3;
	s4 =	sadd.s32 s8, s2;
	s8 =	simm.s32 $0x5080  }
0xd: {  	s5 =	sadd.s32 $0x4E00, s7;
	s6 =	sadd.s32 s6, s9;
	s7 =	smax.u32 s10, $0x1  }
0xe: {  	v0 =	vimm.f32 $1.000000000e+00;
	v1 =	vimm.f32 $0.0e+00;
	s9 =	simm.s32 $0x1;
	s10 =	simm.s32 $0x40;
	s13 =	sshrl.u32 s4, $0x3  }
.LBB2_1:
0xf: {  	[tilespmem:$0x5000] =	vst v0  }
0x10: {  	[tilespmem:$0x5010] =	vst v0  }
0x11: {  	[tilespmem:$0x5020] =	vst v0  }
0x12: {  	[tilespmem:$0x5030] =	vst v0  }
0x13: {  	[tilespmem:$0x5080] =	vst v1  }
0x14: {  	[tilespmem:$0x5090] =	vst v1  }
0x15: {  	[tilespmem:$0x50A0] =	vst v1  }
0x16: {  	[tilespmem:$0x50B0] =	vst v1  }
0x17: {  	[tilespmem:$0x50C0] =	vst v1  }
0x18: {  	[tilespmem:$0x50D0] =	vst v1  }
0x19: {  	[tilespmem:$0x50E0] =	vst v1  }
0x1a: {  	[tilespmem:$0x50F0] =	vst v1  }
0x1b: {  	[tilespmem:$0x5100] =	vst v1  }
0x1c: {  	[tilespmem:$0x5110] =	vst v1  }
0x1d: {  	[tilespmem:$0x5120] =	vst v1  }
0x1e: {  	[tilespmem:$0x5130] =	vst v1  }
0x1f: {  	[tilespmem:$0x5140] =	vst v1  }
0x20: {  	[tilespmem:$0x5150] =	vst v1  }
0x21: {  	[tilespmem:$0x5160] =	vst v1  }
0x22: {  	[tilespmem:$0x5170] =	vst v1  }
0x23: {  	[tilespmem:$0x5180] =	vst v1  }
0x24: {  	[tilespmem:$0x5190] =	vst v1  }
0x25: {  	[tilespmem:$0x51A0] =	vst v1  }
0x26: {  	[tilespmem:$0x51B0] =	vst v1  }
0x27: {  	[tilespmem:$0x51C0] =	vst v1  }
0x28: {  	[tilespmem:$0x51D0] =	vst v1  }
0x29: {  	[tilespmem:$0x51E0] =	vst v1  }
0x2a: {  	[tilespmem:$0x51F0] =	vst v1  }
0x2b: {  	[tilespmem:$0x5200] =	vst v1  }
0x2c: {  	[tilespmem:$0x5210] =	vst v1  }
0x2d: {  	[tilespmem:$0x5220] =	vst v1  }
0x2e: {  	[tilespmem:$0x5230] =	vst v1  }
0x2f: {  	[tilespmem:$0x5240] =	vst v1  }
0x30: {  	[tilespmem:$0x5250] =	vst v1  }
0x31: {  	[tilespmem:$0x5260] =	vst v1  }
0x32: {  	[tilespmem:$0x5270] =	vst v1  }
0x33: {  	[tilespmem:$0x5280] =	vst v1  }
0x34: {  	[tilespmem:$0x5290] =	vst v1  }
0x35: {  	[tilespmem:$0x52A0] =	vst v1  }
0x36: {  	[tilespmem:$0x52B0] =	vst v1  }
0x37: {  	[tilespmem:$0x52C0] =	vst v1  }
0x38: {  	[tilespmem:$0x52D0] =	vst v1  }
0x39: {  	[tilespmem:$0x52E0] =	vst v1  }
0x3a: {  	[tilespmem:$0x52F0] =	vst v1  }
0x3b: {  	[spmem:s4] =	stream.linear.scatter [tilespmem:s8], [sflag:$0x1], $0x280, $0x38;
	[tilespmem:$0x5580] =	vst v63  }
0x3c: {  	_ =	swait.ge [sflag:s9], $0x280  }
0x3d: {  	[sflag:s9] =	ssyncset.done $0x0  }
0x3e: {  	[sflag:s9] =	ssyncadd.s32 $0xFFFFFD80  }
0x3f: {  	[tilespmem:s3], [sflag:$0x1] =	stream.linear.gather [hbm4b:s5+s3], $0x5000, $0x38;
	[tilespmem:$0x5580] =	vst v63  }
0x40: {  	_ =	swait.ge [sflag:s9], $0x5000  }
0x41: {  	[sflag:s9] =	ssyncset.done $0x0  }
0x42: {  	[sflag:s9] =	ssyncadd.s32 $0xFFFFB000  }
0x43: {  	s15 =	simm.s32 $0x0;
	[bflag:$0x0] =	sbarrier.arrive $0xFFFF  }
0x44: {  	[spmem:s2] =	stream.indirect.scatter.add.f32 [tilespmem:s11], [sflag:$0x1], $0x1, s15, s10, $0xb8;
	[tilespmem:$0x5580] =	vst v63  }
0x45: {  	_ =	swait.ge [sflag:s9], $0x40  }
0x46: {  	s15 =	simm.s32 $0x200;
	[sflag:s9] =	ssyncset.done $0x0  }
.LBB2_2:
0x47: {  	s16 =	sshra.s32 s15, $0x2;
	[sflag:s9] =	ssyncadd.s32 $0xFFFFFFC0;
	p0 =	sne.s32 s15, $0x13E00  }
0x48: {  	[spmem:s2] =	stream.indirect.scatter.add.f32 [tilespmem:s11], [sflag:$0x1], $0x1, s16, s10, $0xb8;
	[tilespmem:$0x5580] =	vst v63  }
.Ltmp0:
0x49: {  	_ = 	snop;
	(pc) =	sbr.rel @p0 .LBB2_2-.Ltmp0, $4  }
0x4a: {  	_ = 	snop  }
0x4b: {  	s15 =	sadd.s32 $0x200, s15  }
0x4c: {  	_ =	swait.ge [sflag:s9], $0x40  }
0x4d: {  	[sflag:s9] =	ssyncset.done $0x0  }
0x4e: {  	s14 =	sadd.s32 $0x1, s14  }
0x4f: {  	[sflag:s9] =	ssyncadd.s32 $0xFFFFFFC0;
	p0 =	sne.s32 s14, s7  }
.Ltmp1:
0x50: {  	[bflag:$0x0] =	sbarrier.arrive $0xFFFF;
	(pc) =	sbr.rel @p0 .LBB2_1-.Ltmp1, $4  }
0x51: {  	[hbm:s6], [sflag:s12] =	dma.local [spmem:s13], $0x50  }
0x52: {  	_ =	swait.ge [sflag:s9], $0x50  }
0x53: {  	[sflag:s9] =	ssyncset.done $0x0  }
0x54: {  	[sflag:s9] =	ssyncadd.s32 $0xFFFFFFB0  }
0x55: {  	_ =	sfence.sel $0x180000  }
0x56: {  	[bflag:$0x0] =	sbarrier.arrive $0xFFFF  }
0x57: {  	p0 =	sne.s32 s1, $0x0;
	_ =	strace $0x90000047  }
0x58: {  	s0 =	sadd.s32 @!p0 $0x100000, s0;
	[bflag:$0x2] =	sbarrier.arrive $0xFFFF  }
0x59: {  	[sflag:s0] =	ssyncadd.tile.s32 @!p0 $0x1;
	_ =	shalt  }
.Lfunc_end2:
_tile_overlayer_lowered:
.L_overlay_start_2:
0x5a: {  	(tag) =	ssettag $0x2  }
0x5b: {  	s0 =	rddreg [dreg:$0x0];
	s2 =	stileid.u32  }
0x5c: {  	s1 =	rddreg [dreg:$0x1];
	p0 =	sne.s32 s2, $0x0  }
0x5d: {  	s3 =	rddreg [dreg:$0x2];
	[bflag:$0x3] =	sbarrier.arrive $0xFFFF;
	s2 =	simm.s32 @!p0 $0x1C01  }
0x5e: {  	[timem:s3], [sflag:s2] =	dma.local @!p0 [hbm:s0], s1  }
0x5f: {  	s0 =	simm.s32 @!p0 $0x1  }
0x60: {  	_ =	swait.ge @!p0 [sflag:s0], s1  }
0x61: {  	s1 =	ssub.s32 @!p0 $0x0, s1;
	[sflag:s0] =	ssyncset.done @!p0 $0x0  }
0x62: {  	[sflag:s0] =	ssyncadd.s32 @!p0 s1  }
0x63: {  	[bflag:$0x3] =	sbarrier.arrive $0xFFFF  }
0x64: {  	_ =	shalt  }

// kernel: kernel.18.cloned.1.call-start
scs
__scs_entry_jumppad:
0x0: {  	(pc) =	sbr.rel $0x88, $3  }
0x1: {  	(tag) =	ssettag $0x0;
	lr =	simm.s32 $0x1  }
0x2: {  	[smem:$0x3F90] =	sst lr;
	_ =	strace $0xD0000000  }
0x3: {  	_ = 	snop  }
0x4: {  	_ = 	snop  }
0x5: {  	_ = 	snop  }
0x6: {  	_ = 	snop  }
0x7: {  	_ = 	snop  }
__scs_overlays_trampoline_lowered:
0x8: {  	[smem:$0x3F9F] =	sst s0  }
0x9: {  	[smem:$0x3FA0] =	sst s1  }
0xa: {  	[smem:$0x3FA1] =	sst s2  }
0xb: {  	[smem:$0x3FA2] =	sst s3  }
0xc: {  	[smem:$0x3FA3] =	sst s4  }
0xd: {  	[smem:$0x3FA4] =	sst s5  }
0xe: {  	[smem:$0x3FA5] =	sst s6  }
0xf: {  	[smem:$0x3FA6] =	sst s7  }
0x10: {  	[smem:$0x3FA7] =	sst s8  }
0x11: {  	[smem:$0x3FA8] =	sst s9;
	s0 =	simm.s32 @!p0 $0x0  }
0x12: {  	s1 =	sld [smem:$0x3F8E];
	s0 =	simm.s32 @p0 $0x1  }
0x13: {  	[smem:$0x3FA9] =	sst s0;
	s0 =	simm.s32 @!p1 $0x0  }
0x14: {  	s2 =	sld [smem:$0x3F8D];
	s0 =	simm.s32 @p1 $0x1  }
0x15: {  	[smem:$0x3FAA] =	sst s0;
	s0 =	simm.s32 @!p2 $0x0  }
0x16: {  	s3 =	sld [smem:$0x3FDB];
	s0 =	simm.s32 @p2 $0x1  }
0x17: {  	s4 =	simm.s32 $0x1BF5;
	[smem:$0x3FAC] =	sst s0  }
0x18: {  	s0 =	sld [smem:$0x3F8F];
	_ =	swait.ge [sflag:s4], $0x0  }
0x19: {  	s7 =	sld [smem:$0x3F90]  }
0x1a: {  	s8 =	sadd.s32 $0xFFFFE003, lr  }
0x1b: {  	s9 =	sadd.s32 $0xFFFFFEF7, lr;
	s5 =	simm.s32 $0xFFFFFFFF;
	p2 =	slt.u32 s8, $0xFFFFF086  }
0x1c: {  	p1 =	slt.u32 s9, $0xF7A;
	s5 =	simm.s32 @!p2 $0x0  }
0x1d: {  	s5 =	simm.s32 @p1 $0x1;
	p0 =	seq.s32 s7, s2  }
0x1e: {  	s7 =	smul.u32 @!p0 $0xF7A, s2;
	p2 =	seq.s32 @!p0 s5, $0x0  }
0x1f: {  	s9 =	smul.u32 $0xF7A, s1;
	s8 =	simm.s32 @!p0 $0x1BF5;
	p2 =	por !p2, p0  }
0x20: {  	[sflag:s8] =	ssyncset.s32 @!p0 $0xFFFFF086;
	s6 =	sadd.s32 @!p0 s3, s7;
	s7 =	simm.s32 @!p0 $0x108  }
0x21: {  	s3 =	sadd.s32 s3, s9;
	s6 =	sadd.s32 @!p0 $0x88, s6;
	s7 =	simm.s32 @p2 $0x1082  }
0x22: {  	[simem:s7], [sflag:s8] =	dma.local @!p0 [hbm:s6], $0xF7A  }
0x23: {  	s9 =	sor.u32 $0xD0000000, s2;
	s6 =	simm.s32 $0x108;
	_ =	swait.ge @!p0 [sflag:s8], $0x0  }
0x24: {  	s3 =	sadd.s32 $0x88, s3;
	s6 =	simm.s32 @!p1 $0x1082;
	[sflag:s4] =	ssyncset.s32 $0xFFFFF086  }
0x25: {  	[simem:s6], [sflag:s4] =	dma.local [hbm:s3], $0xF7A  }
0x26: {  	[smem:$0x3F90] =	sst s1;
	(tag) =	ssettag s2;
	_ =	strace s9  }
0x27: {  	s1 =	sld [smem:$0x3FA0]  }
0x28: {  	s2 =	sld [smem:$0x3FA1]  }
0x29: {  	s4 =	sld [smem:$0x3FA3]  }
0x2a: {  	p0 =	seq.s32 s5, $0x0;
	s5 =	sld [smem:$0x3FA4]  }
0x2b: {  	s6 =	sld [smem:$0x3FA5]  }
0x2c: {  	s7 =	sld [smem:$0x3FA6]  }
0x2d: {  	s3 =	simm.s32 $0x108;
	s8 =	sld [smem:$0x3FA7]  }
0x2e: {  	s3 =	simm.s32 @!p0 $0x1082;
	s9 =	sld [smem:$0x3FA8]  }
0x2f: {  	lr =	sadd.s32 s0, s3;
	s0 =	sld [smem:$0x3F9F]  }
0x30: {  	s3 =	sld [smem:$0x3FA2]  }
0x31: {  	[smem:$0x3FAB] =	sst s10  }
0x32: {  	s10 =	sld [smem:$0x3FA9];
	_ =	sdelay $0x3  }
0x33: {  	p0 =	seq.s32 s10, $0x1;
	s10 =	sld [smem:$0x3FAB];
	_ =	sdelay $0x3  }
0x34: {  	[smem:$0x3FAB] =	sst s10  }
0x35: {  	s10 =	sld [smem:$0x3FAA];
	_ =	sdelay $0x3  }
0x36: {  	p1 =	seq.s32 s10, $0x1;
	s10 =	sld [smem:$0x3FAB];
	_ =	sdelay $0x3  }
0x37: {  	[smem:$0x3FAB] =	sst s10  }
0x38: {  	s10 =	sld [smem:$0x3FAC]  }
0x39: {  	_ = 	snop;
	(pc) =	sbr.ind lr, $3  }
0x3a: {  	_ = 	snop  }
0x3b: {  	_ = 	snop  }
0x3c: {  	p2 =	seq.s32 s10, $0x1;
	s10 =	sld [smem:$0x3FAB]  }
0x3d: {  	_ =	shalt  }
0x3e: {  	_ =	shalt  }
0x3f: {  	_ =	shalt  }
0x40: {  	_ =	shalt  }
0x41: {  	_ =	shalt  }
0x42: {  	_ =	shalt  }
0x43: {  	_ =	shalt  }
0x44: {  	_ =	shalt  }
0x45: {  	_ =	shalt  }
0x46: {  	_ =	shalt  }
0x47: {  	_ =	shalt  }
0x48: {  	_ =	shalt  }
0x49: {  	_ =	shalt  }
0x4a: {  	_ =	shalt  }
0x4b: {  	_ =	shalt  }
0x4c: {  	_ =	shalt  }
0x4d: {  	_ =	shalt  }
0x4e: {  	_ =	shalt  }
0x4f: {  	_ =	shalt  }
0x50: {  	_ =	shalt  }
0x51: {  	_ =	shalt  }
0x52: {  	_ =	shalt  }
0x53: {  	_ =	shalt  }
0x54: {  	_ =	shalt  }
0x55: {  	_ =	shalt  }
0x56: {  	_ =	shalt  }
0x57: {  	_ =	shalt  }
0x58: {  	_ =	shalt  }
0x59: {  	_ =	shalt  }
0x5a: {  	_ =	shalt  }
0x5b: {  	_ =	shalt  }
0x5c: {  	_ =	shalt  }
0x5d: {  	_ =	shalt  }
0x5e: {  	_ =	shalt  }
0x5f: {  	_ =	shalt  }
0x60: {  	_ =	shalt  }
0x61: {  	_ =	shalt  }
0x62: {  	_ =	shalt  }
0x63: {  	_ =	shalt  }
0x64: {  	_ =	shalt  }
0x65: {  	_ =	shalt  }
0x66: {  	_ =	shalt  }
0x67: {  	_ =	shalt  }
0x68: {  	_ =	shalt  }
0x69: {  	_ =	shalt  }
0x6a: {  	_ =	shalt  }
0x6b: {  	_ =	shalt  }
0x6c: {  	_ =	shalt  }
0x6d: {  	_ =	shalt  }
0x6e: {  	_ =	shalt  }
0x6f: {  	_ =	shalt  }
0x70: {  	_ =	shalt  }
0x71: {  	_ =	shalt  }
0x72: {  	_ =	shalt  }
0x73: {  	_ =	shalt  }
0x74: {  	_ =	shalt  }
0x75: {  	_ =	shalt  }
0x76: {  	_ =	shalt  }
0x77: {  	_ =	shalt  }
0x78: {  	_ =	shalt  }
0x79: {  	_ =	shalt  }
0x7a: {  	_ =	shalt  }
0x7b: {  	_ =	shalt  }
0x7c: {  	_ =	shalt  }
0x7d: {  	_ =	shalt  }
0x7e: {  	_ =	shalt  }
0x7f: {  	_ =	shalt  }
0x80: {  	_ =	shalt  }
0x81: {  	_ =	shalt  }
0x82: {  	_ =	shalt  }
0x83: {  	_ =	shalt  }
0x84: {  	_ =	shalt  }
0x85: {  	_ =	shalt  }
0x86: {  	_ =	shalt  }
0x87: {  	_ =	shalt  }
.Lfunc_end0:
.L_simem_size_0:
called_computation.1_lowered:
.L_overlay_start_0:
0x88: {  	s2 =	sld [smem:$0x3FD9]  }
0x89: {  	s3 =	sld [smem:$0x3FFE];
	_ =	sdelay $0x1  }
0x8a: {  	s1 =	srdreg.scid  }
0x8b: {  	s0 =	sand.u32 $0x1, s1  }
0x8c: {  	s16 =	sshll.u32 s0, $0xA;
	s2 =	sadd.s32 s3, s2  }
0x8d: {  	s2 =	sadd.s32 s2, s16  }
0x8e: {  	[smem:$0x3FB7] =	sst s2  }
0x8f: {  	_ = 	snop  }
0x90: {  	(tm) =	ssettm $0x1  }
0x91: {  	s17 =	sld [smem:$0x3FFB];
	_ =	sdelay $0x3  }
0x92: {  	_ =	strace s17  }
0x93: {  	s2 =	sld [smem:$0x3FFC];
	_ =	sdelay $0x3  }
0x94: {  	_ =	strace s2  }
0x95: {  	s2 =	sld [smem:$0x3FFD];
	_ =	sdelay $0x3  }
0x96: {  	_ =	strace s2  }
0x97: {  	_ =	strace $0x8FFFFFFF  }
0x98: {  	s18 =	sld [smem:$0x3FDB];
	_ =	sdelay $0x1  }
0x99: {  	s19 =	simm.s32 $_scs_section_size  }
0x9a: {  	s4 =	simm.s32 $_size__tile_overlayer_lowered;
	s5 =	simm.s32 $_tile_overlayer_lowered  }
0x9b: {  	s22 =	simm.s32 $0x1BFF;
	s21 =	sshll.u32 s5, $0x1;
	s2 =	sadd.s32 s19, s18  }
0x9c: {  	s6 =	simm.s32 $0x0;
	s20 =	sshll.u32 s4, $0x1;
	s4 =	sadd.s32 s21, s2  }
0x9d: {  	[timem:s6], [sflag:s22] =	dma.local [hbm:s4], s20  }
0x9e: {  	_ =	swait.ge [sflag:s22], s20  }
0x9f: {  	s3 =	ssub.s32 $0x0, s20;
	[sflag:s22] =	ssyncset.done $0x0  }
0xa0: {  	[sflag:s22] =	ssyncadd.s32 s3;
	_ =	sdelay $0x1  }
0xa1: {  	s23 =	simm.s32 $0x1B8B  }
0xa2: {  	_ =	swait.ge [sflag:s23], $0x1  }
0xa3: {  	[sflag:s23] =	ssyncset.done $0x0  }
0xa4: {  	s25 =	simm.s32 $0x1B8E;
	s24 =	sld [smem:$0x3FFE];
	[sflag:s23] =	ssyncadd.s32 $0xFFFFFFFF  }
0xa5: {  	s26 =	simm.s32 $execute0_lowered;
	[smem:$0x3FD2] =	sst s25  }
0xa6: {  	s4 =	sshll.u32 s26, $0x1;
	_ =	strace $0x80000049;
	[dreg:$0x1] =	wrdreg $0xFFFFFFFF  }
0xa7: {  	s28 =	simm.s32 $_size_execute0_lowered;
	s2 =	sadd.s32 s2, s4;
	[dreg:$0x0] =	wrdreg $0x0  }
0xa8: {  	s4 =	sshll.u32 s28, $0x1;
	[dreg:$0x2] =	wrdreg s2  }
0xa9: {  	[dreg:$0x3] =	wrdreg s4  }
0xaa: {  	[dreg:$0x4] =	wrdreg $0xC0  }
0xab: {  	_ =	task [dreg:s6], $0x5FFFF  }
0xac: {  	[dreg:$0x1] =	wrdreg $0xFFFFFFFF  }
0xad: {  	[dreg:$0x0] =	wrdreg $0x60  }
0xae: {  	[dreg:$0x2] =	wrdreg s24  }
0xaf: {  	[dreg:$0x3] =	wrdreg $0x48000  }
0xb0: {  	[dreg:$0x4] =	wrdreg $0x9  }
0xb1: {  	_ =	task.clear_ibuf [dreg:s6], $0x5FFFF;
	_ =	strace $0x90000049  }
0xb2: {  	s29 =	simm.s32 $0x9;
	_ =	strace $0x8000004B  }
0xb3: {  	_ =	swait.ge [sflag:s29], $0x1  }
0xb4: {  	[sflag:s29] =	ssyncadd.s32 $0xFFFFFFFF  }
0xb5: {  	_ =	strace $0x9000004B  }
0xb6: {  	_ =	sfence  }
0xb7: {  	s30 =	sld [smem:$0x0];
	_ =	sdelay $0x2  }
0xb8: {  	s31 =	sshll.u32 s1, $0xD;
	s1 =	sshrl.u32 s1, $0x2  }
0xb9: {  	s3 =	sand.u32 $0x4000, s31;
	s1 =	sadd.s32 s1, s30  }
0xba: {  	s0 =	sor.u32 s3, s0;
	s1 =	sshll.u32 s1, $0x11  }
0xbb: {  	s0 =	sor.u32 s1, s0  }
0xbc: {  	s0 =	sadd.s32 $0x8F2B, s0  }
0xbd: {  	[sflag:s0] =	ssyncadd.remote.s32 $0x1  }
0xbe: {  	_ =	sfence.sel $0xFFFF  }
0xbf: {  	[dreg:$0x0] =	wrdreg $0xFFFFFFFF;
	(pc) =	sbr.abs _section_cstart, $3  }
0xc0: {  	[dreg:$0x1] =	wrdreg $0xFFFFFFFF  }
0xc1: {  	_ =	task.clear_ibuf [dreg:s6], $0x2FFFF;
	_ =	strace $0x9FFFFFFF  }
0xc2: {  	(tm) =	ssettm $0x7FFFFFFF  }
0xc3: {  	_ =	shalt  }
tec
execute0_lowered:
.L_overlay_start_1:
0x0: {  	(tag) =	ssettag $0x1  }
0x1: {  	s0 =	rddreg [dreg:$0x0]  }
0x2: {  	s2 =	rddreg [dreg:$0x1];
	s1 =	srdreg.scid  }
0x3: {  	s9 =	stileid.u32;
	s3 =	simm.s32 $0x0;
	s28 =	simm.s32 $0x100  }
0x4: {  	s29 =	simm.s32 $0x2;
	s30 =	simm.s32 $0x480;
	s5 =	smul.u32 $0x140, s9  }
0x5: {  	s31 =	simm.s32 $0x180;
	s11 =	simm.s32 $0x680;
	s12 =	smul.u32 $0x2800, s9  }
0x6: {  	s1 =	sand.u32 $0x1, s1;
	[smem:$0x7FF] =	sst s3;
	s9 =	smul.u32 $0x50000, s9  }
0x7: {  	s4 =	sadd.s32 $0x2CE00, s0;
	s6 =	smul.u32 $0xF8, s1;
	_ =	strace $0x8000004A  }
0x8: {  	s7 =	smul.u32 $0x28000, s1;
	s8 =	ssub.s32 $0x2, s1;
	p0 =	seq.s32 s1, $0x0  }
0x9: {  	s1 =	simm.s32 $0x1F;
	s14 =	sshrl.u32 s8, $0x1;
	s15 =	sshrl.u32 s9, $0x2  }
0xa: {  	s1 =	simm.s32 @!p0 $0x9;
	s5 =	sadd.s32 s6, s5;
	s13 =	sadd.s32 s12, s7  }
0xb: {  	s6 =	ssub.s32 s8, s14;
	[dreg:$0x3] =	wrdreg s1;
	s5 =	sshll.u32 s5, $0x4  }
0xc: {  	s16 =	smax.u32 s6, $0x1;
	s10 =	sadd.s32 s5, s0;
	s0 =	sadd.s32 s13, s0  }
0xd: {  	s5 =	sadd.s32 s15, s2;
	[dreg:$0x5] =	wrdreg s16;
	s0 =	sadd.s32 $0x54E00, s0  }
0xe: {  	s9 =	simm.s32 $0x600;
	s17 =	sadd.s32 $0x2000, s5;
	[dreg:$0x4] =	wrdreg s0  }
0xf: {  	s1 =	simm.s32 $0x200;
	s18 =	sadd.s32 $0x4000, s5;
	[dreg:$0x6] =	wrdreg s17  }
0x10: {  	s7 =	simm.s32 $0x580;
	s19 =	sadd.s32 $0x6000, s5;
	[dreg:$0x7] =	wrdreg s18  }
0x11: {  	s8 =	simm.s32 $0x280;
	s20 =	sadd.s32 $0x8000, s5;
	[dreg:$0x8] =	wrdreg s19  }
0x12: {  	s12 =	simm.s32 $0x380;
	s21 =	sadd.s32 $0xA000, s5;
	[dreg:$0x9] =	wrdreg s20  }
0x13: {  	s14 =	simm.s32 $0x780;
	s22 =	sadd.s32 $0xC000, s5;
	[dreg:$0xa] =	wrdreg s21  }
0x14: {  	s13 =	simm.s32 $0x700;
	s23 =	sadd.s32 $0xE000, s5;
	[dreg:$0xb] =	wrdreg s22  }
0x15: {  	s15 =	simm.s32 $0x0;
	s24 =	sadd.s32 $0x10000, s5;
	[dreg:$0xc] =	wrdreg s23  }
0x16: {  	s25 =	sadd.s32 $0x12000, s5;
	s26 =	sadd.s32 $0x4E00, s10;
	[dreg:$0xd] =	wrdreg s24  }
0x17: {  	s6 =	sadd.s32 $0x18E00, s10;
	s10 =	simm.s32 $0x300;
	[dreg:$0xe] =	wrdreg s25  }
0x18: {  	[dreg:$0xf] =	wrdreg s26;
	s20 =	simm.s32 $0x800;
	s21 =	simm.s32 $0x3  }
0x19: {  	s22 =	simm.s32 $0x400;
	s23 =	simm.s32 $0x40;
	s24 =	simm.s32 $0x80  }
0x1a: {  	v0 =	vimm.f32 $0.0e+00;
	s25 =	simm.s32 $0x2800;
	s26 =	simm.s32 $0x1;
	s0 =	simm.s32 $0x500  }
.LBB2_1:
0x1b: {  	s16 =	sand.u32 $0x7E00, s3  }
0x1c: {  	s18 =	sand.u32 $0x70, s3;
	s19 =	sshrl.u32 s16, $0x2  }
0x1d: {  	s16 =	simm.s32 $0x40;
	s19 =	sor.u32 s18, s19;
	s18 =	simm.s32 $0x0  }
.LBB2_2:
0x1e: {  	p0 =	sne.s32 s16, $0x7FC0  }
0x1f: {  	[tilespmem:s19+$0x800] =	vst v0;
	s18 =	sadd.s32 $0x10, s18;
	s19 =	smov.u32 s16;
	s16 =	sadd.s32 $0x40, s16  }
.Ltmp0:
0x20: {  	(pc) =	sbr.rel @p0 .LBB2_2-.Ltmp0, $4  }
0x21: {  	_ = 	snop  }
0x22: {  	s19 =	sand.u32 $0x7E00, s19  }
0x23: {  	s17 =	sand.u32 $0x70, s18;
	s19 =	sshrl.u32 s19, $0x2  }
0x24: {  	s19 =	sor.u32 s17, s19  }
0x25: {  	[tilespmem:s19+$0x800] =	vst v0  }
0x26: {  	[spmem:s5] =	stream.linear.scatter [tilespmem:s20], [sflag:$0x3], $0x2000, $0x38;
	[tilespmem:$0x18800] =	vst v63  }
0x27: {  	_ =	swait.ge [sflag:s21], $0x2000  }
0x28: {  	[sflag:s21] =	ssyncset.done $0x0  }
0x29: {  	s16 =	rddreg [dreg:$0x6];
	[sflag:s21] =	ssyncadd.s32 $0xFFFFE000  }
0x2a: {  	[spmem:s16] =	stream.linear.scatter [tilespmem:s20], [sflag:$0x3], $0x2000, $0x38;
	[tilespmem:$0x18800] =	vst v63  }
0x2b: {  	_ =	swait.ge [sflag:s21], $0x2000  }
0x2c: {  	[sflag:s21] =	ssyncset.done $0x0  }
0x2d: {  	s17 =	rddreg [dreg:$0x7];
	[sflag:s21] =	ssyncadd.s32 $0xFFFFE000  }
0x2e: {  	[spmem:s17] =	stream.linear.scatter [tilespmem:s20], [sflag:$0x3], $0x2000, $0x38;
	[tilespmem:$0x18800] =	vst v63  }
0x2f: {  	_ =	swait.ge [sflag:s21], $0x2000  }
0x30: {  	[sflag:s21] =	ssyncset.done $0x0  }
0x31: {  	s18 =	rddreg [dreg:$0x8];
	[sflag:s21] =	ssyncadd.s32 $0xFFFFE000  }
0x32: {  	[spmem:s18] =	stream.linear.scatter [tilespmem:s20], [sflag:$0x3], $0x2000, $0x38;
	[tilespmem:$0x18800] =	vst v63  }
0x33: {  	_ =	swait.ge [sflag:s21], $0x2000  }
0x34: {  	[sflag:s21] =	ssyncset.done $0x0  }
0x35: {  	s19 =	rddreg [dreg:$0x9];
	[sflag:s21] =	ssyncadd.s32 $0xFFFFE000  }
0x36: {  	[spmem:s19] =	stream.linear.scatter [tilespmem:s20], [sflag:$0x3], $0x2000, $0x38;
	[tilespmem:$0x18800] =	vst v63  }
0x37: {  	_ =	swait.ge [sflag:s21], $0x2000  }
0x38: {  	[sflag:s21] =	ssyncset.done $0x0  }
0x39: {  	s17 =	rddreg [dreg:$0xa];
	[sflag:s21] =	ssyncadd.s32 $0xFFFFE000  }
0x3a: {  	[spmem:s17] =	stream.linear.scatter [tilespmem:s20], [sflag:$0x3], $0x2000, $0x38;
	[tilespmem:$0x18800] =	vst v63  }
0x3b: {  	_ =	swait.ge [sflag:s21], $0x2000  }
0x3c: {  	[sflag:s21] =	ssyncset.done $0x0  }
0x3d: {  	s18 =	rddreg [dreg:$0xb];
	[sflag:s21] =	ssyncadd.s32 $0xFFFFE000  }
0x3e: {  	[spmem:s18] =	stream.linear.scatter [tilespmem:s20], [sflag:$0x3], $0x2000, $0x38;
	[tilespmem:$0x18800] =	vst v63  }
0x3f: {  	_ =	swait.ge [sflag:s21], $0x2000  }
0x40: {  	[sflag:s21] =	ssyncset.done $0x0  }
0x41: {  	s19 =	rddreg [dreg:$0xc];
	[sflag:s21] =	ssyncadd.s32 $0xFFFFE000  }
0x42: {  	[spmem:s19] =	stream.linear.scatter [tilespmem:s20], [sflag:$0x3], $0x2000, $0x38;
	[tilespmem:$0x18800] =	vst v63  }
0x43: {  	_ =	swait.ge [sflag:s21], $0x2000  }
0x44: {  	[sflag:s21] =	ssyncset.done $0x0  }
0x45: {  	s17 =	rddreg [dreg:$0xd];
	[sflag:s21] =	ssyncadd.s32 $0xFFFFE000  }
0x46: {  	[spmem:s17] =	stream.linear.scatter [tilespmem:s20], [sflag:$0x3], $0x2000, $0x38;
	[tilespmem:$0x18800] =	vst v63  }
0x47: {  	_ =	swait.ge [sflag:s21], $0x2000  }
0x48: {  	[sflag:s21] =	ssyncset.done $0x0  }
0x49: {  	s18 =	rddreg [dreg:$0xe];
	[sflag:s21] =	ssyncadd.s32 $0xFFFFE000  }
0x4a: {  	[spmem:s18] =	stream.linear.scatter [tilespmem:s20], [sflag:$0x3], $0x2000, $0x38;
	[tilespmem:$0x18800] =	vst v63  }
0x4b: {  	_ =	swait.ge [sflag:s21], $0x2000  }
0x4c: {  	[sflag:s21] =	ssyncset.done $0x0  }
0x4d: {  	[sflag:s21] =	ssyncadd.s32 $0xFFFFE000  }
0x4e: {  	[bflag:$0x0] =	sbarrier.arrive $0xFFFF  }
0x4f: {  	[tilespmem:s3], [sflag:$0x3] =	stream.linear.gather [hbm4b:s6+s3], $0x400, $0x38;
	[tilespmem:$0x18800] =	vst v63  }
0x50: {  	_ =	swait.ge [sflag:s21], $0x400  }
0x51: {  	[sflag:s21] =	ssyncset.done $0x0  }
0x52: {  	s18 =	rddreg [dreg:$0xf];
	[sflag:s21] =	ssyncadd.s32 $0xFFFFFC00  }
0x53: {  	[tilespmem:s22], [sflag:$0x3] =	stream.linear.gather [hbm4b:s18+s3], $0x400, $0x38;
	[tilespmem:$0x18800] =	vst v63  }
0x54: {  	_ =	swait.ge [sflag:s21], $0x400  }
0x55: {  	[sflag:s21] =	ssyncset.done $0x0  }
0x56: {  	[sflag:s21] =	ssyncadd.s32 $0xFFFFFC00  }
0x57: {  	[tilespmem:s20], [sflag:$0x1] =	stream.indirect.gather [hbm4b:s4+s23], $0x80, s3, s23, $0xb8;
	[tilespmem:$0x18800] =	vst v63  }
0x58: {  	_ = 	snop  }
0x59: {  	[tilespmem:s25], [sflag:$0x2] =	stream.indirect.gather [hbm4b:s4+s23], $0x80, s24, s23, $0xb8;
	[tilespmem:$0x18800] =	vst v63  }
0x5a: {  	_ =	swait.ge [sflag:s26], $0x2000  }
0x5b: {  	[sflag:s26] =	ssyncset.done $0x0  }
0x5c: {  	[sflag:s26] =	ssyncadd.s32 $0xFFFFE000  }
0x5d: {  	[spmem:s2] =	stream.indirect.scatter.add.f32 [tilespmem:s20], [sflag:$0x3], $0x80, s22, s23, $0xb8;
	[tilespmem:$0x18800] =	vst v63  }
0x5e: {  	_ =	swait.ge [sflag:s21], $0x2000  }
0x5f: {  	[sflag:s21] =	ssyncset.done $0x0  }
0x60: {  	[sflag:s21] =	ssyncadd.s32 $0xFFFFE000  }
0x61: {  	[tilespmem:s20], [sflag:$0x1] =	stream.indirect.gather [hbm4b:s4+s23], $0x80, s28, s23, $0xb8;
	[tilespmem:$0x18800] =	vst v63  }
0x62: {  	_ =	swait.ge [sflag:s29], $0x2000  }
0x63: {  	[sflag:s29] =	ssyncset.done $0x0  }
0x64: {  	[sflag:s29] =	ssyncadd.s32 $0xFFFFE000  }
0x65: {  	[spmem:s2] =	stream.indirect.scatter.add.f32 [tilespmem:s25], [sflag:$0x3], $0x80, s30, s23, $0xb8;
	[tilespmem:$0x18800] =	vst v63  }
0x66: {  	_ =	swait.ge [sflag:s21], $0x2000  }
0x67: {  	[sflag:s21] =	ssyncset.done $0x0  }
0x68: {  	[sflag:s21] =	ssyncadd.s32 $0xFFFFE000  }
0x69: {  	[tilespmem:s25], [sflag:$0x2] =	stream.indirect.gather [hbm4b:s4+s23], $0x80, s31, s23, $0xb8;
	[tilespmem:$0x18800] =	vst v63  }
0x6a: {  	_ =	swait.ge [sflag:s26], $0x2000  }
0x6b: {  	[sflag:s26] =	ssyncset.done $0x0  }
0x6c: {  	[sflag:s26] =	ssyncadd.s32 $0xFFFFE000  }
0x6d: {  	[spmem:s2] =	stream.indirect.scatter.add.f32 [tilespmem:s20], [sflag:$0x3], $0x80, s0, s23, $0xb8;
	[tilespmem:$0x18800] =	vst v63  }
0x6e: {  	_ =	swait.ge [sflag:s21], $0x2000  }
0x6f: {  	[sflag:s21] =	ssyncset.done $0x0  }
0x70: {  	[sflag:s21] =	ssyncadd.s32 $0xFFFFE000  }
0x71: {  	[tilespmem:s20], [sflag:$0x1] =	stream.indirect.gather [hbm4b:s4+s23], $0x80, s1, s23, $0xb8;
	[tilespmem:$0x18800] =	vst v63  }
0x72: {  	_ =	swait.ge [sflag:s29], $0x2000  }
0x73: {  	[sflag:s29] =	ssyncset.done $0x0  }
0x74: {  	[sflag:s29] =	ssyncadd.s32 $0xFFFFE000  }
0x75: {  	[spmem:s2] =	stream.indirect.scatter.add.f32 [tilespmem:s25], [sflag:$0x3], $0x80, s7, s23, $0xb8;
	[tilespmem:$0x18800] =	vst v63  }
0x76: {  	_ =	swait.ge [sflag:s21], $0x2000  }
0x77: {  	[sflag:s21] =	ssyncset.done $0x0  }
0x78: {  	[sflag:s21] =	ssyncadd.s32 $0xFFFFE000  }
0x79: {  	[tilespmem:s25], [sflag:$0x2] =	stream.indirect.gather [hbm4b:s4+s23], $0x80, s8, s23, $0xb8;
	[tilespmem:$0x18800] =	vst v63  }
0x7a: {  	_ =	swait.ge [sflag:s26], $0x2000  }
0x7b: {  	[sflag:s26] =	ssyncset.done $0x0  }
0x7c: {  	[sflag:s26] =	ssyncadd.s32 $0xFFFFE000  }
0x7d: {  	[spmem:s2] =	stream.indirect.scatter.add.f32 [tilespmem:s20], [sflag:$0x3], $0x80, s9, s23, $0xb8;
	[tilespmem:$0x18800] =	vst v63  }
0x7e: {  	_ =	swait.ge [sflag:s21], $0x2000  }
0x7f: {  	[sflag:s21] =	ssyncset.done $0x0  }
0x80: {  	[sflag:s21] =	ssyncadd.s32 $0xFFFFE000  }
0x81: {  	[tilespmem:s20], [sflag:$0x1] =	stream.indirect.gather [hbm4b:s4+s23], $0x80, s10, s23, $0xb8;
	[tilespmem:$0x18800] =	vst v63  }
0x82: {  	_ =	swait.ge [sflag:s29], $0x2000  }
0x83: {  	[sflag:s29] =	ssyncset.done $0x0  }
0x84: {  	[sflag:s29] =	ssyncadd.s32 $0xFFFFE000  }
0x85: {  	[spmem:s2] =	stream.indirect.scatter.add.f32 [tilespmem:s25], [sflag:$0x3], $0x80, s11, s23, $0xb8;
	[tilespmem:$0x18800] =	vst v63  }
0x86: {  	_ =	swait.ge [sflag:s21], $0x2000  }
0x87: {  	[sflag:s21] =	ssyncset.done $0x0  }
0x88: {  	[sflag:s21] =	ssyncadd.s32 $0xFFFFE000  }
0x89: {  	[tilespmem:s25], [sflag:$0x2] =	stream.indirect.gather [hbm4b:s4+s23], $0x80, s12, s23, $0xb8;
	[tilespmem:$0x18800] =	vst v63  }
0x8a: {  	_ =	swait.ge [sflag:s26], $0x2000  }
0x8b: {  	[sflag:s26] =	ssyncset.done $0x0  }
0x8c: {  	[sflag:s26] =	ssyncadd.s32 $0xFFFFE000  }
0x8d: {  	[spmem:s2] =	stream.indirect.scatter.add.f32 [tilespmem:s20], [sflag:$0x3], $0x80, s13, s23, $0xb8;
	[tilespmem:$0x18800] =	vst v63  }
0x8e: {  	_ =	swait.ge [sflag:s21], $0x2000  }
0x8f: {  	[sflag:s21] =	ssyncset.done $0x0  }
0x90: {  	[sflag:s21] =	ssyncadd.s32 $0xFFFFE000  }
0x91: {  	_ =	swait.ge [sflag:s29], $0x2000  }
0x92: {  	s19 =	rddreg [dreg:$0x3]  }
0x93: {  	p0 =	sne.s32 s19, $0x1  }
.Ltmp1:
0x94: {  	[sflag:s29] =	ssyncset.done $0x0;
	(pc) =	sbr.rel @!p0 .LBB2_5-.Ltmp1, $4  }
0x95: {  	[sflag:s29] =	ssyncadd.s32 $0xFFFFE000  }
0x96: {  	[spmem:s2] =	stream.indirect.scatter.add.f32 [tilespmem:s25], [sflag:$0x3], $0x80, s14, s23, $0xb8;
	[tilespmem:$0x18800] =	vst v63  }
0x97: {  	_ =	swait.ge [sflag:s21], $0x2000  }
0x98: {  	s16 =	sadd.s32 $0xFFFFFFFF, s19;
	s19 =	smov.u32 s6;
	[sflag:s21] =	ssyncset.done $0x0  }
.LBB2_4:
0x99: {  	[sflag:s21] =	ssyncadd.s32 $0xFFFFE000;
	s18 =	sadd.s32 $0x80, s18;
	s19 =	sadd.s32 $0x80, s19  }
0x9a: {  	[tilespmem:s3], [sflag:$0x3] =	stream.linear.gather [hbm4b:s19+s3], $0x400, $0x38;
	[tilespmem:$0x18800] =	vst v63  }
0x9b: {  	p0 =	sne.s32 s16, $0x1;
	s16 =	sadd.s32 $0xFFFFFFFF, s16;
	_ =	swait.ge [sflag:s21], $0x400  }
0x9c: {  	[sflag:s21] =	ssyncset.done $0x0  }
0x9d: {  	[sflag:s21] =	ssyncadd.s32 $0xFFFFFC00  }
0x9e: {  	[tilespmem:s22], [sflag:$0x3] =	stream.linear.gather [hbm4b:s18+s3], $0x400, $0x38;
	[tilespmem:$0x18800] =	vst v63  }
0x9f: {  	_ =	swait.ge [sflag:s21], $0x400  }
0xa0: {  	[sflag:s21] =	ssyncset.done $0x0  }
0xa1: {  	[sflag:s21] =	ssyncadd.s32 $0xFFFFFC00  }
0xa2: {  	[tilespmem:s20], [sflag:$0x1] =	stream.indirect.gather [hbm4b:s4+s23], $0x80, s3, s23, $0xb8;
	[tilespmem:$0x18800] =	vst v63  }
0xa3: {  	_ = 	snop  }
0xa4: {  	[tilespmem:s25], [sflag:$0x2] =	stream.indirect.gather [hbm4b:s4+s23], $0x80, s24, s23, $0xb8;
	[tilespmem:$0x18800] =	vst v63  }
0xa5: {  	_ =	swait.ge [sflag:s26], $0x2000  }
0xa6: {  	[sflag:s26] =	ssyncset.done $0x0  }
0xa7: {  	[sflag:s26] =	ssyncadd.s32 $0xFFFFE000  }
0xa8: {  	[spmem:s2] =	stream.indirect.scatter.add.f32 [tilespmem:s20], [sflag:$0x3], $0x80, s22, s23, $0xb8;
	[tilespmem:$0x18800] =	vst v63  }
0xa9: {  	_ =	swait.ge [sflag:s21], $0x2000  }
0xaa: {  	[sflag:s21] =	ssyncset.done $0x0  }
0xab: {  	[sflag:s21] =	ssyncadd.s32 $0xFFFFE000  }
0xac: {  	[tilespmem:s20], [sflag:$0x1] =	stream.indirect.gather [hbm4b:s4+s23], $0x80, s28, s23, $0xb8;
	[tilespmem:$0x18800] =	vst v63  }
0xad: {  	_ =	swait.ge [sflag:s29], $0x2000  }
0xae: {  	[sflag:s29] =	ssyncset.done $0x0  }
0xaf: {  	[sflag:s29] =	ssyncadd.s32 $0xFFFFE000  }
0xb0: {  	[spmem:s2] =	stream.indirect.scatter.add.f32 [tilespmem:s25], [sflag:$0x3], $0x80, s30, s23, $0xb8;
	[tilespmem:$0x18800] =	vst v63  }
0xb1: {  	_ =	swait.ge [sflag:s21], $0x2000  }
0xb2: {  	[sflag:s21] =	ssyncset.done $0x0  }
0xb3: {  	[sflag:s21] =	ssyncadd.s32 $0xFFFFE000  }
0xb4: {  	[tilespmem:s25], [sflag:$0x2] =	stream.indirect.gather [hbm4b:s4+s23], $0x80, s31, s23, $0xb8;
	[tilespmem:$0x18800] =	vst v63  }
0xb5: {  	_ =	swait.ge [sflag:s26], $0x2000  }
0xb6: {  	[sflag:s26] =	ssyncset.done $0x0  }
0xb7: {  	[sflag:s26] =	ssyncadd.s32 $0xFFFFE000  }
0xb8: {  	[spmem:s2] =	stream.indirect.scatter.add.f32 [tilespmem:s20], [sflag:$0x3], $0x80, s0, s23, $0xb8;
	[tilespmem:$0x18800] =	vst v63  }
0xb9: {  	_ =	swait.ge [sflag:s21], $0x2000  }
0xba: {  	[sflag:s21] =	ssyncset.done $0x0  }
0xbb: {  	[sflag:s21] =	ssyncadd.s32 $0xFFFFE000  }
0xbc: {  	[tilespmem:s20], [sflag:$0x1] =	stream.indirect.gather [hbm4b:s4+s23], $0x80, s1, s23, $0xb8;
	[tilespmem:$0x18800] =	vst v63  }
0xbd: {  	_ =	swait.ge [sflag:s29], $0x2000  }
0xbe: {  	[sflag:s29] =	ssyncset.done $0x0  }
0xbf: {  	[sflag:s29] =	ssyncadd.s32 $0xFFFFE000  }
0xc0: {  	[spmem:s2] =	stream.indirect.scatter.add.f32 [tilespmem:s25], [sflag:$0x3], $0x80, s7, s23, $0xb8;
	[tilespmem:$0x18800] =	vst v63  }
0xc1: {  	_ =	swait.ge [sflag:s21], $0x2000  }
0xc2: {  	[sflag:s21] =	ssyncset.done $0x0  }
0xc3: {  	[sflag:s21] =	ssyncadd.s32 $0xFFFFE000  }
0xc4: {  	[tilespmem:s25], [sflag:$0x2] =	stream.indirect.gather [hbm4b:s4+s23], $0x80, s8, s23, $0xb8;
	[tilespmem:$0x18800] =	vst v63  }
0xc5: {  	_ =	swait.ge [sflag:s26], $0x2000  }
0xc6: {  	[sflag:s26] =	ssyncset.done $0x0  }
0xc7: {  	[sflag:s26] =	ssyncadd.s32 $0xFFFFE000  }
0xc8: {  	[spmem:s2] =	stream.indirect.scatter.add.f32 [tilespmem:s20], [sflag:$0x3], $0x80, s9, s23, $0xb8;
	[tilespmem:$0x18800] =	vst v63  }
0xc9: {  	_ =	swait.ge [sflag:s21], $0x2000  }
0xca: {  	[sflag:s21] =	ssyncset.done $0x0  }
0xcb: {  	[sflag:s21] =	ssyncadd.s32 $0xFFFFE000  }
0xcc: {  	[tilespmem:s20], [sflag:$0x1] =	stream.indirect.gather [hbm4b:s4+s23], $0x80, s10, s23, $0xb8;
	[tilespmem:$0x18800] =	vst v63  }
0xcd: {  	_ =	swait.ge [sflag:s29], $0x2000  }
0xce: {  	[sflag:s29] =	ssyncset.done $0x0  }
0xcf: {  	[sflag:s29] =	ssyncadd.s32 $0xFFFFE000  }
0xd0: {  	[spmem:s2] =	stream.indirect.scatter.add.f32 [tilespmem:s25], [sflag:$0x3], $0x80, s11, s23, $0xb8;
	[tilespmem:$0x18800] =	vst v63  }
0xd1: {  	_ =	swait.ge [sflag:s21], $0x2000  }
0xd2: {  	[sflag:s21] =	ssyncset.done $0x0  }
0xd3: {  	[sflag:s21] =	ssyncadd.s32 $0xFFFFE000  }
0xd4: {  	[tilespmem:s25], [sflag:$0x2] =	stream.indirect.gather [hbm4b:s4+s23], $0x80, s12, s23, $0xb8;
	[tilespmem:$0x18800] =	vst v63  }
0xd5: {  	_ =	swait.ge [sflag:s26], $0x2000  }
0xd6: {  	[sflag:s26] =	ssyncset.done $0x0  }
0xd7: {  	[sflag:s26] =	ssyncadd.s32 $0xFFFFE000  }
0xd8: {  	[spmem:s2] =	stream.indirect.scatter.add.f32 [tilespmem:s20], [sflag:$0x3], $0x80, s13, s23, $0xb8;
	[tilespmem:$0x18800] =	vst v63  }
0xd9: {  	_ =	swait.ge [sflag:s21], $0x2000  }
0xda: {  	[sflag:s21] =	ssyncset.done $0x0  }
0xdb: {  	[sflag:s21] =	ssyncadd.s32 $0xFFFFE000  }
0xdc: {  	_ =	swait.ge [sflag:s29], $0x2000  }
.Ltmp2:
0xdd: {  	[sflag:s29] =	ssyncset.done $0x0;
	(pc) =	sbr.rel @p0 .LBB2_4-.Ltmp2, $4  }
0xde: {  	[sflag:s29] =	ssyncadd.s32 $0xFFFFE000  }
0xdf: {  	[spmem:s2] =	stream.indirect.scatter.add.f32 [tilespmem:s25], [sflag:$0x3], $0x80, s14, s23, $0xb8;
	[tilespmem:$0x18800] =	vst v63  }
0xe0: {  	_ =	swait.ge [sflag:s21], $0x2000  }
0xe1: {  	[sflag:s21] =	ssyncset.done $0x0  }
.LBB2_5:
0xe2: {  	[sflag:s21] =	ssyncadd.s32 $0xFFFFE000;
	s16 =	stileid.u32  }
0xe3: {  	s16 =	sshll.u32 s16, $0x6;
	[bflag:$0x0] =	sbarrier.arrive $0xFFFF  }
0xe4: {  	s17 =	sshrl.u32 s5, $0x3;
	s16 =	sor.u32 $0x1C03, s16;
	s18 =	rddreg [dreg:$0x4]  }
0xe5: {  	[hbm:s18], [sflag:s16] =	dma.local [spmem:s17], $0x2800  }
0xe6: {  	_ =	swait.ge [sflag:s21], $0x2800  }
0xe7: {  	s15 =	sadd.s32 $0x1, s15;
	s19 =	rddreg [dreg:$0x5]  }
0xe8: {  	p0 =	sne.s32 s15, s19  }
.Ltmp3:
0xe9: {  	_ = 	snop;
	(pc) =	sbr.rel @p0 .LBB2_1-.Ltmp3, $3  }
0xea: {  	_ =	sdelay $0x1  }
0xeb: {  	[sflag:s21] =	ssyncset.done $0x0  }
0xec: {  	[sflag:s21] =	ssyncadd.s32 $0xFFFFD800  }
0xed: {  	_ =	sfence.sel $0x180000  }
0xee: {  	[bflag:$0x0] =	sbarrier.arrive $0xFFFF  }
0xef: {  	_ =	strace $0x9000004A  }
0xf0: {  	s0 =	stileid.u32;
	[bflag:$0x2] =	sbarrier.arrive $0xFFFF  }
0xf1: {  	p0 =	sne.s32 s0, $0x0;
	s0 =	rddreg [dreg:$0x2]  }
0xf2: {  	s0 =	sadd.s32 @!p0 $0x100000, s0  }
0xf3: {  	[sflag:s0] =	ssyncadd.tile.s32 @!p0 $0x1;
	_ =	shalt  }
.Lfunc_end2:
_tile_overlayer_lowered:
.L_overlay_start_2:
0xf4: {  	(tag) =	ssettag $0x2  }
0xf5: {  	s0 =	rddreg [dreg:$0x0];
	s2 =	stileid.u32  }
0xf6: {  	s1 =	rddreg [dreg:$0x1];
	p0 =	sne.s32 s2, $0x0  }
0xf7: {  	s3 =	rddreg [dreg:$0x2];
	[bflag:$0x3] =	sbarrier.arrive $0xFFFF;
	s2 =	simm.s32 @!p0 $0x1C03  }
0xf8: {  	[timem:s3], [sflag:s2] =	dma.local @!p0 [hbm:s0], s1  }
0xf9: {  	s0 =	simm.s32 @!p0 $0x3  }
0xfa: {  	_ =	swait.ge @!p0 [sflag:s0], s1  }
0xfb: {  	s1 =	ssub.s32 @!p0 $0x0, s1;
	[sflag:s0] =	ssyncset.done @!p0 $0x0  }
0xfc: {  	[sflag:s0] =	ssyncadd.s32 @!p0 s1  }
0xfd: {  	[bflag:$0x3] =	sbarrier.arrive $0xFFFF  }
0xfe: {  	_ =	shalt  }

// kernel: kernel.21.cloned.1.call-start
scs
__scs_entry_jumppad:
0x0: {  	(pc) =	sbr.rel $0x88, $3  }
0x1: {  	(tag) =	ssettag $0x0;
	lr =	simm.s32 $0x1  }
0x2: {  	[smem:$0x3F90] =	sst lr;
	_ =	strace $0xD0000000  }
0x3: {  	_ = 	snop  }
0x4: {  	_ = 	snop  }
0x5: {  	_ = 	snop  }
0x6: {  	_ = 	snop  }
0x7: {  	_ = 	snop  }
__scs_overlays_trampoline_lowered:
0x8: {  	[smem:$0x3F9F] =	sst s0  }
0x9: {  	[smem:$0x3FA0] =	sst s1  }
0xa: {  	[smem:$0x3FA1] =	sst s2  }
0xb: {  	[smem:$0x3FA2] =	sst s3  }
0xc: {  	[smem:$0x3FA3] =	sst s4  }
0xd: {  	[smem:$0x3FA4] =	sst s5  }
0xe: {  	[smem:$0x3FA5] =	sst s6  }
0xf: {  	[smem:$0x3FA6] =	sst s7  }
0x10: {  	[smem:$0x3FA7] =	sst s8  }
0x11: {  	[smem:$0x3FA8] =	sst s9;
	s0 =	simm.s32 @!p0 $0x0  }
0x12: {  	s1 =	sld [smem:$0x3F8E];
	s0 =	simm.s32 @p0 $0x1  }
0x13: {  	[smem:$0x3FA9] =	sst s0;
	s0 =	simm.s32 @!p1 $0x0  }
0x14: {  	s2 =	sld [smem:$0x3F8D];
	s0 =	simm.s32 @p1 $0x1  }
0x15: {  	[smem:$0x3FAA] =	sst s0;
	s0 =	simm.s32 @!p2 $0x0  }
0x16: {  	s3 =	sld [smem:$0x3FDB];
	s0 =	simm.s32 @p2 $0x1  }
0x17: {  	s4 =	simm.s32 $0x1BF5;
	[smem:$0x3FAC] =	sst s0  }
0x18: {  	s0 =	sld [smem:$0x3F8F];
	_ =	swait.ge [sflag:s4], $0x0  }
0x19: {  	s7 =	sld [smem:$0x3F90]  }
0x1a: {  	s8 =	sadd.s32 $0xFFFFE003, lr  }
0x1b: {  	s9 =	sadd.s32 $0xFFFFFEF7, lr;
	s5 =	simm.s32 $0xFFFFFFFF;
	p2 =	slt.u32 s8, $0xFFFFF086  }
0x1c: {  	p1 =	slt.u32 s9, $0xF7A;
	s5 =	simm.s32 @!p2 $0x0  }
0x1d: {  	s5 =	simm.s32 @p1 $0x1;
	p0 =	seq.s32 s7, s2  }
0x1e: {  	s7 =	smul.u32 @!p0 $0xF7A, s2;
	p2 =	seq.s32 @!p0 s5, $0x0  }
0x1f: {  	s9 =	smul.u32 $0xF7A, s1;
	s8 =	simm.s32 @!p0 $0x1BF5;
	p2 =	por !p2, p0  }
0x20: {  	[sflag:s8] =	ssyncset.s32 @!p0 $0xFFFFF086;
	s6 =	sadd.s32 @!p0 s3, s7;
	s7 =	simm.s32 @!p0 $0x108  }
0x21: {  	s3 =	sadd.s32 s3, s9;
	s6 =	sadd.s32 @!p0 $0x88, s6;
	s7 =	simm.s32 @p2 $0x1082  }
0x22: {  	[simem:s7], [sflag:s8] =	dma.local @!p0 [hbm:s6], $0xF7A  }
0x23: {  	s9 =	sor.u32 $0xD0000000, s2;
	s6 =	simm.s32 $0x108;
	_ =	swait.ge @!p0 [sflag:s8], $0x0  }
0x24: {  	s3 =	sadd.s32 $0x88, s3;
	s6 =	simm.s32 @!p1 $0x1082;
	[sflag:s4] =	ssyncset.s32 $0xFFFFF086  }
0x25: {  	[simem:s6], [sflag:s4] =	dma.local [hbm:s3], $0xF7A  }
0x26: {  	[smem:$0x3F90] =	sst s1;
	(tag) =	ssettag s2;
	_ =	strace s9  }
0x27: {  	s1 =	sld [smem:$0x3FA0]  }
0x28: {  	s2 =	sld [smem:$0x3FA1]  }
0x29: {  	s4 =	sld [smem:$0x3FA3]  }
0x2a: {  	p0 =	seq.s32 s5, $0x0;
	s5 =	sld [smem:$0x3FA4]  }
0x2b: {  	s6 =	sld [smem:$0x3FA5]  }
0x2c: {  	s7 =	sld [smem:$0x3FA6]  }
0x2d: {  	s3 =	simm.s32 $0x108;
	s8 =	sld [smem:$0x3FA7]  }
0x2e: {  	s3 =	simm.s32 @!p0 $0x1082;
	s9 =	sld [smem:$0x3FA8]  }
0x2f: {  	lr =	sadd.s32 s0, s3;
	s0 =	sld [smem:$0x3F9F]  }
0x30: {  	s3 =	sld [smem:$0x3FA2]  }
0x31: {  	[smem:$0x3FAB] =	sst s10  }
0x32: {  	s10 =	sld [smem:$0x3FA9];
	_ =	sdelay $0x3  }
0x33: {  	p0 =	seq.s32 s10, $0x1;
	s10 =	sld [smem:$0x3FAB];
	_ =	sdelay $0x3  }
0x34: {  	[smem:$0x3FAB] =	sst s10  }
0x35: {  	s10 =	sld [smem:$0x3FAA];
	_ =	sdelay $0x3  }
0x36: {  	p1 =	seq.s32 s10, $0x1;
	s10 =	sld [smem:$0x3FAB];
	_ =	sdelay $0x3  }
0x37: {  	[smem:$0x3FAB] =	sst s10  }
0x38: {  	s10 =	sld [smem:$0x3FAC]  }
0x39: {  	_ = 	snop;
	(pc) =	sbr.ind lr, $3  }
0x3a: {  	_ = 	snop  }
0x3b: {  	_ = 	snop  }
0x3c: {  	p2 =	seq.s32 s10, $0x1;
	s10 =	sld [smem:$0x3FAB]  }
0x3d: {  	_ =	shalt  }
0x3e: {  	_ =	shalt  }
0x3f: {  	_ =	shalt  }
0x40: {  	_ =	shalt  }
0x41: {  	_ =	shalt  }
0x42: {  	_ =	shalt  }
0x43: {  	_ =	shalt  }
0x44: {  	_ =	shalt  }
0x45: {  	_ =	shalt  }
0x46: {  	_ =	shalt  }
0x47: {  	_ =	shalt  }
0x48: {  	_ =	shalt  }
0x49: {  	_ =	shalt  }
0x4a: {  	_ =	shalt  }
0x4b: {  	_ =	shalt  }
0x4c: {  	_ =	shalt  }
0x4d: {  	_ =	shalt  }
0x4e: {  	_ =	shalt  }
0x4f: {  	_ =	shalt  }
0x50: {  	_ =	shalt  }
0x51: {  	_ =	shalt  }
0x52: {  	_ =	shalt  }
0x53: {  	_ =	shalt  }
0x54: {  	_ =	shalt  }
0x55: {  	_ =	shalt  }
0x56: {  	_ =	shalt  }
0x57: {  	_ =	shalt  }
0x58: {  	_ =	shalt  }
0x59: {  	_ =	shalt  }
0x5a: {  	_ =	shalt  }
0x5b: {  	_ =	shalt  }
0x5c: {  	_ =	shalt  }
0x5d: {  	_ =	shalt  }
0x5e: {  	_ =	shalt  }
0x5f: {  	_ =	shalt  }
0x60: {  	_ =	shalt  }
0x61: {  	_ =	shalt  }
0x62: {  	_ =	shalt  }
0x63: {  	_ =	shalt  }
0x64: {  	_ =	shalt  }
0x65: {  	_ =	shalt  }
0x66: {  	_ =	shalt  }
0x67: {  	_ =	shalt  }
0x68: {  	_ =	shalt  }
0x69: {  	_ =	shalt  }
0x6a: {  	_ =	shalt  }
0x6b: {  	_ =	shalt  }
0x6c: {  	_ =	shalt  }
0x6d: {  	_ =	shalt  }
0x6e: {  	_ =	shalt  }
0x6f: {  	_ =	shalt  }
0x70: {  	_ =	shalt  }
0x71: {  	_ =	shalt  }
0x72: {  	_ =	shalt  }
0x73: {  	_ =	shalt  }
0x74: {  	_ =	shalt  }
0x75: {  	_ =	shalt  }
0x76: {  	_ =	shalt  }
0x77: {  	_ =	shalt  }
0x78: {  	_ =	shalt  }
0x79: {  	_ =	shalt  }
0x7a: {  	_ =	shalt  }
0x7b: {  	_ =	shalt  }
0x7c: {  	_ =	shalt  }
0x7d: {  	_ =	shalt  }
0x7e: {  	_ =	shalt  }
0x7f: {  	_ =	shalt  }
0x80: {  	_ =	shalt  }
0x81: {  	_ =	shalt  }
0x82: {  	_ =	shalt  }
0x83: {  	_ =	shalt  }
0x84: {  	_ =	shalt  }
0x85: {  	_ =	shalt  }
0x86: {  	_ =	shalt  }
0x87: {  	_ =	shalt  }
.Lfunc_end0:
.L_simem_size_0:
called_computation.2_lowered:
.L_overlay_start_0:
0x88: {  	s2 =	sld [smem:$0x3FD9]  }
0x89: {  	s3 =	sld [smem:$0x3FFE];
	_ =	sdelay $0x1  }
0x8a: {  	s1 =	srdreg.scid  }
0x8b: {  	s0 =	sand.u32 $0x1, s1  }
0x8c: {  	s16 =	sshll.u32 s0, $0xA;
	s2 =	sadd.s32 s3, s2  }
0x8d: {  	s2 =	sadd.s32 s2, s16  }
0x8e: {  	[smem:$0x3FB7] =	sst s2  }
0x8f: {  	_ = 	snop  }
0x90: {  	(tm) =	ssettm $0x1  }
0x91: {  	s17 =	sld [smem:$0x3FFB];
	_ =	sdelay $0x3  }
0x92: {  	_ =	strace s17  }
0x93: {  	s2 =	sld [smem:$0x3FFC];
	_ =	sdelay $0x3  }
0x94: {  	_ =	strace s2  }
0x95: {  	s2 =	sld [smem:$0x3FFD];
	_ =	sdelay $0x3  }
0x96: {  	_ =	strace s2  }
0x97: {  	_ =	strace $0x8FFFFFFF  }
0x98: {  	s18 =	sld [smem:$0x3FDB];
	_ =	sdelay $0x1  }
0x99: {  	s19 =	simm.s32 $_scs_section_size  }
0x9a: {  	s4 =	simm.s32 $_size__tile_overlayer_lowered;
	s5 =	simm.s32 $_tile_overlayer_lowered  }
0x9b: {  	s22 =	simm.s32 $0x1BFF;
	s21 =	sshll.u32 s5, $0x1;
	s2 =	sadd.s32 s19, s18  }
0x9c: {  	s6 =	simm.s32 $0x0;
	s20 =	sshll.u32 s4, $0x1;
	s4 =	sadd.s32 s21, s2  }
0x9d: {  	[timem:s6], [sflag:s22] =	dma.local [hbm:s4], s20  }
0x9e: {  	_ =	swait.ge [sflag:s22], s20  }
0x9f: {  	s3 =	ssub.s32 $0x0, s20;
	[sflag:s22] =	ssyncset.done $0x0  }
0xa0: {  	[sflag:s22] =	ssyncadd.s32 s3;
	_ =	sdelay $0x1  }
0xa1: {  	s23 =	simm.s32 $0x1B8B  }
0xa2: {  	_ =	swait.ge [sflag:s23], $0x1  }
0xa3: {  	[sflag:s23] =	ssyncset.done $0x0  }
0xa4: {  	s25 =	simm.s32 $0x1B8E;
	s24 =	sld [smem:$0x3FFE];
	[sflag:s23] =	ssyncadd.s32 $0xFFFFFFFF  }
0xa5: {  	s26 =	simm.s32 $execute0_lowered;
	[smem:$0x3FD2] =	sst s25  }
0xa6: {  	s4 =	sshll.u32 s26, $0x1;
	_ =	strace $0x8000004C;
	[dreg:$0x1] =	wrdreg $0xFFFFFFFF  }
0xa7: {  	s28 =	simm.s32 $_size_execute0_lowered;
	s2 =	sadd.s32 s2, s4;
	[dreg:$0x0] =	wrdreg $0x0  }
0xa8: {  	s4 =	sshll.u32 s28, $0x1;
	[dreg:$0x2] =	wrdreg s2  }
0xa9: {  	[dreg:$0x3] =	wrdreg s4  }
0xaa: {  	[dreg:$0x4] =	wrdreg $0xC0  }
0xab: {  	_ =	task [dreg:s6], $0x5FFFF  }
0xac: {  	[dreg:$0x1] =	wrdreg $0xFFFFFFFF  }
0xad: {  	[dreg:$0x0] =	wrdreg $0x60  }
0xae: {  	[dreg:$0x2] =	wrdreg s24  }
0xaf: {  	[dreg:$0x3] =	wrdreg $0x48000  }
0xb0: {  	[dreg:$0x4] =	wrdreg $0x9  }
0xb1: {  	_ =	task.clear_ibuf [dreg:s6], $0x5FFFF;
	_ =	strace $0x9000004C  }
0xb2: {  	s29 =	simm.s32 $0x9;
	_ =	strace $0x8000004E  }
0xb3: {  	_ =	swait.ge [sflag:s29], $0x1  }
0xb4: {  	[sflag:s29] =	ssyncadd.s32 $0xFFFFFFFF  }
0xb5: {  	_ =	strace $0x9000004E  }
0xb6: {  	_ =	sfence  }
0xb7: {  	s30 =	sld [smem:$0x0];
	_ =	sdelay $0x2  }
0xb8: {  	s31 =	sshll.u32 s1, $0xD;
	s1 =	sshrl.u32 s1, $0x2  }
0xb9: {  	s3 =	sand.u32 $0x4000, s31;
	s1 =	sadd.s32 s1, s30  }
0xba: {  	s0 =	sor.u32 s3, s0;
	s1 =	sshll.u32 s1, $0x11  }
0xbb: {  	s0 =	sor.u32 s1, s0  }
0xbc: {  	s0 =	sadd.s32 $0x8F2B, s0  }
0xbd: {  	[sflag:s0] =	ssyncadd.remote.s32 $0x1  }
0xbe: {  	_ =	sfence.sel $0xFFFF  }
0xbf: {  	[dreg:$0x0] =	wrdreg $0xFFFFFFFF;
	(pc) =	sbr.abs _section_cstart, $3  }
0xc0: {  	[dreg:$0x1] =	wrdreg $0xFFFFFFFF  }
0xc1: {  	_ =	task.clear_ibuf [dreg:s6], $0x2FFFF;
	_ =	strace $0x9FFFFFFF  }
0xc2: {  	(tm) =	ssettm $0x7FFFFFFF  }
0xc3: {  	_ =	shalt  }
tec
execute0_lowered:
.L_overlay_start_1:
0x0: {  	(tag) =	ssettag $0x1  }
0x1: {  	s0 =	rddreg [dreg:$0x0]  }
0x2: {  	s2 =	rddreg [dreg:$0x1];
	s1 =	srdreg.scid  }
0x3: {  	s9 =	stileid.u32;
	s3 =	simm.s32 $0x0;
	s28 =	simm.s32 $0x100  }
0x4: {  	s29 =	simm.s32 $0x2;
	s30 =	simm.s32 $0x480;
	s5 =	smul.u32 $0x140, s9  }
0x5: {  	s31 =	simm.s32 $0x180;
	s11 =	simm.s32 $0x680;
	s12 =	smul.u32 $0x2800, s9  }
0x6: {  	s1 =	sand.u32 $0x1, s1;
	[smem:$0x7FF] =	sst s3;
	s9 =	smul.u32 $0x50000, s9  }
0x7: {  	s4 =	sadd.s32 $0x2CE00, s0;
	s6 =	smul.u32 $0xF8, s1;
	_ =	strace $0x8000004D  }
0x8: {  	s7 =	smul.u32 $0x28000, s1;
	s8 =	ssub.s32 $0x2, s1;
	p0 =	seq.s32 s1, $0x0  }
0x9: {  	s1 =	simm.s32 $0x1F;
	s14 =	sshrl.u32 s8, $0x1;
	s15 =	sshrl.u32 s9, $0x2  }
0xa: {  	s1 =	simm.s32 @!p0 $0x9;
	s5 =	sadd.s32 s6, s5;
	s13 =	sadd.s32 s12, s7  }
0xb: {  	s6 =	ssub.s32 s8, s14;
	[dreg:$0x3] =	wrdreg s1;
	s5 =	sshll.u32 s5, $0x4  }
0xc: {  	s16 =	smax.u32 s6, $0x1;
	s10 =	sadd.s32 s5, s0;
	s0 =	sadd.s32 s13, s0  }
0xd: {  	s5 =	sadd.s32 s15, s2;
	[dreg:$0x5] =	wrdreg s16;
	s0 =	sadd.s32 $0x54E00, s0  }
0xe: {  	s9 =	simm.s32 $0x600;
	s17 =	sadd.s32 $0x2000, s5;
	[dreg:$0x4] =	wrdreg s0  }
0xf: {  	s1 =	simm.s32 $0x200;
	s18 =	sadd.s32 $0x4000, s5;
	[dreg:$0x6] =	wrdreg s17  }
0x10: {  	s7 =	simm.s32 $0x580;
	s19 =	sadd.s32 $0x6000, s5;
	[dreg:$0x7] =	wrdreg s18  }
0x11: {  	s8 =	simm.s32 $0x280;
	s20 =	sadd.s32 $0x8000, s5;
	[dreg:$0x8] =	wrdreg s19  }
0x12: {  	s12 =	simm.s32 $0x380;
	s21 =	sadd.s32 $0xA000, s5;
	[dreg:$0x9] =	wrdreg s20  }
0x13: {  	s14 =	simm.s32 $0x780;
	s22 =	sadd.s32 $0xC000, s5;
	[dreg:$0xa] =	wrdreg s21  }
0x14: {  	s13 =	simm.s32 $0x700;
	s23 =	sadd.s32 $0xE000, s5;
	[dreg:$0xb] =	wrdreg s22  }
0x15: {  	s15 =	simm.s32 $0x0;
	s24 =	sadd.s32 $0x10000, s5;
	[dreg:$0xc] =	wrdreg s23  }
0x16: {  	s25 =	sadd.s32 $0x12000, s5;
	s26 =	sadd.s32 $0x4E00, s10;
	[dreg:$0xd] =	wrdreg s24  }
0x17: {  	s6 =	sadd.s32 $0x18E00, s10;
	s10 =	simm.s32 $0x300;
	[dreg:$0xe] =	wrdreg s25  }
0x18: {  	[dreg:$0xf] =	wrdreg s26;
	s20 =	simm.s32 $0x800;
	s21 =	simm.s32 $0x3  }
0x19: {  	s22 =	simm.s32 $0x400;
	s23 =	simm.s32 $0x40;
	s24 =	simm.s32 $0x80  }
0x1a: {  	v0 =	vimm.f32 $0.0e+00;
	s25 =	simm.s32 $0x2800;
	s26 =	simm.s32 $0x1;
	s0 =	simm.s32 $0x500  }
.LBB2_1:
0x1b: {  	s16 =	sand.u32 $0x7E00, s3  }
0x1c: {  	s18 =	sand.u32 $0x70, s3;
	s19 =	sshrl.u32 s16, $0x2  }
0x1d: {  	s16 =	simm.s32 $0x40;
	s19 =	sor.u32 s18, s19;
	s18 =	simm.s32 $0x0  }
.LBB2_2:
0x1e: {  	p0 =	sne.s32 s16, $0x7FC0  }
0x1f: {  	[tilespmem:s19+$0x800] =	vst v0;
	s18 =	sadd.s32 $0x10, s18;
	s19 =	smov.u32 s16;
	s16 =	sadd.s32 $0x40, s16  }
.Ltmp0:
0x20: {  	(pc) =	sbr.rel @p0 .LBB2_2-.Ltmp0, $4  }
0x21: {  	_ = 	snop  }
0x22: {  	s19 =	sand.u32 $0x7E00, s19  }
0x23: {  	s17 =	sand.u32 $0x70, s18;
	s19 =	sshrl.u32 s19, $0x2  }
0x24: {  	s19 =	sor.u32 s17, s19  }
0x25: {  	[tilespmem:s19+$0x800] =	vst v0  }
0x26: {  	[spmem:s5] =	stream.linear.scatter [tilespmem:s20], [sflag:$0x3], $0x2000, $0x38;
	[tilespmem:$0x18800] =	vst v63  }
0x27: {  	_ =	swait.ge [sflag:s21], $0x2000  }
0x28: {  	[sflag:s21] =	ssyncset.done $0x0  }
0x29: {  	s16 =	rddreg [dreg:$0x6];
	[sflag:s21] =	ssyncadd.s32 $0xFFFFE000  }
0x2a: {  	[spmem:s16] =	stream.linear.scatter [tilespmem:s20], [sflag:$0x3], $0x2000, $0x38;
	[tilespmem:$0x18800] =	vst v63  }
0x2b: {  	_ =	swait.ge [sflag:s21], $0x2000  }
0x2c: {  	[sflag:s21] =	ssyncset.done $0x0  }
0x2d: {  	s17 =	rddreg [dreg:$0x7];
	[sflag:s21] =	ssyncadd.s32 $0xFFFFE000  }
0x2e: {  	[spmem:s17] =	stream.linear.scatter [tilespmem:s20], [sflag:$0x3], $0x2000, $0x38;
	[tilespmem:$0x18800] =	vst v63  }
0x2f: {  	_ =	swait.ge [sflag:s21], $0x2000  }
0x30: {  	[sflag:s21] =	ssyncset.done $0x0  }
0x31: {  	s18 =	rddreg [dreg:$0x8];
	[sflag:s21] =	ssyncadd.s32 $0xFFFFE000  }
0x32: {  	[spmem:s18] =	stream.linear.scatter [tilespmem:s20], [sflag:$0x3], $0x2000, $0x38;
	[tilespmem:$0x18800] =	vst v63  }
0x33: {  	_ =	swait.ge [sflag:s21], $0x2000  }
0x34: {  	[sflag:s21] =	ssyncset.done $0x0  }
0x35: {  	s19 =	rddreg [dreg:$0x9];
	[sflag:s21] =	ssyncadd.s32 $0xFFFFE000  }
0x36: {  	[spmem:s19] =	stream.linear.scatter [tilespmem:s20], [sflag:$0x3], $0x2000, $0x38;
	[tilespmem:$0x18800] =	vst v63  }
0x37: {  	_ =	swait.ge [sflag:s21], $0x2000  }
0x38: {  	[sflag:s21] =	ssyncset.done $0x0  }
0x39: {  	s17 =	rddreg [dreg:$0xa];
	[sflag:s21] =	ssyncadd.s32 $0xFFFFE000  }
0x3a: {  	[spmem:s17] =	stream.linear.scatter [tilespmem:s20], [sflag:$0x3], $0x2000, $0x38;
	[tilespmem:$0x18800] =	vst v63  }
0x3b: {  	_ =	swait.ge [sflag:s21], $0x2000  }
0x3c: {  	[sflag:s21] =	ssyncset.done $0x0  }
0x3d: {  	s18 =	rddreg [dreg:$0xb];
	[sflag:s21] =	ssyncadd.s32 $0xFFFFE000  }
0x3e: {  	[spmem:s18] =	stream.linear.scatter [tilespmem:s20], [sflag:$0x3], $0x2000, $0x38;
	[tilespmem:$0x18800] =	vst v63  }
0x3f: {  	_ =	swait.ge [sflag:s21], $0x2000  }
0x40: {  	[sflag:s21] =	ssyncset.done $0x0  }
0x41: {  	s19 =	rddreg [dreg:$0xc];
	[sflag:s21] =	ssyncadd.s32 $0xFFFFE000  }
0x42: {  	[spmem:s19] =	stream.linear.scatter [tilespmem:s20], [sflag:$0x3], $0x2000, $0x38;
	[tilespmem:$0x18800] =	vst v63  }
0x43: {  	_ =	swait.ge [sflag:s21], $0x2000  }
0x44: {  	[sflag:s21] =	ssyncset.done $0x0  }
0x45: {  	s17 =	rddreg [dreg:$0xd];
	[sflag:s21] =	ssyncadd.s32 $0xFFFFE000  }
0x46: {  	[spmem:s17] =	stream.linear.scatter [tilespmem:s20], [sflag:$0x3], $0x2000, $0x38;
	[tilespmem:$0x18800] =	vst v63  }
0x47: {  	_ =	swait.ge [sflag:s21], $0x2000  }
0x48: {  	[sflag:s21] =	ssyncset.done $0x0  }
0x49: {  	s18 =	rddreg [dreg:$0xe];
	[sflag:s21] =	ssyncadd.s32 $0xFFFFE000  }
0x4a: {  	[spmem:s18] =	stream.linear.scatter [tilespmem:s20], [sflag:$0x3], $0x2000, $0x38;
	[tilespmem:$0x18800] =	vst v63  }
0x4b: {  	_ =	swait.ge [sflag:s21], $0x2000  }
0x4c: {  	[sflag:s21] =	ssyncset.done $0x0  }
0x4d: {  	[sflag:s21] =	ssyncadd.s32 $0xFFFFE000  }
0x4e: {  	[bflag:$0x0] =	sbarrier.arrive $0xFFFF  }
0x4f: {  	[tilespmem:s3], [sflag:$0x3] =	stream.linear.gather [hbm4b:s6+s3], $0x400, $0x38;
	[tilespmem:$0x18800] =	vst v63  }
0x50: {  	_ =	swait.ge [sflag:s21], $0x400  }
0x51: {  	[sflag:s21] =	ssyncset.done $0x0  }
0x52: {  	s18 =	rddreg [dreg:$0xf];
	[sflag:s21] =	ssyncadd.s32 $0xFFFFFC00  }
0x53: {  	[tilespmem:s22], [sflag:$0x3] =	stream.linear.gather [hbm4b:s18+s3], $0x400, $0x38;
	[tilespmem:$0x18800] =	vst v63  }
0x54: {  	_ =	swait.ge [sflag:s21], $0x400  }
0x55: {  	[sflag:s21] =	ssyncset.done $0x0  }
0x56: {  	[sflag:s21] =	ssyncadd.s32 $0xFFFFFC00  }
0x57: {  	[tilespmem:s20], [sflag:$0x1] =	stream.indirect.gather [hbm4b:s4+s23], $0x80, s3, s23, $0xb8;
	[tilespmem:$0x18800] =	vst v63  }
0x58: {  	_ = 	snop  }
0x59: {  	[tilespmem:s25], [sflag:$0x2] =	stream.indirect.gather [hbm4b:s4+s23], $0x80, s24, s23, $0xb8;
	[tilespmem:$0x18800] =	vst v63  }
0x5a: {  	_ =	swait.ge [sflag:s26], $0x2000  }
0x5b: {  	[sflag:s26] =	ssyncset.done $0x0  }
0x5c: {  	[sflag:s26] =	ssyncadd.s32 $0xFFFFE000  }
0x5d: {  	[spmem:s2] =	stream.indirect.scatter.add.f32 [tilespmem:s20], [sflag:$0x3], $0x80, s22, s23, $0xb8;
	[tilespmem:$0x18800] =	vst v63  }
0x5e: {  	_ =	swait.ge [sflag:s21], $0x2000  }
0x5f: {  	[sflag:s21] =	ssyncset.done $0x0  }
0x60: {  	[sflag:s21] =	ssyncadd.s32 $0xFFFFE000  }
0x61: {  	[tilespmem:s20], [sflag:$0x1] =	stream.indirect.gather [hbm4b:s4+s23], $0x80, s28, s23, $0xb8;
	[tilespmem:$0x18800] =	vst v63  }
0x62: {  	_ =	swait.ge [sflag:s29], $0x2000  }
0x63: {  	[sflag:s29] =	ssyncset.done $0x0  }
0x64: {  	[sflag:s29] =	ssyncadd.s32 $0xFFFFE000  }
0x65: {  	[spmem:s2] =	stream.indirect.scatter.add.f32 [tilespmem:s25], [sflag:$0x3], $0x80, s30, s23, $0xb8;
	[tilespmem:$0x18800] =	vst v63  }
0x66: {  	_ =	swait.ge [sflag:s21], $0x2000  }
0x67: {  	[sflag:s21] =	ssyncset.done $0x0  }
0x68: {  	[sflag:s21] =	ssyncadd.s32 $0xFFFFE000  }
0x69: {  	[tilespmem:s25], [sflag:$0x2] =	stream.indirect.gather [hbm4b:s4+s23], $0x80, s31, s23, $0xb8;
	[tilespmem:$0x18800] =	vst v63  }
0x6a: {  	_ =	swait.ge [sflag:s26], $0x2000  }
0x6b: {  	[sflag:s26] =	ssyncset.done $0x0  }
0x6c: {  	[sflag:s26] =	ssyncadd.s32 $0xFFFFE000  }
0x6d: {  	[spmem:s2] =	stream.indirect.scatter.add.f32 [tilespmem:s20], [sflag:$0x3], $0x80, s0, s23, $0xb8;
	[tilespmem:$0x18800] =	vst v63  }
0x6e: {  	_ =	swait.ge [sflag:s21], $0x2000  }
0x6f: {  	[sflag:s21] =	ssyncset.done $0x0  }
0x70: {  	[sflag:s21] =	ssyncadd.s32 $0xFFFFE000  }
0x71: {  	[tilespmem:s20], [sflag:$0x1] =	stream.indirect.gather [hbm4b:s4+s23], $0x80, s1, s23, $0xb8;
	[tilespmem:$0x18800] =	vst v63  }
0x72: {  	_ =	swait.ge [sflag:s29], $0x2000  }
0x73: {  	[sflag:s29] =	ssyncset.done $0x0  }
0x74: {  	[sflag:s29] =	ssyncadd.s32 $0xFFFFE000  }
0x75: {  	[spmem:s2] =	stream.indirect.scatter.add.f32 [tilespmem:s25], [sflag:$0x3], $0x80, s7, s23, $0xb8;
	[tilespmem:$0x18800] =	vst v63  }
0x76: {  	_ =	swait.ge [sflag:s21], $0x2000  }
0x77: {  	[sflag:s21] =	ssyncset.done $0x0  }
0x78: {  	[sflag:s21] =	ssyncadd.s32 $0xFFFFE000  }
0x79: {  	[tilespmem:s25], [sflag:$0x2] =	stream.indirect.gather [hbm4b:s4+s23], $0x80, s8, s23, $0xb8;
	[tilespmem:$0x18800] =	vst v63  }
0x7a: {  	_ =	swait.ge [sflag:s26], $0x2000  }
0x7b: {  	[sflag:s26] =	ssyncset.done $0x0  }
0x7c: {  	[sflag:s26] =	ssyncadd.s32 $0xFFFFE000  }
0x7d: {  	[spmem:s2] =	stream.indirect.scatter.add.f32 [tilespmem:s20], [sflag:$0x3], $0x80, s9, s23, $0xb8;
	[tilespmem:$0x18800] =	vst v63  }
0x7e: {  	_ =	swait.ge [sflag:s21], $0x2000  }
0x7f: {  	[sflag:s21] =	ssyncset.done $0x0  }
0x80: {  	[sflag:s21] =	ssyncadd.s32 $0xFFFFE000  }
0x81: {  	[tilespmem:s20], [sflag:$0x1] =	stream.indirect.gather [hbm4b:s4+s23], $0x80, s10, s23, $0xb8;
	[tilespmem:$0x18800] =	vst v63  }
0x82: {  	_ =	swait.ge [sflag:s29], $0x2000  }
0x83: {  	[sflag:s29] =	ssyncset.done $0x0  }
0x84: {  	[sflag:s29] =	ssyncadd.s32 $0xFFFFE000  }
0x85: {  	[spmem:s2] =	stream.indirect.scatter.add.f32 [tilespmem:s25], [sflag:$0x3], $0x80, s11, s23, $0xb8;
	[tilespmem:$0x18800] =	vst v63  }
0x86: {  	_ =	swait.ge [sflag:s21], $0x2000  }
0x87: {  	[sflag:s21] =	ssyncset.done $0x0  }
0x88: {  	[sflag:s21] =	ssyncadd.s32 $0xFFFFE000  }
0x89: {  	[tilespmem:s25], [sflag:$0x2] =	stream.indirect.gather [hbm4b:s4+s23], $0x80, s12, s23, $0xb8;
	[tilespmem:$0x18800] =	vst v63  }
0x8a: {  	_ =	swait.ge [sflag:s26], $0x2000  }
0x8b: {  	[sflag:s26] =	ssyncset.done $0x0  }
0x8c: {  	[sflag:s26] =	ssyncadd.s32 $0xFFFFE000  }
0x8d: {  	[spmem:s2] =	stream.indirect.scatter.add.f32 [tilespmem:s20], [sflag:$0x3], $0x80, s13, s23, $0xb8;
	[tilespmem:$0x18800] =	vst v63  }
0x8e: {  	_ =	swait.ge [sflag:s21], $0x2000  }
0x8f: {  	[sflag:s21] =	ssyncset.done $0x0  }
0x90: {  	[sflag:s21] =	ssyncadd.s32 $0xFFFFE000  }
0x91: {  	_ =	swait.ge [sflag:s29], $0x2000  }
0x92: {  	s19 =	rddreg [dreg:$0x3]  }
0x93: {  	p0 =	sne.s32 s19, $0x1  }
.Ltmp1:
0x94: {  	[sflag:s29] =	ssyncset.done $0x0;
	(pc) =	sbr.rel @!p0 .LBB2_5-.Ltmp1, $4  }
0x95: {  	[sflag:s29] =	ssyncadd.s32 $0xFFFFE000  }
0x96: {  	[spmem:s2] =	stream.indirect.scatter.add.f32 [tilespmem:s25], [sflag:$0x3], $0x80, s14, s23, $0xb8;
	[tilespmem:$0x18800] =	vst v63  }
0x97: {  	_ =	swait.ge [sflag:s21], $0x2000  }
0x98: {  	s16 =	sadd.s32 $0xFFFFFFFF, s19;
	s19 =	smov.u32 s6;
	[sflag:s21] =	ssyncset.done $0x0  }
.LBB2_4:
0x99: {  	[sflag:s21] =	ssyncadd.s32 $0xFFFFE000;
	s18 =	sadd.s32 $0x80, s18;
	s19 =	sadd.s32 $0x80, s19  }
0x9a: {  	[tilespmem:s3], [sflag:$0x3] =	stream.linear.gather [hbm4b:s19+s3], $0x400, $0x38;
	[tilespmem:$0x18800] =	vst v63  }
0x9b: {  	p0 =	sne.s32 s16, $0x1;
	s16 =	sadd.s32 $0xFFFFFFFF, s16;
	_ =	swait.ge [sflag:s21], $0x400  }
0x9c: {  	[sflag:s21] =	ssyncset.done $0x0  }
0x9d: {  	[sflag:s21] =	ssyncadd.s32 $0xFFFFFC00  }
0x9e: {  	[tilespmem:s22], [sflag:$0x3] =	stream.linear.gather [hbm4b:s18+s3], $0x400, $0x38;
	[tilespmem:$0x18800] =	vst v63  }
0x9f: {  	_ =	swait.ge [sflag:s21], $0x400  }
0xa0: {  	[sflag:s21] =	ssyncset.done $0x0  }
0xa1: {  	[sflag:s21] =	ssyncadd.s32 $0xFFFFFC00  }
0xa2: {  	[tilespmem:s20], [sflag:$0x1] =	stream.indirect.gather [hbm4b:s4+s23], $0x80, s3, s23, $0xb8;
	[tilespmem:$0x18800] =	vst v63  }
0xa3: {  	_ = 	snop  }
0xa4: {  	[tilespmem:s25], [sflag:$0x2] =	stream.indirect.gather [hbm4b:s4+s23], $0x80, s24, s23, $0xb8;
	[tilespmem:$0x18800] =	vst v63  }
0xa5: {  	_ =	swait.ge [sflag:s26], $0x2000  }
0xa6: {  	[sflag:s26] =	ssyncset.done $0x0  }
0xa7: {  	[sflag:s26] =	ssyncadd.s32 $0xFFFFE000  }
0xa8: {  	[spmem:s2] =	stream.indirect.scatter.add.f32 [tilespmem:s20], [sflag:$0x3], $0x80, s22, s23, $0xb8;
	[tilespmem:$0x18800] =	vst v63  }
0xa9: {  	_ =	swait.ge [sflag:s21], $0x2000  }
0xaa: {  	[sflag:s21] =	ssyncset.done $0x0  }
0xab: {  	[sflag:s21] =	ssyncadd.s32 $0xFFFFE000  }
0xac: {  	[tilespmem:s20], [sflag:$0x1] =	stream.indirect.gather [hbm4b:s4+s23], $0x80, s28, s23, $0xb8;
	[tilespmem:$0x18800] =	vst v63  }
0xad: {  	_ =	swait.ge [sflag:s29], $0x2000  }
0xae: {  	[sflag:s29] =	ssyncset.done $0x0  }
0xaf: {  	[sflag:s29] =	ssyncadd.s32 $0xFFFFE000  }
0xb0: {  	[spmem:s2] =	stream.indirect.scatter.add.f32 [tilespmem:s25], [sflag:$0x3], $0x80, s30, s23, $0xb8;
	[tilespmem:$0x18800] =	vst v63  }
0xb1: {  	_ =	swait.ge [sflag:s21], $0x2000  }
0xb2: {  	[sflag:s21] =	ssyncset.done $0x0  }
0xb3: {  	[sflag:s21] =	ssyncadd.s32 $0xFFFFE000  }
0xb4: {  	[tilespmem:s25], [sflag:$0x2] =	stream.indirect.gather [hbm4b:s4+s23], $0x80, s31, s23, $0xb8;
	[tilespmem:$0x18800] =	vst v63  }
0xb5: {  	_ =	swait.ge [sflag:s26], $0x2000  }
0xb6: {  	[sflag:s26] =	ssyncset.done $0x0  }
0xb7: {  	[sflag:s26] =	ssyncadd.s32 $0xFFFFE000  }
0xb8: {  	[spmem:s2] =	stream.indirect.scatter.add.f32 [tilespmem:s20], [sflag:$0x3], $0x80, s0, s23, $0xb8;
	[tilespmem:$0x18800] =	vst v63  }
0xb9: {  	_ =	swait.ge [sflag:s21], $0x2000  }
0xba: {  	[sflag:s21] =	ssyncset.done $0x0  }
0xbb: {  	[sflag:s21] =	ssyncadd.s32 $0xFFFFE000  }
0xbc: {  	[tilespmem:s20], [sflag:$0x1] =	stream.indirect.gather [hbm4b:s4+s23], $0x80, s1, s23, $0xb8;
	[tilespmem:$0x18800] =	vst v63  }
0xbd: {  	_ =	swait.ge [sflag:s29], $0x2000  }
0xbe: {  	[sflag:s29] =	ssyncset.done $0x0  }
0xbf: {  	[sflag:s29] =	ssyncadd.s32 $0xFFFFE000  }
0xc0: {  	[spmem:s2] =	stream.indirect.scatter.add.f32 [tilespmem:s25], [sflag:$0x3], $0x80, s7, s23, $0xb8;
	[tilespmem:$0x18800] =	vst v63  }
0xc1: {  	_ =	swait.ge [sflag:s21], $0x2000  }
0xc2: {  	[sflag:s21] =	ssyncset.done $0x0  }
0xc3: {  	[sflag:s21] =	ssyncadd.s32 $0xFFFFE000  }
0xc4: {  	[tilespmem:s25], [sflag:$0x2] =	stream.indirect.gather [hbm4b:s4+s23], $0x80, s8, s23, $0xb8;
	[tilespmem:$0x18800] =	vst v63  }
0xc5: {  	_ =	swait.ge [sflag:s26], $0x2000  }
0xc6: {  	[sflag:s26] =	ssyncset.done $0x0  }
0xc7: {  	[sflag:s26] =	ssyncadd.s32 $0xFFFFE000  }
0xc8: {  	[spmem:s2] =	stream.indirect.scatter.add.f32 [tilespmem:s20], [sflag:$0x3], $0x80, s9, s23, $0xb8;
	[tilespmem:$0x18800] =	vst v63  }
0xc9: {  	_ =	swait.ge [sflag:s21], $0x2000  }
0xca: {  	[sflag:s21] =	ssyncset.done $0x0  }
0xcb: {  	[sflag:s21] =	ssyncadd.s32 $0xFFFFE000  }
0xcc: {  	[tilespmem:s20], [sflag:$0x1] =	stream.indirect.gather [hbm4b:s4+s23], $0x80, s10, s23, $0xb8;
	[tilespmem:$0x18800] =	vst v63  }
0xcd: {  	_ =	swait.ge [sflag:s29], $0x2000  }
0xce: {  	[sflag:s29] =	ssyncset.done $0x0  }
0xcf: {  	[sflag:s29] =	ssyncadd.s32 $0xFFFFE000  }
0xd0: {  	[spmem:s2] =	stream.indirect.scatter.add.f32 [tilespmem:s25], [sflag:$0x3], $0x80, s11, s23, $0xb8;
	[tilespmem:$0x18800] =	vst v63  }
0xd1: {  	_ =	swait.ge [sflag:s21], $0x2000  }
0xd2: {  	[sflag:s21] =	ssyncset.done $0x0  }
0xd3: {  	[sflag:s21] =	ssyncadd.s32 $0xFFFFE000  }
0xd4: {  	[tilespmem:s25], [sflag:$0x2] =	stream.indirect.gather [hbm4b:s4+s23], $0x80, s12, s23, $0xb8;
	[tilespmem:$0x18800] =	vst v63  }
0xd5: {  	_ =	swait.ge [sflag:s26], $0x2000  }
0xd6: {  	[sflag:s26] =	ssyncset.done $0x0  }
0xd7: {  	[sflag:s26] =	ssyncadd.s32 $0xFFFFE000  }
0xd8: {  	[spmem:s2] =	stream.indirect.scatter.add.f32 [tilespmem:s20], [sflag:$0x3], $0x80, s13, s23, $0xb8;
	[tilespmem:$0x18800] =	vst v63  }
0xd9: {  	_ =	swait.ge [sflag:s21], $0x2000  }
0xda: {  	[sflag:s21] =	ssyncset.done $0x0  }
0xdb: {  	[sflag:s21] =	ssyncadd.s32 $0xFFFFE000  }
0xdc: {  	_ =	swait.ge [sflag:s29], $0x2000  }
.Ltmp2:
0xdd: {  	[sflag:s29] =	ssyncset.done $0x0;
	(pc) =	sbr.rel @p0 .LBB2_4-.Ltmp2, $4  }
0xde: {  	[sflag:s29] =	ssyncadd.s32 $0xFFFFE000  }
0xdf: {  	[spmem:s2] =	stream.indirect.scatter.add.f32 [tilespmem:s25], [sflag:$0x3], $0x80, s14, s23, $0xb8;
	[tilespmem:$0x18800] =	vst v63  }
0xe0: {  	_ =	swait.ge [sflag:s21], $0x2000  }
0xe1: {  	[sflag:s21] =	ssyncset.done $0x0  }
.LBB2_5:
0xe2: {  	[sflag:s21] =	ssyncadd.s32 $0xFFFFE000;
	s16 =	stileid.u32  }
0xe3: {  	s16 =	sshll.u32 s16, $0x6;
	[bflag:$0x0] =	sbarrier.arrive $0xFFFF  }
0xe4: {  	s17 =	sshrl.u32 s5, $0x3;
	s16 =	sor.u32 $0x1C03, s16;
	s18 =	rddreg [dreg:$0x4]  }
0xe5: {  	[hbm:s18], [sflag:s16] =	dma.local [spmem:s17], $0x2800  }
0xe6: {  	_ =	swait.ge [sflag:s21], $0x2800  }
0xe7: {  	s15 =	sadd.s32 $0x1, s15;
	s19 =	rddreg [dreg:$0x5]  }
0xe8: {  	p0 =	sne.s32 s15, s19  }
.Ltmp3:
0xe9: {  	_ = 	snop;
	(pc) =	sbr.rel @p0 .LBB2_1-.Ltmp3, $3  }
0xea: {  	_ =	sdelay $0x1  }
0xeb: {  	[sflag:s21] =	ssyncset.done $0x0  }
0xec: {  	[sflag:s21] =	ssyncadd.s32 $0xFFFFD800  }
0xed: {  	_ =	sfence.sel $0x180000  }
0xee: {  	[bflag:$0x0] =	sbarrier.arrive $0xFFFF  }
0xef: {  	_ =	strace $0x9000004D  }
0xf0: {  	s0 =	stileid.u32;
	[bflag:$0x2] =	sbarrier.arrive $0xFFFF  }
0xf1: {  	p0 =	sne.s32 s0, $0x0;
	s0 =	rddreg [dreg:$0x2]  }
0xf2: {  	s0 =	sadd.s32 @!p0 $0x100000, s0  }
0xf3: {  	[sflag:s0] =	ssyncadd.tile.s32 @!p0 $0x1;
	_ =	shalt  }
.Lfunc_end2:
_tile_overlayer_lowered:
.L_overlay_start_2:
0xf4: {  	(tag) =	ssettag $0x2  }
0xf5: {  	s0 =	rddreg [dreg:$0x0];
	s2 =	stileid.u32  }
0xf6: {  	s1 =	rddreg [dreg:$0x1];
	p0 =	sne.s32 s2, $0x0  }
0xf7: {  	s3 =	rddreg [dreg:$0x2];
	[bflag:$0x3] =	sbarrier.arrive $0xFFFF;
	s2 =	simm.s32 @!p0 $0x1C03  }
0xf8: {  	[timem:s3], [sflag:s2] =	dma.local @!p0 [hbm:s0], s1  }
0xf9: {  	s0 =	simm.s32 @!p0 $0x3  }
0xfa: {  	_ =	swait.ge @!p0 [sflag:s0], s1  }
0xfb: {  	s1 =	ssub.s32 @!p0 $0x0, s1;
	[sflag:s0] =	ssyncset.done @!p0 $0x0  }
0xfc: {  	[sflag:s0] =	ssyncadd.s32 @!p0 s1  }
0xfd: {  	[bflag:$0x3] =	sbarrier.arrive $0xFFFF  }
0xfe: {  	_ =	shalt  }

// kernel: kernel.24.cloned.1.call-start
scs
__scs_entry_jumppad:
0x0: {  	(pc) =	sbr.rel $0x88, $3  }
0x1: {  	(tag) =	ssettag $0x0;
	lr =	simm.s32 $0x1  }
0x2: {  	[smem:$0x3F90] =	sst lr;
	_ =	strace $0xD0000000  }
0x3: {  	_ = 	snop  }
0x4: {  	_ = 	snop  }
0x5: {  	_ = 	snop  }
0x6: {  	_ = 	snop  }
0x7: {  	_ = 	snop  }
__scs_overlays_trampoline_lowered:
0x8: {  	[smem:$0x3F9F] =	sst s0  }
0x9: {  	[smem:$0x3FA0] =	sst s1  }
0xa: {  	[smem:$0x3FA1] =	sst s2  }
0xb: {  	[smem:$0x3FA2] =	sst s3  }
0xc: {  	[smem:$0x3FA3] =	sst s4  }
0xd: {  	[smem:$0x3FA4] =	sst s5  }
0xe: {  	[smem:$0x3FA5] =	sst s6  }
0xf: {  	[smem:$0x3FA6] =	sst s7  }
0x10: {  	[smem:$0x3FA7] =	sst s8  }
0x11: {  	[smem:$0x3FA8] =	sst s9;
	s0 =	simm.s32 @!p0 $0x0  }
0x12: {  	s1 =	sld [smem:$0x3F8E];
	s0 =	simm.s32 @p0 $0x1  }
0x13: {  	[smem:$0x3FA9] =	sst s0;
	s0 =	simm.s32 @!p1 $0x0  }
0x14: {  	s2 =	sld [smem:$0x3F8D];
	s0 =	simm.s32 @p1 $0x1  }
0x15: {  	[smem:$0x3FAA] =	sst s0;
	s0 =	simm.s32 @!p2 $0x0  }
0x16: {  	s3 =	sld [smem:$0x3FDB];
	s0 =	simm.s32 @p2 $0x1  }
0x17: {  	s4 =	simm.s32 $0x1BF5;
	[smem:$0x3FAC] =	sst s0  }
0x18: {  	s0 =	sld [smem:$0x3F8F];
	_ =	swait.ge [sflag:s4], $0x0  }
0x19: {  	s7 =	sld [smem:$0x3F90]  }
0x1a: {  	s8 =	sadd.s32 $0xFFFFE003, lr  }
0x1b: {  	s9 =	sadd.s32 $0xFFFFFEF7, lr;
	s5 =	simm.s32 $0xFFFFFFFF;
	p2 =	slt.u32 s8, $0xFFFFF086  }
0x1c: {  	p1 =	slt.u32 s9, $0xF7A;
	s5 =	simm.s32 @!p2 $0x0  }
0x1d: {  	s5 =	simm.s32 @p1 $0x1;
	p0 =	seq.s32 s7, s2  }
0x1e: {  	s7 =	smul.u32 @!p0 $0xF7A, s2;
	p2 =	seq.s32 @!p0 s5, $0x0  }
0x1f: {  	s9 =	smul.u32 $0xF7A, s1;
	s8 =	simm.s32 @!p0 $0x1BF5;
	p2 =	por !p2, p0  }
0x20: {  	[sflag:s8] =	ssyncset.s32 @!p0 $0xFFFFF086;
	s6 =	sadd.s32 @!p0 s3, s7;
	s7 =	simm.s32 @!p0 $0x108  }
0x21: {  	s3 =	sadd.s32 s3, s9;
	s6 =	sadd.s32 @!p0 $0x88, s6;
	s7 =	simm.s32 @p2 $0x1082  }
0x22: {  	[simem:s7], [sflag:s8] =	dma.local @!p0 [hbm:s6], $0xF7A  }
0x23: {  	s9 =	sor.u32 $0xD0000000, s2;
	s6 =	simm.s32 $0x108;
	_ =	swait.ge @!p0 [sflag:s8], $0x0  }
0x24: {  	s3 =	sadd.s32 $0x88, s3;
	s6 =	simm.s32 @!p1 $0x1082;
	[sflag:s4] =	ssyncset.s32 $0xFFFFF086  }
0x25: {  	[simem:s6], [sflag:s4] =	dma.local [hbm:s3], $0xF7A  }
0x26: {  	[smem:$0x3F90] =	sst s1;
	(tag) =	ssettag s2;
	_ =	strace s9  }
0x27: {  	s1 =	sld [smem:$0x3FA0]  }
0x28: {  	s2 =	sld [smem:$0x3FA1]  }
0x29: {  	s4 =	sld [smem:$0x3FA3]  }
0x2a: {  	p0 =	seq.s32 s5, $0x0;
	s5 =	sld [smem:$0x3FA4]  }
0x2b: {  	s6 =	sld [smem:$0x3FA5]  }
0x2c: {  	s7 =	sld [smem:$0x3FA6]  }
0x2d: {  	s3 =	simm.s32 $0x108;
	s8 =	sld [smem:$0x3FA7]  }
0x2e: {  	s3 =	simm.s32 @!p0 $0x1082;
	s9 =	sld [smem:$0x3FA8]  }
0x2f: {  	lr =	sadd.s32 s0, s3;
	s0 =	sld [smem:$0x3F9F]  }
0x30: {  	s3 =	sld [smem:$0x3FA2]  }
0x31: {  	[smem:$0x3FAB] =	sst s10  }
0x32: {  	s10 =	sld [smem:$0x3FA9];
	_ =	sdelay $0x3  }
0x33: {  	p0 =	seq.s32 s10, $0x1;
	s10 =	sld [smem:$0x3FAB];
	_ =	sdelay $0x3  }
0x34: {  	[smem:$0x3FAB] =	sst s10  }
0x35: {  	s10 =	sld [smem:$0x3FAA];
	_ =	sdelay $0x3  }
0x36: {  	p1 =	seq.s32 s10, $0x1;
	s10 =	sld [smem:$0x3FAB];
	_ =	sdelay $0x3  }
0x37: {  	[smem:$0x3FAB] =	sst s10  }
0x38: {  	s10 =	sld [smem:$0x3FAC]  }
0x39: {  	_ = 	snop;
	(pc) =	sbr.ind lr, $3  }
0x3a: {  	_ = 	snop  }
0x3b: {  	_ = 	snop  }
0x3c: {  	p2 =	seq.s32 s10, $0x1;
	s10 =	sld [smem:$0x3FAB]  }
0x3d: {  	_ =	shalt  }
0x3e: {  	_ =	shalt  }
0x3f: {  	_ =	shalt  }
0x40: {  	_ =	shalt  }
0x41: {  	_ =	shalt  }
0x42: {  	_ =	shalt  }
0x43: {  	_ =	shalt  }
0x44: {  	_ =	shalt  }
0x45: {  	_ =	shalt  }
0x46: {  	_ =	shalt  }
0x47: {  	_ =	shalt  }
0x48: {  	_ =	shalt  }
0x49: {  	_ =	shalt  }
0x4a: {  	_ =	shalt  }
0x4b: {  	_ =	shalt  }
0x4c: {  	_ =	shalt  }
0x4d: {  	_ =	shalt  }
0x4e: {  	_ =	shalt  }
0x4f: {  	_ =	shalt  }
0x50: {  	_ =	shalt  }
0x51: {  	_ =	shalt  }
0x52: {  	_ =	shalt  }
0x53: {  	_ =	shalt  }
0x54: {  	_ =	shalt  }
0x55: {  	_ =	shalt  }
0x56: {  	_ =	shalt  }
0x57: {  	_ =	shalt  }
0x58: {  	_ =	shalt  }
0x59: {  	_ =	shalt  }
0x5a: {  	_ =	shalt  }
0x5b: {  	_ =	shalt  }
0x5c: {  	_ =	shalt  }
0x5d: {  	_ =	shalt  }
0x5e: {  	_ =	shalt  }
0x5f: {  	_ =	shalt  }
0x60: {  	_ =	shalt  }
0x61: {  	_ =	shalt  }
0x62: {  	_ =	shalt  }
0x63: {  	_ =	shalt  }
0x64: {  	_ =	shalt  }
0x65: {  	_ =	shalt  }
0x66: {  	_ =	shalt  }
0x67: {  	_ =	shalt  }
0x68: {  	_ =	shalt  }
0x69: {  	_ =	shalt  }
0x6a: {  	_ =	shalt  }
0x6b: {  	_ =	shalt  }
0x6c: {  	_ =	shalt  }
0x6d: {  	_ =	shalt  }
0x6e: {  	_ =	shalt  }
0x6f: {  	_ =	shalt  }
0x70: {  	_ =	shalt  }
0x71: {  	_ =	shalt  }
0x72: {  	_ =	shalt  }
0x73: {  	_ =	shalt  }
0x74: {  	_ =	shalt  }
0x75: {  	_ =	shalt  }
0x76: {  	_ =	shalt  }
0x77: {  	_ =	shalt  }
0x78: {  	_ =	shalt  }
0x79: {  	_ =	shalt  }
0x7a: {  	_ =	shalt  }
0x7b: {  	_ =	shalt  }
0x7c: {  	_ =	shalt  }
0x7d: {  	_ =	shalt  }
0x7e: {  	_ =	shalt  }
0x7f: {  	_ =	shalt  }
0x80: {  	_ =	shalt  }
0x81: {  	_ =	shalt  }
0x82: {  	_ =	shalt  }
0x83: {  	_ =	shalt  }
0x84: {  	_ =	shalt  }
0x85: {  	_ =	shalt  }
0x86: {  	_ =	shalt  }
0x87: {  	_ =	shalt  }
.Lfunc_end0:
.L_simem_size_0:
called_computation.3_lowered:
.L_overlay_start_0:
0x88: {  	s2 =	sld [smem:$0x3FD9]  }
0x89: {  	s3 =	sld [smem:$0x3FFE];
	_ =	sdelay $0x1  }
0x8a: {  	s1 =	srdreg.scid  }
0x8b: {  	s0 =	sand.u32 $0x1, s1  }
0x8c: {  	s16 =	sshll.u32 s0, $0xA;
	s2 =	sadd.s32 s3, s2  }
0x8d: {  	s2 =	sadd.s32 s2, s16  }
0x8e: {  	[smem:$0x3FB7] =	sst s2  }
0x8f: {  	_ = 	snop  }
0x90: {  	(tm) =	ssettm $0x1  }
0x91: {  	s17 =	sld [smem:$0x3FFB];
	_ =	sdelay $0x3  }
0x92: {  	_ =	strace s17  }
0x93: {  	s2 =	sld [smem:$0x3FFC];
	_ =	sdelay $0x3  }
0x94: {  	_ =	strace s2  }
0x95: {  	s2 =	sld [smem:$0x3FFD];
	_ =	sdelay $0x3  }
0x96: {  	_ =	strace s2  }
0x97: {  	_ =	strace $0x8FFFFFFF  }
0x98: {  	s18 =	sld [smem:$0x3FDB];
	_ =	sdelay $0x1  }
0x99: {  	s19 =	simm.s32 $_scs_section_size  }
0x9a: {  	s4 =	simm.s32 $_size__tile_overlayer_lowered;
	s5 =	simm.s32 $_tile_overlayer_lowered  }
0x9b: {  	s22 =	simm.s32 $0x1BFF;
	s21 =	sshll.u32 s5, $0x1;
	s2 =	sadd.s32 s19, s18  }
0x9c: {  	s6 =	simm.s32 $0x0;
	s20 =	sshll.u32 s4, $0x1;
	s4 =	sadd.s32 s21, s2  }
0x9d: {  	[timem:s6], [sflag:s22] =	dma.local [hbm:s4], s20  }
0x9e: {  	_ =	swait.ge [sflag:s22], s20  }
0x9f: {  	s3 =	ssub.s32 $0x0, s20;
	[sflag:s22] =	ssyncset.done $0x0  }
0xa0: {  	[sflag:s22] =	ssyncadd.s32 s3;
	_ =	sdelay $0x1  }
0xa1: {  	s23 =	simm.s32 $0x1B8B  }
0xa2: {  	_ =	swait.ge [sflag:s23], $0x1  }
0xa3: {  	[sflag:s23] =	ssyncset.done $0x0  }
0xa4: {  	s25 =	simm.s32 $0x1B8E;
	s24 =	sld [smem:$0x3FFE];
	[sflag:s23] =	ssyncadd.s32 $0xFFFFFFFF  }
0xa5: {  	s26 =	simm.s32 $execute0_lowered;
	[smem:$0x3FD2] =	sst s25  }
0xa6: {  	s4 =	sshll.u32 s26, $0x1;
	_ =	strace $0x8000004F;
	[dreg:$0x1] =	wrdreg $0xFFFFFFFF  }
0xa7: {  	s28 =	simm.s32 $_size_execute0_lowered;
	s2 =	sadd.s32 s2, s4;
	[dreg:$0x0] =	wrdreg $0x0  }
0xa8: {  	s4 =	sshll.u32 s28, $0x1;
	[dreg:$0x2] =	wrdreg s2  }
0xa9: {  	[dreg:$0x3] =	wrdreg s4  }
0xaa: {  	[dreg:$0x4] =	wrdreg $0xC0  }
0xab: {  	_ =	task [dreg:s6], $0x5FFFF  }
0xac: {  	[dreg:$0x1] =	wrdreg $0xFFFFFFFF  }
0xad: {  	[dreg:$0x0] =	wrdreg $0x60  }
0xae: {  	[dreg:$0x2] =	wrdreg s24  }
0xaf: {  	[dreg:$0x3] =	wrdreg $0x48000  }
0xb0: {  	[dreg:$0x4] =	wrdreg $0x9  }
0xb1: {  	_ =	task.clear_ibuf [dreg:s6], $0x5FFFF;
	_ =	strace $0x9000004F  }
0xb2: {  	s29 =	simm.s32 $0x9;
	_ =	strace $0x80000051  }
0xb3: {  	_ =	swait.ge [sflag:s29], $0x1  }
0xb4: {  	[sflag:s29] =	ssyncadd.s32 $0xFFFFFFFF  }
0xb5: {  	_ =	strace $0x90000051  }
0xb6: {  	_ =	sfence  }
0xb7: {  	s30 =	sld [smem:$0x0];
	_ =	sdelay $0x2  }
0xb8: {  	s31 =	sshll.u32 s1, $0xD;
	s1 =	sshrl.u32 s1, $0x2  }
0xb9: {  	s3 =	sand.u32 $0x4000, s31;
	s1 =	sadd.s32 s1, s30  }
0xba: {  	s0 =	sor.u32 s3, s0;
	s1 =	sshll.u32 s1, $0x11  }
0xbb: {  	s0 =	sor.u32 s1, s0  }
0xbc: {  	s0 =	sadd.s32 $0x8F2B, s0  }
0xbd: {  	[sflag:s0] =	ssyncadd.remote.s32 $0x1  }
0xbe: {  	_ =	sfence.sel $0xFFFF  }
0xbf: {  	[dreg:$0x0] =	wrdreg $0xFFFFFFFF;
	(pc) =	sbr.abs _section_cstart, $3  }
0xc0: {  	[dreg:$0x1] =	wrdreg $0xFFFFFFFF  }
0xc1: {  	_ =	task.clear_ibuf [dreg:s6], $0x2FFFF;
	_ =	strace $0x9FFFFFFF  }
0xc2: {  	(tm) =	ssettm $0x7FFFFFFF  }
0xc3: {  	_ =	shalt  }
tec
execute0_lowered:
.L_overlay_start_1:
0x0: {  	(tag) =	ssettag $0x1  }
0x1: {  	s0 =	rddreg [dreg:$0x0]  }
0x2: {  	s2 =	rddreg [dreg:$0x1];
	s1 =	srdreg.scid  }
0x3: {  	s9 =	stileid.u32;
	s3 =	simm.s32 $0x0;
	s28 =	simm.s32 $0x100  }
0x4: {  	s29 =	simm.s32 $0x2;
	s30 =	simm.s32 $0x480;
	s5 =	smul.u32 $0x140, s9  }
0x5: {  	s31 =	simm.s32 $0x180;
	s11 =	simm.s32 $0x680;
	s12 =	smul.u32 $0x2800, s9  }
0x6: {  	s1 =	sand.u32 $0x1, s1;
	[smem:$0x7FF] =	sst s3;
	s9 =	smul.u32 $0x50000, s9  }
0x7: {  	s4 =	sadd.s32 $0x2CE00, s0;
	s6 =	smul.u32 $0xF8, s1;
	_ =	strace $0x80000050  }
0x8: {  	s7 =	smul.u32 $0x28000, s1;
	s8 =	ssub.s32 $0x2, s1;
	p0 =	seq.s32 s1, $0x0  }
0x9: {  	s1 =	simm.s32 $0x1F;
	s14 =	sshrl.u32 s8, $0x1;
	s15 =	sshrl.u32 s9, $0x2  }
0xa: {  	s1 =	simm.s32 @!p0 $0x9;
	s5 =	sadd.s32 s6, s5;
	s13 =	sadd.s32 s12, s7  }
0xb: {  	s6 =	ssub.s32 s8, s14;
	[dreg:$0x3] =	wrdreg s1;
	s5 =	sshll.u32 s5, $0x4  }
0xc: {  	s16 =	smax.u32 s6, $0x1;
	s10 =	sadd.s32 s5, s0;
	s0 =	sadd.s32 s13, s0  }
0xd: {  	s5 =	sadd.s32 s15, s2;
	[dreg:$0x5] =	wrdreg s16;
	s0 =	sadd.s32 $0x54E00, s0  }
0xe: {  	s9 =	simm.s32 $0x600;
	s17 =	sadd.s32 $0x2000, s5;
	[dreg:$0x4] =	wrdreg s0  }
0xf: {  	s1 =	simm.s32 $0x200;
	s18 =	sadd.s32 $0x4000, s5;
	[dreg:$0x6] =	wrdreg s17  }
0x10: {  	s7 =	simm.s32 $0x580;
	s19 =	sadd.s32 $0x6000, s5;
	[dreg:$0x7] =	wrdreg s18  }
0x11: {  	s8 =	simm.s32 $0x280;
	s20 =	sadd.s32 $0x8000, s5;
	[dreg:$0x8] =	wrdreg s19  }
0x12: {  	s12 =	simm.s32 $0x380;
	s21 =	sadd.s32 $0xA000, s5;
	[dreg:$0x9] =	wrdreg s20  }
0x13: {  	s14 =	simm.s32 $0x780;
	s22 =	sadd.s32 $0xC000, s5;
	[dreg:$0xa] =	wrdreg s21  }
0x14: {  	s13 =	simm.s32 $0x700;
	s23 =	sadd.s32 $0xE000, s5;
	[dreg:$0xb] =	wrdreg s22  }
0x15: {  	s15 =	simm.s32 $0x0;
	s24 =	sadd.s32 $0x10000, s5;
	[dreg:$0xc] =	wrdreg s23  }
0x16: {  	s25 =	sadd.s32 $0x12000, s5;
	s26 =	sadd.s32 $0x4E00, s10;
	[dreg:$0xd] =	wrdreg s24  }
0x17: {  	s6 =	sadd.s32 $0x18E00, s10;
	s10 =	simm.s32 $0x300;
	[dreg:$0xe] =	wrdreg s25  }
0x18: {  	[dreg:$0xf] =	wrdreg s26;
	s20 =	simm.s32 $0x800;
	s21 =	simm.s32 $0x3  }
0x19: {  	s22 =	simm.s32 $0x400;
	s23 =	simm.s32 $0x40;
	s24 =	simm.s32 $0x80  }
0x1a: {  	v0 =	vimm.f32 $0.0e+00;
	s25 =	simm.s32 $0x2800;
	s26 =	simm.s32 $0x1;
	s0 =	simm.s32 $0x500  }
.LBB2_1:
0x1b: {  	s16 =	sand.u32 $0x7E00, s3  }
0x1c: {  	s18 =	sand.u32 $0x70, s3;
	s19 =	sshrl.u32 s16, $0x2  }
0x1d: {  	s16 =	simm.s32 $0x40;
	s19 =	sor.u32 s18, s19;
	s18 =	simm.s32 $0x0  }
.LBB2_2:
0x1e: {  	p0 =	sne.s32 s16, $0x7FC0  }
0x1f: {  	[tilespmem:s19+$0x800] =	vst v0;
	s18 =	sadd.s32 $0x10, s18;
	s19 =	smov.u32 s16;
	s16 =	sadd.s32 $0x40, s16  }
.Ltmp0:
0x20: {  	(pc) =	sbr.rel @p0 .LBB2_2-.Ltmp0, $4  }
0x21: {  	_ = 	snop  }
0x22: {  	s19 =	sand.u32 $0x7E00, s19  }
0x23: {  	s17 =	sand.u32 $0x70, s18;
	s19 =	sshrl.u32 s19, $0x2  }
0x24: {  	s19 =	sor.u32 s17, s19  }
0x25: {  	[tilespmem:s19+$0x800] =	vst v0  }
0x26: {  	[spmem:s5] =	stream.linear.scatter [tilespmem:s20], [sflag:$0x3], $0x2000, $0x38;
	[tilespmem:$0x18800] =	vst v63  }
0x27: {  	_ =	swait.ge [sflag:s21], $0x2000  }
0x28: {  	[sflag:s21] =	ssyncset.done $0x0  }
0x29: {  	s16 =	rddreg [dreg:$0x6];
	[sflag:s21] =	ssyncadd.s32 $0xFFFFE000  }
0x2a: {  	[spmem:s16] =	stream.linear.scatter [tilespmem:s20], [sflag:$0x3], $0x2000, $0x38;
	[tilespmem:$0x18800] =	vst v63  }
0x2b: {  	_ =	swait.ge [sflag:s21], $0x2000  }
0x2c: {  	[sflag:s21] =	ssyncset.done $0x0  }
0x2d: {  	s17 =	rddreg [dreg:$0x7];
	[sflag:s21] =	ssyncadd.s32 $0xFFFFE000  }
0x2e: {  	[spmem:s17] =	stream.linear.scatter [tilespmem:s20], [sflag:$0x3], $0x2000, $0x38;
	[tilespmem:$0x18800] =	vst v63  }
0x2f: {  	_ =	swait.ge [sflag:s21], $0x2000  }
0x30: {  	[sflag:s21] =	ssyncset.done $0x0  }
0x31: {  	s18 =	rddreg [dreg:$0x8];
	[sflag:s21] =	ssyncadd.s32 $0xFFFFE000  }
0x32: {  	[spmem:s18] =	stream.linear.scatter [tilespmem:s20], [sflag:$0x3], $0x2000, $0x38;
	[tilespmem:$0x18800] =	vst v63  }
0x33: {  	_ =	swait.ge [sflag:s21], $0x2000  }
0x34: {  	[sflag:s21] =	ssyncset.done $0x0  }
0x35: {  	s19 =	rddreg [dreg:$0x9];
	[sflag:s21] =	ssyncadd.s32 $0xFFFFE000  }
0x36: {  	[spmem:s19] =	stream.linear.scatter [tilespmem:s20], [sflag:$0x3], $0x2000, $0x38;
	[tilespmem:$0x18800] =	vst v63  }
0x37: {  	_ =	swait.ge [sflag:s21], $0x2000  }
0x38: {  	[sflag:s21] =	ssyncset.done $0x0  }
0x39: {  	s17 =	rddreg [dreg:$0xa];
	[sflag:s21] =	ssyncadd.s32 $0xFFFFE000  }
0x3a: {  	[spmem:s17] =	stream.linear.scatter [tilespmem:s20], [sflag:$0x3], $0x2000, $0x38;
	[tilespmem:$0x18800] =	vst v63  }
0x3b: {  	_ =	swait.ge [sflag:s21], $0x2000  }
0x3c: {  	[sflag:s21] =	ssyncset.done $0x0  }
0x3d: {  	s18 =	rddreg [dreg:$0xb];
	[sflag:s21] =	ssyncadd.s32 $0xFFFFE000  }
0x3e: {  	[spmem:s18] =	stream.linear.scatter [tilespmem:s20], [sflag:$0x3], $0x2000, $0x38;
	[tilespmem:$0x18800] =	vst v63  }
0x3f: {  	_ =	swait.ge [sflag:s21], $0x2000  }
0x40: {  	[sflag:s21] =	ssyncset.done $0x0  }
0x41: {  	s19 =	rddreg [dreg:$0xc];
	[sflag:s21] =	ssyncadd.s32 $0xFFFFE000  }
0x42: {  	[spmem:s19] =	stream.linear.scatter [tilespmem:s20], [sflag:$0x3], $0x2000, $0x38;
	[tilespmem:$0x18800] =	vst v63  }
0x43: {  	_ =	swait.ge [sflag:s21], $0x2000  }
0x44: {  	[sflag:s21] =	ssyncset.done $0x0  }
0x45: {  	s17 =	rddreg [dreg:$0xd];
	[sflag:s21] =	ssyncadd.s32 $0xFFFFE000  }
0x46: {  	[spmem:s17] =	stream.linear.scatter [tilespmem:s20], [sflag:$0x3], $0x2000, $0x38;
	[tilespmem:$0x18800] =	vst v63  }
0x47: {  	_ =	swait.ge [sflag:s21], $0x2000  }
0x48: {  	[sflag:s21] =	ssyncset.done $0x0  }
0x49: {  	s18 =	rddreg [dreg:$0xe];
	[sflag:s21] =	ssyncadd.s32 $0xFFFFE000  }
0x4a: {  	[spmem:s18] =	stream.linear.scatter [tilespmem:s20], [sflag:$0x3], $0x2000, $0x38;
	[tilespmem:$0x18800] =	vst v63  }
0x4b: {  	_ =	swait.ge [sflag:s21], $0x2000  }
0x4c: {  	[sflag:s21] =	ssyncset.done $0x0  }
0x4d: {  	[sflag:s21] =	ssyncadd.s32 $0xFFFFE000  }
0x4e: {  	[bflag:$0x0] =	sbarrier.arrive $0xFFFF  }
0x4f: {  	[tilespmem:s3], [sflag:$0x3] =	stream.linear.gather [hbm4b:s6+s3], $0x400, $0x38;
	[tilespmem:$0x18800] =	vst v63  }
0x50: {  	_ =	swait.ge [sflag:s21], $0x400  }
0x51: {  	[sflag:s21] =	ssyncset.done $0x0  }
0x52: {  	s18 =	rddreg [dreg:$0xf];
	[sflag:s21] =	ssyncadd.s32 $0xFFFFFC00  }
0x53: {  	[tilespmem:s22], [sflag:$0x3] =	stream.linear.gather [hbm4b:s18+s3], $0x400, $0x38;
	[tilespmem:$0x18800] =	vst v63  }
0x54: {  	_ =	swait.ge [sflag:s21], $0x400  }
0x55: {  	[sflag:s21] =	ssyncset.done $0x0  }
0x56: {  	[sflag:s21] =	ssyncadd.s32 $0xFFFFFC00  }
0x57: {  	[tilespmem:s20], [sflag:$0x1] =	stream.indirect.gather [hbm4b:s4+s23], $0x80, s3, s23, $0xb8;
	[tilespmem:$0x18800] =	vst v63  }
0x58: {  	_ = 	snop  }
0x59: {  	[tilespmem:s25], [sflag:$0x2] =	stream.indirect.gather [hbm4b:s4+s23], $0x80, s24, s23, $0xb8;
	[tilespmem:$0x18800] =	vst v63  }
0x5a: {  	_ =	swait.ge [sflag:s26], $0x2000  }
0x5b: {  	[sflag:s26] =	ssyncset.done $0x0  }
0x5c: {  	[sflag:s26] =	ssyncadd.s32 $0xFFFFE000  }
0x5d: {  	[spmem:s2] =	stream.indirect.scatter.add.f32 [tilespmem:s20], [sflag:$0x3], $0x80, s22, s23, $0xb8;
	[tilespmem:$0x18800] =	vst v63  }
0x5e: {  	_ =	swait.ge [sflag:s21], $0x2000  }
0x5f: {  	[sflag:s21] =	ssyncset.done $0x0  }
0x60: {  	[sflag:s21] =	ssyncadd.s32 $0xFFFFE000  }
0x61: {  	[tilespmem:s20], [sflag:$0x1] =	stream.indirect.gather [hbm4b:s4+s23], $0x80, s28, s23, $0xb8;
	[tilespmem:$0x18800] =	vst v63  }
0x62: {  	_ =	swait.ge [sflag:s29], $0x2000  }
0x63: {  	[sflag:s29] =	ssyncset.done $0x0  }
0x64: {  	[sflag:s29] =	ssyncadd.s32 $0xFFFFE000  }
0x65: {  	[spmem:s2] =	stream.indirect.scatter.add.f32 [tilespmem:s25], [sflag:$0x3], $0x80, s30, s23, $0xb8;
	[tilespmem:$0x18800] =	vst v63  }
0x66: {  	_ =	swait.ge [sflag:s21], $0x2000  }
0x67: {  	[sflag:s21] =	ssyncset.done $0x0  }
0x68: {  	[sflag:s21] =	ssyncadd.s32 $0xFFFFE000  }
0x69: {  	[tilespmem:s25], [sflag:$0x2] =	stream.indirect.gather [hbm4b:s4+s23], $0x80, s31, s23, $0xb8;
	[tilespmem:$0x18800] =	vst v63  }
0x6a: {  	_ =	swait.ge [sflag:s26], $0x2000  }
0x6b: {  	[sflag:s26] =	ssyncset.done $0x0  }
0x6c: {  	[sflag:s26] =	ssyncadd.s32 $0xFFFFE000  }
0x6d: {  	[spmem:s2] =	stream.indirect.scatter.add.f32 [tilespmem:s20], [sflag:$0x3], $0x80, s0, s23, $0xb8;
	[tilespmem:$0x18800] =	vst v63  }
0x6e: {  	_ =	swait.ge [sflag:s21], $0x2000  }
0x6f: {  	[sflag:s21] =	ssyncset.done $0x0  }
0x70: {  	[sflag:s21] =	ssyncadd.s32 $0xFFFFE000  }
0x71: {  	[tilespmem:s20], [sflag:$0x1] =	stream.indirect.gather [hbm4b:s4+s23], $0x80, s1, s23, $0xb8;
	[tilespmem:$0x18800] =	vst v63  }
0x72: {  	_ =	swait.ge [sflag:s29], $0x2000  }
0x73: {  	[sflag:s29] =	ssyncset.done $0x0  }
0x74: {  	[sflag:s29] =	ssyncadd.s32 $0xFFFFE000  }
0x75: {  	[spmem:s2] =	stream.indirect.scatter.add.f32 [tilespmem:s25], [sflag:$0x3], $0x80, s7, s23, $0xb8;
	[tilespmem:$0x18800] =	vst v63  }
0x76: {  	_ =	swait.ge [sflag:s21], $0x2000  }
0x77: {  	[sflag:s21] =	ssyncset.done $0x0  }
0x78: {  	[sflag:s21] =	ssyncadd.s32 $0xFFFFE000  }
0x79: {  	[tilespmem:s25], [sflag:$0x2] =	stream.indirect.gather [hbm4b:s4+s23], $0x80, s8, s23, $0xb8;
	[tilespmem:$0x18800] =	vst v63  }
0x7a: {  	_ =	swait.ge [sflag:s26], $0x2000  }
0x7b: {  	[sflag:s26] =	ssyncset.done $0x0  }
0x7c: {  	[sflag:s26] =	ssyncadd.s32 $0xFFFFE000  }
0x7d: {  	[spmem:s2] =	stream.indirect.scatter.add.f32 [tilespmem:s20], [sflag:$0x3], $0x80, s9, s23, $0xb8;
	[tilespmem:$0x18800] =	vst v63  }
0x7e: {  	_ =	swait.ge [sflag:s21], $0x2000  }
0x7f: {  	[sflag:s21] =	ssyncset.done $0x0  }
0x80: {  	[sflag:s21] =	ssyncadd.s32 $0xFFFFE000  }
0x81: {  	[tilespmem:s20], [sflag:$0x1] =	stream.indirect.gather [hbm4b:s4+s23], $0x80, s10, s23, $0xb8;
	[tilespmem:$0x18800] =	vst v63  }
0x82: {  	_ =	swait.ge [sflag:s29], $0x2000  }
0x83: {  	[sflag:s29] =	ssyncset.done $0x0  }
0x84: {  	[sflag:s29] =	ssyncadd.s32 $0xFFFFE000  }
0x85: {  	[spmem:s2] =	stream.indirect.scatter.add.f32 [tilespmem:s25], [sflag:$0x3], $0x80, s11, s23, $0xb8;
	[tilespmem:$0x18800] =	vst v63  }
0x86: {  	_ =	swait.ge [sflag:s21], $0x2000  }
0x87: {  	[sflag:s21] =	ssyncset.done $0x0  }
0x88: {  	[sflag:s21] =	ssyncadd.s32 $0xFFFFE000  }
0x89: {  	[tilespmem:s25], [sflag:$0x2] =	stream.indirect.gather [hbm4b:s4+s23], $0x80, s12, s23, $0xb8;
	[tilespmem:$0x18800] =	vst v63  }
0x8a: {  	_ =	swait.ge [sflag:s26], $0x2000  }
0x8b: {  	[sflag:s26] =	ssyncset.done $0x0  }
0x8c: {  	[sflag:s26] =	ssyncadd.s32 $0xFFFFE000  }
0x8d: {  	[spmem:s2] =	stream.indirect.scatter.add.f32 [tilespmem:s20], [sflag:$0x3], $0x80, s13, s23, $0xb8;
	[tilespmem:$0x18800] =	vst v63  }
0x8e: {  	_ =	swait.ge [sflag:s21], $0x2000  }
0x8f: {  	[sflag:s21] =	ssyncset.done $0x0  }
0x90: {  	[sflag:s21] =	ssyncadd.s32 $0xFFFFE000  }
0x91: {  	_ =	swait.ge [sflag:s29], $0x2000  }
0x92: {  	s19 =	rddreg [dreg:$0x3]  }
0x93: {  	p0 =	sne.s32 s19, $0x1  }
.Ltmp1:
0x94: {  	[sflag:s29] =	ssyncset.done $0x0;
	(pc) =	sbr.rel @!p0 .LBB2_5-.Ltmp1, $4  }
0x95: {  	[sflag:s29] =	ssyncadd.s32 $0xFFFFE000  }
0x96: {  	[spmem:s2] =	stream.indirect.scatter.add.f32 [tilespmem:s25], [sflag:$0x3], $0x80, s14, s23, $0xb8;
	[tilespmem:$0x18800] =	vst v63  }
0x97: {  	_ =	swait.ge [sflag:s21], $0x2000  }
0x98: {  	s16 =	sadd.s32 $0xFFFFFFFF, s19;
	s19 =	smov.u32 s6;
	[sflag:s21] =	ssyncset.done $0x0  }
.LBB2_4:
0x99: {  	[sflag:s21] =	ssyncadd.s32 $0xFFFFE000;
	s18 =	sadd.s32 $0x80, s18;
	s19 =	sadd.s32 $0x80, s19  }
0x9a: {  	[tilespmem:s3], [sflag:$0x3] =	stream.linear.gather [hbm4b:s19+s3], $0x400, $0x38;
	[tilespmem:$0x18800] =	vst v63  }
0x9b: {  	p0 =	sne.s32 s16, $0x1;
	s16 =	sadd.s32 $0xFFFFFFFF, s16;
	_ =	swait.ge [sflag:s21], $0x400  }
0x9c: {  	[sflag:s21] =	ssyncset.done $0x0  }
0x9d: {  	[sflag:s21] =	ssyncadd.s32 $0xFFFFFC00  }
0x9e: {  	[tilespmem:s22], [sflag:$0x3] =	stream.linear.gather [hbm4b:s18+s3], $0x400, $0x38;
	[tilespmem:$0x18800] =	vst v63  }
0x9f: {  	_ =	swait.ge [sflag:s21], $0x400  }
0xa0: {  	[sflag:s21] =	ssyncset.done $0x0  }
0xa1: {  	[sflag:s21] =	ssyncadd.s32 $0xFFFFFC00  }
0xa2: {  	[tilespmem:s20], [sflag:$0x1] =	stream.indirect.gather [hbm4b:s4+s23], $0x80, s3, s23, $0xb8;
	[tilespmem:$0x18800] =	vst v63  }
0xa3: {  	_ = 	snop  }
0xa4: {  	[tilespmem:s25], [sflag:$0x2] =	stream.indirect.gather [hbm4b:s4+s23], $0x80, s24, s23, $0xb8;
	[tilespmem:$0x18800] =	vst v63  }
0xa5: {  	_ =	swait.ge [sflag:s26], $0x2000  }
0xa6: {  	[sflag:s26] =	ssyncset.done $0x0  }
0xa7: {  	[sflag:s26] =	ssyncadd.s32 $0xFFFFE000  }
0xa8: {  	[spmem:s2] =	stream.indirect.scatter.add.f32 [tilespmem:s20], [sflag:$0x3], $0x80, s22, s23, $0xb8;
	[tilespmem:$0x18800] =	vst v63  }
0xa9: {  	_ =	swait.ge [sflag:s21], $0x2000  }
0xaa: {  	[sflag:s21] =	ssyncset.done $0x0  }
0xab: {  	[sflag:s21] =	ssyncadd.s32 $0xFFFFE000  }
0xac: {  	[tilespmem:s20], [sflag:$0x1] =	stream.indirect.gather [hbm4b:s4+s23], $0x80, s28, s23, $0xb8;
	[tilespmem:$0x18800] =	vst v63  }
0xad: {  	_ =	swait.ge [sflag:s29], $0x2000  }
0xae: {  	[sflag:s29] =	ssyncset.done $0x0  }
0xaf: {  	[sflag:s29] =	ssyncadd.s32 $0xFFFFE000  }
0xb0: {  	[spmem:s2] =	stream.indirect.scatter.add.f32 [tilespmem:s25], [sflag:$0x3], $0x80, s30, s23, $0xb8;
	[tilespmem:$0x18800] =	vst v63  }
0xb1: {  	_ =	swait.ge [sflag:s21], $0x2000  }
0xb2: {  	[sflag:s21] =	ssyncset.done $0x0  }
0xb3: {  	[sflag:s21] =	ssyncadd.s32 $0xFFFFE000  }
0xb4: {  	[tilespmem:s25], [sflag:$0x2] =	stream.indirect.gather [hbm4b:s4+s23], $0x80, s31, s23, $0xb8;
	[tilespmem:$0x18800] =	vst v63  }
0xb5: {  	_ =	swait.ge [sflag:s26], $0x2000  }
0xb6: {  	[sflag:s26] =	ssyncset.done $0x0  }
0xb7: {  	[sflag:s26] =	ssyncadd.s32 $0xFFFFE000  }
0xb8: {  	[spmem:s2] =	stream.indirect.scatter.add.f32 [tilespmem:s20], [sflag:$0x3], $0x80, s0, s23, $0xb8;
	[tilespmem:$0x18800] =	vst v63  }
0xb9: {  	_ =	swait.ge [sflag:s21], $0x2000  }
0xba: {  	[sflag:s21] =	ssyncset.done $0x0  }
0xbb: {  	[sflag:s21] =	ssyncadd.s32 $0xFFFFE000  }
0xbc: {  	[tilespmem:s20], [sflag:$0x1] =	stream.indirect.gather [hbm4b:s4+s23], $0x80, s1, s23, $0xb8;
	[tilespmem:$0x18800] =	vst v63  }
0xbd: {  	_ =	swait.ge [sflag:s29], $0x2000  }
0xbe: {  	[sflag:s29] =	ssyncset.done $0x0  }
0xbf: {  	[sflag:s29] =	ssyncadd.s32 $0xFFFFE000  }
0xc0: {  	[spmem:s2] =	stream.indirect.scatter.add.f32 [tilespmem:s25], [sflag:$0x3], $0x80, s7, s23, $0xb8;
	[tilespmem:$0x18800] =	vst v63  }
0xc1: {  	_ =	swait.ge [sflag:s21], $0x2000  }
0xc2: {  	[sflag:s21] =	ssyncset.done $0x0  }
0xc3: {  	[sflag:s21] =	ssyncadd.s32 $0xFFFFE000  }
0xc4: {  	[tilespmem:s25], [sflag:$0x2] =	stream.indirect.gather [hbm4b:s4+s23], $0x80, s8, s23, $0xb8;
	[tilespmem:$0x18800] =	vst v63  }
0xc5: {  	_ =	swait.ge [sflag:s26], $0x2000  }
0xc6: {  	[sflag:s26] =	ssyncset.done $0x0  }
0xc7: {  	[sflag:s26] =	ssyncadd.s32 $0xFFFFE000  }
0xc8: {  	[spmem:s2] =	stream.indirect.scatter.add.f32 [tilespmem:s20], [sflag:$0x3], $0x80, s9, s23, $0xb8;
	[tilespmem:$0x18800] =	vst v63  }
0xc9: {  	_ =	swait.ge [sflag:s21], $0x2000  }
0xca: {  	[sflag:s21] =	ssyncset.done $0x0  }
0xcb: {  	[sflag:s21] =	ssyncadd.s32 $0xFFFFE000  }
0xcc: {  	[tilespmem:s20], [sflag:$0x1] =	stream.indirect.gather [hbm4b:s4+s23], $0x80, s10, s23, $0xb8;
	[tilespmem:$0x18800] =	vst v63  }
0xcd: {  	_ =	swait.ge [sflag:s29], $0x2000  }
0xce: {  	[sflag:s29] =	ssyncset.done $0x0  }
0xcf: {  	[sflag:s29] =	ssyncadd.s32 $0xFFFFE000  }
0xd0: {  	[spmem:s2] =	stream.indirect.scatter.add.f32 [tilespmem:s25], [sflag:$0x3], $0x80, s11, s23, $0xb8;
	[tilespmem:$0x18800] =	vst v63  }
0xd1: {  	_ =	swait.ge [sflag:s21], $0x2000  }
0xd2: {  	[sflag:s21] =	ssyncset.done $0x0  }
0xd3: {  	[sflag:s21] =	ssyncadd.s32 $0xFFFFE000  }
0xd4: {  	[tilespmem:s25], [sflag:$0x2] =	stream.indirect.gather [hbm4b:s4+s23], $0x80, s12, s23, $0xb8;
	[tilespmem:$0x18800] =	vst v63  }
0xd5: {  	_ =	swait.ge [sflag:s26], $0x2000  }
0xd6: {  	[sflag:s26] =	ssyncset.done $0x0  }
0xd7: {  	[sflag:s26] =	ssyncadd.s32 $0xFFFFE000  }
0xd8: {  	[spmem:s2] =	stream.indirect.scatter.add.f32 [tilespmem:s20], [sflag:$0x3], $0x80, s13, s23, $0xb8;
	[tilespmem:$0x18800] =	vst v63  }
0xd9: {  	_ =	swait.ge [sflag:s21], $0x2000  }
0xda: {  	[sflag:s21] =	ssyncset.done $0x0  }
0xdb: {  	[sflag:s21] =	ssyncadd.s32 $0xFFFFE000  }
0xdc: {  	_ =	swait.ge [sflag:s29], $0x2000  }
.Ltmp2:
0xdd: {  	[sflag:s29] =	ssyncset.done $0x0;
	(pc) =	sbr.rel @p0 .LBB2_4-.Ltmp2, $4  }
0xde: {  	[sflag:s29] =	ssyncadd.s32 $0xFFFFE000  }
0xdf: {  	[spmem:s2] =	stream.indirect.scatter.add.f32 [tilespmem:s25], [sflag:$0x3], $0x80, s14, s23, $0xb8;
	[tilespmem:$0x18800] =	vst v63  }
0xe0: {  	_ =	swait.ge [sflag:s21], $0x2000  }
0xe1: {  	[sflag:s21] =	ssyncset.done $0x0  }
.LBB2_5:
0xe2: {  	[sflag:s21] =	ssyncadd.s32 $0xFFFFE000;
	s16 =	stileid.u32  }
0xe3: {  	s16 =	sshll.u32 s16, $0x6;
	[bflag:$0x0] =	sbarrier.arrive $0xFFFF  }
0xe4: {  	s17 =	sshrl.u32 s5, $0x3;
	s16 =	sor.u32 $0x1C03, s16;
	s18 =	rddreg [dreg:$0x4]  }
0xe5: {  	[hbm:s18], [sflag:s16] =	dma.local [spmem:s17], $0x2800  }
0xe6: {  	_ =	swait.ge [sflag:s21], $0x2800  }
0xe7: {  	s15 =	sadd.s32 $0x1, s15;
	s19 =	rddreg [dreg:$0x5]  }
0xe8: {  	p0 =	sne.s32 s15, s19  }
.Ltmp3:
0xe9: {  	_ = 	snop;
	(pc) =	sbr.rel @p0 .LBB2_1-.Ltmp3, $3  }
0xea: {  	_ =	sdelay $0x1  }
0xeb: {  	[sflag:s21] =	ssyncset.done $0x0  }
0xec: {  	[sflag:s21] =	ssyncadd.s32 $0xFFFFD800  }
0xed: {  	_ =	sfence.sel $0x180000  }
0xee: {  	[bflag:$0x0] =	sbarrier.arrive $0xFFFF  }
0xef: {  	_ =	strace $0x90000050  }
0xf0: {  	s0 =	stileid.u32;
	[bflag:$0x2] =	sbarrier.arrive $0xFFFF  }
0xf1: {  	p0 =	sne.s32 s0, $0x0;
	s0 =	rddreg [dreg:$0x2]  }
0xf2: {  	s0 =	sadd.s32 @!p0 $0x100000, s0  }
0xf3: {  	[sflag:s0] =	ssyncadd.tile.s32 @!p0 $0x1;
	_ =	shalt  }
.Lfunc_end2:
_tile_overlayer_lowered:
.L_overlay_start_2:
0xf4: {  	(tag) =	ssettag $0x2  }
0xf5: {  	s0 =	rddreg [dreg:$0x0];
	s2 =	stileid.u32  }
0xf6: {  	s1 =	rddreg [dreg:$0x1];
	p0 =	sne.s32 s2, $0x0  }
0xf7: {  	s3 =	rddreg [dreg:$0x2];
	[bflag:$0x3] =	sbarrier.arrive $0xFFFF;
	s2 =	simm.s32 @!p0 $0x1C03  }
0xf8: {  	[timem:s3], [sflag:s2] =	dma.local @!p0 [hbm:s0], s1  }
0xf9: {  	s0 =	simm.s32 @!p0 $0x3  }
0xfa: {  	_ =	swait.ge @!p0 [sflag:s0], s1  }
0xfb: {  	s1 =	ssub.s32 @!p0 $0x0, s1;
	[sflag:s0] =	ssyncset.done @!p0 $0x0  }
0xfc: {  	[sflag:s0] =	ssyncadd.s32 @!p0 s1  }
0xfd: {  	[bflag:$0x3] =	sbarrier.arrive $0xFFFF  }
0xfe: {  	_ =	shalt  }

// kernel: kernel.27.cloned.1.call-start
scs
__scs_entry_jumppad:
0x0: {  	(pc) =	sbr.rel $0x88, $3  }
0x1: {  	(tag) =	ssettag $0x0;
	lr =	simm.s32 $0x1  }
0x2: {  	[smem:$0x3F90] =	sst lr;
	_ =	strace $0xD0000000  }
0x3: {  	_ = 	snop  }
0x4: {  	_ = 	snop  }
0x5: {  	_ = 	snop  }
0x6: {  	_ = 	snop  }
0x7: {  	_ = 	snop  }
__scs_overlays_trampoline_lowered:
0x8: {  	[smem:$0x3F9F] =	sst s0  }
0x9: {  	[smem:$0x3FA0] =	sst s1  }
0xa: {  	[smem:$0x3FA1] =	sst s2  }
0xb: {  	[smem:$0x3FA2] =	sst s3  }
0xc: {  	[smem:$0x3FA3] =	sst s4  }
0xd: {  	[smem:$0x3FA4] =	sst s5  }
0xe: {  	[smem:$0x3FA5] =	sst s6  }
0xf: {  	[smem:$0x3FA6] =	sst s7  }
0x10: {  	[smem:$0x3FA7] =	sst s8  }
0x11: {  	[smem:$0x3FA8] =	sst s9;
	s0 =	simm.s32 @!p0 $0x0  }
0x12: {  	s1 =	sld [smem:$0x3F8E];
	s0 =	simm.s32 @p0 $0x1  }
0x13: {  	[smem:$0x3FA9] =	sst s0;
	s0 =	simm.s32 @!p1 $0x0  }
0x14: {  	s2 =	sld [smem:$0x3F8D];
	s0 =	simm.s32 @p1 $0x1  }
0x15: {  	[smem:$0x3FAA] =	sst s0;
	s0 =	simm.s32 @!p2 $0x0  }
0x16: {  	s3 =	sld [smem:$0x3FDB];
	s0 =	simm.s32 @p2 $0x1  }
0x17: {  	s4 =	simm.s32 $0x1BF5;
	[smem:$0x3FAC] =	sst s0  }
0x18: {  	s0 =	sld [smem:$0x3F8F];
	_ =	swait.ge [sflag:s4], $0x0  }
0x19: {  	s7 =	sld [smem:$0x3F90]  }
0x1a: {  	s8 =	sadd.s32 $0xFFFFE003, lr  }
0x1b: {  	s9 =	sadd.s32 $0xFFFFFEF7, lr;
	s5 =	simm.s32 $0xFFFFFFFF;
	p2 =	slt.u32 s8, $0xFFFFF086  }
0x1c: {  	p1 =	slt.u32 s9, $0xF7A;
	s5 =	simm.s32 @!p2 $0x0  }
0x1d: {  	s5 =	simm.s32 @p1 $0x1;
	p0 =	seq.s32 s7, s2  }
0x1e: {  	s7 =	smul.u32 @!p0 $0xF7A, s2;
	p2 =	seq.s32 @!p0 s5, $0x0  }
0x1f: {  	s9 =	smul.u32 $0xF7A, s1;
	s8 =	simm.s32 @!p0 $0x1BF5;
	p2 =	por !p2, p0  }
0x20: {  	[sflag:s8] =	ssyncset.s32 @!p0 $0xFFFFF086;
	s6 =	sadd.s32 @!p0 s3, s7;
	s7 =	simm.s32 @!p0 $0x108  }
0x21: {  	s3 =	sadd.s32 s3, s9;
	s6 =	sadd.s32 @!p0 $0x88, s6;
	s7 =	simm.s32 @p2 $0x1082  }
0x22: {  	[simem:s7], [sflag:s8] =	dma.local @!p0 [hbm:s6], $0xF7A  }
0x23: {  	s9 =	sor.u32 $0xD0000000, s2;
	s6 =	simm.s32 $0x108;
	_ =	swait.ge @!p0 [sflag:s8], $0x0  }
0x24: {  	s3 =	sadd.s32 $0x88, s3;
	s6 =	simm.s32 @!p1 $0x1082;
	[sflag:s4] =	ssyncset.s32 $0xFFFFF086  }
0x25: {  	[simem:s6], [sflag:s4] =	dma.local [hbm:s3], $0xF7A  }
0x26: {  	[smem:$0x3F90] =	sst s1;
	(tag) =	ssettag s2;
	_ =	strace s9  }
0x27: {  	s1 =	sld [smem:$0x3FA0]  }
0x28: {  	s2 =	sld [smem:$0x3FA1]  }
0x29: {  	s4 =	sld [smem:$0x3FA3]  }
0x2a: {  	p0 =	seq.s32 s5, $0x0;
	s5 =	sld [smem:$0x3FA4]  }
0x2b: {  	s6 =	sld [smem:$0x3FA5]  }
0x2c: {  	s7 =	sld [smem:$0x3FA6]  }
0x2d: {  	s3 =	simm.s32 $0x108;
	s8 =	sld [smem:$0x3FA7]  }
0x2e: {  	s3 =	simm.s32 @!p0 $0x1082;
	s9 =	sld [smem:$0x3FA8]  }
0x2f: {  	lr =	sadd.s32 s0, s3;
	s0 =	sld [smem:$0x3F9F]  }
0x30: {  	s3 =	sld [smem:$0x3FA2]  }
0x31: {  	[smem:$0x3FAB] =	sst s10  }
0x32: {  	s10 =	sld [smem:$0x3FA9];
	_ =	sdelay $0x3  }
0x33: {  	p0 =	seq.s32 s10, $0x1;
	s10 =	sld [smem:$0x3FAB];
	_ =	sdelay $0x3  }
0x34: {  	[smem:$0x3FAB] =	sst s10  }
0x35: {  	s10 =	sld [smem:$0x3FAA];
	_ =	sdelay $0x3  }
0x36: {  	p1 =	seq.s32 s10, $0x1;
	s10 =	sld [smem:$0x3FAB];
	_ =	sdelay $0x3  }
0x37: {  	[smem:$0x3FAB] =	sst s10  }
0x38: {  	s10 =	sld [smem:$0x3FAC]  }
0x39: {  	_ = 	snop;
	(pc) =	sbr.ind lr, $3  }
0x3a: {  	_ = 	snop  }
0x3b: {  	_ = 	snop  }
0x3c: {  	p2 =	seq.s32 s10, $0x1;
	s10 =	sld [smem:$0x3FAB]  }
0x3d: {  	_ =	shalt  }
0x3e: {  	_ =	shalt  }
0x3f: {  	_ =	shalt  }
0x40: {  	_ =	shalt  }
0x41: {  	_ =	shalt  }
0x42: {  	_ =	shalt  }
0x43: {  	_ =	shalt  }
0x44: {  	_ =	shalt  }
0x45: {  	_ =	shalt  }
0x46: {  	_ =	shalt  }
0x47: {  	_ =	shalt  }
0x48: {  	_ =	shalt  }
0x49: {  	_ =	shalt  }
0x4a: {  	_ =	shalt  }
0x4b: {  	_ =	shalt  }
0x4c: {  	_ =	shalt  }
0x4d: {  	_ =	shalt  }
0x4e: {  	_ =	shalt  }
0x4f: {  	_ =	shalt  }
0x50: {  	_ =	shalt  }
0x51: {  	_ =	shalt  }
0x52: {  	_ =	shalt  }
0x53: {  	_ =	shalt  }
0x54: {  	_ =	shalt  }
0x55: {  	_ =	shalt  }
0x56: {  	_ =	shalt  }
0x57: {  	_ =	shalt  }
0x58: {  	_ =	shalt  }
0x59: {  	_ =	shalt  }
0x5a: {  	_ =	shalt  }
0x5b: {  	_ =	shalt  }
0x5c: {  	_ =	shalt  }
0x5d: {  	_ =	shalt  }
0x5e: {  	_ =	shalt  }
0x5f: {  	_ =	shalt  }
0x60: {  	_ =	shalt  }
0x61: {  	_ =	shalt  }
0x62: {  	_ =	shalt  }
0x63: {  	_ =	shalt  }
0x64: {  	_ =	shalt  }
0x65: {  	_ =	shalt  }
0x66: {  	_ =	shalt  }
0x67: {  	_ =	shalt  }
0x68: {  	_ =	shalt  }
0x69: {  	_ =	shalt  }
0x6a: {  	_ =	shalt  }
0x6b: {  	_ =	shalt  }
0x6c: {  	_ =	shalt  }
0x6d: {  	_ =	shalt  }
0x6e: {  	_ =	shalt  }
0x6f: {  	_ =	shalt  }
0x70: {  	_ =	shalt  }
0x71: {  	_ =	shalt  }
0x72: {  	_ =	shalt  }
0x73: {  	_ =	shalt  }
0x74: {  	_ =	shalt  }
0x75: {  	_ =	shalt  }
0x76: {  	_ =	shalt  }
0x77: {  	_ =	shalt  }
0x78: {  	_ =	shalt  }
0x79: {  	_ =	shalt  }
0x7a: {  	_ =	shalt  }
0x7b: {  	_ =	shalt  }
0x7c: {  	_ =	shalt  }
0x7d: {  	_ =	shalt  }
0x7e: {  	_ =	shalt  }
0x7f: {  	_ =	shalt  }
0x80: {  	_ =	shalt  }
0x81: {  	_ =	shalt  }
0x82: {  	_ =	shalt  }
0x83: {  	_ =	shalt  }
0x84: {  	_ =	shalt  }
0x85: {  	_ =	shalt  }
0x86: {  	_ =	shalt  }
0x87: {  	_ =	shalt  }
.Lfunc_end0:
.L_simem_size_0:
called_computation.4_lowered:
.L_overlay_start_0:
0x88: {  	s2 =	sld [smem:$0x3FD9]  }
0x89: {  	s3 =	sld [smem:$0x3FFE];
	_ =	sdelay $0x1  }
0x8a: {  	s1 =	srdreg.scid  }
0x8b: {  	s0 =	sand.u32 $0x1, s1  }
0x8c: {  	s17 =	sshll.u32 s0, $0xA;
	s2 =	sadd.s32 s3, s2  }
0x8d: {  	s2 =	sadd.s32 s2, s17  }
0x8e: {  	[smem:$0x3FB7] =	sst s2  }
0x8f: {  	_ = 	snop  }
0x90: {  	s2 =	sld [smem:$0x3FD0];
	(tm) =	ssettm $0x1  }
0x91: {  	s18 =	sld [smem:$0x3FFB];
	_ =	sdelay $0x3  }
0x92: {  	_ =	strace s18  }
0x93: {  	s3 =	sld [smem:$0x3FFC];
	_ =	sdelay $0x3  }
0x94: {  	_ =	strace s3  }
0x95: {  	s3 =	sld [smem:$0x3FFD];
	_ =	sdelay $0x3  }
0x96: {  	_ =	strace s3  }
0x97: {  	_ =	strace $0x8FFFFFFF  }
0x98: {  	s19 =	sld [smem:$0x3FDB];
	_ =	sdelay $0x1  }
0x99: {  	s4 =	simm.s32 $_scs_section_size  }
0x9a: {  	s5 =	simm.s32 $_size__tile_overlayer_lowered;
	s6 =	simm.s32 $_tile_overlayer_lowered  }
0x9b: {  	s22 =	simm.s32 $0x1BFF;
	s21 =	sshll.u32 s6, $0x1;
	s3 =	sadd.s32 s4, s19  }
0x9c: {  	s7 =	simm.s32 $0x0;
	s20 =	sshll.u32 s5, $0x1;
	s5 =	sadd.s32 s21, s3  }
0x9d: {  	[timem:s7], [sflag:s22] =	dma.local [hbm:s5], s20  }
0x9e: {  	_ =	swait.ge [sflag:s22], s20  }
0x9f: {  	s4 =	ssub.s32 $0x0, s20;
	[sflag:s22] =	ssyncset.done $0x0  }
0xa0: {  	[sflag:s22] =	ssyncadd.s32 s4;
	_ =	sdelay $0x1  }
0xa1: {  	s23 =	simm.s32 $0x1B8B  }
0xa2: {  	_ =	swait.ge [sflag:s23], $0x1  }
0xa3: {  	[sflag:s23] =	ssyncset.done $0x0  }
0xa4: {  	s25 =	simm.s32 $0x1B8E;
	s24 =	sld [smem:$0x3FFE];
	[sflag:s23] =	ssyncadd.s32 $0xFFFFFFFF  }
0xa5: {  	s26 =	simm.s32 $execute0_lowered;
	[smem:$0x3FD2] =	sst s25  }
0xa6: {  	s5 =	sshll.u32 s26, $0x1;
	_ =	strace $0x80000052;
	[dreg:$0x1] =	wrdreg $0xFFFFFFFF  }
0xa7: {  	s28 =	simm.s32 $_size_execute0_lowered;
	s3 =	sadd.s32 s3, s5;
	[dreg:$0x0] =	wrdreg $0x0  }
0xa8: {  	s5 =	sshll.u32 s28, $0x1;
	[dreg:$0x2] =	wrdreg s3  }
0xa9: {  	[dreg:$0x3] =	wrdreg s5  }
0xaa: {  	[dreg:$0x4] =	wrdreg $0xC0  }
0xab: {  	_ =	task [dreg:s7], $0x5FFFF  }
0xac: {  	[dreg:$0x1] =	wrdreg $0xFFFFFFFF  }
0xad: {  	[dreg:$0x0] =	wrdreg $0x60  }
0xae: {  	[dreg:$0x2] =	wrdreg s24  }
0xaf: {  	[dreg:$0x3] =	wrdreg s2  }
0xb0: {  	[dreg:$0x4] =	wrdreg $0x2C000  }
0xb1: {  	[dreg:$0x5] =	wrdreg $0x30000  }
0xb2: {  	[dreg:$0x6] =	wrdreg $0x9  }
0xb3: {  	_ =	task.clear_ibuf [dreg:s7], $0x7FFFF;
	_ =	strace $0x90000052  }
0xb4: {  	s29 =	simm.s32 $0x9;
	_ =	strace $0x80000054  }
0xb5: {  	_ =	swait.ge [sflag:s29], $0x1  }
0xb6: {  	[sflag:s29] =	ssyncadd.s32 $0xFFFFFFFF  }
0xb7: {  	_ =	strace $0x90000054  }
0xb8: {  	_ =	sfence  }
0xb9: {  	s30 =	sld [smem:$0x0];
	_ =	sdelay $0x2  }
0xba: {  	s31 =	sshll.u32 s1, $0xD;
	s1 =	sshrl.u32 s1, $0x2  }
0xbb: {  	s3 =	sand.u32 $0x4000, s31;
	s1 =	sadd.s32 s1, s30  }
0xbc: {  	s0 =	sor.u32 s3, s0;
	s1 =	sshll.u32 s1, $0x11  }
0xbd: {  	s0 =	sor.u32 s1, s0  }
0xbe: {  	s0 =	sadd.s32 $0x8F2B, s0  }
0xbf: {  	[sflag:s0] =	ssyncadd.remote.s32 $0x1  }
0xc0: {  	_ =	sfence.sel $0xFFFF  }
0xc1: {  	[dreg:$0x0] =	wrdreg $0xFFFFFFFF;
	(pc) =	sbr.abs _section_cstart, $3  }
0xc2: {  	[dreg:$0x1] =	wrdreg $0xFFFFFFFF  }
0xc3: {  	_ =	task.clear_ibuf [dreg:s7], $0x2FFFF;
	_ =	strace $0x9FFFFFFF  }
0xc4: {  	(tm) =	ssettm $0x7FFFFFFF  }
0xc5: {  	_ =	shalt  }
tec
execute0_lowered:
.L_overlay_start_1:
0x0: {  	(tag) =	ssettag $0x1  }
0x1: {  	s0 =	rddreg [dreg:$0x0]  }
0x2: {  	s1 =	rddreg [dreg:$0x1];
	s3 =	srdreg.scid  }
0x3: {  	s10 =	stileid.u32;
	s2 =	rddreg [dreg:$0x2];
	s19 =	simm.s32 $0x400  }
0x4: {  	s20 =	simm.s32 $0x1;
	s21 =	simm.s32 $0x28;
	s22 =	simm.s32 $0x1800  }
0x5: {  	s23 =	simm.s32 $0x80;
	s28 =	simm.s32 $0x280;
	s29 =	simm.s32 $0x300  }
0x6: {  	s30 =	simm.s32 $0x380;
	s31 =	simm.s32 $0x0;
	s5 =	sand.u32 $0x1, s3  }
0x7: {  	s4 =	sshll.u32 s10, $0x1;
	s3 =	rddreg [dreg:$0x3];
	s25 =	sshll.u32 s10, $0x7  }
0x8: {  	s10 =	sshll.u32 s10, $0xA;
	s6 =	sor.u32 s5, s4;
	s4 =	simm.s32 $0x0  }
0x9: {  	s24 =	ssub.s32 $0x2, s5;
	s5 =	sshll.u32 s5, $0xC;
	s7 =	smul.u32 $0x1400, s6  }
0xa: {  	[smem:$0x7FF] =	sst s4;
	s6 =	sshll.u32 s6, $0x7;
	s9 =	sshrl.u32 s24, $0x1  }
0xb: {  	_ =	strace $0x80000053;
	s11 =	ssub.s32 s24, s9;
	s24 =	simm.s32 $0x100  }
0xc: {  	s8 =	sadd.s32 s7, s0;
	s0 =	sadd.s32 s6, s0;
	s7 =	sor.u32 s25, s5  }
0xd: {  	s5 =	sadd.s32 s10, s2;
	s11 =	smax.u32 s11, $0x1;
	s25 =	simm.s32 $0x180  }
0xe: {  	s6 =	sadd.s32 s1, s7;
	s7 =	sadd.s32 s10, s3;
	s0 =	sadd.s32 $0xA4E00, s0  }
0xf: {  	s10 =	sadd.s32 $0x4E00, s8;
	s12 =	sadd.s32 $0x5080, s8;
	s13 =	sadd.s32 $0x5300, s8  }
0x10: {  	s14 =	sadd.s32 $0x5580, s8;
	s15 =	sadd.s32 $0x5800, s8;
	s16 =	sadd.s32 $0x5A80, s8  }
0x11: {  	s17 =	sadd.s32 $0x5D00, s8;
	[dreg:$0x5] =	wrdreg s0;
	s26 =	sadd.s32 $0x800, s6  }
0x12: {  	v0 =	vimm.f32 $0.0e+00;
	v1 =	vimm.f32 $1.000000000e+00;
	s18 =	sadd.s32 $0x5F80, s8;
	[dreg:$0x6] =	wrdreg s26;
	s26 =	simm.s32 $0x200  }
.LBB2_1:
0x13: {  	s0 =	sand.u32 $0x7E00, s4  }
0x14: {  	s8 =	sand.u32 $0x70, s4;
	s0 =	sshrl.u32 s0, $0x2  }
0x15: {  	s1 =	simm.s32 $0x40;
	s8 =	sor.u32 s8, s0;
	s0 =	simm.s32 $0x0  }
.LBB2_2:
0x16: {  	p0 =	sne.s32 s1, $0x4FC0  }
0x17: {  	[tilespmem:s8+$0x400] =	vst v0;
	s0 =	sadd.s32 $0x10, s0;
	s8 =	smov.u32 s1;
	s1 =	sadd.s32 $0x40, s1  }
.Ltmp0:
0x18: {  	(pc) =	sbr.rel @p0 .LBB2_2-.Ltmp0, $4  }
0x19: {  	_ = 	snop  }
0x1a: {  	s8 =	sand.u32 $0x7E00, s8  }
0x1b: {  	s9 =	sand.u32 $0x70, s0;
	s8 =	sshrl.u32 s8, $0x2  }
0x1c: {  	s8 =	sor.u32 s9, s8  }
0x1d: {  	[tilespmem:s8+$0x400] =	vst v0  }
0x1e: {  	[spmem:s5] =	stream.linear.scatter [tilespmem:s19], [sflag:$0x1], $0x400, $0x38;
	[tilespmem:$0x3400] =	vst v63  }
0x1f: {  	_ =	swait.ge [sflag:s20], $0x400  }
0x20: {  	[sflag:s20] =	ssyncset.done $0x0  }
0x21: {  	s1 =	simm.s32 $0x0;
	[sflag:s20] =	ssyncadd.s32 $0xFFFFFC00  }
0x22: {  	[spmem:s7] =	stream.linear.scatter [tilespmem:s19], [sflag:$0x1], $0x400, $0x38;
	[tilespmem:$0x3400] =	vst v63  }
0x23: {  	s0 =	sand.u32 $0x7E00, s1;
	_ =	swait.ge [sflag:s20], $0x400  }
0x24: {  	s8 =	sand.u32 $0x70, s1;
	s9 =	sshrl.u32 s0, $0x2;
	[sflag:s20] =	ssyncset.done $0x0  }
0x25: {  	s0 =	simm.s32 $0x40;
	s8 =	sor.u32 s8, s9;
	[sflag:s20] =	ssyncadd.s32 $0xFFFFFC00  }
.LBB2_4:
0x26: {  	p0 =	sne.s32 s0, $0x4FC0  }
0x27: {  	[tilespmem:s8+$0x1800] =	vst v1;
	s1 =	sadd.s32 $0x10, s1;
	s8 =	smov.u32 s0;
	s0 =	sadd.s32 $0x40, s0  }
.Ltmp1:
0x28: {  	(pc) =	sbr.rel @p0 .LBB2_4-.Ltmp1, $4  }
0x29: {  	_ = 	snop  }
0x2a: {  	s8 =	sand.u32 $0x7E00, s8  }
0x2b: {  	s9 =	sand.u32 $0x70, s1;
	s8 =	sshrl.u32 s8, $0x2  }
0x2c: {  	s8 =	sor.u32 s9, s8  }
0x2d: {  	[tilespmem:s8+$0x1800] =	vst v1;
	s0 =	rddreg [dreg:$0x5]  }
0x2e: {  	[tilespmem:s4], [sflag:$0x1] =	stream.linear.gather [hbm4b:s0+s4], $0x400, $0x38;
	[tilespmem:$0x3400] =	vst v63  }
0x2f: {  	_ =	swait.ge [sflag:s20], $0x400  }
0x30: {  	[sflag:s20] =	ssyncset.done $0x0  }
0x31: {  	[sflag:s20] =	ssyncadd.s32 $0xFFFFFC00  }
0x32: {  	[bflag:$0x0] =	sbarrier.arrive $0xFFFF  }
0x33: {  	[tilespmem:s19], [sflag:$0x1] =	stream.linear.gather [hbm4b:s10+s4], $0x1400, $0x38;
	[tilespmem:$0x3400] =	vst v63  }
0x34: {  	_ =	swait.ge [sflag:s20], $0x1400  }
0x35: {  	[sflag:s20] =	ssyncset.done $0x0  }
0x36: {  	[sflag:s20] =	ssyncadd.s32 $0xFFFFEC00  }
0x37: {  	[spmem:s2] =	stream.indirect.scatter.add.f32 [tilespmem:s19], [sflag:$0x1], $0x80, s4, s21, $0xb8;
	[tilespmem:$0x3400] =	vst v63  }
0x38: {  	_ =	swait.ge [sflag:s20], $0x1400  }
0x39: {  	[sflag:s20] =	ssyncset.done $0x0  }
0x3a: {  	[sflag:s20] =	ssyncadd.s32 $0xFFFFEC00  }
0x3b: {  	[spmem:s3] =	stream.indirect.scatter.add.f32 [tilespmem:s22], [sflag:$0x1], $0x80, s4, s21, $0xb8;
	[tilespmem:$0x3400] =	vst v63  }
0x3c: {  	_ =	swait.ge [sflag:s20], $0x1400  }
0x3d: {  	[sflag:s20] =	ssyncset.done $0x0  }
0x3e: {  	[sflag:s20] =	ssyncadd.s32 $0xFFFFEC00  }
0x3f: {  	[tilespmem:s19], [sflag:$0x1] =	stream.linear.gather [hbm4b:s12+s4], $0x1400, $0x38;
	[tilespmem:$0x3400] =	vst v63  }
0x40: {  	_ =	swait.ge [sflag:s20], $0x1400  }
0x41: {  	[sflag:s20] =	ssyncset.done $0x0  }
0x42: {  	[sflag:s20] =	ssyncadd.s32 $0xFFFFEC00  }
0x43: {  	[spmem:s2] =	stream.indirect.scatter.add.f32 [tilespmem:s19], [sflag:$0x1], $0x80, s23, s21, $0xb8;
	[tilespmem:$0x3400] =	vst v63  }
0x44: {  	_ =	swait.ge [sflag:s20], $0x1400  }
0x45: {  	[sflag:s20] =	ssyncset.done $0x0  }
0x46: {  	[sflag:s20] =	ssyncadd.s32 $0xFFFFEC00  }
0x47: {  	[spmem:s3] =	stream.indirect.scatter.add.f32 [tilespmem:s22], [sflag:$0x1], $0x80, s23, s21, $0xb8;
	[tilespmem:$0x3400] =	vst v63  }
0x48: {  	_ =	swait.ge [sflag:s20], $0x1400  }
0x49: {  	[sflag:s20] =	ssyncset.done $0x0  }
0x4a: {  	[sflag:s20] =	ssyncadd.s32 $0xFFFFEC00  }
0x4b: {  	[tilespmem:s19], [sflag:$0x1] =	stream.linear.gather [hbm4b:s13+s4], $0x1400, $0x38;
	[tilespmem:$0x3400] =	vst v63  }
0x4c: {  	_ =	swait.ge [sflag:s20], $0x1400  }
0x4d: {  	[sflag:s20] =	ssyncset.done $0x0  }
0x4e: {  	[sflag:s20] =	ssyncadd.s32 $0xFFFFEC00  }
0x4f: {  	[spmem:s2] =	stream.indirect.scatter.add.f32 [tilespmem:s19], [sflag:$0x1], $0x80, s24, s21, $0xb8;
	[tilespmem:$0x3400] =	vst v63  }
0x50: {  	_ =	swait.ge [sflag:s20], $0x1400  }
0x51: {  	[sflag:s20] =	ssyncset.done $0x0  }
0x52: {  	[sflag:s20] =	ssyncadd.s32 $0xFFFFEC00  }
0x53: {  	[spmem:s3] =	stream.indirect.scatter.add.f32 [tilespmem:s22], [sflag:$0x1], $0x80, s24, s21, $0xb8;
	[tilespmem:$0x3400] =	vst v63  }
0x54: {  	_ =	swait.ge [sflag:s20], $0x1400  }
0x55: {  	[sflag:s20] =	ssyncset.done $0x0  }
0x56: {  	[sflag:s20] =	ssyncadd.s32 $0xFFFFEC00  }
0x57: {  	[tilespmem:s19], [sflag:$0x1] =	stream.linear.gather [hbm4b:s14+s4], $0x1400, $0x38;
	[tilespmem:$0x3400] =	vst v63  }
0x58: {  	_ =	swait.ge [sflag:s20], $0x1400  }
0x59: {  	[sflag:s20] =	ssyncset.done $0x0  }
0x5a: {  	[sflag:s20] =	ssyncadd.s32 $0xFFFFEC00  }
0x5b: {  	[spmem:s2] =	stream.indirect.scatter.add.f32 [tilespmem:s19], [sflag:$0x1], $0x80, s25, s21, $0xb8;
	[tilespmem:$0x3400] =	vst v63  }
0x5c: {  	_ =	swait.ge [sflag:s20], $0x1400  }
0x5d: {  	[sflag:s20] =	ssyncset.done $0x0  }
0x5e: {  	[sflag:s20] =	ssyncadd.s32 $0xFFFFEC00  }
0x5f: {  	[spmem:s3] =	stream.indirect.scatter.add.f32 [tilespmem:s22], [sflag:$0x1], $0x80, s25, s21, $0xb8;
	[tilespmem:$0x3400] =	vst v63  }
0x60: {  	_ =	swait.ge [sflag:s20], $0x1400  }
0x61: {  	[sflag:s20] =	ssyncset.done $0x0  }
0x62: {  	[sflag:s20] =	ssyncadd.s32 $0xFFFFEC00  }
0x63: {  	[tilespmem:s19], [sflag:$0x1] =	stream.linear.gather [hbm4b:s15+s4], $0x1400, $0x38;
	[tilespmem:$0x3400] =	vst v63  }
0x64: {  	_ =	swait.ge [sflag:s20], $0x1400  }
0x65: {  	[sflag:s20] =	ssyncset.done $0x0  }
0x66: {  	[sflag:s20] =	ssyncadd.s32 $0xFFFFEC00  }
0x67: {  	[spmem:s2] =	stream.indirect.scatter.add.f32 [tilespmem:s19], [sflag:$0x1], $0x80, s26, s21, $0xb8;
	[tilespmem:$0x3400] =	vst v63  }
0x68: {  	_ =	swait.ge [sflag:s20], $0x1400  }
0x69: {  	[sflag:s20] =	ssyncset.done $0x0  }
0x6a: {  	[sflag:s20] =	ssyncadd.s32 $0xFFFFEC00  }
0x6b: {  	[spmem:s3] =	stream.indirect.scatter.add.f32 [tilespmem:s22], [sflag:$0x1], $0x80, s26, s21, $0xb8;
	[tilespmem:$0x3400] =	vst v63  }
0x6c: {  	_ =	swait.ge [sflag:s20], $0x1400  }
0x6d: {  	[sflag:s20] =	ssyncset.done $0x0  }
0x6e: {  	[sflag:s20] =	ssyncadd.s32 $0xFFFFEC00  }
0x6f: {  	[tilespmem:s19], [sflag:$0x1] =	stream.linear.gather [hbm4b:s16+s4], $0x1400, $0x38;
	[tilespmem:$0x3400] =	vst v63  }
0x70: {  	_ =	swait.ge [sflag:s20], $0x1400  }
0x71: {  	[sflag:s20] =	ssyncset.done $0x0  }
0x72: {  	[sflag:s20] =	ssyncadd.s32 $0xFFFFEC00  }
0x73: {  	[spmem:s2] =	stream.indirect.scatter.add.f32 [tilespmem:s19], [sflag:$0x1], $0x80, s28, s21, $0xb8;
	[tilespmem:$0x3400] =	vst v63  }
0x74: {  	_ =	swait.ge [sflag:s20], $0x1400  }
0x75: {  	[sflag:s20] =	ssyncset.done $0x0  }
0x76: {  	[sflag:s20] =	ssyncadd.s32 $0xFFFFEC00  }
0x77: {  	[spmem:s3] =	stream.indirect.scatter.add.f32 [tilespmem:s22], [sflag:$0x1], $0x80, s28, s21, $0xb8;
	[tilespmem:$0x3400] =	vst v63  }
0x78: {  	_ =	swait.ge [sflag:s20], $0x1400  }
0x79: {  	[sflag:s20] =	ssyncset.done $0x0  }
0x7a: {  	[sflag:s20] =	ssyncadd.s32 $0xFFFFEC00  }
0x7b: {  	[tilespmem:s19], [sflag:$0x1] =	stream.linear.gather [hbm4b:s17+s4], $0x1400, $0x38;
	[tilespmem:$0x3400] =	vst v63  }
0x7c: {  	_ =	swait.ge [sflag:s20], $0x1400  }
0x7d: {  	[sflag:s20] =	ssyncset.done $0x0  }
0x7e: {  	[sflag:s20] =	ssyncadd.s32 $0xFFFFEC00  }
0x7f: {  	[spmem:s2] =	stream.indirect.scatter.add.f32 [tilespmem:s19], [sflag:$0x1], $0x80, s29, s21, $0xb8;
	[tilespmem:$0x3400] =	vst v63  }
0x80: {  	_ =	swait.ge [sflag:s20], $0x1400  }
0x81: {  	[sflag:s20] =	ssyncset.done $0x0  }
0x82: {  	[sflag:s20] =	ssyncadd.s32 $0xFFFFEC00  }
0x83: {  	[spmem:s3] =	stream.indirect.scatter.add.f32 [tilespmem:s22], [sflag:$0x1], $0x80, s29, s21, $0xb8;
	[tilespmem:$0x3400] =	vst v63  }
0x84: {  	_ =	swait.ge [sflag:s20], $0x1400  }
0x85: {  	[sflag:s20] =	ssyncset.done $0x0  }
0x86: {  	[sflag:s20] =	ssyncadd.s32 $0xFFFFEC00  }
0x87: {  	[tilespmem:s19], [sflag:$0x1] =	stream.linear.gather [hbm4b:s18+s4], $0x1400, $0x38;
	[tilespmem:$0x3400] =	vst v63  }
0x88: {  	_ =	swait.ge [sflag:s20], $0x1400  }
0x89: {  	[sflag:s20] =	ssyncset.done $0x0  }
0x8a: {  	[sflag:s20] =	ssyncadd.s32 $0xFFFFEC00  }
0x8b: {  	[spmem:s2] =	stream.indirect.scatter.add.f32 [tilespmem:s19], [sflag:$0x1], $0x80, s30, s21, $0xb8;
	[tilespmem:$0x3400] =	vst v63  }
0x8c: {  	_ =	swait.ge [sflag:s20], $0x1400  }
0x8d: {  	[sflag:s20] =	ssyncset.done $0x0  }
0x8e: {  	[sflag:s20] =	ssyncadd.s32 $0xFFFFEC00  }
0x8f: {  	[spmem:s3] =	stream.indirect.scatter.add.f32 [tilespmem:s22], [sflag:$0x1], $0x80, s30, s21, $0xb8;
	[tilespmem:$0x3400] =	vst v63  }
0x90: {  	_ =	swait.ge [sflag:s20], $0x1400  }
0x91: {  	s1 =	stileid.u32;
	[sflag:s20] =	ssyncset.done $0x0  }
0x92: {  	s0 =	sshll.u32 s1, $0x6;
	[sflag:s20] =	ssyncadd.s32 $0xFFFFEC00  }
0x93: {  	s1 =	sshrl.u32 s5, $0x3;
	s0 =	sor.u32 $0x1C01, s0;
	[bflag:$0x0] =	sbarrier.arrive $0xFFFF  }
0x94: {  	[hbm:s6], [sflag:s0] =	dma.local [spmem:s1], $0x80  }
0x95: {  	s31 =	sadd.s32 $0x1, s31;
	_ =	swait.ge [sflag:s20], $0x80  }
0x96: {  	s8 =	sshrl.u32 s7, $0x3;
	p0 =	sne.s32 s31, s11;
	[sflag:s20] =	ssyncset.done $0x0  }
.Ltmp2:
0x97: {  	s9 =	rddreg [dreg:$0x6];
	[sflag:s20] =	ssyncadd.s32 $0xFFFFFF80;
	(pc) =	sbr.rel @p0 .LBB2_1-.Ltmp2, $4  }
0x98: {  	[hbm:s9], [sflag:s0] =	dma.local [spmem:s8], $0x80  }
0x99: {  	_ =	swait.ge [sflag:s20], $0x80  }
0x9a: {  	[sflag:s20] =	ssyncset.done $0x0  }
0x9b: {  	[sflag:s20] =	ssyncadd.s32 $0xFFFFFF80  }
0x9c: {  	_ =	sfence.sel $0x180000  }
0x9d: {  	[bflag:$0x0] =	sbarrier.arrive $0xFFFF  }
0x9e: {  	_ =	strace $0x90000053  }
0x9f: {  	s0 =	stileid.u32;
	[bflag:$0x2] =	sbarrier.arrive $0xFFFF  }
0xa0: {  	p0 =	sne.s32 s0, $0x0;
	s0 =	rddreg [dreg:$0x4]  }
0xa1: {  	s0 =	sadd.s32 @!p0 $0x100000, s0  }
0xa2: {  	[sflag:s0] =	ssyncadd.tile.s32 @!p0 $0x1;
	_ =	shalt  }
.Lfunc_end2:
_tile_overlayer_lowered:
.L_overlay_start_2:
0xa3: {  	(tag) =	ssettag $0x2  }
0xa4: {  	s0 =	rddreg [dreg:$0x0];
	s2 =	stileid.u32  }
0xa5: {  	s1 =	rddreg [dreg:$0x1];
	p0 =	sne.s32 s2, $0x0  }
0xa6: {  	s3 =	rddreg [dreg:$0x2];
	[bflag:$0x3] =	sbarrier.arrive $0xFFFF;
	s2 =	simm.s32 @!p0 $0x1C01  }
0xa7: {  	[timem:s3], [sflag:s2] =	dma.local @!p0 [hbm:s0], s1  }
0xa8: {  	s0 =	simm.s32 @!p0 $0x1  }
0xa9: {  	_ =	swait.ge @!p0 [sflag:s0], s1  }
0xaa: {  	s1 =	ssub.s32 @!p0 $0x0, s1;
	[sflag:s0] =	ssyncset.done @!p0 $0x0  }
0xab: {  	[sflag:s0] =	ssyncadd.s32 @!p0 s1  }
0xac: {  	[bflag:$0x3] =	sbarrier.arrive $0xFFFF  }
0xad: {  	_ =	shalt  }

</sc_bundles>
